<compile_context>
chip_gen: v7x
topology: tpu7x:2x2x1
jax: 0.10.2.dev20260603
libtpu: 0.0.44.dev20260713+nightly
codegen_flags: <defaults>
</compile_context>

<pallas_src>
import functools

import jax
import jax.numpy as jnp
from jax import lax
from jax.experimental import pallas as pl
from jax.experimental.pallas import tpu as pltpu
from jax.experimental.pallas import tpu_sc as plsc

B, N, E = 10, 1000, 16000
D_IN, H, K, NUM_LAYERS = 128, 128, 2, 3
NEG_SLOPE = 0.01
BN_EPS = 1e-5

BN_NODES = B * N
BE = B * E

NC, NS = 2, 16
CHUNK = 128
NCHUNK0, NCHUNK1 = 70, 10
TOTAL_CHUNKS = NS * (NCHUNK0 + NCHUNK1)
BE_PAD = TOTAL_CHUNKS * CHUNK
BN_PAD = 10240
ROWS_PER_TILE = BN_PAD // NS
NPLANES = 1 if NCHUNK1 == 0 else 2

def _sc_agg_body(hp_hbm, sd_hbm, ew_hbm, out_hbm,
                 sd_v0, sd_v1, ew_v0, ew_v1, rf0, rf1, agg_sh,
                 si0, si1, sg0, sg1, ss0, ss1):
    c = lax.axis_index("c")
    s = lax.axis_index("s")
    sd_v = (sd_v0, sd_v1)
    ew_v = (ew_v0, ew_v1)
    rows_f = (rf0, rf1)

    def _work():
        def zrow(r, _):
            for j in range(H // 16):
                rf0[r, pl.ds(j * 16, 16)] = jnp.zeros((16,), jnp.float32)
            return 0
        lax.fori_loop(0, CHUNK, zrow, 0)
        for k in range(ROWS_PER_TILE // CHUNK):
            pltpu.sync_copy(
                rf0, agg_sh.at[pl.ds(s * ROWS_PER_TILE + k * CHUNK, CHUNK)])
        plsc.subcore_barrier()

        nch = jnp.where(c == 0, NCHUNK0, NCHUNK1)
        base = jnp.where(c == 0, s * NCHUNK0, NS * NCHUNK0 + s * NCHUNK1)
        si = (si0, si1)
        sg = (sg0, sg1)
        ss = (ss0, ss1)

        def scale(b):
            def edge_body(e, _):
                for k in range(2):
                    ee = e * 2 + k
                    wv = ew_v[b][pl.ds(ee * 16, 16)]
                    for j in range(H // 16):
                        rows_f[b][ee, pl.ds(j * 16, 16)] = (
                            rows_f[b][ee, pl.ds(j * 16, 16)] * wv)
                return 0
            lax.fori_loop(0, CHUNK // 2, edge_body, 0)

        def pair_body(p, _):
            ci0 = p * 2
            d_idx = []
            for b in range(2):
                d_idx.append((
                    pltpu.async_copy(sd_hbm.at[base + ci0 + b], sd_v[b],
                                     si[b]),
                    pltpu.async_copy(
                        ew_hbm.at[pl.ds((base + ci0 + b) * CHUNK * 16,
                                        CHUNK * 16)],
                        ew_v[b], si[b]),
                ))
            d_g = []
            for b in range(2):
                for d in d_idx[b]:
                    d.wait()
                d_g.append(pltpu.async_copy(
                    hp_hbm.at[sd_v[b].at[0]], rows_f[b], sg[b]))
            d_s = []
            for b in range(2):
                d_g[b].wait()
                scale(b)
                d_s.append(pltpu.async_copy(
                    rows_f[b], agg_sh.at[sd_v[b].at[1]], ss[b], add=True))
            for b in range(2):
                d_s[b].wait()
            return 0

        lax.fori_loop(0, nch // 2, pair_body, 0)
        plsc.subcore_barrier()

        pltpu.sync_copy(
            agg_sh.at[pl.ds(s * ROWS_PER_TILE, ROWS_PER_TILE)],
            out_hbm.at[c, pl.ds(s * ROWS_PER_TILE, ROWS_PER_TILE)])

    if NCHUNK1 == 0:
        pl.when(c == 0)(_work)
    else:
        _work()


@functools.cache
def _make_sc_agg():
    return functools.partial(
        pl.kernel,
        out_type=jax.ShapeDtypeStruct((NPLANES, BN_PAD, H), jnp.float32),
        mesh=plsc.VectorSubcoreMesh(core_axis_name="c", subcore_axis_name="s",
                                    num_cores=NC, num_subcores=NS),
        compiler_params=pltpu.CompilerParams(needs_layout_passes=False),
        scratch_types=[
            pltpu.VMEM((2, CHUNK), jnp.int32),
            pltpu.VMEM((2, CHUNK), jnp.int32),
            pltpu.VMEM((CHUNK * 16,), jnp.float32),
            pltpu.VMEM((CHUNK * 16,), jnp.float32),
            pltpu.VMEM((CHUNK, H), jnp.float32),
            pltpu.VMEM((CHUNK, H), jnp.float32),
            pltpu.VMEM_SHARED((BN_PAD, H), jnp.float32),
            pltpu.SemaphoreType.DMA,
            pltpu.SemaphoreType.DMA,
            pltpu.SemaphoreType.DMA,
            pltpu.SemaphoreType.DMA,
            pltpu.SemaphoreType.DMA,
            pltpu.SemaphoreType.DMA,
        ],
    )(_sc_agg_body)


def _sc_agg(hp, sd, ew):
    return _make_sc_agg()(hp, sd, ew)


def _pre_body(xf_ref, w_ref, b_ref, ew8_ref, emat_ref, o_ref, ewx_ref):
    y = (jnp.dot(xf_ref[...], w_ref[...], preferred_element_type=jnp.float32)
         + b_ref[...])
    o_ref[...] = y
    ewx_ref[...] = jnp.dot(ew8_ref[...], emat_ref[...],
                           preferred_element_type=jnp.float32)


def _leaky(y):
    return jnp.where(y >= 0, y, NEG_SLOPE * y)


def _layer_body(parts_ref, h_ref, rw_ref, rb_ref, ow_ref, g_ref, bb_ref,
                o_ref):
    agg = parts_ref[0, :BN_NODES]
    for pidx in range(1, NPLANES):
        agg = agg + parts_ref[pidx, :BN_NODES]
    h = h_ref[...]
    t = (
        jnp.dot(agg, rw_ref[...], preferred_element_type=jnp.float32)
        + jnp.dot(h, ow_ref[...], preferred_element_type=jnp.float32)
        + rb_ref[...]
    )
    mu = jnp.mean(t, axis=0, keepdims=True)
    xc = t - mu
    var = jnp.mean(xc * xc, axis=0, keepdims=True)
    y = xc * lax.rsqrt(var + BN_EPS) * g_ref[...] + bb_ref[...]
    o_ref[...] = _leaky(y)


def _pool_body(h_ref, pw_ref, pb_ref, o_ref):
    hb = h_ref[0]
    lg = jnp.dot(hb, pw_ref[...], preferred_element_type=jnp.float32) + pb_ref[...]
    l0 = lg[:, 0:1]
    l1 = lg[:, 1:2]
    m = jnp.maximum(l0, l1)
    e0 = jnp.exp(l0 - m)
    e1 = jnp.exp(l1 - m)
    inv = 1.0 / (e0 + e1)
    s0 = e0 * inv
    s1 = e1 * inv
    out0 = jnp.sum(s0 * hb, axis=0, keepdims=True)
    out1 = jnp.sum(s1 * hb, axis=0, keepdims=True)
    o = 0.5 * (_leaky(out0) + _leaky(out1))
    nrm = jnp.sqrt(jnp.sum(o * o, axis=1, keepdims=True))
    o_ref[0] = o / jnp.maximum(nrm, 1e-12)


def kernel(x, edge_index, edge_feature, lens, pre_w, pre_b, rel_w, rel_b,
           root_w, bn_g, bn_b, pool_w, pool_b):
    del lens
    f32 = jnp.float32
    xf = x.reshape(BN_NODES, D_IN)
    offs = (jnp.arange(B, dtype=jnp.int32) * N)[:, None]
    src = (edge_index[:, 0, :].astype(jnp.int32) + offs).reshape(BE)
    dst = (edge_index[:, 1, :].astype(jnp.int32) + offs).reshape(BE)
    ew = edge_feature.reshape(BE).astype(f32)
    pad = BE_PAD - BE
    src = jnp.concatenate([src, jnp.zeros((pad,), jnp.int32)])
    dst = jnp.concatenate([dst, jnp.zeros((pad,), jnp.int32)])
    sd = jnp.stack([src.reshape(-1, CHUNK), dst.reshape(-1, CHUNK)], axis=1)
    ew = jnp.concatenate([ew, jnp.zeros((pad,), f32)])
    ew8 = ew.reshape(BE_PAD // 8, 8)
    emat = jnp.repeat(jnp.eye(8, dtype=f32), 16, axis=1)
    h, ewx = pl.pallas_call(
        _pre_body,
        out_shape=[jax.ShapeDtypeStruct((BN_NODES, H), f32),
                   jax.ShapeDtypeStruct((BE_PAD // 8, 128), f32)],
    )(xf, pre_w, pre_b.reshape(1, H), ew8, emat)
    ewx = ewx.reshape(BE_PAD * 16)

    layer = pl.pallas_call(
        _layer_body,
        out_shape=jax.ShapeDtypeStruct((BN_NODES, H), f32),
    )
    for l in range(NUM_LAYERS):
        parts = _sc_agg(h, sd, ewx)
        h = layer(parts, h, rel_w[l], rel_b[l].reshape(1, H),
                  root_w[l], bn_g[l].reshape(1, H), bn_b[l].reshape(1, H))

    o = pl.pallas_call(
        _pool_body,
        grid=(B,),
        in_specs=[
            pl.BlockSpec((1, N, H), lambda b: (b, 0, 0)),
            pl.BlockSpec((D_IN, K), lambda b: (0, 0)),
            pl.BlockSpec((1, K), lambda b: (0, 0)),
        ],
        out_specs=pl.BlockSpec((1, 1, H), lambda b: (b, 0, 0)),
        out_shape=jax.ShapeDtypeStruct((B, 1, H), f32),
    )(h.reshape(B, N, H), pool_w, pool_b.reshape(1, K))
    return o.reshape(B, H)

# --- scband reference (transcript-rebuilt; emitter-appended) ---
"""Pipeline reference for scband-gnngraph-extractor-17154099380300 (READ-ONLY COPY).

The authoritative reference and input builder live on the scoring server;
editing this copy changes nothing except your own understanding.
"""

import jax, jax.numpy as jnp
import numpy as np

B, N, E = 10, 1000, 16000
D_IN, H, K, NUM_LAYERS = 128, 128, 2, 3
NEG_SLOPE = 0.01
BN_EPS = 1e-5
EPS = 1e-15

def leaky_relu(x):
    return jnp.where(x >= 0, x, NEG_SLOPE * x)

def setup_inputs(seed: int = 0):
    key = jax.random.key(seed)
    ks = jax.random.split(key, 16)
    sc = 1.0 / np.sqrt(H)
    sc_in = 1.0 / np.sqrt(D_IN)
    inp = {}
    inp['x'] = jax.random.normal(ks[0], (B, N, D_IN), jnp.float32)
    inp['edge_index'] = jax.random.randint(ks[1], (B, 2, E), 0, N)
    inp['edge_feature'] = jax.random.uniform(ks[2], (B, E), jnp.float32)
    inp['lens'] = jnp.tile(jnp.array([[N, E]], dtype=jnp.int32), (B, 1))
    inp['pre_w'] = jax.random.uniform(ks[3], (D_IN, H), jnp.float32, -sc_in, sc_in)
    inp['pre_b'] = jax.random.uniform(ks[4], (H,), jnp.float32, -sc_in, sc_in)
    inp['rel_w'] = jax.random.uniform(ks[5], (NUM_LAYERS, H, H), jnp.float32, -sc, sc)
    inp['rel_b'] = jax.random.uniform(ks[6], (NUM_LAYERS, H), jnp.float32, -sc, sc)
    inp['root_w'] = jax.random.uniform(ks[7], (NUM_LAYERS, H, H), jnp.float32, -sc, sc)
    inp['bn_g'] = jnp.ones((NUM_LAYERS, H), jnp.float32)
    inp['bn_b'] = jnp.zeros((NUM_LAYERS, H), jnp.float32)
    inp['pool_w'] = jax.random.uniform(ks[8], (H, K), jnp.float32, -sc, sc)
    inp['pool_b'] = jax.random.uniform(ks[9], (K,), jnp.float32, -sc, sc)
    return inp

def _forward(x, edge_feature, pre_w, pre_b, rel_w, rel_b, root_w, bn_g, bn_b, pool_w, pool_b, edge_index):
    # preprocess_graph_representation: flatten batched equal-size graphs
    xf = x.reshape(B * N, D_IN)
    offs = (jnp.arange(B) * N)[:, None, None]
    ei = (edge_index + offs).transpose(1, 0, 2).reshape(2, B * E)
    src, dst = ei[0], ei[1]
    ew = edge_feature.reshape(B * E)
    # pre_mp
    h = xf @ pre_w + pre_b
    # GraphConv + BatchNorm1d + leaky_relu stack
    for l in range(NUM_LAYERS):
        msg = h[src] * ew[:, None]
        agg = jax.ops.segment_sum(msg, dst, num_segments=B * N)
        h = agg @ rel_w[l] + rel_b[l] + h @ root_w[l]
        mu = h.mean(axis=0)
        var = h.var(axis=0)
        h = (h - mu) / jnp.sqrt(var + BN_EPS) * bn_g[l] + bn_b[l]
        h = leaky_relu(h)
    # to_dense_batch (all graphs same size -> full mask)
    xd = h.reshape(B, N, H)
    # to_dense_adj
    bidx = jnp.repeat(jnp.arange(B), E)
    adj = jnp.zeros((B, N, N), jnp.float32).at[bidx, edge_index[:, 0, :].reshape(-1), edge_index[:, 1, :].reshape(-1)].add(1.0)
    # dense_mincut_pool
    s = jax.nn.softmax(xd @ pool_w + pool_b, axis=-1)
    out = jnp.einsum('bnk,bnh->bkh', s, xd)
    out_adj = jnp.einsum('bnk,bnm,bml->bkl', s, adj, s)
    mincut_num = jnp.einsum('bii->b', out_adj)
    d_flat = adj.sum(axis=-1)
    mincut_den = jnp.einsum('bnk,bn,bnk->b', s, d_flat, s)
    mincut_loss = jnp.mean(-(mincut_num / mincut_den))
    ss = jnp.einsum('bnk,bnl->bkl', s, s)
    i_s = jnp.eye(K) / np.sqrt(K)
    ortho_loss = jnp.mean(jnp.linalg.norm(ss / jnp.linalg.norm(ss, axis=(-1, -2), keepdims=True) - i_s, axis=(-1, -2)))
    eye = jnp.eye(K, dtype=jnp.float32)
    out_adj = out_adj * (1.0 - eye)
    d = jnp.sqrt(out_adj.sum(axis=-1))[:, None, :] + EPS
    out_adj = (out_adj / d) / d.transpose(0, 2, 1)
    # post pooling
    o = leaky_relu(out)
    o = o.mean(axis=1)
    nrm = jnp.sqrt(jnp.sum(o * o, axis=-1, keepdims=True))
    o = o / jnp.maximum(nrm, 1e-12)
    return o

def reference(x, edge_index, edge_feature, lens, pre_w, pre_b, rel_w, rel_b, root_w, bn_g, bn_b, pool_w, pool_b):
    return _forward(x, edge_feature, pre_w, pre_b, rel_w, rel_b, root_w, bn_g, bn_b, pool_w, pool_b, edge_index)

if __name__ == "__main__":
    import jax
    _d = setup_inputs()
    print(jax.jit(kernel)(*tuple(_d.values())))

</pallas_src>

<mosaic_0001>
#map = affine_map<(d0, d1) -> (0, 0)>
#map1 = affine_map<(d0, d1) -> (0, 0, 0)>
#map2 = affine_map<(d0, d1) -> (0)>
module attributes {stable_mosaic.version = 14 : i64} {
  func.func @_sc_agg_body(%arg0: i32, %arg1: i32, %arg2: memref<10000x128xf32, #tpu.memory_space<hbm>>, %arg3: memref<1280x2x128xi32, #tpu.memory_space<hbm>>, %arg4: memref<2621440xf32, #tpu.memory_space<hbm>>, %arg5: memref<2x10240x128xf32, #tpu.memory_space<hbm>>, %arg6: memref<2x128xi32, #tpu.memory_space<vmem>>, %arg7: memref<2x128xi32, #tpu.memory_space<vmem>>, %arg8: memref<2048xf32, #tpu.memory_space<vmem>>, %arg9: memref<2048xf32, #tpu.memory_space<vmem>>, %arg10: memref<128x128xf32, #tpu.memory_space<vmem>>, %arg11: memref<128x128xf32, #tpu.memory_space<vmem>>, %arg12: memref<10240x128xf32, #tpu.memory_space<vmem_shared>>, %arg13: memref<!tpu.dma_semaphore, #tpu.memory_space<semaphore_mem>>, %arg14: memref<!tpu.dma_semaphore, #tpu.memory_space<semaphore_mem>>, %arg15: memref<!tpu.dma_semaphore, #tpu.memory_space<semaphore_mem>>, %arg16: memref<!tpu.dma_semaphore, #tpu.memory_space<semaphore_mem>>, %arg17: memref<!tpu.dma_semaphore, #tpu.memory_space<semaphore_mem>>, %arg18: memref<!tpu.dma_semaphore, #tpu.memory_space<semaphore_mem>>) attributes {dimension_semantics = [#tpu.dimension_semantics<core_parallel>, #tpu.dimension_semantics<subcore_parallel>], iteration_bounds = array<i64: 2, 16>, scalar_prefetch = 0 : i64, scratch_operands = 13 : i64, tpu.core_type = #tpu.core_type<sc_vector_subcore>, window_params = [{transform_indices = #map}, {transform_indices = #map1}, {transform_indices = #map2}, {transform_indices = #map1}]} {
    %scan3A = arith.constant 0 : i32
    %scan3A_0 = arith.constant 0 : i32
    %scan3A_1 = arith.constant 128 : i32
    %scan3A_2 = arith.addi %scan3A_0, %scan3A_1 : i32
    %scan3A_3 = arith.constant 1 : i32
    %scan3A_4 = scf.for %scan3A_69 = %scan3A_0 to %scan3A_2 step %scan3A_3 iter_args(%scan3A_70 = %scan3A) -> (i32)  : i32 {
      %broadcast_in_dim3A = arith.constant 0.000000e+00 : f32
      %broadcast_in_dim3A_71 = vector.broadcast %broadcast_in_dim3A : f32 to vector<16xf32>
      %swap3A = arith.index_cast %scan3A_69 : i32 to index
      %swap3A_72 = arith.constant 0 : index
      %swap3A_73 = tpu.vector_load %arg10[%swap3A, %swap3A_72] {strides = array<i32>} : memref<128x128xf32, #tpu.memory_space<vmem>>, vector<16xf32>,
      tpu.vector_store %arg10[%swap3A, %swap3A_72], %broadcast_in_dim3A_71 {strides = array<i32>} : memref<128x128xf32, #tpu.memory_space<vmem>>, vector<16xf32>,
      %broadcast_in_dim3A_74 = arith.constant 0.000000e+00 : f32
      %broadcast_in_dim3A_75 = vector.broadcast %broadcast_in_dim3A_74 : f32 to vector<16xf32>
      %swap3A_76 = arith.index_cast %scan3A_69 : i32 to index
      %swap3A_77 = arith.constant 16 : index
      %swap3A_78 = tpu.vector_load %arg10[%swap3A_76, %swap3A_77] {strides = array<i32>} : memref<128x128xf32, #tpu.memory_space<vmem>>, vector<16xf32>,
      tpu.vector_store %arg10[%swap3A_76, %swap3A_77], %broadcast_in_dim3A_75 {strides = array<i32>} : memref<128x128xf32, #tpu.memory_space<vmem>>, vector<16xf32>,
      %broadcast_in_dim3A_79 = arith.constant 0.000000e+00 : f32
      %broadcast_in_dim3A_80 = vector.broadcast %broadcast_in_dim3A_79 : f32 to vector<16xf32>
      %swap3A_81 = arith.index_cast %scan3A_69 : i32 to index
      %swap3A_82 = arith.constant 32 : index
      %swap3A_83 = tpu.vector_load %arg10[%swap3A_81, %swap3A_82] {strides = array<i32>} : memref<128x128xf32, #tpu.memory_space<vmem>>, vector<16xf32>,
      tpu.vector_store %arg10[%swap3A_81, %swap3A_82], %broadcast_in_dim3A_80 {strides = array<i32>} : memref<128x128xf32, #tpu.memory_space<vmem>>, vector<16xf32>,
      %broadcast_in_dim3A_84 = arith.constant 0.000000e+00 : f32
      %broadcast_in_dim3A_85 = vector.broadcast %broadcast_in_dim3A_84 : f32 to vector<16xf32>
      %swap3A_86 = arith.index_cast %scan3A_69 : i32 to index
      %swap3A_87 = arith.constant 48 : index
      %swap3A_88 = tpu.vector_load %arg10[%swap3A_86, %swap3A_87] {strides = array<i32>} : memref<128x128xf32, #tpu.memory_space<vmem>>, vector<16xf32>,
      tpu.vector_store %arg10[%swap3A_86, %swap3A_87], %broadcast_in_dim3A_85 {strides = array<i32>} : memref<128x128xf32, #tpu.memory_space<vmem>>, vector<16xf32>,
      %broadcast_in_dim3A_89 = arith.constant 0.000000e+00 : f32
      %broadcast_in_dim3A_90 = vector.broadcast %broadcast_in_dim3A_89 : f32 to vector<16xf32>
      %swap3A_91 = arith.index_cast %scan3A_69 : i32 to index
      %swap3A_92 = arith.constant 64 : index
      %swap3A_93 = tpu.vector_load %arg10[%swap3A_91, %swap3A_92] {strides = array<i32>} : memref<128x128xf32, #tpu.memory_space<vmem>>, vector<16xf32>,
      tpu.vector_store %arg10[%swap3A_91, %swap3A_92], %broadcast_in_dim3A_90 {strides = array<i32>} : memref<128x128xf32, #tpu.memory_space<vmem>>, vector<16xf32>,
      %broadcast_in_dim3A_94 = arith.constant 0.000000e+00 : f32
      %broadcast_in_dim3A_95 = vector.broadcast %broadcast_in_dim3A_94 : f32 to vector<16xf32>
      %swap3A_96 = arith.index_cast %scan3A_69 : i32 to index
      %swap3A_97 = arith.constant 80 : index
      %swap3A_98 = tpu.vector_load %arg10[%swap3A_96, %swap3A_97] {strides = array<i32>} : memref<128x128xf32, #tpu.memory_space<vmem>>, vector<16xf32>,
      tpu.vector_store %arg10[%swap3A_96, %swap3A_97], %broadcast_in_dim3A_95 {strides = array<i32>} : memref<128x128xf32, #tpu.memory_space<vmem>>, vector<16xf32>,
      %broadcast_in_dim3A_99 = arith.constant 0.000000e+00 : f32
      %broadcast_in_dim3A_100 = vector.broadcast %broadcast_in_dim3A_99 : f32 to vector<16xf32>
      %swap3A_101 = arith.index_cast %scan3A_69 : i32 to index
      %swap3A_102 = arith.constant 96 : index
      %swap3A_103 = tpu.vector_load %arg10[%swap3A_101, %swap3A_102] {strides = array<i32>} : memref<128x128xf32, #tpu.memory_space<vmem>>, vector<16xf32>,
      tpu.vector_store %arg10[%swap3A_101, %swap3A_102], %broadcast_in_dim3A_100 {strides = array<i32>} : memref<128x128xf32, #tpu.memory_space<vmem>>, vector<16xf32>,
      %broadcast_in_dim3A_104 = arith.constant 0.000000e+00 : f32
      %broadcast_in_dim3A_105 = vector.broadcast %broadcast_in_dim3A_104 : f32 to vector<16xf32>
      %swap3A_106 = arith.index_cast %scan3A_69 : i32 to index
      %swap3A_107 = arith.constant 112 : index
      %swap3A_108 = tpu.vector_load %arg10[%swap3A_106, %swap3A_107] {strides = array<i32>} : memref<128x128xf32, #tpu.memory_space<vmem>>, vector<16xf32>,
      tpu.vector_store %arg10[%swap3A_106, %swap3A_107], %broadcast_in_dim3A_105 {strides = array<i32>} : memref<128x128xf32, #tpu.memory_space<vmem>>, vector<16xf32>,
      %scan3A_109 = arith.constant 0 : i32
      scf.yield %scan3A_109 : i32
    }
    %scan3A_5 = arith.constant 128 : i32
    %mul3A = arith.constant 640 : i32
    %mul3A_6 = arith.muli %arg1, %mul3A : i32
    %add3A = arith.constant 0 : i32
    %add3A_7 = arith.addi %mul3A_6, %add3A : i32
    "tpu.region"() ({
      %run_scoped3A = tpu.sem_alloc : memref<!tpu.dma_semaphore, #tpu.memory_space<semaphore_mem>>
      %dma_start3A = arith.constant 0 : i32
      %dma_start3A_69 = tpu.memref_slice %arg12[%add3A_7, %dma_start3A] : memref<10240x128xf32, #tpu.memory_space<vmem_shared>> -> memref<128x128xf32, #tpu.memory_space<vmem_shared>>
      %dma_start3A_70 = arith.constant 0 : i32
      %dma_start3A_71 = tpu.memref_slice %arg12[%add3A_7, %dma_start3A_70] : memref<10240x128xf32, #tpu.memory_space<vmem_shared>> -> memref<128x128xf32, #tpu.memory_space<vmem_shared>>
      tpu.enqueue_dma source(%arg10 : memref<128x128xf32, #tpu.memory_space<vmem>>) target(%dma_start3A_71 : memref<128x128xf32, #tpu.memory_space<vmem_shared>>) target_semaphore(%run_scoped3A : memref<!tpu.dma_semaphore, #tpu.memory_space<semaphore_mem>>)
      %dma_wait3A = arith.constant 0 : i32
      %dma_wait3A_72 = tpu.memref_slice %arg12[%add3A_7, %dma_wait3A] : memref<10240x128xf32, #tpu.memory_space<vmem_shared>> -> memref<128x128xf32, #tpu.memory_space<vmem_shared>>
      %dma_wait3A_73 = arith.constant 0 : i32
      %dma_wait3A_74 = tpu.memref_slice %arg12[%add3A_7, %dma_wait3A_73] : memref<10240x128xf32, #tpu.memory_space<vmem_shared>> -> memref<128x128xf32, #tpu.memory_space<vmem_shared>>
      tpu.wait_dma2 semaphore(%run_scoped3A : memref<!tpu.dma_semaphore, #tpu.memory_space<semaphore_mem>>) src(%arg10 : memref<128x128xf32, #tpu.memory_space<vmem>>) dst(%dma_wait3A_74 : memref<128x128xf32, #tpu.memory_space<vmem_shared>>)
      tpu.yield
    }) : () -> ()
    %mul3A_8 = arith.constant 640 : i32
    %mul3A_9 = arith.muli %arg1, %mul3A_8 : i32
    %add3A_10 = arith.constant 128 : i32
    %add3A_11 = arith.addi %mul3A_9, %add3A_10 : i32
    "tpu.region"() ({
      %run_scoped3A = tpu.sem_alloc : memref<!tpu.dma_semaphore, #tpu.memory_space<semaphore_mem>>
      %dma_start3A = arith.constant 0 : i32
      %dma_start3A_69 = tpu.memref_slice %arg12[%add3A_11, %dma_start3A] : memref<10240x128xf32, #tpu.memory_space<vmem_shared>> -> memref<128x128xf32, #tpu.memory_space<vmem_shared>>
      %dma_start3A_70 = arith.constant 0 : i32
      %dma_start3A_71 = tpu.memref_slice %arg12[%add3A_11, %dma_start3A_70] : memref<10240x128xf32, #tpu.memory_space<vmem_shared>> -> memref<128x128xf32, #tpu.memory_space<vmem_shared>>
      tpu.enqueue_dma source(%arg10 : memref<128x128xf32, #tpu.memory_space<vmem>>) target(%dma_start3A_71 : memref<128x128xf32, #tpu.memory_space<vmem_shared>>) target_semaphore(%run_scoped3A : memref<!tpu.dma_semaphore, #tpu.memory_space<semaphore_mem>>)
      %dma_wait3A = arith.constant 0 : i32
      %dma_wait3A_72 = tpu.memref_slice %arg12[%add3A_11, %dma_wait3A] : memref<10240x128xf32, #tpu.memory_space<vmem_shared>> -> memref<128x128xf32, #tpu.memory_space<vmem_shared>>
      %dma_wait3A_73 = arith.constant 0 : i32
      %dma_wait3A_74 = tpu.memref_slice %arg12[%add3A_11, %dma_wait3A_73] : memref<10240x128xf32, #tpu.memory_space<vmem_shared>> -> memref<128x128xf32, #tpu.memory_space<vmem_shared>>
      tpu.wait_dma2 semaphore(%run_scoped3A : memref<!tpu.dma_semaphore, #tpu.memory_space<semaphore_mem>>) src(%arg10 : memref<128x128xf32, #tpu.memory_space<vmem>>) dst(%dma_wait3A_74 : memref<128x128xf32, #tpu.memory_space<vmem_shared>>)
      tpu.yield
    }) : () -> ()
    %mul3A_12 = arith.constant 640 : i32
    %mul3A_13 = arith.muli %arg1, %mul3A_12 : i32
    %add3A_14 = arith.constant 256 : i32
    %add3A_15 = arith.addi %mul3A_13, %add3A_14 : i32
    "tpu.region"() ({
      %run_scoped3A = tpu.sem_alloc : memref<!tpu.dma_semaphore, #tpu.memory_space<semaphore_mem>>
      %dma_start3A = arith.constant 0 : i32
      %dma_start3A_69 = tpu.memref_slice %arg12[%add3A_15, %dma_start3A] : memref<10240x128xf32, #tpu.memory_space<vmem_shared>> -> memref<128x128xf32, #tpu.memory_space<vmem_shared>>
      %dma_start3A_70 = arith.constant 0 : i32
      %dma_start3A_71 = tpu.memref_slice %arg12[%add3A_15, %dma_start3A_70] : memref<10240x128xf32, #tpu.memory_space<vmem_shared>> -> memref<128x128xf32, #tpu.memory_space<vmem_shared>>
      tpu.enqueue_dma source(%arg10 : memref<128x128xf32, #tpu.memory_space<vmem>>) target(%dma_start3A_71 : memref<128x128xf32, #tpu.memory_space<vmem_shared>>) target_semaphore(%run_scoped3A : memref<!tpu.dma_semaphore, #tpu.memory_space<semaphore_mem>>)
      %dma_wait3A = arith.constant 0 : i32
      %dma_wait3A_72 = tpu.memref_slice %arg12[%add3A_15, %dma_wait3A] : memref<10240x128xf32, #tpu.memory_space<vmem_shared>> -> memref<128x128xf32, #tpu.memory_space<vmem_shared>>
      %dma_wait3A_73 = arith.constant 0 : i32
      %dma_wait3A_74 = tpu.memref_slice %arg12[%add3A_15, %dma_wait3A_73] : memref<10240x128xf32, #tpu.memory_space<vmem_shared>> -> memref<128x128xf32, #tpu.memory_space<vmem_shared>>
      tpu.wait_dma2 semaphore(%run_scoped3A : memref<!tpu.dma_semaphore, #tpu.memory_space<semaphore_mem>>) src(%arg10 : memref<128x128xf32, #tpu.memory_space<vmem>>) dst(%dma_wait3A_74 : memref<128x128xf32, #tpu.memory_space<vmem_shared>>)
      tpu.yield
    }) : () -> ()
    %mul3A_16 = arith.constant 640 : i32
    %mul3A_17 = arith.muli %arg1, %mul3A_16 : i32
    %add3A_18 = arith.constant 384 : i32
    %add3A_19 = arith.addi %mul3A_17, %add3A_18 : i32
    "tpu.region"() ({
      %run_scoped3A = tpu.sem_alloc : memref<!tpu.dma_semaphore, #tpu.memory_space<semaphore_mem>>
      %dma_start3A = arith.constant 0 : i32
      %dma_start3A_69 = tpu.memref_slice %arg12[%add3A_19, %dma_start3A] : memref<10240x128xf32, #tpu.memory_space<vmem_shared>> -> memref<128x128xf32, #tpu.memory_space<vmem_shared>>
      %dma_start3A_70 = arith.constant 0 : i32
      %dma_start3A_71 = tpu.memref_slice %arg12[%add3A_19, %dma_start3A_70] : memref<10240x128xf32, #tpu.memory_space<vmem_shared>> -> memref<128x128xf32, #tpu.memory_space<vmem_shared>>
      tpu.enqueue_dma source(%arg10 : memref<128x128xf32, #tpu.memory_space<vmem>>) target(%dma_start3A_71 : memref<128x128xf32, #tpu.memory_space<vmem_shared>>) target_semaphore(%run_scoped3A : memref<!tpu.dma_semaphore, #tpu.memory_space<semaphore_mem>>)
      %dma_wait3A = arith.constant 0 : i32
      %dma_wait3A_72 = tpu.memref_slice %arg12[%add3A_19, %dma_wait3A] : memref<10240x128xf32, #tpu.memory_space<vmem_shared>> -> memref<128x128xf32, #tpu.memory_space<vmem_shared>>
      %dma_wait3A_73 = arith.constant 0 : i32
      %dma_wait3A_74 = tpu.memref_slice %arg12[%add3A_19, %dma_wait3A_73] : memref<10240x128xf32, #tpu.memory_space<vmem_shared>> -> memref<128x128xf32, #tpu.memory_space<vmem_shared>>
      tpu.wait_dma2 semaphore(%run_scoped3A : memref<!tpu.dma_semaphore, #tpu.memory_space<semaphore_mem>>) src(%arg10 : memref<128x128xf32, #tpu.memory_space<vmem>>) dst(%dma_wait3A_74 : memref<128x128xf32, #tpu.memory_space<vmem_shared>>)
      tpu.yield
    }) : () -> ()
    %mul3A_20 = arith.constant 640 : i32
    %mul3A_21 = arith.muli %arg1, %mul3A_20 : i32
    %add3A_22 = arith.constant 512 : i32
    %add3A_23 = arith.addi %mul3A_21, %add3A_22 : i32
    "tpu.region"() ({
      %run_scoped3A = tpu.sem_alloc : memref<!tpu.dma_semaphore, #tpu.memory_space<semaphore_mem>>
      %dma_start3A = arith.constant 0 : i32
      %dma_start3A_69 = tpu.memref_slice %arg12[%add3A_23, %dma_start3A] : memref<10240x128xf32, #tpu.memory_space<vmem_shared>> -> memref<128x128xf32, #tpu.memory_space<vmem_shared>>
      %dma_start3A_70 = arith.constant 0 : i32
      %dma_start3A_71 = tpu.memref_slice %arg12[%add3A_23, %dma_start3A_70] : memref<10240x128xf32, #tpu.memory_space<vmem_shared>> -> memref<128x128xf32, #tpu.memory_space<vmem_shared>>
      tpu.enqueue_dma source(%arg10 : memref<128x128xf32, #tpu.memory_space<vmem>>) target(%dma_start3A_71 : memref<128x128xf32, #tpu.memory_space<vmem_shared>>) target_semaphore(%run_scoped3A : memref<!tpu.dma_semaphore, #tpu.memory_space<semaphore_mem>>)
      %dma_wait3A = arith.constant 0 : i32
      %dma_wait3A_72 = tpu.memref_slice %arg12[%add3A_23, %dma_wait3A] : memref<10240x128xf32, #tpu.memory_space<vmem_shared>> -> memref<128x128xf32, #tpu.memory_space<vmem_shared>>
      %dma_wait3A_73 = arith.constant 0 : i32
      %dma_wait3A_74 = tpu.memref_slice %arg12[%add3A_23, %dma_wait3A_73] : memref<10240x128xf32, #tpu.memory_space<vmem_shared>> -> memref<128x128xf32, #tpu.memory_space<vmem_shared>>
      tpu.wait_dma2 semaphore(%run_scoped3A : memref<!tpu.dma_semaphore, #tpu.memory_space<semaphore_mem>>) src(%arg10 : memref<128x128xf32, #tpu.memory_space<vmem>>) dst(%dma_wait3A_74 : memref<128x128xf32, #tpu.memory_space<vmem_shared>>)
      tpu.yield
    }) : () -> ()
    %barrier3A = arith.constant 0 : index
    tpu.barrier barrier_id(%barrier3A)
    %eq3A = arith.constant 0 : i32
    %eq3A_24 = arith.cmpi eq, %arg0, %eq3A : i32
    %jit3A = arith.constant 70 : i32
    %jit3A_25 = arith.constant 10 : i32
    %select_n3A = arith.select %eq3A_24, %jit3A, %jit3A_25 : i32
    %eq3A_26 = arith.constant 0 : i32
    %eq3A_27 = arith.cmpi eq, %arg0, %eq3A_26 : i32
    %mul3A_28 = arith.constant 70 : i32
    %mul3A_29 = arith.muli %arg1, %mul3A_28 : i32
    %mul3A_30 = arith.constant 10 : i32
    %mul3A_31 = arith.muli %arg1, %mul3A_30 : i32
    %add3A_32 = arith.constant 1120 : i32
    %add3A_33 = arith.addi %add3A_32, %mul3A_31 : i32
    %select_n3A_34 = arith.select %eq3A_27, %mul3A_29, %add3A_33 : i32
    %jit3A_35 = arith.constant 2 : i32
    %div3A = arith.divsi %select_n3A, %jit3A_35 : i32
    %sign3A = arith.constant 0 : i32
    %sign3A_36 = arith.cmpi sgt, %select_n3A, %sign3A : i32
    %sign3A_37 = arith.extui %sign3A_36 : i1 to i32
    %sign3A_38 = arith.constant 0 : i32
    %sign3A_39 = arith.cmpi slt, %select_n3A, %sign3A_38 : i32
    %sign3A_40 = arith.extui %sign3A_39 : i1 to i32
    %sign3A_41 = arith.subi %sign3A_37, %sign3A_40 : i32
    %sign3A_42 = arith.constant 0 : i32
    %sign3A_43 = arith.cmpi sgt, %jit3A_35, %sign3A_42 : i32
    %sign3A_44 = arith.extui %sign3A_43 : i1 to i32
    %sign3A_45 = arith.constant 0 : i32
    %sign3A_46 = arith.cmpi slt, %jit3A_35, %sign3A_45 : i32
    %sign3A_47 = arith.extui %sign3A_46 : i1 to i32
    %sign3A_48 = arith.subi %sign3A_44, %sign3A_47 : i32
    %ne3A = arith.cmpi ne, %sign3A_41, %sign3A_48 : i32
    %rem3A = arith.remsi %select_n3A, %jit3A_35 : i32
    %ne3A_49 = arith.constant 0 : i32
    %ne3A_50 = arith.cmpi ne, %rem3A, %ne3A_49 : i32
    %and3A = arith.andi %ne3A, %ne3A_50 : i1
    %sub3A = arith.constant 1 : i32
    %sub3A_51 = arith.subi %div3A, %sub3A : i32
    %select_n3A_52 = arith.select %and3A, %sub3A_51, %div3A : i32
    %while3A = arith.constant 0 : i32
    %while3A_53 = arith.constant 0 : i32
    %while3A_54 = arith.subi %select_n3A_52, %while3A : i32
    %while3A_55 = arith.addi %while3A, %while3A_54 : i32
    %while3A_56 = arith.constant 1 : i32
    %while3A_57 = arith.divsi %while3A_54, %while3A_56 : i32
    %while3A_58 = arith.muli %while3A_57, %while3A_56 : i32
    %while3A_59 = arith.addi %while3A, %while3A_58 : i32
    %while3A_60 = arith.constant 1 : i32
    %while3A_61 = scf.for %while3A_69 = %while3A to %while3A_59 step %while3A_60 iter_args(%while3A_70 = %while3A_53) -> (i32)  : i32 {
      %mul3A_71 = arith.constant 2 : i32
      %mul3A_72 = arith.muli %while3A_69, %mul3A_71 : i32
      %add3A_73 = arith.addi %select_n3A_34, %mul3A_72 : i32
      %add3A_74 = arith.constant 0 : i32
      %add3A_75 = arith.addi %add3A_73, %add3A_74 : i32
      %dma_start3A = arith.constant 0 : i32
      %dma_start3A_76 = arith.constant 0 : i32
      %dma_start3A_77 = tpu.memref_slice %arg3[%add3A_75, %dma_start3A, %dma_start3A_76] : memref<1280x2x128xi32, #tpu.memory_space<hbm>> -> memref<1x2x128xi32, #tpu.memory_space<hbm>>
      %dma_start3A_78 = tpu.memref_squeeze %dma_start3A_77 : memref<1x2x128xi32, #tpu.memory_space<hbm>> -> memref<2x128xi32, #tpu.memory_space<hbm>>
      %dma_start3A_79 = arith.constant 0 : i32
      %dma_start3A_80 = arith.constant 0 : i32
      %dma_start3A_81 = tpu.memref_slice %arg3[%add3A_75, %dma_start3A_79, %dma_start3A_80] : memref<1280x2x128xi32, #tpu.memory_space<hbm>> -> memref<1x2x128xi32, #tpu.memory_space<hbm>>
      %dma_start3A_82 = tpu.memref_squeeze %dma_start3A_81 : memref<1x2x128xi32, #tpu.memory_space<hbm>> -> memref<2x128xi32, #tpu.memory_space<hbm>>
      tpu.enqueue_dma source(%dma_start3A_82 : memref<2x128xi32, #tpu.memory_space<hbm>>) target(%arg6 : memref<2x128xi32, #tpu.memory_space<vmem>>) target_semaphore(%arg13 : memref<!tpu.dma_semaphore, #tpu.memory_space<semaphore_mem>>)
      %add3A_83 = arith.addi %select_n3A_34, %mul3A_72 : i32
      %add3A_84 = arith.constant 0 : i32
      %add3A_85 = arith.addi %add3A_83, %add3A_84 : i32
      %mul3A_86 = arith.constant 128 : i32
      %mul3A_87 = arith.muli %add3A_85, %mul3A_86 : i32
      %mul3A_88 = arith.constant 16 : i32
      %mul3A_89 = arith.muli %mul3A_87, %mul3A_88 : i32
      %dma_start3A_90 = tpu.memref_slice %arg4[%mul3A_89] : memref<2621440xf32, #tpu.memory_space<hbm>> -> memref<2048xf32, #tpu.memory_space<hbm>>
      %dma_start3A_91 = tpu.memref_slice %arg4[%mul3A_89] : memref<2621440xf32, #tpu.memory_space<hbm>> -> memref<2048xf32, #tpu.memory_space<hbm>>
      tpu.enqueue_dma source(%dma_start3A_91 : memref<2048xf32, #tpu.memory_space<hbm>>) target(%arg8 : memref<2048xf32, #tpu.memory_space<vmem>>) target_semaphore(%arg13 : memref<!tpu.dma_semaphore, #tpu.memory_space<semaphore_mem>>)
      %add3A_92 = arith.addi %select_n3A_34, %mul3A_72 : i32
      %add3A_93 = arith.constant 1 : i32
      %add3A_94 = arith.addi %add3A_92, %add3A_93 : i32
      %dma_start3A_95 = arith.constant 0 : i32
      %dma_start3A_96 = arith.constant 0 : i32
      %dma_start3A_97 = tpu.memref_slice %arg3[%add3A_94, %dma_start3A_95, %dma_start3A_96] : memref<1280x2x128xi32, #tpu.memory_space<hbm>> -> memref<1x2x128xi32, #tpu.memory_space<hbm>>
      %dma_start3A_98 = tpu.memref_squeeze %dma_start3A_97 : memref<1x2x128xi32, #tpu.memory_space<hbm>> -> memref<2x128xi32, #tpu.memory_space<hbm>>
      %dma_start3A_99 = arith.constant 0 : i32
      %dma_start3A_100 = arith.constant 0 : i32
      %dma_start3A_101 = tpu.memref_slice %arg3[%add3A_94, %dma_start3A_99, %dma_start3A_100] : memref<1280x2x128xi32, #tpu.memory_space<hbm>> -> memref<1x2x128xi32, #tpu.memory_space<hbm>>
      %dma_start3A_102 = tpu.memref_squeeze %dma_start3A_101 : memref<1x2x128xi32, #tpu.memory_space<hbm>> -> memref<2x128xi32, #tpu.memory_space<hbm>>
      tpu.enqueue_dma source(%dma_start3A_102 : memref<2x128xi32, #tpu.memory_space<hbm>>) target(%arg7 : memref<2x128xi32, #tpu.memory_space<vmem>>) target_semaphore(%arg14 : memref<!tpu.dma_semaphore, #tpu.memory_space<semaphore_mem>>)
      %add3A_103 = arith.addi %select_n3A_34, %mul3A_72 : i32
      %add3A_104 = arith.constant 1 : i32
      %add3A_105 = arith.addi %add3A_103, %add3A_104 : i32
      %mul3A_106 = arith.constant 128 : i32
      %mul3A_107 = arith.muli %add3A_105, %mul3A_106 : i32
      %mul3A_108 = arith.constant 16 : i32
      %mul3A_109 = arith.muli %mul3A_107, %mul3A_108 : i32
      %dma_start3A_110 = tpu.memref_slice %arg4[%mul3A_109] : memref<2621440xf32, #tpu.memory_space<hbm>> -> memref<2048xf32, #tpu.memory_space<hbm>>
      %dma_start3A_111 = tpu.memref_slice %arg4[%mul3A_109] : memref<2621440xf32, #tpu.memory_space<hbm>> -> memref<2048xf32, #tpu.memory_space<hbm>>
      tpu.enqueue_dma source(%dma_start3A_111 : memref<2048xf32, #tpu.memory_space<hbm>>) target(%arg9 : memref<2048xf32, #tpu.memory_space<vmem>>) target_semaphore(%arg14 : memref<!tpu.dma_semaphore, #tpu.memory_space<semaphore_mem>>)
      %dma_wait3A = arith.constant 0 : i32
      %dma_wait3A_112 = arith.constant 0 : i32
      %dma_wait3A_113 = tpu.memref_slice %arg3[%add3A_75, %dma_wait3A, %dma_wait3A_112] : memref<1280x2x128xi32, #tpu.memory_space<hbm>> -> memref<1x2x128xi32, #tpu.memory_space<hbm>>
      %dma_wait3A_114 = tpu.memref_squeeze %dma_wait3A_113 : memref<1x2x128xi32, #tpu.memory_space<hbm>> -> memref<2x128xi32, #tpu.memory_space<hbm>>
      %dma_wait3A_115 = arith.constant 0 : i32
      %dma_wait3A_116 = arith.constant 0 : i32
      %dma_wait3A_117 = tpu.memref_slice %arg3[%add3A_75, %dma_wait3A_115, %dma_wait3A_116] : memref<1280x2x128xi32, #tpu.memory_space<hbm>> -> memref<1x2x128xi32, #tpu.memory_space<hbm>>
      %dma_wait3A_118 = tpu.memref_squeeze %dma_wait3A_117 : memref<1x2x128xi32, #tpu.memory_space<hbm>> -> memref<2x128xi32, #tpu.memory_space<hbm>>
      tpu.wait_dma2 semaphore(%arg13 : memref<!tpu.dma_semaphore, #tpu.memory_space<semaphore_mem>>) src(%dma_wait3A_118 : memref<2x128xi32, #tpu.memory_space<hbm>>) dst(%arg6 : memref<2x128xi32, #tpu.memory_space<vmem>>)
      %dma_wait3A_119 = tpu.memref_slice %arg4[%mul3A_89] : memref<2621440xf32, #tpu.memory_space<hbm>> -> memref<2048xf32, #tpu.memory_space<hbm>>
      %dma_wait3A_120 = tpu.memref_slice %arg4[%mul3A_89] : memref<2621440xf32, #tpu.memory_space<hbm>> -> memref<2048xf32, #tpu.memory_space<hbm>>
      tpu.wait_dma2 semaphore(%arg13 : memref<!tpu.dma_semaphore, #tpu.memory_space<semaphore_mem>>) src(%dma_wait3A_120 : memref<2048xf32, #tpu.memory_space<hbm>>) dst(%arg8 : memref<2048xf32, #tpu.memory_space<vmem>>)
      %dma_start3A_121 = arith.constant 0 : i32
      %dma_start3A_122 = arith.constant 0 : i32
      %dma_start3A_123 = tpu.memref_slice %arg6[%dma_start3A_121, %dma_start3A_122] : memref<2x128xi32, #tpu.memory_space<vmem>> -> memref<1x128xi32, #tpu.memory_space<vmem>>
      %dma_start3A_124 = tpu.memref_squeeze %dma_start3A_123 : memref<1x128xi32, #tpu.memory_space<vmem>> -> memref<128xi32, #tpu.memory_space<vmem>>
      %dma_start3A_125 = arith.constant 0 : i32
      %dma_start3A_126 = arith.constant 0 : i32
      %dma_start3A_127 = tpu.memref_slice %arg2[%dma_start3A_125, %dma_start3A_126] : memref<10000x128xf32, #tpu.memory_space<hbm>> -> memref<10000x128xf32, #tpu.memory_space<hbm>>
      tpu.enqueue_indirect_dma source(%dma_start3A_127 : memref<10000x128xf32, #tpu.memory_space<hbm>>) target(%arg10 : memref<128x128xf32, #tpu.memory_space<vmem>>) offsets(%dma_start3A_124 : memref<128xi32, #tpu.memory_space<vmem>>) semaphore(%arg15 : memref<!tpu.dma_semaphore, #tpu.memory_space<semaphore_mem>>)
      %dma_wait3A_128 = arith.constant 0 : i32
      %dma_wait3A_129 = arith.constant 0 : i32
      %dma_wait3A_130 = tpu.memref_slice %arg3[%add3A_94, %dma_wait3A_128, %dma_wait3A_129] : memref<1280x2x128xi32, #tpu.memory_space<hbm>> -> memref<1x2x128xi32, #tpu.memory_space<hbm>>
      %dma_wait3A_131 = tpu.memref_squeeze %dma_wait3A_130 : memref<1x2x128xi32, #tpu.memory_space<hbm>> -> memref<2x128xi32, #tpu.memory_space<hbm>>
      %dma_wait3A_132 = arith.constant 0 : i32
      %dma_wait3A_133 = arith.constant 0 : i32
      %dma_wait3A_134 = tpu.memref_slice %arg3[%add3A_94, %dma_wait3A_132, %dma_wait3A_133] : memref<1280x2x128xi32, #tpu.memory_space<hbm>> -> memref<1x2x128xi32, #tpu.memory_space<hbm>>
      %dma_wait3A_135 = tpu.memref_squeeze %dma_wait3A_134 : memref<1x2x128xi32, #tpu.memory_space<hbm>> -> memref<2x128xi32, #tpu.memory_space<hbm>>
      tpu.wait_dma2 semaphore(%arg14 : memref<!tpu.dma_semaphore, #tpu.memory_space<semaphore_mem>>) src(%dma_wait3A_135 : memref<2x128xi32, #tpu.memory_space<hbm>>) dst(%arg7 : memref<2x128xi32, #tpu.memory_space<vmem>>)
      %dma_wait3A_136 = tpu.memref_slice %arg4[%mul3A_109] : memref<2621440xf32, #tpu.memory_space<hbm>> -> memref<2048xf32, #tpu.memory_space<hbm>>
      %dma_wait3A_137 = tpu.memref_slice %arg4[%mul3A_109] : memref<2621440xf32, #tpu.memory_space<hbm>> -> memref<2048xf32, #tpu.memory_space<hbm>>
      tpu.wait_dma2 semaphore(%arg14 : memref<!tpu.dma_semaphore, #tpu.memory_space<semaphore_mem>>) src(%dma_wait3A_137 : memref<2048xf32, #tpu.memory_space<hbm>>) dst(%arg9 : memref<2048xf32, #tpu.memory_space<vmem>>)
      %dma_start3A_138 = arith.constant 0 : i32
      %dma_start3A_139 = arith.constant 0 : i32
      %dma_start3A_140 = tpu.memref_slice %arg7[%dma_start3A_138, %dma_start3A_139] : memref<2x128xi32, #tpu.memory_space<vmem>> -> memref<1x128xi32, #tpu.memory_space<vmem>>
      %dma_start3A_141 = tpu.memref_squeeze %dma_start3A_140 : memref<1x128xi32, #tpu.memory_space<vmem>> -> memref<128xi32, #tpu.memory_space<vmem>>
      %dma_start3A_142 = arith.constant 0 : i32
      %dma_start3A_143 = arith.constant 0 : i32
      %dma_start3A_144 = tpu.memref_slice %arg2[%dma_start3A_142, %dma_start3A_143] : memref<10000x128xf32, #tpu.memory_space<hbm>> -> memref<10000x128xf32, #tpu.memory_space<hbm>>
      tpu.enqueue_indirect_dma source(%dma_start3A_144 : memref<10000x128xf32, #tpu.memory_space<hbm>>) target(%arg11 : memref<128x128xf32, #tpu.memory_space<vmem>>) offsets(%dma_start3A_141 : memref<128xi32, #tpu.memory_space<vmem>>) semaphore(%arg16 : memref<!tpu.dma_semaphore, #tpu.memory_space<semaphore_mem>>)
      %dma_wait3A_145 = arith.constant 0 : i32
      %dma_wait3A_146 = arith.constant 0 : i32
      %dma_wait3A_147 = tpu.memref_slice %arg6[%dma_wait3A_145, %dma_wait3A_146] : memref<2x128xi32, #tpu.memory_space<vmem>> -> memref<1x128xi32, #tpu.memory_space<vmem>>
      %dma_wait3A_148 = tpu.memref_squeeze %dma_wait3A_147 : memref<1x128xi32, #tpu.memory_space<vmem>> -> memref<128xi32, #tpu.memory_space<vmem>>
      %dma_wait3A_149 = arith.constant 0 : i32
      %dma_wait3A_150 = arith.constant 0 : i32
      %dma_wait3A_151 = tpu.memref_slice %arg2[%dma_wait3A_149, %dma_wait3A_150] : memref<10000x128xf32, #tpu.memory_space<hbm>> -> memref<10000x128xf32, #tpu.memory_space<hbm>>
      tpu.wait_indirect_dma semaphore(%arg15 : memref<!tpu.dma_semaphore, #tpu.memory_space<semaphore_mem>>) src(%dma_wait3A_151 : memref<10000x128xf32, #tpu.memory_space<hbm>>) dst(%arg10 : memref<128x128xf32, #tpu.memory_space<vmem>>)
      %scan3A_152 = arith.constant 0 : i32
      %scan3A_153 = arith.constant 0 : i32
      %scan3A_154 = arith.constant 64 : i32
      %scan3A_155 = arith.addi %scan3A_153, %scan3A_154 : i32
      %scan3A_156 = arith.constant 1 : i32
      %scan3A_157 = scf.for %scan3A_202 = %scan3A_153 to %scan3A_155 step %scan3A_156 iter_args(%scan3A_203 = %scan3A_152) -> (i32)  : i32 {
        %mul3A_204 = arith.constant 2 : i32
        %mul3A_205 = arith.muli %scan3A_202, %mul3A_204 : i32
        %add3A_206 = arith.constant 0 : i32
        %add3A_207 = arith.addi %mul3A_205, %add3A_206 : i32
        %mul3A_208 = arith.constant 16 : i32
        %mul3A_209 = arith.muli %add3A_207, %mul3A_208 : i32
        %get3A = arith.index_cast %mul3A_209 : i32 to index
        %get3A_210 = tpu.vector_load %arg8[%get3A] {strides = array<i32>} : memref<2048xf32, #tpu.memory_space<vmem>>, vector<16xf32>,
        %get3A_211 = arith.index_cast %add3A_207 : i32 to index
        %get3A_212 = arith.constant 0 : index
        %get3A_213 = tpu.vector_load %arg10[%get3A_211, %get3A_212] {strides = array<i32>} : memref<128x128xf32, #tpu.memory_space<vmem>>, vector<16xf32>,
        %mul3A_214 = arith.mulf %get3A_213, %get3A_210 : vector<16xf32>
        %swap3A = arith.index_cast %add3A_207 : i32 to index
        %swap3A_215 = arith.constant 0 : index
        %swap3A_216 = tpu.vector_load %arg10[%swap3A, %swap3A_215] {strides = array<i32>} : memref<128x128xf32, #tpu.memory_space<vmem>>, vector<16xf32>,
        tpu.vector_store %arg10[%swap3A, %swap3A_215], %mul3A_214 {strides = array<i32>} : memref<128x128xf32, #tpu.memory_space<vmem>>, vector<16xf32>,
        %get3A_217 = arith.index_cast %add3A_207 : i32 to index
        %get3A_218 = arith.constant 16 : index
        %get3A_219 = tpu.vector_load %arg10[%get3A_217, %get3A_218] {strides = array<i32>} : memref<128x128xf32, #tpu.memory_space<vmem>>, vector<16xf32>,
        %mul3A_220 = arith.mulf %get3A_219, %get3A_210 : vector<16xf32>
        %swap3A_221 = arith.index_cast %add3A_207 : i32 to index
        %swap3A_222 = arith.constant 16 : index
        %swap3A_223 = tpu.vector_load %arg10[%swap3A_221, %swap3A_222] {strides = array<i32>} : memref<128x128xf32, #tpu.memory_space<vmem>>, vector<16xf32>,
        tpu.vector_store %arg10[%swap3A_221, %swap3A_222], %mul3A_220 {strides = array<i32>} : memref<128x128xf32, #tpu.memory_space<vmem>>, vector<16xf32>,
        %get3A_224 = arith.index_cast %add3A_207 : i32 to index
        %get3A_225 = arith.constant 32 : index
        %get3A_226 = tpu.vector_load %arg10[%get3A_224, %get3A_225] {strides = array<i32>} : memref<128x128xf32, #tpu.memory_space<vmem>>, vector<16xf32>,
        %mul3A_227 = arith.mulf %get3A_226, %get3A_210 : vector<16xf32>
        %swap3A_228 = arith.index_cast %add3A_207 : i32 to index
        %swap3A_229 = arith.constant 32 : index
        %swap3A_230 = tpu.vector_load %arg10[%swap3A_228, %swap3A_229] {strides = array<i32>} : memref<128x128xf32, #tpu.memory_space<vmem>>, vector<16xf32>,
        tpu.vector_store %arg10[%swap3A_228, %swap3A_229], %mul3A_227 {strides = array<i32>} : memref<128x128xf32, #tpu.memory_space<vmem>>, vector<16xf32>,
        %get3A_231 = arith.index_cast %add3A_207 : i32 to index
        %get3A_232 = arith.constant 48 : index
        %get3A_233 = tpu.vector_load %arg10[%get3A_231, %get3A_232] {strides = array<i32>} : memref<128x128xf32, #tpu.memory_space<vmem>>, vector<16xf32>,
        %mul3A_234 = arith.mulf %get3A_233, %get3A_210 : vector<16xf32>
        %swap3A_235 = arith.index_cast %add3A_207 : i32 to index
        %swap3A_236 = arith.constant 48 : index
        %swap3A_237 = tpu.vector_load %arg10[%swap3A_235, %swap3A_236] {strides = array<i32>} : memref<128x128xf32, #tpu.memory_space<vmem>>, vector<16xf32>,
        tpu.vector_store %arg10[%swap3A_235, %swap3A_236], %mul3A_234 {strides = array<i32>} : memref<128x128xf32, #tpu.memory_space<vmem>>, vector<16xf32>,
        %get3A_238 = arith.index_cast %add3A_207 : i32 to index
        %get3A_239 = arith.constant 64 : index
        %get3A_240 = tpu.vector_load %arg10[%get3A_238, %get3A_239] {strides = array<i32>} : memref<128x128xf32, #tpu.memory_space<vmem>>, vector<16xf32>,
        %mul3A_241 = arith.mulf %get3A_240, %get3A_210 : vector<16xf32>
        %swap3A_242 = arith.index_cast %add3A_207 : i32 to index
        %swap3A_243 = arith.constant 64 : index
        %swap3A_244 = tpu.vector_load %arg10[%swap3A_242, %swap3A_243] {strides = array<i32>} : memref<128x128xf32, #tpu.memory_space<vmem>>, vector<16xf32>,
        tpu.vector_store %arg10[%swap3A_242, %swap3A_243], %mul3A_241 {strides = array<i32>} : memref<128x128xf32, #tpu.memory_space<vmem>>, vector<16xf32>,
        %get3A_245 = arith.index_cast %add3A_207 : i32 to index
        %get3A_246 = arith.constant 80 : index
        %get3A_247 = tpu.vector_load %arg10[%get3A_245, %get3A_246] {strides = array<i32>} : memref<128x128xf32, #tpu.memory_space<vmem>>, vector<16xf32>,
        %mul3A_248 = arith.mulf %get3A_247, %get3A_210 : vector<16xf32>
        %swap3A_249 = arith.index_cast %add3A_207 : i32 to index
        %swap3A_250 = arith.constant 80 : index
        %swap3A_251 = tpu.vector_load %arg10[%swap3A_249, %swap3A_250] {strides = array<i32>} : memref<128x128xf32, #tpu.memory_space<vmem>>, vector<16xf32>,
        tpu.vector_store %arg10[%swap3A_249, %swap3A_250], %mul3A_248 {strides = array<i32>} : memref<128x128xf32, #tpu.memory_space<vmem>>, vector<16xf32>,
        %get3A_252 = arith.index_cast %add3A_207 : i32 to index
        %get3A_253 = arith.constant 96 : index
        %get3A_254 = tpu.vector_load %arg10[%get3A_252, %get3A_253] {strides = array<i32>} : memref<128x128xf32, #tpu.memory_space<vmem>>, vector<16xf32>,
        %mul3A_255 = arith.mulf %get3A_254, %get3A_210 : vector<16xf32>
        %swap3A_256 = arith.index_cast %add3A_207 : i32 to index
        %swap3A_257 = arith.constant 96 : index
        %swap3A_258 = tpu.vector_load %arg10[%swap3A_256, %swap3A_257] {strides = array<i32>} : memref<128x128xf32, #tpu.memory_space<vmem>>, vector<16xf32>,
        tpu.vector_store %arg10[%swap3A_256, %swap3A_257], %mul3A_255 {strides = array<i32>} : memref<128x128xf32, #tpu.memory_space<vmem>>, vector<16xf32>,
        %get3A_259 = arith.index_cast %add3A_207 : i32 to index
        %get3A_260 = arith.constant 112 : index
        %get3A_261 = tpu.vector_load %arg10[%get3A_259, %get3A_260] {strides = array<i32>} : memref<128x128xf32, #tpu.memory_space<vmem>>, vector<16xf32>,
        %mul3A_262 = arith.mulf %get3A_261, %get3A_210 : vector<16xf32>
        %swap3A_263 = arith.index_cast %add3A_207 : i32 to index
        %swap3A_264 = arith.constant 112 : index
        %swap3A_265 = tpu.vector_load %arg10[%swap3A_263, %swap3A_264] {strides = array<i32>} : memref<128x128xf32, #tpu.memory_space<vmem>>, vector<16xf32>,
        tpu.vector_store %arg10[%swap3A_263, %swap3A_264], %mul3A_262 {strides = array<i32>} : memref<128x128xf32, #tpu.memory_space<vmem>>, vector<16xf32>,
        %mul3A_266 = arith.constant 2 : i32
        %mul3A_267 = arith.muli %scan3A_202, %mul3A_266 : i32
        %add3A_268 = arith.constant 1 : i32
        %add3A_269 = arith.addi %mul3A_267, %add3A_268 : i32
        %mul3A_270 = arith.constant 16 : i32
        %mul3A_271 = arith.muli %add3A_269, %mul3A_270 : i32
        %get3A_272 = arith.index_cast %mul3A_271 : i32 to index
        %get3A_273 = tpu.vector_load %arg8[%get3A_272] {strides = array<i32>} : memref<2048xf32, #tpu.memory_space<vmem>>, vector<16xf32>,
        %get3A_274 = arith.index_cast %add3A_269 : i32 to index
        %get3A_275 = arith.constant 0 : index
        %get3A_276 = tpu.vector_load %arg10[%get3A_274, %get3A_275] {strides = array<i32>} : memref<128x128xf32, #tpu.memory_space<vmem>>, vector<16xf32>,
        %mul3A_277 = arith.mulf %get3A_276, %get3A_273 : vector<16xf32>
        %swap3A_278 = arith.index_cast %add3A_269 : i32 to index
        %swap3A_279 = arith.constant 0 : index
        %swap3A_280 = tpu.vector_load %arg10[%swap3A_278, %swap3A_279] {strides = array<i32>} : memref<128x128xf32, #tpu.memory_space<vmem>>, vector<16xf32>,
        tpu.vector_store %arg10[%swap3A_278, %swap3A_279], %mul3A_277 {strides = array<i32>} : memref<128x128xf32, #tpu.memory_space<vmem>>, vector<16xf32>,
        %get3A_281 = arith.index_cast %add3A_269 : i32 to index
        %get3A_282 = arith.constant 16 : index
        %get3A_283 = tpu.vector_load %arg10[%get3A_281, %get3A_282] {strides = array<i32>} : memref<128x128xf32, #tpu.memory_space<vmem>>, vector<16xf32>,
        %mul3A_284 = arith.mulf %get3A_283, %get3A_273 : vector<16xf32>
        %swap3A_285 = arith.index_cast %add3A_269 : i32 to index
        %swap3A_286 = arith.constant 16 : index
        %swap3A_287 = tpu.vector_load %arg10[%swap3A_285, %swap3A_286] {strides = array<i32>} : memref<128x128xf32, #tpu.memory_space<vmem>>, vector<16xf32>,
        tpu.vector_store %arg10[%swap3A_285, %swap3A_286], %mul3A_284 {strides = array<i32>} : memref<128x128xf32, #tpu.memory_space<vmem>>, vector<16xf32>,
        %get3A_288 = arith.index_cast %add3A_269 : i32 to index
        %get3A_289 = arith.constant 32 : index
        %get3A_290 = tpu.vector_load %arg10[%get3A_288, %get3A_289] {strides = array<i32>} : memref<128x128xf32, #tpu.memory_space<vmem>>, vector<16xf32>,
        %mul3A_291 = arith.mulf %get3A_290, %get3A_273 : vector<16xf32>
        %swap3A_292 = arith.index_cast %add3A_269 : i32 to index
        %swap3A_293 = arith.constant 32 : index
        %swap3A_294 = tpu.vector_load %arg10[%swap3A_292, %swap3A_293] {strides = array<i32>} : memref<128x128xf32, #tpu.memory_space<vmem>>, vector<16xf32>,
        tpu.vector_store %arg10[%swap3A_292, %swap3A_293], %mul3A_291 {strides = array<i32>} : memref<128x128xf32, #tpu.memory_space<vmem>>, vector<16xf32>,
        %get3A_295 = arith.index_cast %add3A_269 : i32 to index
        %get3A_296 = arith.constant 48 : index
        %get3A_297 = tpu.vector_load %arg10[%get3A_295, %get3A_296] {strides = array<i32>} : memref<128x128xf32, #tpu.memory_space<vmem>>, vector<16xf32>,
        %mul3A_298 = arith.mulf %get3A_297, %get3A_273 : vector<16xf32>
        %swap3A_299 = arith.index_cast %add3A_269 : i32 to index
        %swap3A_300 = arith.constant 48 : index
        %swap3A_301 = tpu.vector_load %arg10[%swap3A_299, %swap3A_300] {strides = array<i32>} : memref<128x128xf32, #tpu.memory_space<vmem>>, vector<16xf32>,
        tpu.vector_store %arg10[%swap3A_299, %swap3A_300], %mul3A_298 {strides = array<i32>} : memref<128x128xf32, #tpu.memory_space<vmem>>, vector<16xf32>,
        %get3A_302 = arith.index_cast %add3A_269 : i32 to index
        %get3A_303 = arith.constant 64 : index
        %get3A_304 = tpu.vector_load %arg10[%get3A_302, %get3A_303] {strides = array<i32>} : memref<128x128xf32, #tpu.memory_space<vmem>>, vector<16xf32>,
        %mul3A_305 = arith.mulf %get3A_304, %get3A_273 : vector<16xf32>
        %swap3A_306 = arith.index_cast %add3A_269 : i32 to index
        %swap3A_307 = arith.constant 64 : index
        %swap3A_308 = tpu.vector_load %arg10[%swap3A_306, %swap3A_307] {strides = array<i32>} : memref<128x128xf32, #tpu.memory_space<vmem>>, vector<16xf32>,
        tpu.vector_store %arg10[%swap3A_306, %swap3A_307], %mul3A_305 {strides = array<i32>} : memref<128x128xf32, #tpu.memory_space<vmem>>, vector<16xf32>,
        %get3A_309 = arith.index_cast %add3A_269 : i32 to index
        %get3A_310 = arith.constant 80 : index
        %get3A_311 = tpu.vector_load %arg10[%get3A_309, %get3A_310] {strides = array<i32>} : memref<128x128xf32, #tpu.memory_space<vmem>>, vector<16xf32>,
        %mul3A_312 = arith.mulf %get3A_311, %get3A_273 : vector<16xf32>
        %swap3A_313 = arith.index_cast %add3A_269 : i32 to index
        %swap3A_314 = arith.constant 80 : index
        %swap3A_315 = tpu.vector_load %arg10[%swap3A_313, %swap3A_314] {strides = array<i32>} : memref<128x128xf32, #tpu.memory_space<vmem>>, vector<16xf32>,
        tpu.vector_store %arg10[%swap3A_313, %swap3A_314], %mul3A_312 {strides = array<i32>} : memref<128x128xf32, #tpu.memory_space<vmem>>, vector<16xf32>,
        %get3A_316 = arith.index_cast %add3A_269 : i32 to index
        %get3A_317 = arith.constant 96 : index
        %get3A_318 = tpu.vector_load %arg10[%get3A_316, %get3A_317] {strides = array<i32>} : memref<128x128xf32, #tpu.memory_space<vmem>>, vector<16xf32>,
        %mul3A_319 = arith.mulf %get3A_318, %get3A_273 : vector<16xf32>
        %swap3A_320 = arith.index_cast %add3A_269 : i32 to index
        %swap3A_321 = arith.constant 96 : index
        %swap3A_322 = tpu.vector_load %arg10[%swap3A_320, %swap3A_321] {strides = array<i32>} : memref<128x128xf32, #tpu.memory_space<vmem>>, vector<16xf32>,
        tpu.vector_store %arg10[%swap3A_320, %swap3A_321], %mul3A_319 {strides = array<i32>} : memref<128x128xf32, #tpu.memory_space<vmem>>, vector<16xf32>,
        %get3A_323 = arith.index_cast %add3A_269 : i32 to index
        %get3A_324 = arith.constant 112 : index
        %get3A_325 = tpu.vector_load %arg10[%get3A_323, %get3A_324] {strides = array<i32>} : memref<128x128xf32, #tpu.memory_space<vmem>>, vector<16xf32>,
        %mul3A_326 = arith.mulf %get3A_325, %get3A_273 : vector<16xf32>
        %swap3A_327 = arith.index_cast %add3A_269 : i32 to index
        %swap3A_328 = arith.constant 112 : index
        %swap3A_329 = tpu.vector_load %arg10[%swap3A_327, %swap3A_328] {strides = array<i32>} : memref<128x128xf32, #tpu.memory_space<vmem>>, vector<16xf32>,
        tpu.vector_store %arg10[%swap3A_327, %swap3A_328], %mul3A_326 {strides = array<i32>} : memref<128x128xf32, #tpu.memory_space<vmem>>, vector<16xf32>,
        %scan3A_330 = arith.constant 0 : i32
        scf.yield %scan3A_330 : i32
      }
      %scan3A_158 = arith.constant 64 : i32
      %dma_start3A_159 = arith.constant 1 : i32
      %dma_start3A_160 = arith.constant 0 : i32
      %dma_start3A_161 = tpu.memref_slice %arg6[%dma_start3A_159, %dma_start3A_160] : memref<2x128xi32, #tpu.memory_space<vmem>> -> memref<1x128xi32, #tpu.memory_space<vmem>>
      %dma_start3A_162 = tpu.memref_squeeze %dma_start3A_161 : memref<1x128xi32, #tpu.memory_space<vmem>> -> memref<128xi32, #tpu.memory_space<vmem>>
      %dma_start3A_163 = arith.constant 0 : i32
      %dma_start3A_164 = arith.constant 0 : i32
      %dma_start3A_165 = tpu.memref_slice %arg12[%dma_start3A_163, %dma_start3A_164] : memref<10240x128xf32, #tpu.memory_space<vmem_shared>> -> memref<10240x128xf32, #tpu.memory_space<vmem_shared>>
      tpu.enqueue_indirect_dma source(%arg10 : memref<128x128xf32, #tpu.memory_space<vmem>>) target(%dma_start3A_165 : memref<10240x128xf32, #tpu.memory_space<vmem_shared>>) offsets(%dma_start3A_162 : memref<128xi32, #tpu.memory_space<vmem>>) semaphore(%arg17 : memref<!tpu.dma_semaphore, #tpu.memory_space<semaphore_mem>>) {add = true}
      %dma_wait3A_166 = arith.constant 0 : i32
      %dma_wait3A_167 = arith.constant 0 : i32
      %dma_wait3A_168 = tpu.memref_slice %arg7[%dma_wait3A_166, %dma_wait3A_167] : memref<2x128xi32, #tpu.memory_space<vmem>> -> memref<1x128xi32, #tpu.memory_space<vmem>>
      %dma_wait3A_169 = tpu.memref_squeeze %dma_wait3A_168 : memref<1x128xi32, #tpu.memory_space<vmem>> -> memref<128xi32, #tpu.memory_space<vmem>>
      %dma_wait3A_170 = arith.constant 0 : i32
      %dma_wait3A_171 = arith.constant 0 : i32
      %dma_wait3A_172 = tpu.memref_slice %arg2[%dma_wait3A_170, %dma_wait3A_171] : memref<10000x128xf32, #tpu.memory_space<hbm>> -> memref<10000x128xf32, #tpu.memory_space<hbm>>
      tpu.wait_indirect_dma semaphore(%arg16 : memref<!tpu.dma_semaphore, #tpu.memory_space<semaphore_mem>>) src(%dma_wait3A_172 : memref<10000x128xf32, #tpu.memory_space<hbm>>) dst(%arg11 : memref<128x128xf32, #tpu.memory_space<vmem>>)
      %scan3A_173 = arith.constant 0 : i32
      %scan3A_174 = arith.constant 0 : i32
      %scan3A_175 = arith.constant 64 : i32
      %scan3A_176 = arith.addi %scan3A_174, %scan3A_175 : i32
      %scan3A_177 = arith.constant 1 : i32
      %scan3A_178 = scf.for %scan3A_202 = %scan3A_174 to %scan3A_176 step %scan3A_177 iter_args(%scan3A_203 = %scan3A_173) -> (i32)  : i32 {
        %mul3A_204 = arith.constant 2 : i32
        %mul3A_205 = arith.muli %scan3A_202, %mul3A_204 : i32
        %add3A_206 = arith.constant 0 : i32
        %add3A_207 = arith.addi %mul3A_205, %add3A_206 : i32
        %mul3A_208 = arith.constant 16 : i32
        %mul3A_209 = arith.muli %add3A_207, %mul3A_208 : i32
        %get3A = arith.index_cast %mul3A_209 : i32 to index
        %get3A_210 = tpu.vector_load %arg9[%get3A] {strides = array<i32>} : memref<2048xf32, #tpu.memory_space<vmem>>, vector<16xf32>,
        %get3A_211 = arith.index_cast %add3A_207 : i32 to index
        %get3A_212 = arith.constant 0 : index
        %get3A_213 = tpu.vector_load %arg11[%get3A_211, %get3A_212] {strides = array<i32>} : memref<128x128xf32, #tpu.memory_space<vmem>>, vector<16xf32>,
        %mul3A_214 = arith.mulf %get3A_213, %get3A_210 : vector<16xf32>
        %swap3A = arith.index_cast %add3A_207 : i32 to index
        %swap3A_215 = arith.constant 0 : index
        %swap3A_216 = tpu.vector_load %arg11[%swap3A, %swap3A_215] {strides = array<i32>} : memref<128x128xf32, #tpu.memory_space<vmem>>, vector<16xf32>,
        tpu.vector_store %arg11[%swap3A, %swap3A_215], %mul3A_214 {strides = array<i32>} : memref<128x128xf32, #tpu.memory_space<vmem>>, vector<16xf32>,
        %get3A_217 = arith.index_cast %add3A_207 : i32 to index
        %get3A_218 = arith.constant 16 : index
        %get3A_219 = tpu.vector_load %arg11[%get3A_217, %get3A_218] {strides = array<i32>} : memref<128x128xf32, #tpu.memory_space<vmem>>, vector<16xf32>,
        %mul3A_220 = arith.mulf %get3A_219, %get3A_210 : vector<16xf32>
        %swap3A_221 = arith.index_cast %add3A_207 : i32 to index
        %swap3A_222 = arith.constant 16 : index
        %swap3A_223 = tpu.vector_load %arg11[%swap3A_221, %swap3A_222] {strides = array<i32>} : memref<128x128xf32, #tpu.memory_space<vmem>>, vector<16xf32>,
        tpu.vector_store %arg11[%swap3A_221, %swap3A_222], %mul3A_220 {strides = array<i32>} : memref<128x128xf32, #tpu.memory_space<vmem>>, vector<16xf32>,
        %get3A_224 = arith.index_cast %add3A_207 : i32 to index
        %get3A_225 = arith.constant 32 : index
        %get3A_226 = tpu.vector_load %arg11[%get3A_224, %get3A_225] {strides = array<i32>} : memref<128x128xf32, #tpu.memory_space<vmem>>, vector<16xf32>,
        %mul3A_227 = arith.mulf %get3A_226, %get3A_210 : vector<16xf32>
        %swap3A_228 = arith.index_cast %add3A_207 : i32 to index
        %swap3A_229 = arith.constant 32 : index
        %swap3A_230 = tpu.vector_load %arg11[%swap3A_228, %swap3A_229] {strides = array<i32>} : memref<128x128xf32, #tpu.memory_space<vmem>>, vector<16xf32>,
        tpu.vector_store %arg11[%swap3A_228, %swap3A_229], %mul3A_227 {strides = array<i32>} : memref<128x128xf32, #tpu.memory_space<vmem>>, vector<16xf32>,
        %get3A_231 = arith.index_cast %add3A_207 : i32 to index
        %get3A_232 = arith.constant 48 : index
        %get3A_233 = tpu.vector_load %arg11[%get3A_231, %get3A_232] {strides = array<i32>} : memref<128x128xf32, #tpu.memory_space<vmem>>, vector<16xf32>,
        %mul3A_234 = arith.mulf %get3A_233, %get3A_210 : vector<16xf32>
        %swap3A_235 = arith.index_cast %add3A_207 : i32 to index
        %swap3A_236 = arith.constant 48 : index
        %swap3A_237 = tpu.vector_load %arg11[%swap3A_235, %swap3A_236] {strides = array<i32>} : memref<128x128xf32, #tpu.memory_space<vmem>>, vector<16xf32>,
        tpu.vector_store %arg11[%swap3A_235, %swap3A_236], %mul3A_234 {strides = array<i32>} : memref<128x128xf32, #tpu.memory_space<vmem>>, vector<16xf32>,
        %get3A_238 = arith.index_cast %add3A_207 : i32 to index
        %get3A_239 = arith.constant 64 : index
        %get3A_240 = tpu.vector_load %arg11[%get3A_238, %get3A_239] {strides = array<i32>} : memref<128x128xf32, #tpu.memory_space<vmem>>, vector<16xf32>,
        %mul3A_241 = arith.mulf %get3A_240, %get3A_210 : vector<16xf32>
        %swap3A_242 = arith.index_cast %add3A_207 : i32 to index
        %swap3A_243 = arith.constant 64 : index
        %swap3A_244 = tpu.vector_load %arg11[%swap3A_242, %swap3A_243] {strides = array<i32>} : memref<128x128xf32, #tpu.memory_space<vmem>>, vector<16xf32>,
        tpu.vector_store %arg11[%swap3A_242, %swap3A_243], %mul3A_241 {strides = array<i32>} : memref<128x128xf32, #tpu.memory_space<vmem>>, vector<16xf32>,
        %get3A_245 = arith.index_cast %add3A_207 : i32 to index
        %get3A_246 = arith.constant 80 : index
        %get3A_247 = tpu.vector_load %arg11[%get3A_245, %get3A_246] {strides = array<i32>} : memref<128x128xf32, #tpu.memory_space<vmem>>, vector<16xf32>,
        %mul3A_248 = arith.mulf %get3A_247, %get3A_210 : vector<16xf32>
        %swap3A_249 = arith.index_cast %add3A_207 : i32 to index
        %swap3A_250 = arith.constant 80 : index
        %swap3A_251 = tpu.vector_load %arg11[%swap3A_249, %swap3A_250] {strides = array<i32>} : memref<128x128xf32, #tpu.memory_space<vmem>>, vector<16xf32>,
        tpu.vector_store %arg11[%swap3A_249, %swap3A_250], %mul3A_248 {strides = array<i32>} : memref<128x128xf32, #tpu.memory_space<vmem>>, vector<16xf32>,
        %get3A_252 = arith.index_cast %add3A_207 : i32 to index
        %get3A_253 = arith.constant 96 : index
        %get3A_254 = tpu.vector_load %arg11[%get3A_252, %get3A_253] {strides = array<i32>} : memref<128x128xf32, #tpu.memory_space<vmem>>, vector<16xf32>,
        %mul3A_255 = arith.mulf %get3A_254, %get3A_210 : vector<16xf32>
        %swap3A_256 = arith.index_cast %add3A_207 : i32 to index
        %swap3A_257 = arith.constant 96 : index
        %swap3A_258 = tpu.vector_load %arg11[%swap3A_256, %swap3A_257] {strides = array<i32>} : memref<128x128xf32, #tpu.memory_space<vmem>>, vector<16xf32>,
        tpu.vector_store %arg11[%swap3A_256, %swap3A_257], %mul3A_255 {strides = array<i32>} : memref<128x128xf32, #tpu.memory_space<vmem>>, vector<16xf32>,
        %get3A_259 = arith.index_cast %add3A_207 : i32 to index
        %get3A_260 = arith.constant 112 : index
        %get3A_261 = tpu.vector_load %arg11[%get3A_259, %get3A_260] {strides = array<i32>} : memref<128x128xf32, #tpu.memory_space<vmem>>, vector<16xf32>,
        %mul3A_262 = arith.mulf %get3A_261, %get3A_210 : vector<16xf32>
        %swap3A_263 = arith.index_cast %add3A_207 : i32 to index
        %swap3A_264 = arith.constant 112 : index
        %swap3A_265 = tpu.vector_load %arg11[%swap3A_263, %swap3A_264] {strides = array<i32>} : memref<128x128xf32, #tpu.memory_space<vmem>>, vector<16xf32>,
        tpu.vector_store %arg11[%swap3A_263, %swap3A_264], %mul3A_262 {strides = array<i32>} : memref<128x128xf32, #tpu.memory_space<vmem>>, vector<16xf32>,
        %mul3A_266 = arith.constant 2 : i32
        %mul3A_267 = arith.muli %scan3A_202, %mul3A_266 : i32
        %add3A_268 = arith.constant 1 : i32
        %add3A_269 = arith.addi %mul3A_267, %add3A_268 : i32
        %mul3A_270 = arith.constant 16 : i32
        %mul3A_271 = arith.muli %add3A_269, %mul3A_270 : i32
        %get3A_272 = arith.index_cast %mul3A_271 : i32 to index
        %get3A_273 = tpu.vector_load %arg9[%get3A_272] {strides = array<i32>} : memref<2048xf32, #tpu.memory_space<vmem>>, vector<16xf32>,
        %get3A_274 = arith.index_cast %add3A_269 : i32 to index
        %get3A_275 = arith.constant 0 : index
        %get3A_276 = tpu.vector_load %arg11[%get3A_274, %get3A_275] {strides = array<i32>} : memref<128x128xf32, #tpu.memory_space<vmem>>, vector<16xf32>,
        %mul3A_277 = arith.mulf %get3A_276, %get3A_273 : vector<16xf32>
        %swap3A_278 = arith.index_cast %add3A_269 : i32 to index
        %swap3A_279 = arith.constant 0 : index
        %swap3A_280 = tpu.vector_load %arg11[%swap3A_278, %swap3A_279] {strides = array<i32>} : memref<128x128xf32, #tpu.memory_space<vmem>>, vector<16xf32>,
        tpu.vector_store %arg11[%swap3A_278, %swap3A_279], %mul3A_277 {strides = array<i32>} : memref<128x128xf32, #tpu.memory_space<vmem>>, vector<16xf32>,
        %get3A_281 = arith.index_cast %add3A_269 : i32 to index
        %get3A_282 = arith.constant 16 : index
        %get3A_283 = tpu.vector_load %arg11[%get3A_281, %get3A_282] {strides = array<i32>} : memref<128x128xf32, #tpu.memory_space<vmem>>, vector<16xf32>,
        %mul3A_284 = arith.mulf %get3A_283, %get3A_273 : vector<16xf32>
        %swap3A_285 = arith.index_cast %add3A_269 : i32 to index
        %swap3A_286 = arith.constant 16 : index
        %swap3A_287 = tpu.vector_load %arg11[%swap3A_285, %swap3A_286] {strides = array<i32>} : memref<128x128xf32, #tpu.memory_space<vmem>>, vector<16xf32>,
        tpu.vector_store %arg11[%swap3A_285, %swap3A_286], %mul3A_284 {strides = array<i32>} : memref<128x128xf32, #tpu.memory_space<vmem>>, vector<16xf32>,
        %get3A_288 = arith.index_cast %add3A_269 : i32 to index
        %get3A_289 = arith.constant 32 : index
        %get3A_290 = tpu.vector_load %arg11[%get3A_288, %get3A_289] {strides = array<i32>} : memref<128x128xf32, #tpu.memory_space<vmem>>, vector<16xf32>,
        %mul3A_291 = arith.mulf %get3A_290, %get3A_273 : vector<16xf32>
        %swap3A_292 = arith.index_cast %add3A_269 : i32 to index
        %swap3A_293 = arith.constant 32 : index
        %swap3A_294 = tpu.vector_load %arg11[%swap3A_292, %swap3A_293] {strides = array<i32>} : memref<128x128xf32, #tpu.memory_space<vmem>>, vector<16xf32>,
        tpu.vector_store %arg11[%swap3A_292, %swap3A_293], %mul3A_291 {strides = array<i32>} : memref<128x128xf32, #tpu.memory_space<vmem>>, vector<16xf32>,
        %get3A_295 = arith.index_cast %add3A_269 : i32 to index
        %get3A_296 = arith.constant 48 : index
        %get3A_297 = tpu.vector_load %arg11[%get3A_295, %get3A_296] {strides = array<i32>} : memref<128x128xf32, #tpu.memory_space<vmem>>, vector<16xf32>,
        %mul3A_298 = arith.mulf %get3A_297, %get3A_273 : vector<16xf32>
        %swap3A_299 = arith.index_cast %add3A_269 : i32 to index
        %swap3A_300 = arith.constant 48 : index
        %swap3A_301 = tpu.vector_load %arg11[%swap3A_299, %swap3A_300] {strides = array<i32>} : memref<128x128xf32, #tpu.memory_space<vmem>>, vector<16xf32>,
        tpu.vector_store %arg11[%swap3A_299, %swap3A_300], %mul3A_298 {strides = array<i32>} : memref<128x128xf32, #tpu.memory_space<vmem>>, vector<16xf32>,
        %get3A_302 = arith.index_cast %add3A_269 : i32 to index
        %get3A_303 = arith.constant 64 : index
        %get3A_304 = tpu.vector_load %arg11[%get3A_302, %get3A_303] {strides = array<i32>} : memref<128x128xf32, #tpu.memory_space<vmem>>, vector<16xf32>,
        %mul3A_305 = arith.mulf %get3A_304, %get3A_273 : vector<16xf32>
        %swap3A_306 = arith.index_cast %add3A_269 : i32 to index
        %swap3A_307 = arith.constant 64 : index
        %swap3A_308 = tpu.vector_load %arg11[%swap3A_306, %swap3A_307] {strides = array<i32>} : memref<128x128xf32, #tpu.memory_space<vmem>>, vector<16xf32>,
        tpu.vector_store %arg11[%swap3A_306, %swap3A_307], %mul3A_305 {strides = array<i32>} : memref<128x128xf32, #tpu.memory_space<vmem>>, vector<16xf32>,
        %get3A_309 = arith.index_cast %add3A_269 : i32 to index
        %get3A_310 = arith.constant 80 : index
        %get3A_311 = tpu.vector_load %arg11[%get3A_309, %get3A_310] {strides = array<i32>} : memref<128x128xf32, #tpu.memory_space<vmem>>, vector<16xf32>,
        %mul3A_312 = arith.mulf %get3A_311, %get3A_273 : vector<16xf32>
        %swap3A_313 = arith.index_cast %add3A_269 : i32 to index
        %swap3A_314 = arith.constant 80 : index
        %swap3A_315 = tpu.vector_load %arg11[%swap3A_313, %swap3A_314] {strides = array<i32>} : memref<128x128xf32, #tpu.memory_space<vmem>>, vector<16xf32>,
        tpu.vector_store %arg11[%swap3A_313, %swap3A_314], %mul3A_312 {strides = array<i32>} : memref<128x128xf32, #tpu.memory_space<vmem>>, vector<16xf32>,
        %get3A_316 = arith.index_cast %add3A_269 : i32 to index
        %get3A_317 = arith.constant 96 : index
        %get3A_318 = tpu.vector_load %arg11[%get3A_316, %get3A_317] {strides = array<i32>} : memref<128x128xf32, #tpu.memory_space<vmem>>, vector<16xf32>,
        %mul3A_319 = arith.mulf %get3A_318, %get3A_273 : vector<16xf32>
        %swap3A_320 = arith.index_cast %add3A_269 : i32 to index
        %swap3A_321 = arith.constant 96 : index
        %swap3A_322 = tpu.vector_load %arg11[%swap3A_320, %swap3A_321] {strides = array<i32>} : memref<128x128xf32, #tpu.memory_space<vmem>>, vector<16xf32>,
        tpu.vector_store %arg11[%swap3A_320, %swap3A_321], %mul3A_319 {strides = array<i32>} : memref<128x128xf32, #tpu.memory_space<vmem>>, vector<16xf32>,
        %get3A_323 = arith.index_cast %add3A_269 : i32 to index
        %get3A_324 = arith.constant 112 : index
        %get3A_325 = tpu.vector_load %arg11[%get3A_323, %get3A_324] {strides = array<i32>} : memref<128x128xf32, #tpu.memory_space<vmem>>, vector<16xf32>,
        %mul3A_326 = arith.mulf %get3A_325, %get3A_273 : vector<16xf32>
        %swap3A_327 = arith.index_cast %add3A_269 : i32 to index
        %swap3A_328 = arith.constant 112 : index
        %swap3A_329 = tpu.vector_load %arg11[%swap3A_327, %swap3A_328] {strides = array<i32>} : memref<128x128xf32, #tpu.memory_space<vmem>>, vector<16xf32>,
        tpu.vector_store %arg11[%swap3A_327, %swap3A_328], %mul3A_326 {strides = array<i32>} : memref<128x128xf32, #tpu.memory_space<vmem>>, vector<16xf32>,
        %scan3A_330 = arith.constant 0 : i32
        scf.yield %scan3A_330 : i32
      }
      %scan3A_179 = arith.constant 64 : i32
      %dma_start3A_180 = arith.constant 1 : i32
      %dma_start3A_181 = arith.constant 0 : i32
      %dma_start3A_182 = tpu.memref_slice %arg7[%dma_start3A_180, %dma_start3A_181] : memref<2x128xi32, #tpu.memory_space<vmem>> -> memref<1x128xi32, #tpu.memory_space<vmem>>
      %dma_start3A_183 = tpu.memref_squeeze %dma_start3A_182 : memref<1x128xi32, #tpu.memory_space<vmem>> -> memref<128xi32, #tpu.memory_space<vmem>>
      %dma_start3A_184 = arith.constant 0 : i32
      %dma_start3A_185 = arith.constant 0 : i32
      %dma_start3A_186 = tpu.memref_slice %arg12[%dma_start3A_184, %dma_start3A_185] : memref<10240x128xf32, #tpu.memory_space<vmem_shared>> -> memref<10240x128xf32, #tpu.memory_space<vmem_shared>>
      tpu.enqueue_indirect_dma source(%arg11 : memref<128x128xf32, #tpu.memory_space<vmem>>) target(%dma_start3A_186 : memref<10240x128xf32, #tpu.memory_space<vmem_shared>>) offsets(%dma_start3A_183 : memref<128xi32, #tpu.memory_space<vmem>>) semaphore(%arg18 : memref<!tpu.dma_semaphore, #tpu.memory_space<semaphore_mem>>) {add = true}
      %dma_wait3A_187 = arith.constant 1 : i32
      %dma_wait3A_188 = arith.constant 0 : i32
      %dma_wait3A_189 = tpu.memref_slice %arg6[%dma_wait3A_187, %dma_wait3A_188] : memref<2x128xi32, #tpu.memory_space<vmem>> -> memref<1x128xi32, #tpu.memory_space<vmem>>
      %dma_wait3A_190 = tpu.memref_squeeze %dma_wait3A_189 : memref<1x128xi32, #tpu.memory_space<vmem>> -> memref<128xi32, #tpu.memory_space<vmem>>
      %dma_wait3A_191 = arith.constant 0 : i32
      %dma_wait3A_192 = arith.constant 0 : i32
      %dma_wait3A_193 = tpu.memref_slice %arg12[%dma_wait3A_191, %dma_wait3A_192] : memref<10240x128xf32, #tpu.memory_space<vmem_shared>> -> memref<10240x128xf32, #tpu.memory_space<vmem_shared>>
      tpu.wait_indirect_dma semaphore(%arg17 : memref<!tpu.dma_semaphore, #tpu.memory_space<semaphore_mem>>) src(%arg10 : memref<128x128xf32, #tpu.memory_space<vmem>>) dst(%dma_wait3A_193 : memref<10240x128xf32, #tpu.memory_space<vmem_shared>>)
      %dma_wait3A_194 = arith.constant 1 : i32
      %dma_wait3A_195 = arith.constant 0 : i32
      %dma_wait3A_196 = tpu.memref_slice %arg7[%dma_wait3A_194, %dma_wait3A_195] : memref<2x128xi32, #tpu.memory_space<vmem>> -> memref<1x128xi32, #tpu.memory_space<vmem>>
      %dma_wait3A_197 = tpu.memref_squeeze %dma_wait3A_196 : memref<1x128xi32, #tpu.memory_space<vmem>> -> memref<128xi32, #tpu.memory_space<vmem>>
      %dma_wait3A_198 = arith.constant 0 : i32
      %dma_wait3A_199 = arith.constant 0 : i32
      %dma_wait3A_200 = tpu.memref_slice %arg12[%dma_wait3A_198, %dma_wait3A_199] : memref<10240x128xf32, #tpu.memory_space<vmem_shared>> -> memref<10240x128xf32, #tpu.memory_space<vmem_shared>>
      tpu.wait_indirect_dma semaphore(%arg18 : memref<!tpu.dma_semaphore, #tpu.memory_space<semaphore_mem>>) src(%arg11 : memref<128x128xf32, #tpu.memory_space<vmem>>) dst(%dma_wait3A_200 : memref<10240x128xf32, #tpu.memory_space<vmem_shared>>)
      %while3A_201 = arith.constant 0 : i32
      scf.yield %while3A_201 : i32
    }
    %while3A_62 = arith.constant 1 : i32
    %while3A_63 = scf.for %while3A_69 = %while3A_59 to %while3A_55 step %while3A_62 iter_args(%while3A_70 = %while3A_61) -> (i32)  : i32 {
      %mul3A_71 = arith.constant 2 : i32
      %mul3A_72 = arith.muli %while3A_69, %mul3A_71 : i32
      %add3A_73 = arith.addi %select_n3A_34, %mul3A_72 : i32
      %add3A_74 = arith.constant 0 : i32
      %add3A_75 = arith.addi %add3A_73, %add3A_74 : i32
      %dma_start3A = arith.constant 0 : i32
      %dma_start3A_76 = arith.constant 0 : i32
      %dma_start3A_77 = tpu.memref_slice %arg3[%add3A_75, %dma_start3A, %dma_start3A_76] : memref<1280x2x128xi32, #tpu.memory_space<hbm>> -> memref<1x2x128xi32, #tpu.memory_space<hbm>>
      %dma_start3A_78 = tpu.memref_squeeze %dma_start3A_77 : memref<1x2x128xi32, #tpu.memory_space<hbm>> -> memref<2x128xi32, #tpu.memory_space<hbm>>
      %dma_start3A_79 = arith.constant 0 : i32
      %dma_start3A_80 = arith.constant 0 : i32
      %dma_start3A_81 = tpu.memref_slice %arg3[%add3A_75, %dma_start3A_79, %dma_start3A_80] : memref<1280x2x128xi32, #tpu.memory_space<hbm>> -> memref<1x2x128xi32, #tpu.memory_space<hbm>>
      %dma_start3A_82 = tpu.memref_squeeze %dma_start3A_81 : memref<1x2x128xi32, #tpu.memory_space<hbm>> -> memref<2x128xi32, #tpu.memory_space<hbm>>
      tpu.enqueue_dma source(%dma_start3A_82 : memref<2x128xi32, #tpu.memory_space<hbm>>) target(%arg6 : memref<2x128xi32, #tpu.memory_space<vmem>>) target_semaphore(%arg13 : memref<!tpu.dma_semaphore, #tpu.memory_space<semaphore_mem>>)
      %add3A_83 = arith.addi %select_n3A_34, %mul3A_72 : i32
      %add3A_84 = arith.constant 0 : i32
      %add3A_85 = arith.addi %add3A_83, %add3A_84 : i32
      %mul3A_86 = arith.constant 128 : i32
      %mul3A_87 = arith.muli %add3A_85, %mul3A_86 : i32
      %mul3A_88 = arith.constant 16 : i32
      %mul3A_89 = arith.muli %mul3A_87, %mul3A_88 : i32
      %dma_start3A_90 = tpu.memref_slice %arg4[%mul3A_89] : memref<2621440xf32, #tpu.memory_space<hbm>> -> memref<2048xf32, #tpu.memory_space<hbm>>
      %dma_start3A_91 = tpu.memref_slice %arg4[%mul3A_89] : memref<2621440xf32, #tpu.memory_space<hbm>> -> memref<2048xf32, #tpu.memory_space<hbm>>
      tpu.enqueue_dma source(%dma_start3A_91 : memref<2048xf32, #tpu.memory_space<hbm>>) target(%arg8 : memref<2048xf32, #tpu.memory_space<vmem>>) target_semaphore(%arg13 : memref<!tpu.dma_semaphore, #tpu.memory_space<semaphore_mem>>)
      %add3A_92 = arith.addi %select_n3A_34, %mul3A_72 : i32
      %add3A_93 = arith.constant 1 : i32
      %add3A_94 = arith.addi %add3A_92, %add3A_93 : i32
      %dma_start3A_95 = arith.constant 0 : i32
      %dma_start3A_96 = arith.constant 0 : i32
      %dma_start3A_97 = tpu.memref_slice %arg3[%add3A_94, %dma_start3A_95, %dma_start3A_96] : memref<1280x2x128xi32, #tpu.memory_space<hbm>> -> memref<1x2x128xi32, #tpu.memory_space<hbm>>
      %dma_start3A_98 = tpu.memref_squeeze %dma_start3A_97 : memref<1x2x128xi32, #tpu.memory_space<hbm>> -> memref<2x128xi32, #tpu.memory_space<hbm>>
      %dma_start3A_99 = arith.constant 0 : i32
      %dma_start3A_100 = arith.constant 0 : i32
      %dma_start3A_101 = tpu.memref_slice %arg3[%add3A_94, %dma_start3A_99, %dma_start3A_100] : memref<1280x2x128xi32, #tpu.memory_space<hbm>> -> memref<1x2x128xi32, #tpu.memory_space<hbm>>
      %dma_start3A_102 = tpu.memref_squeeze %dma_start3A_101 : memref<1x2x128xi32, #tpu.memory_space<hbm>> -> memref<2x128xi32, #tpu.memory_space<hbm>>
      tpu.enqueue_dma source(%dma_start3A_102 : memref<2x128xi32, #tpu.memory_space<hbm>>) target(%arg7 : memref<2x128xi32, #tpu.memory_space<vmem>>) target_semaphore(%arg14 : memref<!tpu.dma_semaphore, #tpu.memory_space<semaphore_mem>>)
      %add3A_103 = arith.addi %select_n3A_34, %mul3A_72 : i32
      %add3A_104 = arith.constant 1 : i32
      %add3A_105 = arith.addi %add3A_103, %add3A_104 : i32
      %mul3A_106 = arith.constant 128 : i32
      %mul3A_107 = arith.muli %add3A_105, %mul3A_106 : i32
      %mul3A_108 = arith.constant 16 : i32
      %mul3A_109 = arith.muli %mul3A_107, %mul3A_108 : i32
      %dma_start3A_110 = tpu.memref_slice %arg4[%mul3A_109] : memref<2621440xf32, #tpu.memory_space<hbm>> -> memref<2048xf32, #tpu.memory_space<hbm>>
      %dma_start3A_111 = tpu.memref_slice %arg4[%mul3A_109] : memref<2621440xf32, #tpu.memory_space<hbm>> -> memref<2048xf32, #tpu.memory_space<hbm>>
      tpu.enqueue_dma source(%dma_start3A_111 : memref<2048xf32, #tpu.memory_space<hbm>>) target(%arg9 : memref<2048xf32, #tpu.memory_space<vmem>>) target_semaphore(%arg14 : memref<!tpu.dma_semaphore, #tpu.memory_space<semaphore_mem>>)
      %dma_wait3A = arith.constant 0 : i32
      %dma_wait3A_112 = arith.constant 0 : i32
      %dma_wait3A_113 = tpu.memref_slice %arg3[%add3A_75, %dma_wait3A, %dma_wait3A_112] : memref<1280x2x128xi32, #tpu.memory_space<hbm>> -> memref<1x2x128xi32, #tpu.memory_space<hbm>>
      %dma_wait3A_114 = tpu.memref_squeeze %dma_wait3A_113 : memref<1x2x128xi32, #tpu.memory_space<hbm>> -> memref<2x128xi32, #tpu.memory_space<hbm>>
      %dma_wait3A_115 = arith.constant 0 : i32
      %dma_wait3A_116 = arith.constant 0 : i32
      %dma_wait3A_117 = tpu.memref_slice %arg3[%add3A_75, %dma_wait3A_115, %dma_wait3A_116] : memref<1280x2x128xi32, #tpu.memory_space<hbm>> -> memref<1x2x128xi32, #tpu.memory_space<hbm>>
      %dma_wait3A_118 = tpu.memref_squeeze %dma_wait3A_117 : memref<1x2x128xi32, #tpu.memory_space<hbm>> -> memref<2x128xi32, #tpu.memory_space<hbm>>
      tpu.wait_dma2 semaphore(%arg13 : memref<!tpu.dma_semaphore, #tpu.memory_space<semaphore_mem>>) src(%dma_wait3A_118 : memref<2x128xi32, #tpu.memory_space<hbm>>) dst(%arg6 : memref<2x128xi32, #tpu.memory_space<vmem>>)
      %dma_wait3A_119 = tpu.memref_slice %arg4[%mul3A_89] : memref<2621440xf32, #tpu.memory_space<hbm>> -> memref<2048xf32, #tpu.memory_space<hbm>>
      %dma_wait3A_120 = tpu.memref_slice %arg4[%mul3A_89] : memref<2621440xf32, #tpu.memory_space<hbm>> -> memref<2048xf32, #tpu.memory_space<hbm>>
      tpu.wait_dma2 semaphore(%arg13 : memref<!tpu.dma_semaphore, #tpu.memory_space<semaphore_mem>>) src(%dma_wait3A_120 : memref<2048xf32, #tpu.memory_space<hbm>>) dst(%arg8 : memref<2048xf32, #tpu.memory_space<vmem>>)
      %dma_start3A_121 = arith.constant 0 : i32
      %dma_start3A_122 = arith.constant 0 : i32
      %dma_start3A_123 = tpu.memref_slice %arg6[%dma_start3A_121, %dma_start3A_122] : memref<2x128xi32, #tpu.memory_space<vmem>> -> memref<1x128xi32, #tpu.memory_space<vmem>>
      %dma_start3A_124 = tpu.memref_squeeze %dma_start3A_123 : memref<1x128xi32, #tpu.memory_space<vmem>> -> memref<128xi32, #tpu.memory_space<vmem>>
      %dma_start3A_125 = arith.constant 0 : i32
      %dma_start3A_126 = arith.constant 0 : i32
      %dma_start3A_127 = tpu.memref_slice %arg2[%dma_start3A_125, %dma_start3A_126] : memref<10000x128xf32, #tpu.memory_space<hbm>> -> memref<10000x128xf32, #tpu.memory_space<hbm>>
      tpu.enqueue_indirect_dma source(%dma_start3A_127 : memref<10000x128xf32, #tpu.memory_space<hbm>>) target(%arg10 : memref<128x128xf32, #tpu.memory_space<vmem>>) offsets(%dma_start3A_124 : memref<128xi32, #tpu.memory_space<vmem>>) semaphore(%arg15 : memref<!tpu.dma_semaphore, #tpu.memory_space<semaphore_mem>>)
      %dma_wait3A_128 = arith.constant 0 : i32
      %dma_wait3A_129 = arith.constant 0 : i32
      %dma_wait3A_130 = tpu.memref_slice %arg3[%add3A_94, %dma_wait3A_128, %dma_wait3A_129] : memref<1280x2x128xi32, #tpu.memory_space<hbm>> -> memref<1x2x128xi32, #tpu.memory_space<hbm>>
      %dma_wait3A_131 = tpu.memref_squeeze %dma_wait3A_130 : memref<1x2x128xi32, #tpu.memory_space<hbm>> -> memref<2x128xi32, #tpu.memory_space<hbm>>
      %dma_wait3A_132 = arith.constant 0 : i32
      %dma_wait3A_133 = arith.constant 0 : i32
      %dma_wait3A_134 = tpu.memref_slice %arg3[%add3A_94, %dma_wait3A_132, %dma_wait3A_133] : memref<1280x2x128xi32, #tpu.memory_space<hbm>> -> memref<1x2x128xi32, #tpu.memory_space<hbm>>
      %dma_wait3A_135 = tpu.memref_squeeze %dma_wait3A_134 : memref<1x2x128xi32, #tpu.memory_space<hbm>> -> memref<2x128xi32, #tpu.memory_space<hbm>>
      tpu.wait_dma2 semaphore(%arg14 : memref<!tpu.dma_semaphore, #tpu.memory_space<semaphore_mem>>) src(%dma_wait3A_135 : memref<2x128xi32, #tpu.memory_space<hbm>>) dst(%arg7 : memref<2x128xi32, #tpu.memory_space<vmem>>)
      %dma_wait3A_136 = tpu.memref_slice %arg4[%mul3A_109] : memref<2621440xf32, #tpu.memory_space<hbm>> -> memref<2048xf32, #tpu.memory_space<hbm>>
      %dma_wait3A_137 = tpu.memref_slice %arg4[%mul3A_109] : memref<2621440xf32, #tpu.memory_space<hbm>> -> memref<2048xf32, #tpu.memory_space<hbm>>
      tpu.wait_dma2 semaphore(%arg14 : memref<!tpu.dma_semaphore, #tpu.memory_space<semaphore_mem>>) src(%dma_wait3A_137 : memref<2048xf32, #tpu.memory_space<hbm>>) dst(%arg9 : memref<2048xf32, #tpu.memory_space<vmem>>)
      %dma_start3A_138 = arith.constant 0 : i32
      %dma_start3A_139 = arith.constant 0 : i32
      %dma_start3A_140 = tpu.memref_slice %arg7[%dma_start3A_138, %dma_start3A_139] : memref<2x128xi32, #tpu.memory_space<vmem>> -> memref<1x128xi32, #tpu.memory_space<vmem>>
      %dma_start3A_141 = tpu.memref_squeeze %dma_start3A_140 : memref<1x128xi32, #tpu.memory_space<vmem>> -> memref<128xi32, #tpu.memory_space<vmem>>
      %dma_start3A_142 = arith.constant 0 : i32
      %dma_start3A_143 = arith.constant 0 : i32
      %dma_start3A_144 = tpu.memref_slice %arg2[%dma_start3A_142, %dma_start3A_143] : memref<10000x128xf32, #tpu.memory_space<hbm>> -> memref<10000x128xf32, #tpu.memory_space<hbm>>
      tpu.enqueue_indirect_dma source(%dma_start3A_144 : memref<10000x128xf32, #tpu.memory_space<hbm>>) target(%arg11 : memref<128x128xf32, #tpu.memory_space<vmem>>) offsets(%dma_start3A_141 : memref<128xi32, #tpu.memory_space<vmem>>) semaphore(%arg16 : memref<!tpu.dma_semaphore, #tpu.memory_space<semaphore_mem>>)
      %dma_wait3A_145 = arith.constant 0 : i32
      %dma_wait3A_146 = arith.constant 0 : i32
      %dma_wait3A_147 = tpu.memref_slice %arg6[%dma_wait3A_145, %dma_wait3A_146] : memref<2x128xi32, #tpu.memory_space<vmem>> -> memref<1x128xi32, #tpu.memory_space<vmem>>
      %dma_wait3A_148 = tpu.memref_squeeze %dma_wait3A_147 : memref<1x128xi32, #tpu.memory_space<vmem>> -> memref<128xi32, #tpu.memory_space<vmem>>
      %dma_wait3A_149 = arith.constant 0 : i32
      %dma_wait3A_150 = arith.constant 0 : i32
      %dma_wait3A_151 = tpu.memref_slice %arg2[%dma_wait3A_149, %dma_wait3A_150] : memref<10000x128xf32, #tpu.memory_space<hbm>> -> memref<10000x128xf32, #tpu.memory_space<hbm>>
      tpu.wait_indirect_dma semaphore(%arg15 : memref<!tpu.dma_semaphore, #tpu.memory_space<semaphore_mem>>) src(%dma_wait3A_151 : memref<10000x128xf32, #tpu.memory_space<hbm>>) dst(%arg10 : memref<128x128xf32, #tpu.memory_space<vmem>>)
      %scan3A_152 = arith.constant 0 : i32
      %scan3A_153 = arith.constant 0 : i32
      %scan3A_154 = arith.constant 64 : i32
      %scan3A_155 = arith.addi %scan3A_153, %scan3A_154 : i32
      %scan3A_156 = arith.constant 1 : i32
      %scan3A_157 = scf.for %scan3A_202 = %scan3A_153 to %scan3A_155 step %scan3A_156 iter_args(%scan3A_203 = %scan3A_152) -> (i32)  : i32 {
        %mul3A_204 = arith.constant 2 : i32
        %mul3A_205 = arith.muli %scan3A_202, %mul3A_204 : i32
        %add3A_206 = arith.constant 0 : i32
        %add3A_207 = arith.addi %mul3A_205, %add3A_206 : i32
        %mul3A_208 = arith.constant 16 : i32
        %mul3A_209 = arith.muli %add3A_207, %mul3A_208 : i32
        %get3A = arith.index_cast %mul3A_209 : i32 to index
        %get3A_210 = tpu.vector_load %arg8[%get3A] {strides = array<i32>} : memref<2048xf32, #tpu.memory_space<vmem>>, vector<16xf32>,
        %get3A_211 = arith.index_cast %add3A_207 : i32 to index
        %get3A_212 = arith.constant 0 : index
        %get3A_213 = tpu.vector_load %arg10[%get3A_211, %get3A_212] {strides = array<i32>} : memref<128x128xf32, #tpu.memory_space<vmem>>, vector<16xf32>,
        %mul3A_214 = arith.mulf %get3A_213, %get3A_210 : vector<16xf32>
        %swap3A = arith.index_cast %add3A_207 : i32 to index
        %swap3A_215 = arith.constant 0 : index
        %swap3A_216 = tpu.vector_load %arg10[%swap3A, %swap3A_215] {strides = array<i32>} : memref<128x128xf32, #tpu.memory_space<vmem>>, vector<16xf32>,
        tpu.vector_store %arg10[%swap3A, %swap3A_215], %mul3A_214 {strides = array<i32>} : memref<128x128xf32, #tpu.memory_space<vmem>>, vector<16xf32>,
        %get3A_217 = arith.index_cast %add3A_207 : i32 to index
        %get3A_218 = arith.constant 16 : index
        %get3A_219 = tpu.vector_load %arg10[%get3A_217, %get3A_218] {strides = array<i32>} : memref<128x128xf32, #tpu.memory_space<vmem>>, vector<16xf32>,
        %mul3A_220 = arith.mulf %get3A_219, %get3A_210 : vector<16xf32>
        %swap3A_221 = arith.index_cast %add3A_207 : i32 to index
        %swap3A_222 = arith.constant 16 : index
        %swap3A_223 = tpu.vector_load %arg10[%swap3A_221, %swap3A_222] {strides = array<i32>} : memref<128x128xf32, #tpu.memory_space<vmem>>, vector<16xf32>,
        tpu.vector_store %arg10[%swap3A_221, %swap3A_222], %mul3A_220 {strides = array<i32>} : memref<128x128xf32, #tpu.memory_space<vmem>>, vector<16xf32>,
        %get3A_224 = arith.index_cast %add3A_207 : i32 to index
        %get3A_225 = arith.constant 32 : index
        %get3A_226 = tpu.vector_load %arg10[%get3A_224, %get3A_225] {strides = array<i32>} : memref<128x128xf32, #tpu.memory_space<vmem>>, vector<16xf32>,
        %mul3A_227 = arith.mulf %get3A_226, %get3A_210 : vector<16xf32>
        %swap3A_228 = arith.index_cast %add3A_207 : i32 to index
        %swap3A_229 = arith.constant 32 : index
        %swap3A_230 = tpu.vector_load %arg10[%swap3A_228, %swap3A_229] {strides = array<i32>} : memref<128x128xf32, #tpu.memory_space<vmem>>, vector<16xf32>,
        tpu.vector_store %arg10[%swap3A_228, %swap3A_229], %mul3A_227 {strides = array<i32>} : memref<128x128xf32, #tpu.memory_space<vmem>>, vector<16xf32>,
        %get3A_231 = arith.index_cast %add3A_207 : i32 to index
        %get3A_232 = arith.constant 48 : index
        %get3A_233 = tpu.vector_load %arg10[%get3A_231, %get3A_232] {strides = array<i32>} : memref<128x128xf32, #tpu.memory_space<vmem>>, vector<16xf32>,
        %mul3A_234 = arith.mulf %get3A_233, %get3A_210 : vector<16xf32>
        %swap3A_235 = arith.index_cast %add3A_207 : i32 to index
        %swap3A_236 = arith.constant 48 : index
        %swap3A_237 = tpu.vector_load %arg10[%swap3A_235, %swap3A_236] {strides = array<i32>} : memref<128x128xf32, #tpu.memory_space<vmem>>, vector<16xf32>,
        tpu.vector_store %arg10[%swap3A_235, %swap3A_236], %mul3A_234 {strides = array<i32>} : memref<128x128xf32, #tpu.memory_space<vmem>>, vector<16xf32>,
        %get3A_238 = arith.index_cast %add3A_207 : i32 to index
        %get3A_239 = arith.constant 64 : index
        %get3A_240 = tpu.vector_load %arg10[%get3A_238, %get3A_239] {strides = array<i32>} : memref<128x128xf32, #tpu.memory_space<vmem>>, vector<16xf32>,
        %mul3A_241 = arith.mulf %get3A_240, %get3A_210 : vector<16xf32>
        %swap3A_242 = arith.index_cast %add3A_207 : i32 to index
        %swap3A_243 = arith.constant 64 : index
        %swap3A_244 = tpu.vector_load %arg10[%swap3A_242, %swap3A_243] {strides = array<i32>} : memref<128x128xf32, #tpu.memory_space<vmem>>, vector<16xf32>,
        tpu.vector_store %arg10[%swap3A_242, %swap3A_243], %mul3A_241 {strides = array<i32>} : memref<128x128xf32, #tpu.memory_space<vmem>>, vector<16xf32>,
        %get3A_245 = arith.index_cast %add3A_207 : i32 to index
        %get3A_246 = arith.constant 80 : index
        %get3A_247 = tpu.vector_load %arg10[%get3A_245, %get3A_246] {strides = array<i32>} : memref<128x128xf32, #tpu.memory_space<vmem>>, vector<16xf32>,
        %mul3A_248 = arith.mulf %get3A_247, %get3A_210 : vector<16xf32>
        %swap3A_249 = arith.index_cast %add3A_207 : i32 to index
        %swap3A_250 = arith.constant 80 : index
        %swap3A_251 = tpu.vector_load %arg10[%swap3A_249, %swap3A_250] {strides = array<i32>} : memref<128x128xf32, #tpu.memory_space<vmem>>, vector<16xf32>,
        tpu.vector_store %arg10[%swap3A_249, %swap3A_250], %mul3A_248 {strides = array<i32>} : memref<128x128xf32, #tpu.memory_space<vmem>>, vector<16xf32>,
        %get3A_252 = arith.index_cast %add3A_207 : i32 to index
        %get3A_253 = arith.constant 96 : index
        %get3A_254 = tpu.vector_load %arg10[%get3A_252, %get3A_253] {strides = array<i32>} : memref<128x128xf32, #tpu.memory_space<vmem>>, vector<16xf32>,
        %mul3A_255 = arith.mulf %get3A_254, %get3A_210 : vector<16xf32>
        %swap3A_256 = arith.index_cast %add3A_207 : i32 to index
        %swap3A_257 = arith.constant 96 : index
        %swap3A_258 = tpu.vector_load %arg10[%swap3A_256, %swap3A_257] {strides = array<i32>} : memref<128x128xf32, #tpu.memory_space<vmem>>, vector<16xf32>,
        tpu.vector_store %arg10[%swap3A_256, %swap3A_257], %mul3A_255 {strides = array<i32>} : memref<128x128xf32, #tpu.memory_space<vmem>>, vector<16xf32>,
        %get3A_259 = arith.index_cast %add3A_207 : i32 to index
        %get3A_260 = arith.constant 112 : index
        %get3A_261 = tpu.vector_load %arg10[%get3A_259, %get3A_260] {strides = array<i32>} : memref<128x128xf32, #tpu.memory_space<vmem>>, vector<16xf32>,
        %mul3A_262 = arith.mulf %get3A_261, %get3A_210 : vector<16xf32>
        %swap3A_263 = arith.index_cast %add3A_207 : i32 to index
        %swap3A_264 = arith.constant 112 : index
        %swap3A_265 = tpu.vector_load %arg10[%swap3A_263, %swap3A_264] {strides = array<i32>} : memref<128x128xf32, #tpu.memory_space<vmem>>, vector<16xf32>,
        tpu.vector_store %arg10[%swap3A_263, %swap3A_264], %mul3A_262 {strides = array<i32>} : memref<128x128xf32, #tpu.memory_space<vmem>>, vector<16xf32>,
        %mul3A_266 = arith.constant 2 : i32
        %mul3A_267 = arith.muli %scan3A_202, %mul3A_266 : i32
        %add3A_268 = arith.constant 1 : i32
        %add3A_269 = arith.addi %mul3A_267, %add3A_268 : i32
        %mul3A_270 = arith.constant 16 : i32
        %mul3A_271 = arith.muli %add3A_269, %mul3A_270 : i32
        %get3A_272 = arith.index_cast %mul3A_271 : i32 to index
        %get3A_273 = tpu.vector_load %arg8[%get3A_272] {strides = array<i32>} : memref<2048xf32, #tpu.memory_space<vmem>>, vector<16xf32>,
        %get3A_274 = arith.index_cast %add3A_269 : i32 to index
        %get3A_275 = arith.constant 0 : index
        %get3A_276 = tpu.vector_load %arg10[%get3A_274, %get3A_275] {strides = array<i32>} : memref<128x128xf32, #tpu.memory_space<vmem>>, vector<16xf32>,
        %mul3A_277 = arith.mulf %get3A_276, %get3A_273 : vector<16xf32>
        %swap3A_278 = arith.index_cast %add3A_269 : i32 to index
        %swap3A_279 = arith.constant 0 : index
        %swap3A_280 = tpu.vector_load %arg10[%swap3A_278, %swap3A_279] {strides = array<i32>} : memref<128x128xf32, #tpu.memory_space<vmem>>, vector<16xf32>,
        tpu.vector_store %arg10[%swap3A_278, %swap3A_279], %mul3A_277 {strides = array<i32>} : memref<128x128xf32, #tpu.memory_space<vmem>>, vector<16xf32>,
        %get3A_281 = arith.index_cast %add3A_269 : i32 to index
        %get3A_282 = arith.constant 16 : index
        %get3A_283 = tpu.vector_load %arg10[%get3A_281, %get3A_282] {strides = array<i32>} : memref<128x128xf32, #tpu.memory_space<vmem>>, vector<16xf32>,
        %mul3A_284 = arith.mulf %get3A_283, %get3A_273 : vector<16xf32>
        %swap3A_285 = arith.index_cast %add3A_269 : i32 to index
        %swap3A_286 = arith.constant 16 : index
        %swap3A_287 = tpu.vector_load %arg10[%swap3A_285, %swap3A_286] {strides = array<i32>} : memref<128x128xf32, #tpu.memory_space<vmem>>, vector<16xf32>,
        tpu.vector_store %arg10[%swap3A_285, %swap3A_286], %mul3A_284 {strides = array<i32>} : memref<128x128xf32, #tpu.memory_space<vmem>>, vector<16xf32>,
        %get3A_288 = arith.index_cast %add3A_269 : i32 to index
        %get3A_289 = arith.constant 32 : index
        %get3A_290 = tpu.vector_load %arg10[%get3A_288, %get3A_289] {strides = array<i32>} : memref<128x128xf32, #tpu.memory_space<vmem>>, vector<16xf32>,
        %mul3A_291 = arith.mulf %get3A_290, %get3A_273 : vector<16xf32>
        %swap3A_292 = arith.index_cast %add3A_269 : i32 to index
        %swap3A_293 = arith.constant 32 : index
        %swap3A_294 = tpu.vector_load %arg10[%swap3A_292, %swap3A_293] {strides = array<i32>} : memref<128x128xf32, #tpu.memory_space<vmem>>, vector<16xf32>,
        tpu.vector_store %arg10[%swap3A_292, %swap3A_293], %mul3A_291 {strides = array<i32>} : memref<128x128xf32, #tpu.memory_space<vmem>>, vector<16xf32>,
        %get3A_295 = arith.index_cast %add3A_269 : i32 to index
        %get3A_296 = arith.constant 48 : index
        %get3A_297 = tpu.vector_load %arg10[%get3A_295, %get3A_296] {strides = array<i32>} : memref<128x128xf32, #tpu.memory_space<vmem>>, vector<16xf32>,
        %mul3A_298 = arith.mulf %get3A_297, %get3A_273 : vector<16xf32>
        %swap3A_299 = arith.index_cast %add3A_269 : i32 to index
        %swap3A_300 = arith.constant 48 : index
        %swap3A_301 = tpu.vector_load %arg10[%swap3A_299, %swap3A_300] {strides = array<i32>} : memref<128x128xf32, #tpu.memory_space<vmem>>, vector<16xf32>,
        tpu.vector_store %arg10[%swap3A_299, %swap3A_300], %mul3A_298 {strides = array<i32>} : memref<128x128xf32, #tpu.memory_space<vmem>>, vector<16xf32>,
        %get3A_302 = arith.index_cast %add3A_269 : i32 to index
        %get3A_303 = arith.constant 64 : index
        %get3A_304 = tpu.vector_load %arg10[%get3A_302, %get3A_303] {strides = array<i32>} : memref<128x128xf32, #tpu.memory_space<vmem>>, vector<16xf32>,
        %mul3A_305 = arith.mulf %get3A_304, %get3A_273 : vector<16xf32>
        %swap3A_306 = arith.index_cast %add3A_269 : i32 to index
        %swap3A_307 = arith.constant 64 : index
        %swap3A_308 = tpu.vector_load %arg10[%swap3A_306, %swap3A_307] {strides = array<i32>} : memref<128x128xf32, #tpu.memory_space<vmem>>, vector<16xf32>,
        tpu.vector_store %arg10[%swap3A_306, %swap3A_307], %mul3A_305 {strides = array<i32>} : memref<128x128xf32, #tpu.memory_space<vmem>>, vector<16xf32>,
        %get3A_309 = arith.index_cast %add3A_269 : i32 to index
        %get3A_310 = arith.constant 80 : index
        %get3A_311 = tpu.vector_load %arg10[%get3A_309, %get3A_310] {strides = array<i32>} : memref<128x128xf32, #tpu.memory_space<vmem>>, vector<16xf32>,
        %mul3A_312 = arith.mulf %get3A_311, %get3A_273 : vector<16xf32>
        %swap3A_313 = arith.index_cast %add3A_269 : i32 to index
        %swap3A_314 = arith.constant 80 : index
        %swap3A_315 = tpu.vector_load %arg10[%swap3A_313, %swap3A_314] {strides = array<i32>} : memref<128x128xf32, #tpu.memory_space<vmem>>, vector<16xf32>,
        tpu.vector_store %arg10[%swap3A_313, %swap3A_314], %mul3A_312 {strides = array<i32>} : memref<128x128xf32, #tpu.memory_space<vmem>>, vector<16xf32>,
        %get3A_316 = arith.index_cast %add3A_269 : i32 to index
        %get3A_317 = arith.constant 96 : index
        %get3A_318 = tpu.vector_load %arg10[%get3A_316, %get3A_317] {strides = array<i32>} : memref<128x128xf32, #tpu.memory_space<vmem>>, vector<16xf32>,
        %mul3A_319 = arith.mulf %get3A_318, %get3A_273 : vector<16xf32>
        %swap3A_320 = arith.index_cast %add3A_269 : i32 to index
        %swap3A_321 = arith.constant 96 : index
        %swap3A_322 = tpu.vector_load %arg10[%swap3A_320, %swap3A_321] {strides = array<i32>} : memref<128x128xf32, #tpu.memory_space<vmem>>, vector<16xf32>,
        tpu.vector_store %arg10[%swap3A_320, %swap3A_321], %mul3A_319 {strides = array<i32>} : memref<128x128xf32, #tpu.memory_space<vmem>>, vector<16xf32>,
        %get3A_323 = arith.index_cast %add3A_269 : i32 to index
        %get3A_324 = arith.constant 112 : index
        %get3A_325 = tpu.vector_load %arg10[%get3A_323, %get3A_324] {strides = array<i32>} : memref<128x128xf32, #tpu.memory_space<vmem>>, vector<16xf32>,
        %mul3A_326 = arith.mulf %get3A_325, %get3A_273 : vector<16xf32>
        %swap3A_327 = arith.index_cast %add3A_269 : i32 to index
        %swap3A_328 = arith.constant 112 : index
        %swap3A_329 = tpu.vector_load %arg10[%swap3A_327, %swap3A_328] {strides = array<i32>} : memref<128x128xf32, #tpu.memory_space<vmem>>, vector<16xf32>,
        tpu.vector_store %arg10[%swap3A_327, %swap3A_328], %mul3A_326 {strides = array<i32>} : memref<128x128xf32, #tpu.memory_space<vmem>>, vector<16xf32>,
        %scan3A_330 = arith.constant 0 : i32
        scf.yield %scan3A_330 : i32
      }
      %scan3A_158 = arith.constant 64 : i32
      %dma_start3A_159 = arith.constant 1 : i32
      %dma_start3A_160 = arith.constant 0 : i32
      %dma_start3A_161 = tpu.memref_slice %arg6[%dma_start3A_159, %dma_start3A_160] : memref<2x128xi32, #tpu.memory_space<vmem>> -> memref<1x128xi32, #tpu.memory_space<vmem>>
      %dma_start3A_162 = tpu.memref_squeeze %dma_start3A_161 : memref<1x128xi32, #tpu.memory_space<vmem>> -> memref<128xi32, #tpu.memory_space<vmem>>
      %dma_start3A_163 = arith.constant 0 : i32
      %dma_start3A_164 = arith.constant 0 : i32
      %dma_start3A_165 = tpu.memref_slice %arg12[%dma_start3A_163, %dma_start3A_164] : memref<10240x128xf32, #tpu.memory_space<vmem_shared>> -> memref<10240x128xf32, #tpu.memory_space<vmem_shared>>
      tpu.enqueue_indirect_dma source(%arg10 : memref<128x128xf32, #tpu.memory_space<vmem>>) target(%dma_start3A_165 : memref<10240x128xf32, #tpu.memory_space<vmem_shared>>) offsets(%dma_start3A_162 : memref<128xi32, #tpu.memory_space<vmem>>) semaphore(%arg17 : memref<!tpu.dma_semaphore, #tpu.memory_space<semaphore_mem>>) {add = true}
      %dma_wait3A_166 = arith.constant 0 : i32
      %dma_wait3A_167 = arith.constant 0 : i32
      %dma_wait3A_168 = tpu.memref_slice %arg7[%dma_wait3A_166, %dma_wait3A_167] : memref<2x128xi32, #tpu.memory_space<vmem>> -> memref<1x128xi32, #tpu.memory_space<vmem>>
      %dma_wait3A_169 = tpu.memref_squeeze %dma_wait3A_168 : memref<1x128xi32, #tpu.memory_space<vmem>> -> memref<128xi32, #tpu.memory_space<vmem>>
      %dma_wait3A_170 = arith.constant 0 : i32
      %dma_wait3A_171 = arith.constant 0 : i32
      %dma_wait3A_172 = tpu.memref_slice %arg2[%dma_wait3A_170, %dma_wait3A_171] : memref<10000x128xf32, #tpu.memory_space<hbm>> -> memref<10000x128xf32, #tpu.memory_space<hbm>>
      tpu.wait_indirect_dma semaphore(%arg16 : memref<!tpu.dma_semaphore, #tpu.memory_space<semaphore_mem>>) src(%dma_wait3A_172 : memref<10000x128xf32, #tpu.memory_space<hbm>>) dst(%arg11 : memref<128x128xf32, #tpu.memory_space<vmem>>)
      %scan3A_173 = arith.constant 0 : i32
      %scan3A_174 = arith.constant 0 : i32
      %scan3A_175 = arith.constant 64 : i32
      %scan3A_176 = arith.addi %scan3A_174, %scan3A_175 : i32
      %scan3A_177 = arith.constant 1 : i32
      %scan3A_178 = scf.for %scan3A_202 = %scan3A_174 to %scan3A_176 step %scan3A_177 iter_args(%scan3A_203 = %scan3A_173) -> (i32)  : i32 {
        %mul3A_204 = arith.constant 2 : i32
        %mul3A_205 = arith.muli %scan3A_202, %mul3A_204 : i32
        %add3A_206 = arith.constant 0 : i32
        %add3A_207 = arith.addi %mul3A_205, %add3A_206 : i32
        %mul3A_208 = arith.constant 16 : i32
        %mul3A_209 = arith.muli %add3A_207, %mul3A_208 : i32
        %get3A = arith.index_cast %mul3A_209 : i32 to index
        %get3A_210 = tpu.vector_load %arg9[%get3A] {strides = array<i32>} : memref<2048xf32, #tpu.memory_space<vmem>>, vector<16xf32>,
        %get3A_211 = arith.index_cast %add3A_207 : i32 to index
        %get3A_212 = arith.constant 0 : index
        %get3A_213 = tpu.vector_load %arg11[%get3A_211, %get3A_212] {strides = array<i32>} : memref<128x128xf32, #tpu.memory_space<vmem>>, vector<16xf32>,
        %mul3A_214 = arith.mulf %get3A_213, %get3A_210 : vector<16xf32>
        %swap3A = arith.index_cast %add3A_207 : i32 to index
        %swap3A_215 = arith.constant 0 : index
        %swap3A_216 = tpu.vector_load %arg11[%swap3A, %swap3A_215] {strides = array<i32>} : memref<128x128xf32, #tpu.memory_space<vmem>>, vector<16xf32>,
        tpu.vector_store %arg11[%swap3A, %swap3A_215], %mul3A_214 {strides = array<i32>} : memref<128x128xf32, #tpu.memory_space<vmem>>, vector<16xf32>,
        %get3A_217 = arith.index_cast %add3A_207 : i32 to index
        %get3A_218 = arith.constant 16 : index
        %get3A_219 = tpu.vector_load %arg11[%get3A_217, %get3A_218] {strides = array<i32>} : memref<128x128xf32, #tpu.memory_space<vmem>>, vector<16xf32>,
        %mul3A_220 = arith.mulf %get3A_219, %get3A_210 : vector<16xf32>
        %swap3A_221 = arith.index_cast %add3A_207 : i32 to index
        %swap3A_222 = arith.constant 16 : index
        %swap3A_223 = tpu.vector_load %arg11[%swap3A_221, %swap3A_222] {strides = array<i32>} : memref<128x128xf32, #tpu.memory_space<vmem>>, vector<16xf32>,
        tpu.vector_store %arg11[%swap3A_221, %swap3A_222], %mul3A_220 {strides = array<i32>} : memref<128x128xf32, #tpu.memory_space<vmem>>, vector<16xf32>,
        %get3A_224 = arith.index_cast %add3A_207 : i32 to index
        %get3A_225 = arith.constant 32 : index
        %get3A_226 = tpu.vector_load %arg11[%get3A_224, %get3A_225] {strides = array<i32>} : memref<128x128xf32, #tpu.memory_space<vmem>>, vector<16xf32>,
        %mul3A_227 = arith.mulf %get3A_226, %get3A_210 : vector<16xf32>
        %swap3A_228 = arith.index_cast %add3A_207 : i32 to index
        %swap3A_229 = arith.constant 32 : index
        %swap3A_230 = tpu.vector_load %arg11[%swap3A_228, %swap3A_229] {strides = array<i32>} : memref<128x128xf32, #tpu.memory_space<vmem>>, vector<16xf32>,
        tpu.vector_store %arg11[%swap3A_228, %swap3A_229], %mul3A_227 {strides = array<i32>} : memref<128x128xf32, #tpu.memory_space<vmem>>, vector<16xf32>,
        %get3A_231 = arith.index_cast %add3A_207 : i32 to index
        %get3A_232 = arith.constant 48 : index
        %get3A_233 = tpu.vector_load %arg11[%get3A_231, %get3A_232] {strides = array<i32>} : memref<128x128xf32, #tpu.memory_space<vmem>>, vector<16xf32>,
        %mul3A_234 = arith.mulf %get3A_233, %get3A_210 : vector<16xf32>
        %swap3A_235 = arith.index_cast %add3A_207 : i32 to index
        %swap3A_236 = arith.constant 48 : index
        %swap3A_237 = tpu.vector_load %arg11[%swap3A_235, %swap3A_236] {strides = array<i32>} : memref<128x128xf32, #tpu.memory_space<vmem>>, vector<16xf32>,
        tpu.vector_store %arg11[%swap3A_235, %swap3A_236], %mul3A_234 {strides = array<i32>} : memref<128x128xf32, #tpu.memory_space<vmem>>, vector<16xf32>,
        %get3A_238 = arith.index_cast %add3A_207 : i32 to index
        %get3A_239 = arith.constant 64 : index
        %get3A_240 = tpu.vector_load %arg11[%get3A_238, %get3A_239] {strides = array<i32>} : memref<128x128xf32, #tpu.memory_space<vmem>>, vector<16xf32>,
        %mul3A_241 = arith.mulf %get3A_240, %get3A_210 : vector<16xf32>
        %swap3A_242 = arith.index_cast %add3A_207 : i32 to index
        %swap3A_243 = arith.constant 64 : index
        %swap3A_244 = tpu.vector_load %arg11[%swap3A_242, %swap3A_243] {strides = array<i32>} : memref<128x128xf32, #tpu.memory_space<vmem>>, vector<16xf32>,
        tpu.vector_store %arg11[%swap3A_242, %swap3A_243], %mul3A_241 {strides = array<i32>} : memref<128x128xf32, #tpu.memory_space<vmem>>, vector<16xf32>,
        %get3A_245 = arith.index_cast %add3A_207 : i32 to index
        %get3A_246 = arith.constant 80 : index
        %get3A_247 = tpu.vector_load %arg11[%get3A_245, %get3A_246] {strides = array<i32>} : memref<128x128xf32, #tpu.memory_space<vmem>>, vector<16xf32>,
        %mul3A_248 = arith.mulf %get3A_247, %get3A_210 : vector<16xf32>
        %swap3A_249 = arith.index_cast %add3A_207 : i32 to index
        %swap3A_250 = arith.constant 80 : index
        %swap3A_251 = tpu.vector_load %arg11[%swap3A_249, %swap3A_250] {strides = array<i32>} : memref<128x128xf32, #tpu.memory_space<vmem>>, vector<16xf32>,
        tpu.vector_store %arg11[%swap3A_249, %swap3A_250], %mul3A_248 {strides = array<i32>} : memref<128x128xf32, #tpu.memory_space<vmem>>, vector<16xf32>,
        %get3A_252 = arith.index_cast %add3A_207 : i32 to index
        %get3A_253 = arith.constant 96 : index
        %get3A_254 = tpu.vector_load %arg11[%get3A_252, %get3A_253] {strides = array<i32>} : memref<128x128xf32, #tpu.memory_space<vmem>>, vector<16xf32>,
        %mul3A_255 = arith.mulf %get3A_254, %get3A_210 : vector<16xf32>
        %swap3A_256 = arith.index_cast %add3A_207 : i32 to index
        %swap3A_257 = arith.constant 96 : index
        %swap3A_258 = tpu.vector_load %arg11[%swap3A_256, %swap3A_257] {strides = array<i32>} : memref<128x128xf32, #tpu.memory_space<vmem>>, vector<16xf32>,
        tpu.vector_store %arg11[%swap3A_256, %swap3A_257], %mul3A_255 {strides = array<i32>} : memref<128x128xf32, #tpu.memory_space<vmem>>, vector<16xf32>,
        %get3A_259 = arith.index_cast %add3A_207 : i32 to index
        %get3A_260 = arith.constant 112 : index
        %get3A_261 = tpu.vector_load %arg11[%get3A_259, %get3A_260] {strides = array<i32>} : memref<128x128xf32, #tpu.memory_space<vmem>>, vector<16xf32>,
        %mul3A_262 = arith.mulf %get3A_261, %get3A_210 : vector<16xf32>
        %swap3A_263 = arith.index_cast %add3A_207 : i32 to index
        %swap3A_264 = arith.constant 112 : index
        %swap3A_265 = tpu.vector_load %arg11[%swap3A_263, %swap3A_264] {strides = array<i32>} : memref<128x128xf32, #tpu.memory_space<vmem>>, vector<16xf32>,
        tpu.vector_store %arg11[%swap3A_263, %swap3A_264], %mul3A_262 {strides = array<i32>} : memref<128x128xf32, #tpu.memory_space<vmem>>, vector<16xf32>,
        %mul3A_266 = arith.constant 2 : i32
        %mul3A_267 = arith.muli %scan3A_202, %mul3A_266 : i32
        %add3A_268 = arith.constant 1 : i32
        %add3A_269 = arith.addi %mul3A_267, %add3A_268 : i32
        %mul3A_270 = arith.constant 16 : i32
        %mul3A_271 = arith.muli %add3A_269, %mul3A_270 : i32
        %get3A_272 = arith.index_cast %mul3A_271 : i32 to index
        %get3A_273 = tpu.vector_load %arg9[%get3A_272] {strides = array<i32>} : memref<2048xf32, #tpu.memory_space<vmem>>, vector<16xf32>,
        %get3A_274 = arith.index_cast %add3A_269 : i32 to index
        %get3A_275 = arith.constant 0 : index
        %get3A_276 = tpu.vector_load %arg11[%get3A_274, %get3A_275] {strides = array<i32>} : memref<128x128xf32, #tpu.memory_space<vmem>>, vector<16xf32>,
        %mul3A_277 = arith.mulf %get3A_276, %get3A_273 : vector<16xf32>
        %swap3A_278 = arith.index_cast %add3A_269 : i32 to index
        %swap3A_279 = arith.constant 0 : index
        %swap3A_280 = tpu.vector_load %arg11[%swap3A_278, %swap3A_279] {strides = array<i32>} : memref<128x128xf32, #tpu.memory_space<vmem>>, vector<16xf32>,
        tpu.vector_store %arg11[%swap3A_278, %swap3A_279], %mul3A_277 {strides = array<i32>} : memref<128x128xf32, #tpu.memory_space<vmem>>, vector<16xf32>,
        %get3A_281 = arith.index_cast %add3A_269 : i32 to index
        %get3A_282 = arith.constant 16 : index
        %get3A_283 = tpu.vector_load %arg11[%get3A_281, %get3A_282] {strides = array<i32>} : memref<128x128xf32, #tpu.memory_space<vmem>>, vector<16xf32>,
        %mul3A_284 = arith.mulf %get3A_283, %get3A_273 : vector<16xf32>
        %swap3A_285 = arith.index_cast %add3A_269 : i32 to index
        %swap3A_286 = arith.constant 16 : index
        %swap3A_287 = tpu.vector_load %arg11[%swap3A_285, %swap3A_286] {strides = array<i32>} : memref<128x128xf32, #tpu.memory_space<vmem>>, vector<16xf32>,
        tpu.vector_store %arg11[%swap3A_285, %swap3A_286], %mul3A_284 {strides = array<i32>} : memref<128x128xf32, #tpu.memory_space<vmem>>, vector<16xf32>,
        %get3A_288 = arith.index_cast %add3A_269 : i32 to index
        %get3A_289 = arith.constant 32 : index
        %get3A_290 = tpu.vector_load %arg11[%get3A_288, %get3A_289] {strides = array<i32>} : memref<128x128xf32, #tpu.memory_space<vmem>>, vector<16xf32>,
        %mul3A_291 = arith.mulf %get3A_290, %get3A_273 : vector<16xf32>
        %swap3A_292 = arith.index_cast %add3A_269 : i32 to index
        %swap3A_293 = arith.constant 32 : index
        %swap3A_294 = tpu.vector_load %arg11[%swap3A_292, %swap3A_293] {strides = array<i32>} : memref<128x128xf32, #tpu.memory_space<vmem>>, vector<16xf32>,
        tpu.vector_store %arg11[%swap3A_292, %swap3A_293], %mul3A_291 {strides = array<i32>} : memref<128x128xf32, #tpu.memory_space<vmem>>, vector<16xf32>,
        %get3A_295 = arith.index_cast %add3A_269 : i32 to index
        %get3A_296 = arith.constant 48 : index
        %get3A_297 = tpu.vector_load %arg11[%get3A_295, %get3A_296] {strides = array<i32>} : memref<128x128xf32, #tpu.memory_space<vmem>>, vector<16xf32>,
        %mul3A_298 = arith.mulf %get3A_297, %get3A_273 : vector<16xf32>
        %swap3A_299 = arith.index_cast %add3A_269 : i32 to index
        %swap3A_300 = arith.constant 48 : index
        %swap3A_301 = tpu.vector_load %arg11[%swap3A_299, %swap3A_300] {strides = array<i32>} : memref<128x128xf32, #tpu.memory_space<vmem>>, vector<16xf32>,
        tpu.vector_store %arg11[%swap3A_299, %swap3A_300], %mul3A_298 {strides = array<i32>} : memref<128x128xf32, #tpu.memory_space<vmem>>, vector<16xf32>,
        %get3A_302 = arith.index_cast %add3A_269 : i32 to index
        %get3A_303 = arith.constant 64 : index
        %get3A_304 = tpu.vector_load %arg11[%get3A_302, %get3A_303] {strides = array<i32>} : memref<128x128xf32, #tpu.memory_space<vmem>>, vector<16xf32>,
        %mul3A_305 = arith.mulf %get3A_304, %get3A_273 : vector<16xf32>
        %swap3A_306 = arith.index_cast %add3A_269 : i32 to index
        %swap3A_307 = arith.constant 64 : index
        %swap3A_308 = tpu.vector_load %arg11[%swap3A_306, %swap3A_307] {strides = array<i32>} : memref<128x128xf32, #tpu.memory_space<vmem>>, vector<16xf32>,
        tpu.vector_store %arg11[%swap3A_306, %swap3A_307], %mul3A_305 {strides = array<i32>} : memref<128x128xf32, #tpu.memory_space<vmem>>, vector<16xf32>,
        %get3A_309 = arith.index_cast %add3A_269 : i32 to index
        %get3A_310 = arith.constant 80 : index
        %get3A_311 = tpu.vector_load %arg11[%get3A_309, %get3A_310] {strides = array<i32>} : memref<128x128xf32, #tpu.memory_space<vmem>>, vector<16xf32>,
        %mul3A_312 = arith.mulf %get3A_311, %get3A_273 : vector<16xf32>
        %swap3A_313 = arith.index_cast %add3A_269 : i32 to index
        %swap3A_314 = arith.constant 80 : index
        %swap3A_315 = tpu.vector_load %arg11[%swap3A_313, %swap3A_314] {strides = array<i32>} : memref<128x128xf32, #tpu.memory_space<vmem>>, vector<16xf32>,
        tpu.vector_store %arg11[%swap3A_313, %swap3A_314], %mul3A_312 {strides = array<i32>} : memref<128x128xf32, #tpu.memory_space<vmem>>, vector<16xf32>,
        %get3A_316 = arith.index_cast %add3A_269 : i32 to index
        %get3A_317 = arith.constant 96 : index
        %get3A_318 = tpu.vector_load %arg11[%get3A_316, %get3A_317] {strides = array<i32>} : memref<128x128xf32, #tpu.memory_space<vmem>>, vector<16xf32>,
        %mul3A_319 = arith.mulf %get3A_318, %get3A_273 : vector<16xf32>
        %swap3A_320 = arith.index_cast %add3A_269 : i32 to index
        %swap3A_321 = arith.constant 96 : index
        %swap3A_322 = tpu.vector_load %arg11[%swap3A_320, %swap3A_321] {strides = array<i32>} : memref<128x128xf32, #tpu.memory_space<vmem>>, vector<16xf32>,
        tpu.vector_store %arg11[%swap3A_320, %swap3A_321], %mul3A_319 {strides = array<i32>} : memref<128x128xf32, #tpu.memory_space<vmem>>, vector<16xf32>,
        %get3A_323 = arith.index_cast %add3A_269 : i32 to index
        %get3A_324 = arith.constant 112 : index
        %get3A_325 = tpu.vector_load %arg11[%get3A_323, %get3A_324] {strides = array<i32>} : memref<128x128xf32, #tpu.memory_space<vmem>>, vector<16xf32>,
        %mul3A_326 = arith.mulf %get3A_325, %get3A_273 : vector<16xf32>
        %swap3A_327 = arith.index_cast %add3A_269 : i32 to index
        %swap3A_328 = arith.constant 112 : index
        %swap3A_329 = tpu.vector_load %arg11[%swap3A_327, %swap3A_328] {strides = array<i32>} : memref<128x128xf32, #tpu.memory_space<vmem>>, vector<16xf32>,
        tpu.vector_store %arg11[%swap3A_327, %swap3A_328], %mul3A_326 {strides = array<i32>} : memref<128x128xf32, #tpu.memory_space<vmem>>, vector<16xf32>,
        %scan3A_330 = arith.constant 0 : i32
        scf.yield %scan3A_330 : i32
      }
      %scan3A_179 = arith.constant 64 : i32
      %dma_start3A_180 = arith.constant 1 : i32
      %dma_start3A_181 = arith.constant 0 : i32
      %dma_start3A_182 = tpu.memref_slice %arg7[%dma_start3A_180, %dma_start3A_181] : memref<2x128xi32, #tpu.memory_space<vmem>> -> memref<1x128xi32, #tpu.memory_space<vmem>>
      %dma_start3A_183 = tpu.memref_squeeze %dma_start3A_182 : memref<1x128xi32, #tpu.memory_space<vmem>> -> memref<128xi32, #tpu.memory_space<vmem>>
      %dma_start3A_184 = arith.constant 0 : i32
      %dma_start3A_185 = arith.constant 0 : i32
      %dma_start3A_186 = tpu.memref_slice %arg12[%dma_start3A_184, %dma_start3A_185] : memref<10240x128xf32, #tpu.memory_space<vmem_shared>> -> memref<10240x128xf32, #tpu.memory_space<vmem_shared>>
      tpu.enqueue_indirect_dma source(%arg11 : memref<128x128xf32, #tpu.memory_space<vmem>>) target(%dma_start3A_186 : memref<10240x128xf32, #tpu.memory_space<vmem_shared>>) offsets(%dma_start3A_183 : memref<128xi32, #tpu.memory_space<vmem>>) semaphore(%arg18 : memref<!tpu.dma_semaphore, #tpu.memory_space<semaphore_mem>>) {add = true}
      %dma_wait3A_187 = arith.constant 1 : i32
      %dma_wait3A_188 = arith.constant 0 : i32
      %dma_wait3A_189 = tpu.memref_slice %arg6[%dma_wait3A_187, %dma_wait3A_188] : memref<2x128xi32, #tpu.memory_space<vmem>> -> memref<1x128xi32, #tpu.memory_space<vmem>>
      %dma_wait3A_190 = tpu.memref_squeeze %dma_wait3A_189 : memref<1x128xi32, #tpu.memory_space<vmem>> -> memref<128xi32, #tpu.memory_space<vmem>>
      %dma_wait3A_191 = arith.constant 0 : i32
      %dma_wait3A_192 = arith.constant 0 : i32
      %dma_wait3A_193 = tpu.memref_slice %arg12[%dma_wait3A_191, %dma_wait3A_192] : memref<10240x128xf32, #tpu.memory_space<vmem_shared>> -> memref<10240x128xf32, #tpu.memory_space<vmem_shared>>
      tpu.wait_indirect_dma semaphore(%arg17 : memref<!tpu.dma_semaphore, #tpu.memory_space<semaphore_mem>>) src(%arg10 : memref<128x128xf32, #tpu.memory_space<vmem>>) dst(%dma_wait3A_193 : memref<10240x128xf32, #tpu.memory_space<vmem_shared>>)
      %dma_wait3A_194 = arith.constant 1 : i32
      %dma_wait3A_195 = arith.constant 0 : i32
      %dma_wait3A_196 = tpu.memref_slice %arg7[%dma_wait3A_194, %dma_wait3A_195] : memref<2x128xi32, #tpu.memory_space<vmem>> -> memref<1x128xi32, #tpu.memory_space<vmem>>
      %dma_wait3A_197 = tpu.memref_squeeze %dma_wait3A_196 : memref<1x128xi32, #tpu.memory_space<vmem>> -> memref<128xi32, #tpu.memory_space<vmem>>
      %dma_wait3A_198 = arith.constant 0 : i32
      %dma_wait3A_199 = arith.constant 0 : i32
      %dma_wait3A_200 = tpu.memref_slice %arg12[%dma_wait3A_198, %dma_wait3A_199] : memref<10240x128xf32, #tpu.memory_space<vmem_shared>> -> memref<10240x128xf32, #tpu.memory_space<vmem_shared>>
      tpu.wait_indirect_dma semaphore(%arg18 : memref<!tpu.dma_semaphore, #tpu.memory_space<semaphore_mem>>) src(%arg11 : memref<128x128xf32, #tpu.memory_space<vmem>>) dst(%dma_wait3A_200 : memref<10240x128xf32, #tpu.memory_space<vmem_shared>>)
      %while3A_201 = arith.constant 0 : i32
      scf.yield %while3A_201 : i32
    }
    %barrier3A_64 = arith.constant 0 : index
    tpu.barrier barrier_id(%barrier3A_64)
    %mul3A_65 = arith.constant 640 : i32
    %mul3A_66 = arith.muli %arg1, %mul3A_65 : i32
    %mul3A_67 = arith.constant 640 : i32
    %mul3A_68 = arith.muli %arg1, %mul3A_67 : i32
    "tpu.region"() ({
      %run_scoped3A = tpu.sem_alloc : memref<!tpu.dma_semaphore, #tpu.memory_space<semaphore_mem>>
      %dma_start3A = arith.constant 0 : i32
      %dma_start3A_69 = tpu.memref_slice %arg5[%arg0, %mul3A_68, %dma_start3A] : memref<2x10240x128xf32, #tpu.memory_space<hbm>> -> memref<1x640x128xf32, #tpu.memory_space<hbm>>
      %dma_start3A_70 = tpu.memref_squeeze %dma_start3A_69 : memref<1x640x128xf32, #tpu.memory_space<hbm>> -> memref<640x128xf32, #tpu.memory_space<hbm>>
      %dma_start3A_71 = arith.constant 0 : i32
      %dma_start3A_72 = tpu.memref_slice %arg12[%mul3A_66, %dma_start3A_71] : memref<10240x128xf32, #tpu.memory_space<vmem_shared>> -> memref<640x128xf32, #tpu.memory_space<vmem_shared>>
      tpu.enqueue_dma source(%dma_start3A_72 : memref<640x128xf32, #tpu.memory_space<vmem_shared>>) target(%dma_start3A_70 : memref<640x128xf32, #tpu.memory_space<hbm>>) target_semaphore(%run_scoped3A : memref<!tpu.dma_semaphore, #tpu.memory_space<semaphore_mem>>)
      %dma_wait3A = arith.constant 0 : i32
      %dma_wait3A_73 = tpu.memref_slice %arg5[%arg0, %mul3A_68, %dma_wait3A] : memref<2x10240x128xf32, #tpu.memory_space<hbm>> -> memref<1x640x128xf32, #tpu.memory_space<hbm>>
      %dma_wait3A_74 = tpu.memref_squeeze %dma_wait3A_73 : memref<1x640x128xf32, #tpu.memory_space<hbm>> -> memref<640x128xf32, #tpu.memory_space<hbm>>
      %dma_wait3A_75 = arith.constant 0 : i32
      %dma_wait3A_76 = tpu.memref_slice %arg12[%mul3A_66, %dma_wait3A_75] : memref<10240x128xf32, #tpu.memory_space<vmem_shared>> -> memref<640x128xf32, #tpu.memory_space<vmem_shared>>
      tpu.wait_dma2 semaphore(%run_scoped3A : memref<!tpu.dma_semaphore, #tpu.memory_space<semaphore_mem>>) src(%dma_wait3A_76 : memref<640x128xf32, #tpu.memory_space<vmem_shared>>) dst(%dma_wait3A_74 : memref<640x128xf32, #tpu.memory_space<hbm>>)
      tpu.yield
    }) : () -> ()
    return
  }
}

#map = affine_map<(d0, d1) -> (0, 0)>
#map1 = affine_map<(d0, d1) -> (0, 0, 0)>
#map2 = affine_map<(d0, d1) -> (0)>
module attributes {stable_mosaic.version = 14 : i64} {
  func.func @_sc_agg_body(%arg0: i32, %arg1: i32, %arg2: memref<10000x128xf32, #tpu.memory_space<hbm>>, %arg3: memref<1280x2x128xi32, #tpu.memory_space<hbm>>, %arg4: memref<2621440xf32, #tpu.memory_space<hbm>>, %arg5: memref<2x10240x128xf32, #tpu.memory_space<hbm>>, %arg6: memref<2x128xi32, #tpu.memory_space<vmem>>, %arg7: memref<2x128xi32, #tpu.memory_space<vmem>>, %arg8: memref<2048xf32, #tpu.memory_space<vmem>>, %arg9: memref<2048xf32, #tpu.memory_space<vmem>>, %arg10: memref<128x128xf32, #tpu.memory_space<vmem>>, %arg11: memref<128x128xf32, #tpu.memory_space<vmem>>, %arg12: memref<10240x128xf32, #tpu.memory_space<vmem_shared>>, %arg13: memref<!tpu.dma_semaphore, #tpu.memory_space<semaphore_mem>>, %arg14: memref<!tpu.dma_semaphore, #tpu.memory_space<semaphore_mem>>, %arg15: memref<!tpu.dma_semaphore, #tpu.memory_space<semaphore_mem>>, %arg16: memref<!tpu.dma_semaphore, #tpu.memory_space<semaphore_mem>>, %arg17: memref<!tpu.dma_semaphore, #tpu.memory_space<semaphore_mem>>, %arg18: memref<!tpu.dma_semaphore, #tpu.memory_space<semaphore_mem>>) attributes {dimension_semantics = [#tpu.dimension_semantics<core_parallel>, #tpu.dimension_semantics<subcore_parallel>], iteration_bounds = array<i64: 2, 16>, scalar_prefetch = 0 : i64, scratch_operands = 13 : i64, tpu.core_type = #tpu.core_type<sc_vector_subcore>, window_params = [{transform_indices = #map}, {transform_indices = #map1}, {transform_indices = #map2}, {transform_indices = #map1}]} {
    %scan3A = arith.constant 0 : i32
    %scan3A_0 = arith.constant 0 : i32
    %scan3A_1 = arith.constant 128 : i32
    %scan3A_2 = arith.addi %scan3A_0, %scan3A_1 : i32
    %scan3A_3 = arith.constant 1 : i32
    %scan3A_4 = scf.for %scan3A_69 = %scan3A_0 to %scan3A_2 step %scan3A_3 iter_args(%scan3A_70 = %scan3A) -> (i32)  : i32 {
      %broadcast_in_dim3A = arith.constant 0.000000e+00 : f32
      %broadcast_in_dim3A_71 = vector.broadcast %broadcast_in_dim3A : f32 to vector<16xf32>
      %swap3A = arith.index_cast %scan3A_69 : i32 to index
      %swap3A_72 = arith.constant 0 : index
      %swap3A_73 = tpu.vector_load %arg10[%swap3A, %swap3A_72] {strides = array<i32>} : memref<128x128xf32, #tpu.memory_space<vmem>>, vector<16xf32>,
      tpu.vector_store %arg10[%swap3A, %swap3A_72], %broadcast_in_dim3A_71 {strides = array<i32>} : memref<128x128xf32, #tpu.memory_space<vmem>>, vector<16xf32>,
      %broadcast_in_dim3A_74 = arith.constant 0.000000e+00 : f32
      %broadcast_in_dim3A_75 = vector.broadcast %broadcast_in_dim3A_74 : f32 to vector<16xf32>
      %swap3A_76 = arith.index_cast %scan3A_69 : i32 to index
      %swap3A_77 = arith.constant 16 : index
      %swap3A_78 = tpu.vector_load %arg10[%swap3A_76, %swap3A_77] {strides = array<i32>} : memref<128x128xf32, #tpu.memory_space<vmem>>, vector<16xf32>,
      tpu.vector_store %arg10[%swap3A_76, %swap3A_77], %broadcast_in_dim3A_75 {strides = array<i32>} : memref<128x128xf32, #tpu.memory_space<vmem>>, vector<16xf32>,
      %broadcast_in_dim3A_79 = arith.constant 0.000000e+00 : f32
      %broadcast_in_dim3A_80 = vector.broadcast %broadcast_in_dim3A_79 : f32 to vector<16xf32>
      %swap3A_81 = arith.index_cast %scan3A_69 : i32 to index
      %swap3A_82 = arith.constant 32 : index
      %swap3A_83 = tpu.vector_load %arg10[%swap3A_81, %swap3A_82] {strides = array<i32>} : memref<128x128xf32, #tpu.memory_space<vmem>>, vector<16xf32>,
      tpu.vector_store %arg10[%swap3A_81, %swap3A_82], %broadcast_in_dim3A_80 {strides = array<i32>} : memref<128x128xf32, #tpu.memory_space<vmem>>, vector<16xf32>,
      %broadcast_in_dim3A_84 = arith.constant 0.000000e+00 : f32
      %broadcast_in_dim3A_85 = vector.broadcast %broadcast_in_dim3A_84 : f32 to vector<16xf32>
      %swap3A_86 = arith.index_cast %scan3A_69 : i32 to index
      %swap3A_87 = arith.constant 48 : index
      %swap3A_88 = tpu.vector_load %arg10[%swap3A_86, %swap3A_87] {strides = array<i32>} : memref<128x128xf32, #tpu.memory_space<vmem>>, vector<16xf32>,
      tpu.vector_store %arg10[%swap3A_86, %swap3A_87], %broadcast_in_dim3A_85 {strides = array<i32>} : memref<128x128xf32, #tpu.memory_space<vmem>>, vector<16xf32>,
      %broadcast_in_dim3A_89 = arith.constant 0.000000e+00 : f32
      %broadcast_in_dim3A_90 = vector.broadcast %broadcast_in_dim3A_89 : f32 to vector<16xf32>
      %swap3A_91 = arith.index_cast %scan3A_69 : i32 to index
      %swap3A_92 = arith.constant 64 : index
      %swap3A_93 = tpu.vector_load %arg10[%swap3A_91, %swap3A_92] {strides = array<i32>} : memref<128x128xf32, #tpu.memory_space<vmem>>, vector<16xf32>,
      tpu.vector_store %arg10[%swap3A_91, %swap3A_92], %broadcast_in_dim3A_90 {strides = array<i32>} : memref<128x128xf32, #tpu.memory_space<vmem>>, vector<16xf32>,
      %broadcast_in_dim3A_94 = arith.constant 0.000000e+00 : f32
      %broadcast_in_dim3A_95 = vector.broadcast %broadcast_in_dim3A_94 : f32 to vector<16xf32>
      %swap3A_96 = arith.index_cast %scan3A_69 : i32 to index
      %swap3A_97 = arith.constant 80 : index
      %swap3A_98 = tpu.vector_load %arg10[%swap3A_96, %swap3A_97] {strides = array<i32>} : memref<128x128xf32, #tpu.memory_space<vmem>>, vector<16xf32>,
      tpu.vector_store %arg10[%swap3A_96, %swap3A_97], %broadcast_in_dim3A_95 {strides = array<i32>} : memref<128x128xf32, #tpu.memory_space<vmem>>, vector<16xf32>,
      %broadcast_in_dim3A_99 = arith.constant 0.000000e+00 : f32
      %broadcast_in_dim3A_100 = vector.broadcast %broadcast_in_dim3A_99 : f32 to vector<16xf32>
      %swap3A_101 = arith.index_cast %scan3A_69 : i32 to index
      %swap3A_102 = arith.constant 96 : index
      %swap3A_103 = tpu.vector_load %arg10[%swap3A_101, %swap3A_102] {strides = array<i32>} : memref<128x128xf32, #tpu.memory_space<vmem>>, vector<16xf32>,
      tpu.vector_store %arg10[%swap3A_101, %swap3A_102], %broadcast_in_dim3A_100 {strides = array<i32>} : memref<128x128xf32, #tpu.memory_space<vmem>>, vector<16xf32>,
      %broadcast_in_dim3A_104 = arith.constant 0.000000e+00 : f32
      %broadcast_in_dim3A_105 = vector.broadcast %broadcast_in_dim3A_104 : f32 to vector<16xf32>
      %swap3A_106 = arith.index_cast %scan3A_69 : i32 to index
      %swap3A_107 = arith.constant 112 : index
      %swap3A_108 = tpu.vector_load %arg10[%swap3A_106, %swap3A_107] {strides = array<i32>} : memref<128x128xf32, #tpu.memory_space<vmem>>, vector<16xf32>,
      tpu.vector_store %arg10[%swap3A_106, %swap3A_107], %broadcast_in_dim3A_105 {strides = array<i32>} : memref<128x128xf32, #tpu.memory_space<vmem>>, vector<16xf32>,
      %scan3A_109 = arith.constant 0 : i32
      scf.yield %scan3A_109 : i32
    }
    %scan3A_5 = arith.constant 128 : i32
    %mul3A = arith.constant 640 : i32
    %mul3A_6 = arith.muli %arg1, %mul3A : i32
    %add3A = arith.constant 0 : i32
    %add3A_7 = arith.addi %mul3A_6, %add3A : i32
    "tpu.region"() ({
      %run_scoped3A = tpu.sem_alloc : memref<!tpu.dma_semaphore, #tpu.memory_space<semaphore_mem>>
      %dma_start3A = arith.constant 0 : i32
      %dma_start3A_69 = tpu.memref_slice %arg12[%add3A_7, %dma_start3A] : memref<10240x128xf32, #tpu.memory_space<vmem_shared>> -> memref<128x128xf32, #tpu.memory_space<vmem_shared>>
      %dma_start3A_70 = arith.constant 0 : i32
      %dma_start3A_71 = tpu.memref_slice %arg12[%add3A_7, %dma_start3A_70] : memref<10240x128xf32, #tpu.memory_space<vmem_shared>> -> memref<128x128xf32, #tpu.memory_space<vmem_shared>>
      tpu.enqueue_dma source(%arg10 : memref<128x128xf32, #tpu.memory_space<vmem>>) target(%dma_start3A_71 : memref<128x128xf32, #tpu.memory_space<vmem_shared>>) target_semaphore(%run_scoped3A : memref<!tpu.dma_semaphore, #tpu.memory_space<semaphore_mem>>)
      %dma_wait3A = arith.constant 0 : i32
      %dma_wait3A_72 = tpu.memref_slice %arg12[%add3A_7, %dma_wait3A] : memref<10240x128xf32, #tpu.memory_space<vmem_shared>> -> memref<128x128xf32, #tpu.memory_space<vmem_shared>>
      %dma_wait3A_73 = arith.constant 0 : i32
      %dma_wait3A_74 = tpu.memref_slice %arg12[%add3A_7, %dma_wait3A_73] : memref<10240x128xf32, #tpu.memory_space<vmem_shared>> -> memref<128x128xf32, #tpu.memory_space<vmem_shared>>
      tpu.wait_dma2 semaphore(%run_scoped3A : memref<!tpu.dma_semaphore, #tpu.memory_space<semaphore_mem>>) src(%arg10 : memref<128x128xf32, #tpu.memory_space<vmem>>) dst(%dma_wait3A_74 : memref<128x128xf32, #tpu.memory_space<vmem_shared>>)
      tpu.yield
    }) : () -> ()
    %mul3A_8 = arith.constant 640 : i32
    %mul3A_9 = arith.muli %arg1, %mul3A_8 : i32
    %add3A_10 = arith.constant 128 : i32
    %add3A_11 = arith.addi %mul3A_9, %add3A_10 : i32
    "tpu.region"() ({
      %run_scoped3A = tpu.sem_alloc : memref<!tpu.dma_semaphore, #tpu.memory_space<semaphore_mem>>
      %dma_start3A = arith.constant 0 : i32
      %dma_start3A_69 = tpu.memref_slice %arg12[%add3A_11, %dma_start3A] : memref<10240x128xf32, #tpu.memory_space<vmem_shared>> -> memref<128x128xf32, #tpu.memory_space<vmem_shared>>
      %dma_start3A_70 = arith.constant 0 : i32
      %dma_start3A_71 = tpu.memref_slice %arg12[%add3A_11, %dma_start3A_70] : memref<10240x128xf32, #tpu.memory_space<vmem_shared>> -> memref<128x128xf32, #tpu.memory_space<vmem_shared>>
      tpu.enqueue_dma source(%arg10 : memref<128x128xf32, #tpu.memory_space<vmem>>) target(%dma_start3A_71 : memref<128x128xf32, #tpu.memory_space<vmem_shared>>) target_semaphore(%run_scoped3A : memref<!tpu.dma_semaphore, #tpu.memory_space<semaphore_mem>>)
      %dma_wait3A = arith.constant 0 : i32
      %dma_wait3A_72 = tpu.memref_slice %arg12[%add3A_11, %dma_wait3A] : memref<10240x128xf32, #tpu.memory_space<vmem_shared>> -> memref<128x128xf32, #tpu.memory_space<vmem_shared>>
      %dma_wait3A_73 = arith.constant 0 : i32
      %dma_wait3A_74 = tpu.memref_slice %arg12[%add3A_11, %dma_wait3A_73] : memref<10240x128xf32, #tpu.memory_space<vmem_shared>> -> memref<128x128xf32, #tpu.memory_space<vmem_shared>>
      tpu.wait_dma2 semaphore(%run_scoped3A : memref<!tpu.dma_semaphore, #tpu.memory_space<semaphore_mem>>) src(%arg10 : memref<128x128xf32, #tpu.memory_space<vmem>>) dst(%dma_wait3A_74 : memref<128x128xf32, #tpu.memory_space<vmem_shared>>)
      tpu.yield
    }) : () -> ()
    %mul3A_12 = arith.constant 640 : i32
    %mul3A_13 = arith.muli %arg1, %mul3A_12 : i32
    %add3A_14 = arith.constant 256 : i32
    %add3A_15 = arith.addi %mul3A_13, %add3A_14 : i32
    "tpu.region"() ({
      %run_scoped3A = tpu.sem_alloc : memref<!tpu.dma_semaphore, #tpu.memory_space<semaphore_mem>>
      %dma_start3A = arith.constant 0 : i32
      %dma_start3A_69 = tpu.memref_slice %arg12[%add3A_15, %dma_start3A] : memref<10240x128xf32, #tpu.memory_space<vmem_shared>> -> memref<128x128xf32, #tpu.memory_space<vmem_shared>>
      %dma_start3A_70 = arith.constant 0 : i32
      %dma_start3A_71 = tpu.memref_slice %arg12[%add3A_15, %dma_start3A_70] : memref<10240x128xf32, #tpu.memory_space<vmem_shared>> -> memref<128x128xf32, #tpu.memory_space<vmem_shared>>
      tpu.enqueue_dma source(%arg10 : memref<128x128xf32, #tpu.memory_space<vmem>>) target(%dma_start3A_71 : memref<128x128xf32, #tpu.memory_space<vmem_shared>>) target_semaphore(%run_scoped3A : memref<!tpu.dma_semaphore, #tpu.memory_space<semaphore_mem>>)
      %dma_wait3A = arith.constant 0 : i32
      %dma_wait3A_72 = tpu.memref_slice %arg12[%add3A_15, %dma_wait3A] : memref<10240x128xf32, #tpu.memory_space<vmem_shared>> -> memref<128x128xf32, #tpu.memory_space<vmem_shared>>
      %dma_wait3A_73 = arith.constant 0 : i32
      %dma_wait3A_74 = tpu.memref_slice %arg12[%add3A_15, %dma_wait3A_73] : memref<10240x128xf32, #tpu.memory_space<vmem_shared>> -> memref<128x128xf32, #tpu.memory_space<vmem_shared>>
      tpu.wait_dma2 semaphore(%run_scoped3A : memref<!tpu.dma_semaphore, #tpu.memory_space<semaphore_mem>>) src(%arg10 : memref<128x128xf32, #tpu.memory_space<vmem>>) dst(%dma_wait3A_74 : memref<128x128xf32, #tpu.memory_space<vmem_shared>>)
      tpu.yield
    }) : () -> ()
    %mul3A_16 = arith.constant 640 : i32
    %mul3A_17 = arith.muli %arg1, %mul3A_16 : i32
    %add3A_18 = arith.constant 384 : i32
    %add3A_19 = arith.addi %mul3A_17, %add3A_18 : i32
    "tpu.region"() ({
      %run_scoped3A = tpu.sem_alloc : memref<!tpu.dma_semaphore, #tpu.memory_space<semaphore_mem>>
      %dma_start3A = arith.constant 0 : i32
      %dma_start3A_69 = tpu.memref_slice %arg12[%add3A_19, %dma_start3A] : memref<10240x128xf32, #tpu.memory_space<vmem_shared>> -> memref<128x128xf32, #tpu.memory_space<vmem_shared>>
      %dma_start3A_70 = arith.constant 0 : i32
      %dma_start3A_71 = tpu.memref_slice %arg12[%add3A_19, %dma_start3A_70] : memref<10240x128xf32, #tpu.memory_space<vmem_shared>> -> memref<128x128xf32, #tpu.memory_space<vmem_shared>>
      tpu.enqueue_dma source(%arg10 : memref<128x128xf32, #tpu.memory_space<vmem>>) target(%dma_start3A_71 : memref<128x128xf32, #tpu.memory_space<vmem_shared>>) target_semaphore(%run_scoped3A : memref<!tpu.dma_semaphore, #tpu.memory_space<semaphore_mem>>)
      %dma_wait3A = arith.constant 0 : i32
      %dma_wait3A_72 = tpu.memref_slice %arg12[%add3A_19, %dma_wait3A] : memref<10240x128xf32, #tpu.memory_space<vmem_shared>> -> memref<128x128xf32, #tpu.memory_space<vmem_shared>>
      %dma_wait3A_73 = arith.constant 0 : i32
      %dma_wait3A_74 = tpu.memref_slice %arg12[%add3A_19, %dma_wait3A_73] : memref<10240x128xf32, #tpu.memory_space<vmem_shared>> -> memref<128x128xf32, #tpu.memory_space<vmem_shared>>
      tpu.wait_dma2 semaphore(%run_scoped3A : memref<!tpu.dma_semaphore, #tpu.memory_space<semaphore_mem>>) src(%arg10 : memref<128x128xf32, #tpu.memory_space<vmem>>) dst(%dma_wait3A_74 : memref<128x128xf32, #tpu.memory_space<vmem_shared>>)
      tpu.yield
    }) : () -> ()
    %mul3A_20 = arith.constant 640 : i32
    %mul3A_21 = arith.muli %arg1, %mul3A_20 : i32
    %add3A_22 = arith.constant 512 : i32
    %add3A_23 = arith.addi %mul3A_21, %add3A_22 : i32
    "tpu.region"() ({
      %run_scoped3A = tpu.sem_alloc : memref<!tpu.dma_semaphore, #tpu.memory_space<semaphore_mem>>
      %dma_start3A = arith.constant 0 : i32
      %dma_start3A_69 = tpu.memref_slice %arg12[%add3A_23, %dma_start3A] : memref<10240x128xf32, #tpu.memory_space<vmem_shared>> -> memref<128x128xf32, #tpu.memory_space<vmem_shared>>
      %dma_start3A_70 = arith.constant 0 : i32
      %dma_start3A_71 = tpu.memref_slice %arg12[%add3A_23, %dma_start3A_70] : memref<10240x128xf32, #tpu.memory_space<vmem_shared>> -> memref<128x128xf32, #tpu.memory_space<vmem_shared>>
      tpu.enqueue_dma source(%arg10 : memref<128x128xf32, #tpu.memory_space<vmem>>) target(%dma_start3A_71 : memref<128x128xf32, #tpu.memory_space<vmem_shared>>) target_semaphore(%run_scoped3A : memref<!tpu.dma_semaphore, #tpu.memory_space<semaphore_mem>>)
      %dma_wait3A = arith.constant 0 : i32
      %dma_wait3A_72 = tpu.memref_slice %arg12[%add3A_23, %dma_wait3A] : memref<10240x128xf32, #tpu.memory_space<vmem_shared>> -> memref<128x128xf32, #tpu.memory_space<vmem_shared>>
      %dma_wait3A_73 = arith.constant 0 : i32
      %dma_wait3A_74 = tpu.memref_slice %arg12[%add3A_23, %dma_wait3A_73] : memref<10240x128xf32, #tpu.memory_space<vmem_shared>> -> memref<128x128xf32, #tpu.memory_space<vmem_shared>>
      tpu.wait_dma2 semaphore(%run_scoped3A : memref<!tpu.dma_semaphore, #tpu.memory_space<semaphore_mem>>) src(%arg10 : memref<128x128xf32, #tpu.memory_space<vmem>>) dst(%dma_wait3A_74 : memref<128x128xf32, #tpu.memory_space<vmem_shared>>)
      tpu.yield
    }) : () -> ()
    %barrier3A = arith.constant 0 : index
    tpu.barrier barrier_id(%barrier3A)
    %eq3A = arith.constant 0 : i32
    %eq3A_24 = arith.cmpi eq, %arg0, %eq3A : i32
    %jit3A = arith.constant 70 : i32
    %jit3A_25 = arith.constant 10 : i32
    %select_n3A = arith.select %eq3A_24, %jit3A, %jit3A_25 : i32
    %eq3A_26 = arith.constant 0 : i32
    %eq3A_27 = arith.cmpi eq, %arg0, %eq3A_26 : i32
    %mul3A_28 = arith.constant 70 : i32
    %mul3A_29 = arith.muli %arg1, %mul3A_28 : i32
    %mul3A_30 = arith.constant 10 : i32
    %mul3A_31 = arith.muli %arg1, %mul3A_30 : i32
    %add3A_32 = arith.constant 1120 : i32
    %add3A_33 = arith.addi %add3A_32, %mul3A_31 : i32
    %select_n3A_34 = arith.select %eq3A_27, %mul3A_29, %add3A_33 : i32
    %jit3A_35 = arith.constant 2 : i32
    %div3A = arith.divsi %select_n3A, %jit3A_35 : i32
    %sign3A = arith.constant 0 : i32
    %sign3A_36 = arith.cmpi sgt, %select_n3A, %sign3A : i32
    %sign3A_37 = arith.extui %sign3A_36 : i1 to i32
    %sign3A_38 = arith.constant 0 : i32
    %sign3A_39 = arith.cmpi slt, %select_n3A, %sign3A_38 : i32
    %sign3A_40 = arith.extui %sign3A_39 : i1 to i32
    %sign3A_41 = arith.subi %sign3A_37, %sign3A_40 : i32
    %sign3A_42 = arith.constant 0 : i32
    %sign3A_43 = arith.cmpi sgt, %jit3A_35, %sign3A_42 : i32
    %sign3A_44 = arith.extui %sign3A_43 : i1 to i32
    %sign3A_45 = arith.constant 0 : i32
    %sign3A_46 = arith.cmpi slt, %jit3A_35, %sign3A_45 : i32
    %sign3A_47 = arith.extui %sign3A_46 : i1 to i32
    %sign3A_48 = arith.subi %sign3A_44, %sign3A_47 : i32
    %ne3A = arith.cmpi ne, %sign3A_41, %sign3A_48 : i32
    %rem3A = arith.remsi %select_n3A, %jit3A_35 : i32
    %ne3A_49 = arith.constant 0 : i32
    %ne3A_50 = arith.cmpi ne, %rem3A, %ne3A_49 : i32
    %and3A = arith.andi %ne3A, %ne3A_50 : i1
    %sub3A = arith.constant 1 : i32
    %sub3A_51 = arith.subi %div3A, %sub3A : i32
    %select_n3A_52 = arith.select %and3A, %sub3A_51, %div3A : i32
    %while3A = arith.constant 0 : i32
    %while3A_53 = arith.constant 0 : i32
    %while3A_54 = arith.subi %select_n3A_52, %while3A : i32
    %while3A_55 = arith.addi %while3A, %while3A_54 : i32
    %while3A_56 = arith.constant 1 : i32
    %while3A_57 = arith.divsi %while3A_54, %while3A_56 : i32
    %while3A_58 = arith.muli %while3A_57, %while3A_56 : i32
    %while3A_59 = arith.addi %while3A, %while3A_58 : i32
    %while3A_60 = arith.constant 1 : i32
    %while3A_61 = scf.for %while3A_69 = %while3A to %while3A_59 step %while3A_60 iter_args(%while3A_70 = %while3A_53) -> (i32)  : i32 {
      %mul3A_71 = arith.constant 2 : i32
      %mul3A_72 = arith.muli %while3A_69, %mul3A_71 : i32
      %add3A_73 = arith.addi %select_n3A_34, %mul3A_72 : i32
      %add3A_74 = arith.constant 0 : i32
      %add3A_75 = arith.addi %add3A_73, %add3A_74 : i32
      %dma_start3A = arith.constant 0 : i32
      %dma_start3A_76 = arith.constant 0 : i32
      %dma_start3A_77 = tpu.memref_slice %arg3[%add3A_75, %dma_start3A, %dma_start3A_76] : memref<1280x2x128xi32, #tpu.memory_space<hbm>> -> memref<1x2x128xi32, #tpu.memory_space<hbm>>
      %dma_start3A_78 = tpu.memref_squeeze %dma_start3A_77 : memref<1x2x128xi32, #tpu.memory_space<hbm>> -> memref<2x128xi32, #tpu.memory_space<hbm>>
      %dma_start3A_79 = arith.constant 0 : i32
      %dma_start3A_80 = arith.constant 0 : i32
      %dma_start3A_81 = tpu.memref_slice %arg3[%add3A_75, %dma_start3A_79, %dma_start3A_80] : memref<1280x2x128xi32, #tpu.memory_space<hbm>> -> memref<1x2x128xi32, #tpu.memory_space<hbm>>
      %dma_start3A_82 = tpu.memref_squeeze %dma_start3A_81 : memref<1x2x128xi32, #tpu.memory_space<hbm>> -> memref<2x128xi32, #tpu.memory_space<hbm>>
      tpu.enqueue_dma source(%dma_start3A_82 : memref<2x128xi32, #tpu.memory_space<hbm>>) target(%arg6 : memref<2x128xi32, #tpu.memory_space<vmem>>) target_semaphore(%arg13 : memref<!tpu.dma_semaphore, #tpu.memory_space<semaphore_mem>>)
      %add3A_83 = arith.addi %select_n3A_34, %mul3A_72 : i32
      %add3A_84 = arith.constant 0 : i32
      %add3A_85 = arith.addi %add3A_83, %add3A_84 : i32
      %mul3A_86 = arith.constant 128 : i32
      %mul3A_87 = arith.muli %add3A_85, %mul3A_86 : i32
      %mul3A_88 = arith.constant 16 : i32
      %mul3A_89 = arith.muli %mul3A_87, %mul3A_88 : i32
      %dma_start3A_90 = tpu.memref_slice %arg4[%mul3A_89] : memref<2621440xf32, #tpu.memory_space<hbm>> -> memref<2048xf32, #tpu.memory_space<hbm>>
      %dma_start3A_91 = tpu.memref_slice %arg4[%mul3A_89] : memref<2621440xf32, #tpu.memory_space<hbm>> -> memref<2048xf32, #tpu.memory_space<hbm>>
      tpu.enqueue_dma source(%dma_start3A_91 : memref<2048xf32, #tpu.memory_space<hbm>>) target(%arg8 : memref<2048xf32, #tpu.memory_space<vmem>>) target_semaphore(%arg13 : memref<!tpu.dma_semaphore, #tpu.memory_space<semaphore_mem>>)
      %add3A_92 = arith.addi %select_n3A_34, %mul3A_72 : i32
      %add3A_93 = arith.constant 1 : i32
      %add3A_94 = arith.addi %add3A_92, %add3A_93 : i32
      %dma_start3A_95 = arith.constant 0 : i32
      %dma_start3A_96 = arith.constant 0 : i32
      %dma_start3A_97 = tpu.memref_slice %arg3[%add3A_94, %dma_start3A_95, %dma_start3A_96] : memref<1280x2x128xi32, #tpu.memory_space<hbm>> -> memref<1x2x128xi32, #tpu.memory_space<hbm>>
      %dma_start3A_98 = tpu.memref_squeeze %dma_start3A_97 : memref<1x2x128xi32, #tpu.memory_space<hbm>> -> memref<2x128xi32, #tpu.memory_space<hbm>>
      %dma_start3A_99 = arith.constant 0 : i32
      %dma_start3A_100 = arith.constant 0 : i32
      %dma_start3A_101 = tpu.memref_slice %arg3[%add3A_94, %dma_start3A_99, %dma_start3A_100] : memref<1280x2x128xi32, #tpu.memory_space<hbm>> -> memref<1x2x128xi32, #tpu.memory_space<hbm>>
      %dma_start3A_102 = tpu.memref_squeeze %dma_start3A_101 : memref<1x2x128xi32, #tpu.memory_space<hbm>> -> memref<2x128xi32, #tpu.memory_space<hbm>>
      tpu.enqueue_dma source(%dma_start3A_102 : memref<2x128xi32, #tpu.memory_space<hbm>>) target(%arg7 : memref<2x128xi32, #tpu.memory_space<vmem>>) target_semaphore(%arg14 : memref<!tpu.dma_semaphore, #tpu.memory_space<semaphore_mem>>)
      %add3A_103 = arith.addi %select_n3A_34, %mul3A_72 : i32
      %add3A_104 = arith.constant 1 : i32
      %add3A_105 = arith.addi %add3A_103, %add3A_104 : i32
      %mul3A_106 = arith.constant 128 : i32
      %mul3A_107 = arith.muli %add3A_105, %mul3A_106 : i32
      %mul3A_108 = arith.constant 16 : i32
      %mul3A_109 = arith.muli %mul3A_107, %mul3A_108 : i32
      %dma_start3A_110 = tpu.memref_slice %arg4[%mul3A_109] : memref<2621440xf32, #tpu.memory_space<hbm>> -> memref<2048xf32, #tpu.memory_space<hbm>>
      %dma_start3A_111 = tpu.memref_slice %arg4[%mul3A_109] : memref<2621440xf32, #tpu.memory_space<hbm>> -> memref<2048xf32, #tpu.memory_space<hbm>>
      tpu.enqueue_dma source(%dma_start3A_111 : memref<2048xf32, #tpu.memory_space<hbm>>) target(%arg9 : memref<2048xf32, #tpu.memory_space<vmem>>) target_semaphore(%arg14 : memref<!tpu.dma_semaphore, #tpu.memory_space<semaphore_mem>>)
      %dma_wait3A = arith.constant 0 : i32
      %dma_wait3A_112 = arith.constant 0 : i32
      %dma_wait3A_113 = tpu.memref_slice %arg3[%add3A_75, %dma_wait3A, %dma_wait3A_112] : memref<1280x2x128xi32, #tpu.memory_space<hbm>> -> memref<1x2x128xi32, #tpu.memory_space<hbm>>
      %dma_wait3A_114 = tpu.memref_squeeze %dma_wait3A_113 : memref<1x2x128xi32, #tpu.memory_space<hbm>> -> memref<2x128xi32, #tpu.memory_space<hbm>>
      %dma_wait3A_115 = arith.constant 0 : i32
      %dma_wait3A_116 = arith.constant 0 : i32
      %dma_wait3A_117 = tpu.memref_slice %arg3[%add3A_75, %dma_wait3A_115, %dma_wait3A_116] : memref<1280x2x128xi32, #tpu.memory_space<hbm>> -> memref<1x2x128xi32, #tpu.memory_space<hbm>>
      %dma_wait3A_118 = tpu.memref_squeeze %dma_wait3A_117 : memref<1x2x128xi32, #tpu.memory_space<hbm>> -> memref<2x128xi32, #tpu.memory_space<hbm>>
      tpu.wait_dma2 semaphore(%arg13 : memref<!tpu.dma_semaphore, #tpu.memory_space<semaphore_mem>>) src(%dma_wait3A_118 : memref<2x128xi32, #tpu.memory_space<hbm>>) dst(%arg6 : memref<2x128xi32, #tpu.memory_space<vmem>>)
      %dma_wait3A_119 = tpu.memref_slice %arg4[%mul3A_89] : memref<2621440xf32, #tpu.memory_space<hbm>> -> memref<2048xf32, #tpu.memory_space<hbm>>
      %dma_wait3A_120 = tpu.memref_slice %arg4[%mul3A_89] : memref<2621440xf32, #tpu.memory_space<hbm>> -> memref<2048xf32, #tpu.memory_space<hbm>>
      tpu.wait_dma2 semaphore(%arg13 : memref<!tpu.dma_semaphore, #tpu.memory_space<semaphore_mem>>) src(%dma_wait3A_120 : memref<2048xf32, #tpu.memory_space<hbm>>) dst(%arg8 : memref<2048xf32, #tpu.memory_space<vmem>>)
      %dma_start3A_121 = arith.constant 0 : i32
      %dma_start3A_122 = arith.constant 0 : i32
      %dma_start3A_123 = tpu.memref_slice %arg6[%dma_start3A_121, %dma_start3A_122] : memref<2x128xi32, #tpu.memory_space<vmem>> -> memref<1x128xi32, #tpu.memory_space<vmem>>
      %dma_start3A_124 = tpu.memref_squeeze %dma_start3A_123 : memref<1x128xi32, #tpu.memory_space<vmem>> -> memref<128xi32, #tpu.memory_space<vmem>>
      %dma_start3A_125 = arith.constant 0 : i32
      %dma_start3A_126 = arith.constant 0 : i32
      %dma_start3A_127 = tpu.memref_slice %arg2[%dma_start3A_125, %dma_start3A_126] : memref<10000x128xf32, #tpu.memory_space<hbm>> -> memref<10000x128xf32, #tpu.memory_space<hbm>>
      tpu.enqueue_indirect_dma source(%dma_start3A_127 : memref<10000x128xf32, #tpu.memory_space<hbm>>) target(%arg10 : memref<128x128xf32, #tpu.memory_space<vmem>>) offsets(%dma_start3A_124 : memref<128xi32, #tpu.memory_space<vmem>>) semaphore(%arg15 : memref<!tpu.dma_semaphore, #tpu.memory_space<semaphore_mem>>)
      %dma_wait3A_128 = arith.constant 0 : i32
      %dma_wait3A_129 = arith.constant 0 : i32
      %dma_wait3A_130 = tpu.memref_slice %arg3[%add3A_94, %dma_wait3A_128, %dma_wait3A_129] : memref<1280x2x128xi32, #tpu.memory_space<hbm>> -> memref<1x2x128xi32, #tpu.memory_space<hbm>>
      %dma_wait3A_131 = tpu.memref_squeeze %dma_wait3A_130 : memref<1x2x128xi32, #tpu.memory_space<hbm>> -> memref<2x128xi32, #tpu.memory_space<hbm>>
      %dma_wait3A_132 = arith.constant 0 : i32
      %dma_wait3A_133 = arith.constant 0 : i32
      %dma_wait3A_134 = tpu.memref_slice %arg3[%add3A_94, %dma_wait3A_132, %dma_wait3A_133] : memref<1280x2x128xi32, #tpu.memory_space<hbm>> -> memref<1x2x128xi32, #tpu.memory_space<hbm>>
      %dma_wait3A_135 = tpu.memref_squeeze %dma_wait3A_134 : memref<1x2x128xi32, #tpu.memory_space<hbm>> -> memref<2x128xi32, #tpu.memory_space<hbm>>
      tpu.wait_dma2 semaphore(%arg14 : memref<!tpu.dma_semaphore, #tpu.memory_space<semaphore_mem>>) src(%dma_wait3A_135 : memref<2x128xi32, #tpu.memory_space<hbm>>) dst(%arg7 : memref<2x128xi32, #tpu.memory_space<vmem>>)
      %dma_wait3A_136 = tpu.memref_slice %arg4[%mul3A_109] : memref<2621440xf32, #tpu.memory_space<hbm>> -> memref<2048xf32, #tpu.memory_space<hbm>>
      %dma_wait3A_137 = tpu.memref_slice %arg4[%mul3A_109] : memref<2621440xf32, #tpu.memory_space<hbm>> -> memref<2048xf32, #tpu.memory_space<hbm>>
      tpu.wait_dma2 semaphore(%arg14 : memref<!tpu.dma_semaphore, #tpu.memory_space<semaphore_mem>>) src(%dma_wait3A_137 : memref<2048xf32, #tpu.memory_space<hbm>>) dst(%arg9 : memref<2048xf32, #tpu.memory_space<vmem>>)
      %dma_start3A_138 = arith.constant 0 : i32
      %dma_start3A_139 = arith.constant 0 : i32
      %dma_start3A_140 = tpu.memref_slice %arg7[%dma_start3A_138, %dma_start3A_139] : memref<2x128xi32, #tpu.memory_space<vmem>> -> memref<1x128xi32, #tpu.memory_space<vmem>>
      %dma_start3A_141 = tpu.memref_squeeze %dma_start3A_140 : memref<1x128xi32, #tpu.memory_space<vmem>> -> memref<128xi32, #tpu.memory_space<vmem>>
      %dma_start3A_142 = arith.constant 0 : i32
      %dma_start3A_143 = arith.constant 0 : i32
      %dma_start3A_144 = tpu.memref_slice %arg2[%dma_start3A_142, %dma_start3A_143] : memref<10000x128xf32, #tpu.memory_space<hbm>> -> memref<10000x128xf32, #tpu.memory_space<hbm>>
      tpu.enqueue_indirect_dma source(%dma_start3A_144 : memref<10000x128xf32, #tpu.memory_space<hbm>>) target(%arg11 : memref<128x128xf32, #tpu.memory_space<vmem>>) offsets(%dma_start3A_141 : memref<128xi32, #tpu.memory_space<vmem>>) semaphore(%arg16 : memref<!tpu.dma_semaphore, #tpu.memory_space<semaphore_mem>>)
      %dma_wait3A_145 = arith.constant 0 : i32
      %dma_wait3A_146 = arith.constant 0 : i32
      %dma_wait3A_147 = tpu.memref_slice %arg6[%dma_wait3A_145, %dma_wait3A_146] : memref<2x128xi32, #tpu.memory_space<vmem>> -> memref<1x128xi32, #tpu.memory_space<vmem>>
      %dma_wait3A_148 = tpu.memref_squeeze %dma_wait3A_147 : memref<1x128xi32, #tpu.memory_space<vmem>> -> memref<128xi32, #tpu.memory_space<vmem>>
      %dma_wait3A_149 = arith.constant 0 : i32
      %dma_wait3A_150 = arith.constant 0 : i32
      %dma_wait3A_151 = tpu.memref_slice %arg2[%dma_wait3A_149, %dma_wait3A_150] : memref<10000x128xf32, #tpu.memory_space<hbm>> -> memref<10000x128xf32, #tpu.memory_space<hbm>>
      tpu.wait_indirect_dma semaphore(%arg15 : memref<!tpu.dma_semaphore, #tpu.memory_space<semaphore_mem>>) src(%dma_wait3A_151 : memref<10000x128xf32, #tpu.memory_space<hbm>>) dst(%arg10 : memref<128x128xf32, #tpu.memory_space<vmem>>)
      %scan3A_152 = arith.constant 0 : i32
      %scan3A_153 = arith.constant 0 : i32
      %scan3A_154 = arith.constant 64 : i32
      %scan3A_155 = arith.addi %scan3A_153, %scan3A_154 : i32
      %scan3A_156 = arith.constant 1 : i32
      %scan3A_157 = scf.for %scan3A_202 = %scan3A_153 to %scan3A_155 step %scan3A_156 iter_args(%scan3A_203 = %scan3A_152) -> (i32)  : i32 {
        %mul3A_204 = arith.constant 2 : i32
        %mul3A_205 = arith.muli %scan3A_202, %mul3A_204 : i32
        %add3A_206 = arith.constant 0 : i32
        %add3A_207 = arith.addi %mul3A_205, %add3A_206 : i32
        %mul3A_208 = arith.constant 16 : i32
        %mul3A_209 = arith.muli %add3A_207, %mul3A_208 : i32
        %get3A = arith.index_cast %mul3A_209 : i32 to index
        %get3A_210 = tpu.vector_load %arg8[%get3A] {strides = array<i32>} : memref<2048xf32, #tpu.memory_space<vmem>>, vector<16xf32>,
        %get3A_211 = arith.index_cast %add3A_207 : i32 to index
        %get3A_212 = arith.constant 0 : index
        %get3A_213 = tpu.vector_load %arg10[%get3A_211, %get3A_212] {strides = array<i32>} : memref<128x128xf32, #tpu.memory_space<vmem>>, vector<16xf32>,
        %mul3A_214 = arith.mulf %get3A_213, %get3A_210 : vector<16xf32>
        %swap3A = arith.index_cast %add3A_207 : i32 to index
        %swap3A_215 = arith.constant 0 : index
        %swap3A_216 = tpu.vector_load %arg10[%swap3A, %swap3A_215] {strides = array<i32>} : memref<128x128xf32, #tpu.memory_space<vmem>>, vector<16xf32>,
        tpu.vector_store %arg10[%swap3A, %swap3A_215], %mul3A_214 {strides = array<i32>} : memref<128x128xf32, #tpu.memory_space<vmem>>, vector<16xf32>,
        %get3A_217 = arith.index_cast %add3A_207 : i32 to index
        %get3A_218 = arith.constant 16 : index
        %get3A_219 = tpu.vector_load %arg10[%get3A_217, %get3A_218] {strides = array<i32>} : memref<128x128xf32, #tpu.memory_space<vmem>>, vector<16xf32>,
        %mul3A_220 = arith.mulf %get3A_219, %get3A_210 : vector<16xf32>
        %swap3A_221 = arith.index_cast %add3A_207 : i32 to index
        %swap3A_222 = arith.constant 16 : index
        %swap3A_223 = tpu.vector_load %arg10[%swap3A_221, %swap3A_222] {strides = array<i32>} : memref<128x128xf32, #tpu.memory_space<vmem>>, vector<16xf32>,
        tpu.vector_store %arg10[%swap3A_221, %swap3A_222], %mul3A_220 {strides = array<i32>} : memref<128x128xf32, #tpu.memory_space<vmem>>, vector<16xf32>,
        %get3A_224 = arith.index_cast %add3A_207 : i32 to index
        %get3A_225 = arith.constant 32 : index
        %get3A_226 = tpu.vector_load %arg10[%get3A_224, %get3A_225] {strides = array<i32>} : memref<128x128xf32, #tpu.memory_space<vmem>>, vector<16xf32>,
        %mul3A_227 = arith.mulf %get3A_226, %get3A_210 : vector<16xf32>
        %swap3A_228 = arith.index_cast %add3A_207 : i32 to index
        %swap3A_229 = arith.constant 32 : index
        %swap3A_230 = tpu.vector_load %arg10[%swap3A_228, %swap3A_229] {strides = array<i32>} : memref<128x128xf32, #tpu.memory_space<vmem>>, vector<16xf32>,
        tpu.vector_store %arg10[%swap3A_228, %swap3A_229], %mul3A_227 {strides = array<i32>} : memref<128x128xf32, #tpu.memory_space<vmem>>, vector<16xf32>,
        %get3A_231 = arith.index_cast %add3A_207 : i32 to index
        %get3A_232 = arith.constant 48 : index
        %get3A_233 = tpu.vector_load %arg10[%get3A_231, %get3A_232] {strides = array<i32>} : memref<128x128xf32, #tpu.memory_space<vmem>>, vector<16xf32>,
        %mul3A_234 = arith.mulf %get3A_233, %get3A_210 : vector<16xf32>
        %swap3A_235 = arith.index_cast %add3A_207 : i32 to index
        %swap3A_236 = arith.constant 48 : index
        %swap3A_237 = tpu.vector_load %arg10[%swap3A_235, %swap3A_236] {strides = array<i32>} : memref<128x128xf32, #tpu.memory_space<vmem>>, vector<16xf32>,
        tpu.vector_store %arg10[%swap3A_235, %swap3A_236], %mul3A_234 {strides = array<i32>} : memref<128x128xf32, #tpu.memory_space<vmem>>, vector<16xf32>,
        %get3A_238 = arith.index_cast %add3A_207 : i32 to index
        %get3A_239 = arith.constant 64 : index
        %get3A_240 = tpu.vector_load %arg10[%get3A_238, %get3A_239] {strides = array<i32>} : memref<128x128xf32, #tpu.memory_space<vmem>>, vector<16xf32>,
        %mul3A_241 = arith.mulf %get3A_240, %get3A_210 : vector<16xf32>
        %swap3A_242 = arith.index_cast %add3A_207 : i32 to index
        %swap3A_243 = arith.constant 64 : index
        %swap3A_244 = tpu.vector_load %arg10[%swap3A_242, %swap3A_243] {strides = array<i32>} : memref<128x128xf32, #tpu.memory_space<vmem>>, vector<16xf32>,
        tpu.vector_store %arg10[%swap3A_242, %swap3A_243], %mul3A_241 {strides = array<i32>} : memref<128x128xf32, #tpu.memory_space<vmem>>, vector<16xf32>,
        %get3A_245 = arith.index_cast %add3A_207 : i32 to index
        %get3A_246 = arith.constant 80 : index
        %get3A_247 = tpu.vector_load %arg10[%get3A_245, %get3A_246] {strides = array<i32>} : memref<128x128xf32, #tpu.memory_space<vmem>>, vector<16xf32>,
        %mul3A_248 = arith.mulf %get3A_247, %get3A_210 : vector<16xf32>
        %swap3A_249 = arith.index_cast %add3A_207 : i32 to index
        %swap3A_250 = arith.constant 80 : index
        %swap3A_251 = tpu.vector_load %arg10[%swap3A_249, %swap3A_250] {strides = array<i32>} : memref<128x128xf32, #tpu.memory_space<vmem>>, vector<16xf32>,
        tpu.vector_store %arg10[%swap3A_249, %swap3A_250], %mul3A_248 {strides = array<i32>} : memref<128x128xf32, #tpu.memory_space<vmem>>, vector<16xf32>,
        %get3A_252 = arith.index_cast %add3A_207 : i32 to index
        %get3A_253 = arith.constant 96 : index
        %get3A_254 = tpu.vector_load %arg10[%get3A_252, %get3A_253] {strides = array<i32>} : memref<128x128xf32, #tpu.memory_space<vmem>>, vector<16xf32>,
        %mul3A_255 = arith.mulf %get3A_254, %get3A_210 : vector<16xf32>
        %swap3A_256 = arith.index_cast %add3A_207 : i32 to index
        %swap3A_257 = arith.constant 96 : index
        %swap3A_258 = tpu.vector_load %arg10[%swap3A_256, %swap3A_257] {strides = array<i32>} : memref<128x128xf32, #tpu.memory_space<vmem>>, vector<16xf32>,
        tpu.vector_store %arg10[%swap3A_256, %swap3A_257], %mul3A_255 {strides = array<i32>} : memref<128x128xf32, #tpu.memory_space<vmem>>, vector<16xf32>,
        %get3A_259 = arith.index_cast %add3A_207 : i32 to index
        %get3A_260 = arith.constant 112 : index
        %get3A_261 = tpu.vector_load %arg10[%get3A_259, %get3A_260] {strides = array<i32>} : memref<128x128xf32, #tpu.memory_space<vmem>>, vector<16xf32>,
        %mul3A_262 = arith.mulf %get3A_261, %get3A_210 : vector<16xf32>
        %swap3A_263 = arith.index_cast %add3A_207 : i32 to index
        %swap3A_264 = arith.constant 112 : index
        %swap3A_265 = tpu.vector_load %arg10[%swap3A_263, %swap3A_264] {strides = array<i32>} : memref<128x128xf32, #tpu.memory_space<vmem>>, vector<16xf32>,
        tpu.vector_store %arg10[%swap3A_263, %swap3A_264], %mul3A_262 {strides = array<i32>} : memref<128x128xf32, #tpu.memory_space<vmem>>, vector<16xf32>,
        %mul3A_266 = arith.constant 2 : i32
        %mul3A_267 = arith.muli %scan3A_202, %mul3A_266 : i32
        %add3A_268 = arith.constant 1 : i32
        %add3A_269 = arith.addi %mul3A_267, %add3A_268 : i32
        %mul3A_270 = arith.constant 16 : i32
        %mul3A_271 = arith.muli %add3A_269, %mul3A_270 : i32
        %get3A_272 = arith.index_cast %mul3A_271 : i32 to index
        %get3A_273 = tpu.vector_load %arg8[%get3A_272] {strides = array<i32>} : memref<2048xf32, #tpu.memory_space<vmem>>, vector<16xf32>,
        %get3A_274 = arith.index_cast %add3A_269 : i32 to index
        %get3A_275 = arith.constant 0 : index
        %get3A_276 = tpu.vector_load %arg10[%get3A_274, %get3A_275] {strides = array<i32>} : memref<128x128xf32, #tpu.memory_space<vmem>>, vector<16xf32>,
        %mul3A_277 = arith.mulf %get3A_276, %get3A_273 : vector<16xf32>
        %swap3A_278 = arith.index_cast %add3A_269 : i32 to index
        %swap3A_279 = arith.constant 0 : index
        %swap3A_280 = tpu.vector_load %arg10[%swap3A_278, %swap3A_279] {strides = array<i32>} : memref<128x128xf32, #tpu.memory_space<vmem>>, vector<16xf32>,
        tpu.vector_store %arg10[%swap3A_278, %swap3A_279], %mul3A_277 {strides = array<i32>} : memref<128x128xf32, #tpu.memory_space<vmem>>, vector<16xf32>,
        %get3A_281 = arith.index_cast %add3A_269 : i32 to index
        %get3A_282 = arith.constant 16 : index
        %get3A_283 = tpu.vector_load %arg10[%get3A_281, %get3A_282] {strides = array<i32>} : memref<128x128xf32, #tpu.memory_space<vmem>>, vector<16xf32>,
        %mul3A_284 = arith.mulf %get3A_283, %get3A_273 : vector<16xf32>
        %swap3A_285 = arith.index_cast %add3A_269 : i32 to index
        %swap3A_286 = arith.constant 16 : index
        %swap3A_287 = tpu.vector_load %arg10[%swap3A_285, %swap3A_286] {strides = array<i32>} : memref<128x128xf32, #tpu.memory_space<vmem>>, vector<16xf32>,
        tpu.vector_store %arg10[%swap3A_285, %swap3A_286], %mul3A_284 {strides = array<i32>} : memref<128x128xf32, #tpu.memory_space<vmem>>, vector<16xf32>,
        %get3A_288 = arith.index_cast %add3A_269 : i32 to index
        %get3A_289 = arith.constant 32 : index
        %get3A_290 = tpu.vector_load %arg10[%get3A_288, %get3A_289] {strides = array<i32>} : memref<128x128xf32, #tpu.memory_space<vmem>>, vector<16xf32>,
        %mul3A_291 = arith.mulf %get3A_290, %get3A_273 : vector<16xf32>
        %swap3A_292 = arith.index_cast %add3A_269 : i32 to index
        %swap3A_293 = arith.constant 32 : index
        %swap3A_294 = tpu.vector_load %arg10[%swap3A_292, %swap3A_293] {strides = array<i32>} : memref<128x128xf32, #tpu.memory_space<vmem>>, vector<16xf32>,
        tpu.vector_store %arg10[%swap3A_292, %swap3A_293], %mul3A_291 {strides = array<i32>} : memref<128x128xf32, #tpu.memory_space<vmem>>, vector<16xf32>,
        %get3A_295 = arith.index_cast %add3A_269 : i32 to index
        %get3A_296 = arith.constant 48 : index
        %get3A_297 = tpu.vector_load %arg10[%get3A_295, %get3A_296] {strides = array<i32>} : memref<128x128xf32, #tpu.memory_space<vmem>>, vector<16xf32>,
        %mul3A_298 = arith.mulf %get3A_297, %get3A_273 : vector<16xf32>
        %swap3A_299 = arith.index_cast %add3A_269 : i32 to index
        %swap3A_300 = arith.constant 48 : index
        %swap3A_301 = tpu.vector_load %arg10[%swap3A_299, %swap3A_300] {strides = array<i32>} : memref<128x128xf32, #tpu.memory_space<vmem>>, vector<16xf32>,
        tpu.vector_store %arg10[%swap3A_299, %swap3A_300], %mul3A_298 {strides = array<i32>} : memref<128x128xf32, #tpu.memory_space<vmem>>, vector<16xf32>,
        %get3A_302 = arith.index_cast %add3A_269 : i32 to index
        %get3A_303 = arith.constant 64 : index
        %get3A_304 = tpu.vector_load %arg10[%get3A_302, %get3A_303] {strides = array<i32>} : memref<128x128xf32, #tpu.memory_space<vmem>>, vector<16xf32>,
        %mul3A_305 = arith.mulf %get3A_304, %get3A_273 : vector<16xf32>
        %swap3A_306 = arith.index_cast %add3A_269 : i32 to index
        %swap3A_307 = arith.constant 64 : index
        %swap3A_308 = tpu.vector_load %arg10[%swap3A_306, %swap3A_307] {strides = array<i32>} : memref<128x128xf32, #tpu.memory_space<vmem>>, vector<16xf32>,
        tpu.vector_store %arg10[%swap3A_306, %swap3A_307], %mul3A_305 {strides = array<i32>} : memref<128x128xf32, #tpu.memory_space<vmem>>, vector<16xf32>,
        %get3A_309 = arith.index_cast %add3A_269 : i32 to index
        %get3A_310 = arith.constant 80 : index
        %get3A_311 = tpu.vector_load %arg10[%get3A_309, %get3A_310] {strides = array<i32>} : memref<128x128xf32, #tpu.memory_space<vmem>>, vector<16xf32>,
        %mul3A_312 = arith.mulf %get3A_311, %get3A_273 : vector<16xf32>
        %swap3A_313 = arith.index_cast %add3A_269 : i32 to index
        %swap3A_314 = arith.constant 80 : index
        %swap3A_315 = tpu.vector_load %arg10[%swap3A_313, %swap3A_314] {strides = array<i32>} : memref<128x128xf32, #tpu.memory_space<vmem>>, vector<16xf32>,
        tpu.vector_store %arg10[%swap3A_313, %swap3A_314], %mul3A_312 {strides = array<i32>} : memref<128x128xf32, #tpu.memory_space<vmem>>, vector<16xf32>,
        %get3A_316 = arith.index_cast %add3A_269 : i32 to index
        %get3A_317 = arith.constant 96 : index
        %get3A_318 = tpu.vector_load %arg10[%get3A_316, %get3A_317] {strides = array<i32>} : memref<128x128xf32, #tpu.memory_space<vmem>>, vector<16xf32>,
        %mul3A_319 = arith.mulf %get3A_318, %get3A_273 : vector<16xf32>
        %swap3A_320 = arith.index_cast %add3A_269 : i32 to index
        %swap3A_321 = arith.constant 96 : index
        %swap3A_322 = tpu.vector_load %arg10[%swap3A_320, %swap3A_321] {strides = array<i32>} : memref<128x128xf32, #tpu.memory_space<vmem>>, vector<16xf32>,
        tpu.vector_store %arg10[%swap3A_320, %swap3A_321], %mul3A_319 {strides = array<i32>} : memref<128x128xf32, #tpu.memory_space<vmem>>, vector<16xf32>,
        %get3A_323 = arith.index_cast %add3A_269 : i32 to index
        %get3A_324 = arith.constant 112 : index
        %get3A_325 = tpu.vector_load %arg10[%get3A_323, %get3A_324] {strides = array<i32>} : memref<128x128xf32, #tpu.memory_space<vmem>>, vector<16xf32>,
        %mul3A_326 = arith.mulf %get3A_325, %get3A_273 : vector<16xf32>
        %swap3A_327 = arith.index_cast %add3A_269 : i32 to index
        %swap3A_328 = arith.constant 112 : index
        %swap3A_329 = tpu.vector_load %arg10[%swap3A_327, %swap3A_328] {strides = array<i32>} : memref<128x128xf32, #tpu.memory_space<vmem>>, vector<16xf32>,
        tpu.vector_store %arg10[%swap3A_327, %swap3A_328], %mul3A_326 {strides = array<i32>} : memref<128x128xf32, #tpu.memory_space<vmem>>, vector<16xf32>,
        %scan3A_330 = arith.constant 0 : i32
        scf.yield %scan3A_330 : i32
      }
      %scan3A_158 = arith.constant 64 : i32
      %dma_start3A_159 = arith.constant 1 : i32
      %dma_start3A_160 = arith.constant 0 : i32
      %dma_start3A_161 = tpu.memref_slice %arg6[%dma_start3A_159, %dma_start3A_160] : memref<2x128xi32, #tpu.memory_space<vmem>> -> memref<1x128xi32, #tpu.memory_space<vmem>>
      %dma_start3A_162 = tpu.memref_squeeze %dma_start3A_161 : memref<1x128xi32, #tpu.memory_space<vmem>> -> memref<128xi32, #tpu.memory_space<vmem>>
      %dma_start3A_163 = arith.constant 0 : i32
      %dma_start3A_164 = arith.constant 0 : i32
      %dma_start3A_165 = tpu.memref_slice %arg12[%dma_start3A_163, %dma_start3A_164] : memref<10240x128xf32, #tpu.memory_space<vmem_shared>> -> memref<10240x128xf32, #tpu.memory_space<vmem_shared>>
      tpu.enqueue_indirect_dma source(%arg10 : memref<128x128xf32, #tpu.memory_space<vmem>>) target(%dma_start3A_165 : memref<10240x128xf32, #tpu.memory_space<vmem_shared>>) offsets(%dma_start3A_162 : memref<128xi32, #tpu.memory_space<vmem>>) semaphore(%arg17 : memref<!tpu.dma_semaphore, #tpu.memory_space<semaphore_mem>>) {add = true}
      %dma_wait3A_166 = arith.constant 0 : i32
      %dma_wait3A_167 = arith.constant 0 : i32
      %dma_wait3A_168 = tpu.memref_slice %arg7[%dma_wait3A_166, %dma_wait3A_167] : memref<2x128xi32, #tpu.memory_space<vmem>> -> memref<1x128xi32, #tpu.memory_space<vmem>>
      %dma_wait3A_169 = tpu.memref_squeeze %dma_wait3A_168 : memref<1x128xi32, #tpu.memory_space<vmem>> -> memref<128xi32, #tpu.memory_space<vmem>>
      %dma_wait3A_170 = arith.constant 0 : i32
      %dma_wait3A_171 = arith.constant 0 : i32
      %dma_wait3A_172 = tpu.memref_slice %arg2[%dma_wait3A_170, %dma_wait3A_171] : memref<10000x128xf32, #tpu.memory_space<hbm>> -> memref<10000x128xf32, #tpu.memory_space<hbm>>
      tpu.wait_indirect_dma semaphore(%arg16 : memref<!tpu.dma_semaphore, #tpu.memory_space<semaphore_mem>>) src(%dma_wait3A_172 : memref<10000x128xf32, #tpu.memory_space<hbm>>) dst(%arg11 : memref<128x128xf32, #tpu.memory_space<vmem>>)
      %scan3A_173 = arith.constant 0 : i32
      %scan3A_174 = arith.constant 0 : i32
      %scan3A_175 = arith.constant 64 : i32
      %scan3A_176 = arith.addi %scan3A_174, %scan3A_175 : i32
      %scan3A_177 = arith.constant 1 : i32
      %scan3A_178 = scf.for %scan3A_202 = %scan3A_174 to %scan3A_176 step %scan3A_177 iter_args(%scan3A_203 = %scan3A_173) -> (i32)  : i32 {
        %mul3A_204 = arith.constant 2 : i32
        %mul3A_205 = arith.muli %scan3A_202, %mul3A_204 : i32
        %add3A_206 = arith.constant 0 : i32
        %add3A_207 = arith.addi %mul3A_205, %add3A_206 : i32
        %mul3A_208 = arith.constant 16 : i32
        %mul3A_209 = arith.muli %add3A_207, %mul3A_208 : i32
        %get3A = arith.index_cast %mul3A_209 : i32 to index
        %get3A_210 = tpu.vector_load %arg9[%get3A] {strides = array<i32>} : memref<2048xf32, #tpu.memory_space<vmem>>, vector<16xf32>,
        %get3A_211 = arith.index_cast %add3A_207 : i32 to index
        %get3A_212 = arith.constant 0 : index
        %get3A_213 = tpu.vector_load %arg11[%get3A_211, %get3A_212] {strides = array<i32>} : memref<128x128xf32, #tpu.memory_space<vmem>>, vector<16xf32>,
        %mul3A_214 = arith.mulf %get3A_213, %get3A_210 : vector<16xf32>
        %swap3A = arith.index_cast %add3A_207 : i32 to index
        %swap3A_215 = arith.constant 0 : index
        %swap3A_216 = tpu.vector_load %arg11[%swap3A, %swap3A_215] {strides = array<i32>} : memref<128x128xf32, #tpu.memory_space<vmem>>, vector<16xf32>,
        tpu.vector_store %arg11[%swap3A, %swap3A_215], %mul3A_214 {strides = array<i32>} : memref<128x128xf32, #tpu.memory_space<vmem>>, vector<16xf32>,
        %get3A_217 = arith.index_cast %add3A_207 : i32 to index
        %get3A_218 = arith.constant 16 : index
        %get3A_219 = tpu.vector_load %arg11[%get3A_217, %get3A_218] {strides = array<i32>} : memref<128x128xf32, #tpu.memory_space<vmem>>, vector<16xf32>,
        %mul3A_220 = arith.mulf %get3A_219, %get3A_210 : vector<16xf32>
        %swap3A_221 = arith.index_cast %add3A_207 : i32 to index
        %swap3A_222 = arith.constant 16 : index
        %swap3A_223 = tpu.vector_load %arg11[%swap3A_221, %swap3A_222] {strides = array<i32>} : memref<128x128xf32, #tpu.memory_space<vmem>>, vector<16xf32>,
        tpu.vector_store %arg11[%swap3A_221, %swap3A_222], %mul3A_220 {strides = array<i32>} : memref<128x128xf32, #tpu.memory_space<vmem>>, vector<16xf32>,
        %get3A_224 = arith.index_cast %add3A_207 : i32 to index
        %get3A_225 = arith.constant 32 : index
        %get3A_226 = tpu.vector_load %arg11[%get3A_224, %get3A_225] {strides = array<i32>} : memref<128x128xf32, #tpu.memory_space<vmem>>, vector<16xf32>,
        %mul3A_227 = arith.mulf %get3A_226, %get3A_210 : vector<16xf32>
        %swap3A_228 = arith.index_cast %add3A_207 : i32 to index
        %swap3A_229 = arith.constant 32 : index
        %swap3A_230 = tpu.vector_load %arg11[%swap3A_228, %swap3A_229] {strides = array<i32>} : memref<128x128xf32, #tpu.memory_space<vmem>>, vector<16xf32>,
        tpu.vector_store %arg11[%swap3A_228, %swap3A_229], %mul3A_227 {strides = array<i32>} : memref<128x128xf32, #tpu.memory_space<vmem>>, vector<16xf32>,
        %get3A_231 = arith.index_cast %add3A_207 : i32 to index
        %get3A_232 = arith.constant 48 : index
        %get3A_233 = tpu.vector_load %arg11[%get3A_231, %get3A_232] {strides = array<i32>} : memref<128x128xf32, #tpu.memory_space<vmem>>, vector<16xf32>,
        %mul3A_234 = arith.mulf %get3A_233, %get3A_210 : vector<16xf32>
        %swap3A_235 = arith.index_cast %add3A_207 : i32 to index
        %swap3A_236 = arith.constant 48 : index
        %swap3A_237 = tpu.vector_load %arg11[%swap3A_235, %swap3A_236] {strides = array<i32>} : memref<128x128xf32, #tpu.memory_space<vmem>>, vector<16xf32>,
        tpu.vector_store %arg11[%swap3A_235, %swap3A_236], %mul3A_234 {strides = array<i32>} : memref<128x128xf32, #tpu.memory_space<vmem>>, vector<16xf32>,
        %get3A_238 = arith.index_cast %add3A_207 : i32 to index
        %get3A_239 = arith.constant 64 : index
        %get3A_240 = tpu.vector_load %arg11[%get3A_238, %get3A_239] {strides = array<i32>} : memref<128x128xf32, #tpu.memory_space<vmem>>, vector<16xf32>,
        %mul3A_241 = arith.mulf %get3A_240, %get3A_210 : vector<16xf32>
        %swap3A_242 = arith.index_cast %add3A_207 : i32 to index
        %swap3A_243 = arith.constant 64 : index
        %swap3A_244 = tpu.vector_load %arg11[%swap3A_242, %swap3A_243] {strides = array<i32>} : memref<128x128xf32, #tpu.memory_space<vmem>>, vector<16xf32>,
        tpu.vector_store %arg11[%swap3A_242, %swap3A_243], %mul3A_241 {strides = array<i32>} : memref<128x128xf32, #tpu.memory_space<vmem>>, vector<16xf32>,
        %get3A_245 = arith.index_cast %add3A_207 : i32 to index
        %get3A_246 = arith.constant 80 : index
        %get3A_247 = tpu.vector_load %arg11[%get3A_245, %get3A_246] {strides = array<i32>} : memref<128x128xf32, #tpu.memory_space<vmem>>, vector<16xf32>,
        %mul3A_248 = arith.mulf %get3A_247, %get3A_210 : vector<16xf32>
        %swap3A_249 = arith.index_cast %add3A_207 : i32 to index
        %swap3A_250 = arith.constant 80 : index
        %swap3A_251 = tpu.vector_load %arg11[%swap3A_249, %swap3A_250] {strides = array<i32>} : memref<128x128xf32, #tpu.memory_space<vmem>>, vector<16xf32>,
        tpu.vector_store %arg11[%swap3A_249, %swap3A_250], %mul3A_248 {strides = array<i32>} : memref<128x128xf32, #tpu.memory_space<vmem>>, vector<16xf32>,
        %get3A_252 = arith.index_cast %add3A_207 : i32 to index
        %get3A_253 = arith.constant 96 : index
        %get3A_254 = tpu.vector_load %arg11[%get3A_252, %get3A_253] {strides = array<i32>} : memref<128x128xf32, #tpu.memory_space<vmem>>, vector<16xf32>,
        %mul3A_255 = arith.mulf %get3A_254, %get3A_210 : vector<16xf32>
        %swap3A_256 = arith.index_cast %add3A_207 : i32 to index
        %swap3A_257 = arith.constant 96 : index
        %swap3A_258 = tpu.vector_load %arg11[%swap3A_256, %swap3A_257] {strides = array<i32>} : memref<128x128xf32, #tpu.memory_space<vmem>>, vector<16xf32>,
        tpu.vector_store %arg11[%swap3A_256, %swap3A_257], %mul3A_255 {strides = array<i32>} : memref<128x128xf32, #tpu.memory_space<vmem>>, vector<16xf32>,
        %get3A_259 = arith.index_cast %add3A_207 : i32 to index
        %get3A_260 = arith.constant 112 : index
        %get3A_261 = tpu.vector_load %arg11[%get3A_259, %get3A_260] {strides = array<i32>} : memref<128x128xf32, #tpu.memory_space<vmem>>, vector<16xf32>,
        %mul3A_262 = arith.mulf %get3A_261, %get3A_210 : vector<16xf32>
        %swap3A_263 = arith.index_cast %add3A_207 : i32 to index
        %swap3A_264 = arith.constant 112 : index
        %swap3A_265 = tpu.vector_load %arg11[%swap3A_263, %swap3A_264] {strides = array<i32>} : memref<128x128xf32, #tpu.memory_space<vmem>>, vector<16xf32>,
        tpu.vector_store %arg11[%swap3A_263, %swap3A_264], %mul3A_262 {strides = array<i32>} : memref<128x128xf32, #tpu.memory_space<vmem>>, vector<16xf32>,
        %mul3A_266 = arith.constant 2 : i32
        %mul3A_267 = arith.muli %scan3A_202, %mul3A_266 : i32
        %add3A_268 = arith.constant 1 : i32
        %add3A_269 = arith.addi %mul3A_267, %add3A_268 : i32
        %mul3A_270 = arith.constant 16 : i32
        %mul3A_271 = arith.muli %add3A_269, %mul3A_270 : i32
        %get3A_272 = arith.index_cast %mul3A_271 : i32 to index
        %get3A_273 = tpu.vector_load %arg9[%get3A_272] {strides = array<i32>} : memref<2048xf32, #tpu.memory_space<vmem>>, vector<16xf32>,
        %get3A_274 = arith.index_cast %add3A_269 : i32 to index
        %get3A_275 = arith.constant 0 : index
        %get3A_276 = tpu.vector_load %arg11[%get3A_274, %get3A_275] {strides = array<i32>} : memref<128x128xf32, #tpu.memory_space<vmem>>, vector<16xf32>,
        %mul3A_277 = arith.mulf %get3A_276, %get3A_273 : vector<16xf32>
        %swap3A_278 = arith.index_cast %add3A_269 : i32 to index
        %swap3A_279 = arith.constant 0 : index
        %swap3A_280 = tpu.vector_load %arg11[%swap3A_278, %swap3A_279] {strides = array<i32>} : memref<128x128xf32, #tpu.memory_space<vmem>>, vector<16xf32>,
        tpu.vector_store %arg11[%swap3A_278, %swap3A_279], %mul3A_277 {strides = array<i32>} : memref<128x128xf32, #tpu.memory_space<vmem>>, vector<16xf32>,
        %get3A_281 = arith.index_cast %add3A_269 : i32 to index
        %get3A_282 = arith.constant 16 : index
        %get3A_283 = tpu.vector_load %arg11[%get3A_281, %get3A_282] {strides = array<i32>} : memref<128x128xf32, #tpu.memory_space<vmem>>, vector<16xf32>,
        %mul3A_284 = arith.mulf %get3A_283, %get3A_273 : vector<16xf32>
        %swap3A_285 = arith.index_cast %add3A_269 : i32 to index
        %swap3A_286 = arith.constant 16 : index
        %swap3A_287 = tpu.vector_load %arg11[%swap3A_285, %swap3A_286] {strides = array<i32>} : memref<128x128xf32, #tpu.memory_space<vmem>>, vector<16xf32>,
        tpu.vector_store %arg11[%swap3A_285, %swap3A_286], %mul3A_284 {strides = array<i32>} : memref<128x128xf32, #tpu.memory_space<vmem>>, vector<16xf32>,
        %get3A_288 = arith.index_cast %add3A_269 : i32 to index
        %get3A_289 = arith.constant 32 : index
        %get3A_290 = tpu.vector_load %arg11[%get3A_288, %get3A_289] {strides = array<i32>} : memref<128x128xf32, #tpu.memory_space<vmem>>, vector<16xf32>,
        %mul3A_291 = arith.mulf %get3A_290, %get3A_273 : vector<16xf32>
        %swap3A_292 = arith.index_cast %add3A_269 : i32 to index
        %swap3A_293 = arith.constant 32 : index
        %swap3A_294 = tpu.vector_load %arg11[%swap3A_292, %swap3A_293] {strides = array<i32>} : memref<128x128xf32, #tpu.memory_space<vmem>>, vector<16xf32>,
        tpu.vector_store %arg11[%swap3A_292, %swap3A_293], %mul3A_291 {strides = array<i32>} : memref<128x128xf32, #tpu.memory_space<vmem>>, vector<16xf32>,
        %get3A_295 = arith.index_cast %add3A_269 : i32 to index
        %get3A_296 = arith.constant 48 : index
        %get3A_297 = tpu.vector_load %arg11[%get3A_295, %get3A_296] {strides = array<i32>} : memref<128x128xf32, #tpu.memory_space<vmem>>, vector<16xf32>,
        %mul3A_298 = arith.mulf %get3A_297, %get3A_273 : vector<16xf32>
        %swap3A_299 = arith.index_cast %add3A_269 : i32 to index
        %swap3A_300 = arith.constant 48 : index
        %swap3A_301 = tpu.vector_load %arg11[%swap3A_299, %swap3A_300] {strides = array<i32>} : memref<128x128xf32, #tpu.memory_space<vmem>>, vector<16xf32>,
        tpu.vector_store %arg11[%swap3A_299, %swap3A_300], %mul3A_298 {strides = array<i32>} : memref<128x128xf32, #tpu.memory_space<vmem>>, vector<16xf32>,
        %get3A_302 = arith.index_cast %add3A_269 : i32 to index
        %get3A_303 = arith.constant 64 : index
        %get3A_304 = tpu.vector_load %arg11[%get3A_302, %get3A_303] {strides = array<i32>} : memref<128x128xf32, #tpu.memory_space<vmem>>, vector<16xf32>,
        %mul3A_305 = arith.mulf %get3A_304, %get3A_273 : vector<16xf32>
        %swap3A_306 = arith.index_cast %add3A_269 : i32 to index
        %swap3A_307 = arith.constant 64 : index
        %swap3A_308 = tpu.vector_load %arg11[%swap3A_306, %swap3A_307] {strides = array<i32>} : memref<128x128xf32, #tpu.memory_space<vmem>>, vector<16xf32>,
        tpu.vector_store %arg11[%swap3A_306, %swap3A_307], %mul3A_305 {strides = array<i32>} : memref<128x128xf32, #tpu.memory_space<vmem>>, vector<16xf32>,
        %get3A_309 = arith.index_cast %add3A_269 : i32 to index
        %get3A_310 = arith.constant 80 : index
        %get3A_311 = tpu.vector_load %arg11[%get3A_309, %get3A_310] {strides = array<i32>} : memref<128x128xf32, #tpu.memory_space<vmem>>, vector<16xf32>,
        %mul3A_312 = arith.mulf %get3A_311, %get3A_273 : vector<16xf32>
        %swap3A_313 = arith.index_cast %add3A_269 : i32 to index
        %swap3A_314 = arith.constant 80 : index
        %swap3A_315 = tpu.vector_load %arg11[%swap3A_313, %swap3A_314] {strides = array<i32>} : memref<128x128xf32, #tpu.memory_space<vmem>>, vector<16xf32>,
        tpu.vector_store %arg11[%swap3A_313, %swap3A_314], %mul3A_312 {strides = array<i32>} : memref<128x128xf32, #tpu.memory_space<vmem>>, vector<16xf32>,
        %get3A_316 = arith.index_cast %add3A_269 : i32 to index
        %get3A_317 = arith.constant 96 : index
        %get3A_318 = tpu.vector_load %arg11[%get3A_316, %get3A_317] {strides = array<i32>} : memref<128x128xf32, #tpu.memory_space<vmem>>, vector<16xf32>,
        %mul3A_319 = arith.mulf %get3A_318, %get3A_273 : vector<16xf32>
        %swap3A_320 = arith.index_cast %add3A_269 : i32 to index
        %swap3A_321 = arith.constant 96 : index
        %swap3A_322 = tpu.vector_load %arg11[%swap3A_320, %swap3A_321] {strides = array<i32>} : memref<128x128xf32, #tpu.memory_space<vmem>>, vector<16xf32>,
        tpu.vector_store %arg11[%swap3A_320, %swap3A_321], %mul3A_319 {strides = array<i32>} : memref<128x128xf32, #tpu.memory_space<vmem>>, vector<16xf32>,
        %get3A_323 = arith.index_cast %add3A_269 : i32 to index
        %get3A_324 = arith.constant 112 : index
        %get3A_325 = tpu.vector_load %arg11[%get3A_323, %get3A_324] {strides = array<i32>} : memref<128x128xf32, #tpu.memory_space<vmem>>, vector<16xf32>,
        %mul3A_326 = arith.mulf %get3A_325, %get3A_273 : vector<16xf32>
        %swap3A_327 = arith.index_cast %add3A_269 : i32 to index
        %swap3A_328 = arith.constant 112 : index
        %swap3A_329 = tpu.vector_load %arg11[%swap3A_327, %swap3A_328] {strides = array<i32>} : memref<128x128xf32, #tpu.memory_space<vmem>>, vector<16xf32>,
        tpu.vector_store %arg11[%swap3A_327, %swap3A_328], %mul3A_326 {strides = array<i32>} : memref<128x128xf32, #tpu.memory_space<vmem>>, vector<16xf32>,
        %scan3A_330 = arith.constant 0 : i32
        scf.yield %scan3A_330 : i32
      }
      %scan3A_179 = arith.constant 64 : i32
      %dma_start3A_180 = arith.constant 1 : i32
      %dma_start3A_181 = arith.constant 0 : i32
      %dma_start3A_182 = tpu.memref_slice %arg7[%dma_start3A_180, %dma_start3A_181] : memref<2x128xi32, #tpu.memory_space<vmem>> -> memref<1x128xi32, #tpu.memory_space<vmem>>
      %dma_start3A_183 = tpu.memref_squeeze %dma_start3A_182 : memref<1x128xi32, #tpu.memory_space<vmem>> -> memref<128xi32, #tpu.memory_space<vmem>>
      %dma_start3A_184 = arith.constant 0 : i32
      %dma_start3A_185 = arith.constant 0 : i32
      %dma_start3A_186 = tpu.memref_slice %arg12[%dma_start3A_184, %dma_start3A_185] : memref<10240x128xf32, #tpu.memory_space<vmem_shared>> -> memref<10240x128xf32, #tpu.memory_space<vmem_shared>>
      tpu.enqueue_indirect_dma source(%arg11 : memref<128x128xf32, #tpu.memory_space<vmem>>) target(%dma_start3A_186 : memref<10240x128xf32, #tpu.memory_space<vmem_shared>>) offsets(%dma_start3A_183 : memref<128xi32, #tpu.memory_space<vmem>>) semaphore(%arg18 : memref<!tpu.dma_semaphore, #tpu.memory_space<semaphore_mem>>) {add = true}
      %dma_wait3A_187 = arith.constant 1 : i32
      %dma_wait3A_188 = arith.constant 0 : i32
      %dma_wait3A_189 = tpu.memref_slice %arg6[%dma_wait3A_187, %dma_wait3A_188] : memref<2x128xi32, #tpu.memory_space<vmem>> -> memref<1x128xi32, #tpu.memory_space<vmem>>
      %dma_wait3A_190 = tpu.memref_squeeze %dma_wait3A_189 : memref<1x128xi32, #tpu.memory_space<vmem>> -> memref<128xi32, #tpu.memory_space<vmem>>
      %dma_wait3A_191 = arith.constant 0 : i32
      %dma_wait3A_192 = arith.constant 0 : i32
      %dma_wait3A_193 = tpu.memref_slice %arg12[%dma_wait3A_191, %dma_wait3A_192] : memref<10240x128xf32, #tpu.memory_space<vmem_shared>> -> memref<10240x128xf32, #tpu.memory_space<vmem_shared>>
      tpu.wait_indirect_dma semaphore(%arg17 : memref<!tpu.dma_semaphore, #tpu.memory_space<semaphore_mem>>) src(%arg10 : memref<128x128xf32, #tpu.memory_space<vmem>>) dst(%dma_wait3A_193 : memref<10240x128xf32, #tpu.memory_space<vmem_shared>>)
      %dma_wait3A_194 = arith.constant 1 : i32
      %dma_wait3A_195 = arith.constant 0 : i32
      %dma_wait3A_196 = tpu.memref_slice %arg7[%dma_wait3A_194, %dma_wait3A_195] : memref<2x128xi32, #tpu.memory_space<vmem>> -> memref<1x128xi32, #tpu.memory_space<vmem>>
      %dma_wait3A_197 = tpu.memref_squeeze %dma_wait3A_196 : memref<1x128xi32, #tpu.memory_space<vmem>> -> memref<128xi32, #tpu.memory_space<vmem>>
      %dma_wait3A_198 = arith.constant 0 : i32
      %dma_wait3A_199 = arith.constant 0 : i32
      %dma_wait3A_200 = tpu.memref_slice %arg12[%dma_wait3A_198, %dma_wait3A_199] : memref<10240x128xf32, #tpu.memory_space<vmem_shared>> -> memref<10240x128xf32, #tpu.memory_space<vmem_shared>>
      tpu.wait_indirect_dma semaphore(%arg18 : memref<!tpu.dma_semaphore, #tpu.memory_space<semaphore_mem>>) src(%arg11 : memref<128x128xf32, #tpu.memory_space<vmem>>) dst(%dma_wait3A_200 : memref<10240x128xf32, #tpu.memory_space<vmem_shared>>)
      %while3A_201 = arith.constant 0 : i32
      scf.yield %while3A_201 : i32
    }
    %while3A_62 = arith.constant 1 : i32
    %while3A_63 = scf.for %while3A_69 = %while3A_59 to %while3A_55 step %while3A_62 iter_args(%while3A_70 = %while3A_61) -> (i32)  : i32 {
      %mul3A_71 = arith.constant 2 : i32
      %mul3A_72 = arith.muli %while3A_69, %mul3A_71 : i32
      %add3A_73 = arith.addi %select_n3A_34, %mul3A_72 : i32
      %add3A_74 = arith.constant 0 : i32
      %add3A_75 = arith.addi %add3A_73, %add3A_74 : i32
      %dma_start3A = arith.constant 0 : i32
      %dma_start3A_76 = arith.constant 0 : i32
      %dma_start3A_77 = tpu.memref_slice %arg3[%add3A_75, %dma_start3A, %dma_start3A_76] : memref<1280x2x128xi32, #tpu.memory_space<hbm>> -> memref<1x2x128xi32, #tpu.memory_space<hbm>>
      %dma_start3A_78 = tpu.memref_squeeze %dma_start3A_77 : memref<1x2x128xi32, #tpu.memory_space<hbm>> -> memref<2x128xi32, #tpu.memory_space<hbm>>
      %dma_start3A_79 = arith.constant 0 : i32
      %dma_start3A_80 = arith.constant 0 : i32
      %dma_start3A_81 = tpu.memref_slice %arg3[%add3A_75, %dma_start3A_79, %dma_start3A_80] : memref<1280x2x128xi32, #tpu.memory_space<hbm>> -> memref<1x2x128xi32, #tpu.memory_space<hbm>>
      %dma_start3A_82 = tpu.memref_squeeze %dma_start3A_81 : memref<1x2x128xi32, #tpu.memory_space<hbm>> -> memref<2x128xi32, #tpu.memory_space<hbm>>
      tpu.enqueue_dma source(%dma_start3A_82 : memref<2x128xi32, #tpu.memory_space<hbm>>) target(%arg6 : memref<2x128xi32, #tpu.memory_space<vmem>>) target_semaphore(%arg13 : memref<!tpu.dma_semaphore, #tpu.memory_space<semaphore_mem>>)
      %add3A_83 = arith.addi %select_n3A_34, %mul3A_72 : i32
      %add3A_84 = arith.constant 0 : i32
      %add3A_85 = arith.addi %add3A_83, %add3A_84 : i32
      %mul3A_86 = arith.constant 128 : i32
      %mul3A_87 = arith.muli %add3A_85, %mul3A_86 : i32
      %mul3A_88 = arith.constant 16 : i32
      %mul3A_89 = arith.muli %mul3A_87, %mul3A_88 : i32
      %dma_start3A_90 = tpu.memref_slice %arg4[%mul3A_89] : memref<2621440xf32, #tpu.memory_space<hbm>> -> memref<2048xf32, #tpu.memory_space<hbm>>
      %dma_start3A_91 = tpu.memref_slice %arg4[%mul3A_89] : memref<2621440xf32, #tpu.memory_space<hbm>> -> memref<2048xf32, #tpu.memory_space<hbm>>
      tpu.enqueue_dma source(%dma_start3A_91 : memref<2048xf32, #tpu.memory_space<hbm>>) target(%arg8 : memref<2048xf32, #tpu.memory_space<vmem>>) target_semaphore(%arg13 : memref<!tpu.dma_semaphore, #tpu.memory_space<semaphore_mem>>)
      %add3A_92 = arith.addi %select_n3A_34, %mul3A_72 : i32
      %add3A_93 = arith.constant 1 : i32
      %add3A_94 = arith.addi %add3A_92, %add3A_93 : i32
      %dma_start3A_95 = arith.constant 0 : i32
      %dma_start3A_96 = arith.constant 0 : i32
      %dma_start3A_97 = tpu.memref_slice %arg3[%add3A_94, %dma_start3A_95, %dma_start3A_96] : memref<1280x2x128xi32, #tpu.memory_space<hbm>> -> memref<1x2x128xi32, #tpu.memory_space<hbm>>
      %dma_start3A_98 = tpu.memref_squeeze %dma_start3A_97 : memref<1x2x128xi32, #tpu.memory_space<hbm>> -> memref<2x128xi32, #tpu.memory_space<hbm>>
      %dma_start3A_99 = arith.constant 0 : i32
      %dma_start3A_100 = arith.constant 0 : i32
      %dma_start3A_101 = tpu.memref_slice %arg3[%add3A_94, %dma_start3A_99, %dma_start3A_100] : memref<1280x2x128xi32, #tpu.memory_space<hbm>> -> memref<1x2x128xi32, #tpu.memory_space<hbm>>
      %dma_start3A_102 = tpu.memref_squeeze %dma_start3A_101 : memref<1x2x128xi32, #tpu.memory_space<hbm>> -> memref<2x128xi32, #tpu.memory_space<hbm>>
      tpu.enqueue_dma source(%dma_start3A_102 : memref<2x128xi32, #tpu.memory_space<hbm>>) target(%arg7 : memref<2x128xi32, #tpu.memory_space<vmem>>) target_semaphore(%arg14 : memref<!tpu.dma_semaphore, #tpu.memory_space<semaphore_mem>>)
      %add3A_103 = arith.addi %select_n3A_34, %mul3A_72 : i32
      %add3A_104 = arith.constant 1 : i32
      %add3A_105 = arith.addi %add3A_103, %add3A_104 : i32
      %mul3A_106 = arith.constant 128 : i32
      %mul3A_107 = arith.muli %add3A_105, %mul3A_106 : i32
      %mul3A_108 = arith.constant 16 : i32
      %mul3A_109 = arith.muli %mul3A_107, %mul3A_108 : i32
      %dma_start3A_110 = tpu.memref_slice %arg4[%mul3A_109] : memref<2621440xf32, #tpu.memory_space<hbm>> -> memref<2048xf32, #tpu.memory_space<hbm>>
      %dma_start3A_111 = tpu.memref_slice %arg4[%mul3A_109] : memref<2621440xf32, #tpu.memory_space<hbm>> -> memref<2048xf32, #tpu.memory_space<hbm>>
      tpu.enqueue_dma source(%dma_start3A_111 : memref<2048xf32, #tpu.memory_space<hbm>>) target(%arg9 : memref<2048xf32, #tpu.memory_space<vmem>>) target_semaphore(%arg14 : memref<!tpu.dma_semaphore, #tpu.memory_space<semaphore_mem>>)
      %dma_wait3A = arith.constant 0 : i32
      %dma_wait3A_112 = arith.constant 0 : i32
      %dma_wait3A_113 = tpu.memref_slice %arg3[%add3A_75, %dma_wait3A, %dma_wait3A_112] : memref<1280x2x128xi32, #tpu.memory_space<hbm>> -> memref<1x2x128xi32, #tpu.memory_space<hbm>>
      %dma_wait3A_114 = tpu.memref_squeeze %dma_wait3A_113 : memref<1x2x128xi32, #tpu.memory_space<hbm>> -> memref<2x128xi32, #tpu.memory_space<hbm>>
      %dma_wait3A_115 = arith.constant 0 : i32
      %dma_wait3A_116 = arith.constant 0 : i32
      %dma_wait3A_117 = tpu.memref_slice %arg3[%add3A_75, %dma_wait3A_115, %dma_wait3A_116] : memref<1280x2x128xi32, #tpu.memory_space<hbm>> -> memref<1x2x128xi32, #tpu.memory_space<hbm>>
      %dma_wait3A_118 = tpu.memref_squeeze %dma_wait3A_117 : memref<1x2x128xi32, #tpu.memory_space<hbm>> -> memref<2x128xi32, #tpu.memory_space<hbm>>
      tpu.wait_dma2 semaphore(%arg13 : memref<!tpu.dma_semaphore, #tpu.memory_space<semaphore_mem>>) src(%dma_wait3A_118 : memref<2x128xi32, #tpu.memory_space<hbm>>) dst(%arg6 : memref<2x128xi32, #tpu.memory_space<vmem>>)
      %dma_wait3A_119 = tpu.memref_slice %arg4[%mul3A_89] : memref<2621440xf32, #tpu.memory_space<hbm>> -> memref<2048xf32, #tpu.memory_space<hbm>>
      %dma_wait3A_120 = tpu.memref_slice %arg4[%mul3A_89] : memref<2621440xf32, #tpu.memory_space<hbm>> -> memref<2048xf32, #tpu.memory_space<hbm>>
      tpu.wait_dma2 semaphore(%arg13 : memref<!tpu.dma_semaphore, #tpu.memory_space<semaphore_mem>>) src(%dma_wait3A_120 : memref<2048xf32, #tpu.memory_space<hbm>>) dst(%arg8 : memref<2048xf32, #tpu.memory_space<vmem>>)
      %dma_start3A_121 = arith.constant 0 : i32
      %dma_start3A_122 = arith.constant 0 : i32
      %dma_start3A_123 = tpu.memref_slice %arg6[%dma_start3A_121, %dma_start3A_122] : memref<2x128xi32, #tpu.memory_space<vmem>> -> memref<1x128xi32, #tpu.memory_space<vmem>>
      %dma_start3A_124 = tpu.memref_squeeze %dma_start3A_123 : memref<1x128xi32, #tpu.memory_space<vmem>> -> memref<128xi32, #tpu.memory_space<vmem>>
      %dma_start3A_125 = arith.constant 0 : i32
      %dma_start3A_126 = arith.constant 0 : i32
      %dma_start3A_127 = tpu.memref_slice %arg2[%dma_start3A_125, %dma_start3A_126] : memref<10000x128xf32, #tpu.memory_space<hbm>> -> memref<10000x128xf32, #tpu.memory_space<hbm>>
      tpu.enqueue_indirect_dma source(%dma_start3A_127 : memref<10000x128xf32, #tpu.memory_space<hbm>>) target(%arg10 : memref<128x128xf32, #tpu.memory_space<vmem>>) offsets(%dma_start3A_124 : memref<128xi32, #tpu.memory_space<vmem>>) semaphore(%arg15 : memref<!tpu.dma_semaphore, #tpu.memory_space<semaphore_mem>>)
      %dma_wait3A_128 = arith.constant 0 : i32
      %dma_wait3A_129 = arith.constant 0 : i32
      %dma_wait3A_130 = tpu.memref_slice %arg3[%add3A_94, %dma_wait3A_128, %dma_wait3A_129] : memref<1280x2x128xi32, #tpu.memory_space<hbm>> -> memref<1x2x128xi32, #tpu.memory_space<hbm>>
      %dma_wait3A_131 = tpu.memref_squeeze %dma_wait3A_130 : memref<1x2x128xi32, #tpu.memory_space<hbm>> -> memref<2x128xi32, #tpu.memory_space<hbm>>
      %dma_wait3A_132 = arith.constant 0 : i32
      %dma_wait3A_133 = arith.constant 0 : i32
      %dma_wait3A_134 = tpu.memref_slice %arg3[%add3A_94, %dma_wait3A_132, %dma_wait3A_133] : memref<1280x2x128xi32, #tpu.memory_space<hbm>> -> memref<1x2x128xi32, #tpu.memory_space<hbm>>
      %dma_wait3A_135 = tpu.memref_squeeze %dma_wait3A_134 : memref<1x2x128xi32, #tpu.memory_space<hbm>> -> memref<2x128xi32, #tpu.memory_space<hbm>>
      tpu.wait_dma2 semaphore(%arg14 : memref<!tpu.dma_semaphore, #tpu.memory_space<semaphore_mem>>) src(%dma_wait3A_135 : memref<2x128xi32, #tpu.memory_space<hbm>>) dst(%arg7 : memref<2x128xi32, #tpu.memory_space<vmem>>)
      %dma_wait3A_136 = tpu.memref_slice %arg4[%mul3A_109] : memref<2621440xf32, #tpu.memory_space<hbm>> -> memref<2048xf32, #tpu.memory_space<hbm>>
      %dma_wait3A_137 = tpu.memref_slice %arg4[%mul3A_109] : memref<2621440xf32, #tpu.memory_space<hbm>> -> memref<2048xf32, #tpu.memory_space<hbm>>
      tpu.wait_dma2 semaphore(%arg14 : memref<!tpu.dma_semaphore, #tpu.memory_space<semaphore_mem>>) src(%dma_wait3A_137 : memref<2048xf32, #tpu.memory_space<hbm>>) dst(%arg9 : memref<2048xf32, #tpu.memory_space<vmem>>)
      %dma_start3A_138 = arith.constant 0 : i32
      %dma_start3A_139 = arith.constant 0 : i32
      %dma_start3A_140 = tpu.memref_slice %arg7[%dma_start3A_138, %dma_start3A_139] : memref<2x128xi32, #tpu.memory_space<vmem>> -> memref<1x128xi32, #tpu.memory_space<vmem>>
      %dma_start3A_141 = tpu.memref_squeeze %dma_start3A_140 : memref<1x128xi32, #tpu.memory_space<vmem>> -> memref<128xi32, #tpu.memory_space<vmem>>
      %dma_start3A_142 = arith.constant 0 : i32
      %dma_start3A_143 = arith.constant 0 : i32
      %dma_start3A_144 = tpu.memref_slice %arg2[%dma_start3A_142, %dma_start3A_143] : memref<10000x128xf32, #tpu.memory_space<hbm>> -> memref<10000x128xf32, #tpu.memory_space<hbm>>
      tpu.enqueue_indirect_dma source(%dma_start3A_144 : memref<10000x128xf32, #tpu.memory_space<hbm>>) target(%arg11 : memref<128x128xf32, #tpu.memory_space<vmem>>) offsets(%dma_start3A_141 : memref<128xi32, #tpu.memory_space<vmem>>) semaphore(%arg16 : memref<!tpu.dma_semaphore, #tpu.memory_space<semaphore_mem>>)
      %dma_wait3A_145 = arith.constant 0 : i32
      %dma_wait3A_146 = arith.constant 0 : i32
      %dma_wait3A_147 = tpu.memref_slice %arg6[%dma_wait3A_145, %dma_wait3A_146] : memref<2x128xi32, #tpu.memory_space<vmem>> -> memref<1x128xi32, #tpu.memory_space<vmem>>
      %dma_wait3A_148 = tpu.memref_squeeze %dma_wait3A_147 : memref<1x128xi32, #tpu.memory_space<vmem>> -> memref<128xi32, #tpu.memory_space<vmem>>
      %dma_wait3A_149 = arith.constant 0 : i32
      %dma_wait3A_150 = arith.constant 0 : i32
      %dma_wait3A_151 = tpu.memref_slice %arg2[%dma_wait3A_149, %dma_wait3A_150] : memref<10000x128xf32, #tpu.memory_space<hbm>> -> memref<10000x128xf32, #tpu.memory_space<hbm>>
      tpu.wait_indirect_dma semaphore(%arg15 : memref<!tpu.dma_semaphore, #tpu.memory_space<semaphore_mem>>) src(%dma_wait3A_151 : memref<10000x128xf32, #tpu.memory_space<hbm>>) dst(%arg10 : memref<128x128xf32, #tpu.memory_space<vmem>>)
      %scan3A_152 = arith.constant 0 : i32
      %scan3A_153 = arith.constant 0 : i32
      %scan3A_154 = arith.constant 64 : i32
      %scan3A_155 = arith.addi %scan3A_153, %scan3A_154 : i32
      %scan3A_156 = arith.constant 1 : i32
      %scan3A_157 = scf.for %scan3A_202 = %scan3A_153 to %scan3A_155 step %scan3A_156 iter_args(%scan3A_203 = %scan3A_152) -> (i32)  : i32 {
        %mul3A_204 = arith.constant 2 : i32
        %mul3A_205 = arith.muli %scan3A_202, %mul3A_204 : i32
        %add3A_206 = arith.constant 0 : i32
        %add3A_207 = arith.addi %mul3A_205, %add3A_206 : i32
        %mul3A_208 = arith.constant 16 : i32
        %mul3A_209 = arith.muli %add3A_207, %mul3A_208 : i32
        %get3A = arith.index_cast %mul3A_209 : i32 to index
        %get3A_210 = tpu.vector_load %arg8[%get3A] {strides = array<i32>} : memref<2048xf32, #tpu.memory_space<vmem>>, vector<16xf32>,
        %get3A_211 = arith.index_cast %add3A_207 : i32 to index
        %get3A_212 = arith.constant 0 : index
        %get3A_213 = tpu.vector_load %arg10[%get3A_211, %get3A_212] {strides = array<i32>} : memref<128x128xf32, #tpu.memory_space<vmem>>, vector<16xf32>,
        %mul3A_214 = arith.mulf %get3A_213, %get3A_210 : vector<16xf32>
        %swap3A = arith.index_cast %add3A_207 : i32 to index
        %swap3A_215 = arith.constant 0 : index
        %swap3A_216 = tpu.vector_load %arg10[%swap3A, %swap3A_215] {strides = array<i32>} : memref<128x128xf32, #tpu.memory_space<vmem>>, vector<16xf32>,
        tpu.vector_store %arg10[%swap3A, %swap3A_215], %mul3A_214 {strides = array<i32>} : memref<128x128xf32, #tpu.memory_space<vmem>>, vector<16xf32>,
        %get3A_217 = arith.index_cast %add3A_207 : i32 to index
        %get3A_218 = arith.constant 16 : index
        %get3A_219 = tpu.vector_load %arg10[%get3A_217, %get3A_218] {strides = array<i32>} : memref<128x128xf32, #tpu.memory_space<vmem>>, vector<16xf32>,
        %mul3A_220 = arith.mulf %get3A_219, %get3A_210 : vector<16xf32>
        %swap3A_221 = arith.index_cast %add3A_207 : i32 to index
        %swap3A_222 = arith.constant 16 : index
        %swap3A_223 = tpu.vector_load %arg10[%swap3A_221, %swap3A_222] {strides = array<i32>} : memref<128x128xf32, #tpu.memory_space<vmem>>, vector<16xf32>,
        tpu.vector_store %arg10[%swap3A_221, %swap3A_222], %mul3A_220 {strides = array<i32>} : memref<128x128xf32, #tpu.memory_space<vmem>>, vector<16xf32>,
        %get3A_224 = arith.index_cast %add3A_207 : i32 to index
        %get3A_225 = arith.constant 32 : index
        %get3A_226 = tpu.vector_load %arg10[%get3A_224, %get3A_225] {strides = array<i32>} : memref<128x128xf32, #tpu.memory_space<vmem>>, vector<16xf32>,
        %mul3A_227 = arith.mulf %get3A_226, %get3A_210 : vector<16xf32>
        %swap3A_228 = arith.index_cast %add3A_207 : i32 to index
        %swap3A_229 = arith.constant 32 : index
        %swap3A_230 = tpu.vector_load %arg10[%swap3A_228, %swap3A_229] {strides = array<i32>} : memref<128x128xf32, #tpu.memory_space<vmem>>, vector<16xf32>,
        tpu.vector_store %arg10[%swap3A_228, %swap3A_229], %mul3A_227 {strides = array<i32>} : memref<128x128xf32, #tpu.memory_space<vmem>>, vector<16xf32>,
        %get3A_231 = arith.index_cast %add3A_207 : i32 to index
        %get3A_232 = arith.constant 48 : index
        %get3A_233 = tpu.vector_load %arg10[%get3A_231, %get3A_232] {strides = array<i32>} : memref<128x128xf32, #tpu.memory_space<vmem>>, vector<16xf32>,
        %mul3A_234 = arith.mulf %get3A_233, %get3A_210 : vector<16xf32>
        %swap3A_235 = arith.index_cast %add3A_207 : i32 to index
        %swap3A_236 = arith.constant 48 : index
        %swap3A_237 = tpu.vector_load %arg10[%swap3A_235, %swap3A_236] {strides = array<i32>} : memref<128x128xf32, #tpu.memory_space<vmem>>, vector<16xf32>,
        tpu.vector_store %arg10[%swap3A_235, %swap3A_236], %mul3A_234 {strides = array<i32>} : memref<128x128xf32, #tpu.memory_space<vmem>>, vector<16xf32>,
        %get3A_238 = arith.index_cast %add3A_207 : i32 to index
        %get3A_239 = arith.constant 64 : index
        %get3A_240 = tpu.vector_load %arg10[%get3A_238, %get3A_239] {strides = array<i32>} : memref<128x128xf32, #tpu.memory_space<vmem>>, vector<16xf32>,
        %mul3A_241 = arith.mulf %get3A_240, %get3A_210 : vector<16xf32>
        %swap3A_242 = arith.index_cast %add3A_207 : i32 to index
        %swap3A_243 = arith.constant 64 : index
        %swap3A_244 = tpu.vector_load %arg10[%swap3A_242, %swap3A_243] {strides = array<i32>} : memref<128x128xf32, #tpu.memory_space<vmem>>, vector<16xf32>,
        tpu.vector_store %arg10[%swap3A_242, %swap3A_243], %mul3A_241 {strides = array<i32>} : memref<128x128xf32, #tpu.memory_space<vmem>>, vector<16xf32>,
        %get3A_245 = arith.index_cast %add3A_207 : i32 to index
        %get3A_246 = arith.constant 80 : index
        %get3A_247 = tpu.vector_load %arg10[%get3A_245, %get3A_246] {strides = array<i32>} : memref<128x128xf32, #tpu.memory_space<vmem>>, vector<16xf32>,
        %mul3A_248 = arith.mulf %get3A_247, %get3A_210 : vector<16xf32>
        %swap3A_249 = arith.index_cast %add3A_207 : i32 to index
        %swap3A_250 = arith.constant 80 : index
        %swap3A_251 = tpu.vector_load %arg10[%swap3A_249, %swap3A_250] {strides = array<i32>} : memref<128x128xf32, #tpu.memory_space<vmem>>, vector<16xf32>,
        tpu.vector_store %arg10[%swap3A_249, %swap3A_250], %mul3A_248 {strides = array<i32>} : memref<128x128xf32, #tpu.memory_space<vmem>>, vector<16xf32>,
        %get3A_252 = arith.index_cast %add3A_207 : i32 to index
        %get3A_253 = arith.constant 96 : index
        %get3A_254 = tpu.vector_load %arg10[%get3A_252, %get3A_253] {strides = array<i32>} : memref<128x128xf32, #tpu.memory_space<vmem>>, vector<16xf32>,
        %mul3A_255 = arith.mulf %get3A_254, %get3A_210 : vector<16xf32>
        %swap3A_256 = arith.index_cast %add3A_207 : i32 to index
        %swap3A_257 = arith.constant 96 : index
        %swap3A_258 = tpu.vector_load %arg10[%swap3A_256, %swap3A_257] {strides = array<i32>} : memref<128x128xf32, #tpu.memory_space<vmem>>, vector<16xf32>,
        tpu.vector_store %arg10[%swap3A_256, %swap3A_257], %mul3A_255 {strides = array<i32>} : memref<128x128xf32, #tpu.memory_space<vmem>>, vector<16xf32>,
        %get3A_259 = arith.index_cast %add3A_207 : i32 to index
        %get3A_260 = arith.constant 112 : index
        %get3A_261 = tpu.vector_load %arg10[%get3A_259, %get3A_260] {strides = array<i32>} : memref<128x128xf32, #tpu.memory_space<vmem>>, vector<16xf32>,
        %mul3A_262 = arith.mulf %get3A_261, %get3A_210 : vector<16xf32>
        %swap3A_263 = arith.index_cast %add3A_207 : i32 to index
        %swap3A_264 = arith.constant 112 : index
        %swap3A_265 = tpu.vector_load %arg10[%swap3A_263, %swap3A_264] {strides = array<i32>} : memref<128x128xf32, #tpu.memory_space<vmem>>, vector<16xf32>,
        tpu.vector_store %arg10[%swap3A_263, %swap3A_264], %mul3A_262 {strides = array<i32>} : memref<128x128xf32, #tpu.memory_space<vmem>>, vector<16xf32>,
        %mul3A_266 = arith.constant 2 : i32
        %mul3A_267 = arith.muli %scan3A_202, %mul3A_266 : i32
        %add3A_268 = arith.constant 1 : i32
        %add3A_269 = arith.addi %mul3A_267, %add3A_268 : i32
        %mul3A_270 = arith.constant 16 : i32
        %mul3A_271 = arith.muli %add3A_269, %mul3A_270 : i32
        %get3A_272 = arith.index_cast %mul3A_271 : i32 to index
        %get3A_273 = tpu.vector_load %arg8[%get3A_272] {strides = array<i32>} : memref<2048xf32, #tpu.memory_space<vmem>>, vector<16xf32>,
        %get3A_274 = arith.index_cast %add3A_269 : i32 to index
        %get3A_275 = arith.constant 0 : index
        %get3A_276 = tpu.vector_load %arg10[%get3A_274, %get3A_275] {strides = array<i32>} : memref<128x128xf32, #tpu.memory_space<vmem>>, vector<16xf32>,
        %mul3A_277 = arith.mulf %get3A_276, %get3A_273 : vector<16xf32>
        %swap3A_278 = arith.index_cast %add3A_269 : i32 to index
        %swap3A_279 = arith.constant 0 : index
        %swap3A_280 = tpu.vector_load %arg10[%swap3A_278, %swap3A_279] {strides = array<i32>} : memref<128x128xf32, #tpu.memory_space<vmem>>, vector<16xf32>,
        tpu.vector_store %arg10[%swap3A_278, %swap3A_279], %mul3A_277 {strides = array<i32>} : memref<128x128xf32, #tpu.memory_space<vmem>>, vector<16xf32>,
        %get3A_281 = arith.index_cast %add3A_269 : i32 to index
        %get3A_282 = arith.constant 16 : index
        %get3A_283 = tpu.vector_load %arg10[%get3A_281, %get3A_282] {strides = array<i32>} : memref<128x128xf32, #tpu.memory_space<vmem>>, vector<16xf32>,
        %mul3A_284 = arith.mulf %get3A_283, %get3A_273 : vector<16xf32>
        %swap3A_285 = arith.index_cast %add3A_269 : i32 to index
        %swap3A_286 = arith.constant 16 : index
        %swap3A_287 = tpu.vector_load %arg10[%swap3A_285, %swap3A_286] {strides = array<i32>} : memref<128x128xf32, #tpu.memory_space<vmem>>, vector<16xf32>,
        tpu.vector_store %arg10[%swap3A_285, %swap3A_286], %mul3A_284 {strides = array<i32>} : memref<128x128xf32, #tpu.memory_space<vmem>>, vector<16xf32>,
        %get3A_288 = arith.index_cast %add3A_269 : i32 to index
        %get3A_289 = arith.constant 32 : index
        %get3A_290 = tpu.vector_load %arg10[%get3A_288, %get3A_289] {strides = array<i32>} : memref<128x128xf32, #tpu.memory_space<vmem>>, vector<16xf32>,
        %mul3A_291 = arith.mulf %get3A_290, %get3A_273 : vector<16xf32>
        %swap3A_292 = arith.index_cast %add3A_269 : i32 to index
        %swap3A_293 = arith.constant 32 : index
        %swap3A_294 = tpu.vector_load %arg10[%swap3A_292, %swap3A_293] {strides = array<i32>} : memref<128x128xf32, #tpu.memory_space<vmem>>, vector<16xf32>,
        tpu.vector_store %arg10[%swap3A_292, %swap3A_293], %mul3A_291 {strides = array<i32>} : memref<128x128xf32, #tpu.memory_space<vmem>>, vector<16xf32>,
        %get3A_295 = arith.index_cast %add3A_269 : i32 to index
        %get3A_296 = arith.constant 48 : index
        %get3A_297 = tpu.vector_load %arg10[%get3A_295, %get3A_296] {strides = array<i32>} : memref<128x128xf32, #tpu.memory_space<vmem>>, vector<16xf32>,
        %mul3A_298 = arith.mulf %get3A_297, %get3A_273 : vector<16xf32>
        %swap3A_299 = arith.index_cast %add3A_269 : i32 to index
        %swap3A_300 = arith.constant 48 : index
        %swap3A_301 = tpu.vector_load %arg10[%swap3A_299, %swap3A_300] {strides = array<i32>} : memref<128x128xf32, #tpu.memory_space<vmem>>, vector<16xf32>,
        tpu.vector_store %arg10[%swap3A_299, %swap3A_300], %mul3A_298 {strides = array<i32>} : memref<128x128xf32, #tpu.memory_space<vmem>>, vector<16xf32>,
        %get3A_302 = arith.index_cast %add3A_269 : i32 to index
        %get3A_303 = arith.constant 64 : index
        %get3A_304 = tpu.vector_load %arg10[%get3A_302, %get3A_303] {strides = array<i32>} : memref<128x128xf32, #tpu.memory_space<vmem>>, vector<16xf32>,
        %mul3A_305 = arith.mulf %get3A_304, %get3A_273 : vector<16xf32>
        %swap3A_306 = arith.index_cast %add3A_269 : i32 to index
        %swap3A_307 = arith.constant 64 : index
        %swap3A_308 = tpu.vector_load %arg10[%swap3A_306, %swap3A_307] {strides = array<i32>} : memref<128x128xf32, #tpu.memory_space<vmem>>, vector<16xf32>,
        tpu.vector_store %arg10[%swap3A_306, %swap3A_307], %mul3A_305 {strides = array<i32>} : memref<128x128xf32, #tpu.memory_space<vmem>>, vector<16xf32>,
        %get3A_309 = arith.index_cast %add3A_269 : i32 to index
        %get3A_310 = arith.constant 80 : index
        %get3A_311 = tpu.vector_load %arg10[%get3A_309, %get3A_310] {strides = array<i32>} : memref<128x128xf32, #tpu.memory_space<vmem>>, vector<16xf32>,
        %mul3A_312 = arith.mulf %get3A_311, %get3A_273 : vector<16xf32>
        %swap3A_313 = arith.index_cast %add3A_269 : i32 to index
        %swap3A_314 = arith.constant 80 : index
        %swap3A_315 = tpu.vector_load %arg10[%swap3A_313, %swap3A_314] {strides = array<i32>} : memref<128x128xf32, #tpu.memory_space<vmem>>, vector<16xf32>,
        tpu.vector_store %arg10[%swap3A_313, %swap3A_314], %mul3A_312 {strides = array<i32>} : memref<128x128xf32, #tpu.memory_space<vmem>>, vector<16xf32>,
        %get3A_316 = arith.index_cast %add3A_269 : i32 to index
        %get3A_317 = arith.constant 96 : index
        %get3A_318 = tpu.vector_load %arg10[%get3A_316, %get3A_317] {strides = array<i32>} : memref<128x128xf32, #tpu.memory_space<vmem>>, vector<16xf32>,
        %mul3A_319 = arith.mulf %get3A_318, %get3A_273 : vector<16xf32>
        %swap3A_320 = arith.index_cast %add3A_269 : i32 to index
        %swap3A_321 = arith.constant 96 : index
        %swap3A_322 = tpu.vector_load %arg10[%swap3A_320, %swap3A_321] {strides = array<i32>} : memref<128x128xf32, #tpu.memory_space<vmem>>, vector<16xf32>,
        tpu.vector_store %arg10[%swap3A_320, %swap3A_321], %mul3A_319 {strides = array<i32>} : memref<128x128xf32, #tpu.memory_space<vmem>>, vector<16xf32>,
        %get3A_323 = arith.index_cast %add3A_269 : i32 to index
        %get3A_324 = arith.constant 112 : index
        %get3A_325 = tpu.vector_load %arg10[%get3A_323, %get3A_324] {strides = array<i32>} : memref<128x128xf32, #tpu.memory_space<vmem>>, vector<16xf32>,
        %mul3A_326 = arith.mulf %get3A_325, %get3A_273 : vector<16xf32>
        %swap3A_327 = arith.index_cast %add3A_269 : i32 to index
        %swap3A_328 = arith.constant 112 : index
        %swap3A_329 = tpu.vector_load %arg10[%swap3A_327, %swap3A_328] {strides = array<i32>} : memref<128x128xf32, #tpu.memory_space<vmem>>, vector<16xf32>,
        tpu.vector_store %arg10[%swap3A_327, %swap3A_328], %mul3A_326 {strides = array<i32>} : memref<128x128xf32, #tpu.memory_space<vmem>>, vector<16xf32>,
        %scan3A_330 = arith.constant 0 : i32
        scf.yield %scan3A_330 : i32
      }
      %scan3A_158 = arith.constant 64 : i32
      %dma_start3A_159 = arith.constant 1 : i32
      %dma_start3A_160 = arith.constant 0 : i32
      %dma_start3A_161 = tpu.memref_slice %arg6[%dma_start3A_159, %dma_start3A_160] : memref<2x128xi32, #tpu.memory_space<vmem>> -> memref<1x128xi32, #tpu.memory_space<vmem>>
      %dma_start3A_162 = tpu.memref_squeeze %dma_start3A_161 : memref<1x128xi32, #tpu.memory_space<vmem>> -> memref<128xi32, #tpu.memory_space<vmem>>
      %dma_start3A_163 = arith.constant 0 : i32
      %dma_start3A_164 = arith.constant 0 : i32
      %dma_start3A_165 = tpu.memref_slice %arg12[%dma_start3A_163, %dma_start3A_164] : memref<10240x128xf32, #tpu.memory_space<vmem_shared>> -> memref<10240x128xf32, #tpu.memory_space<vmem_shared>>
      tpu.enqueue_indirect_dma source(%arg10 : memref<128x128xf32, #tpu.memory_space<vmem>>) target(%dma_start3A_165 : memref<10240x128xf32, #tpu.memory_space<vmem_shared>>) offsets(%dma_start3A_162 : memref<128xi32, #tpu.memory_space<vmem>>) semaphore(%arg17 : memref<!tpu.dma_semaphore, #tpu.memory_space<semaphore_mem>>) {add = true}
      %dma_wait3A_166 = arith.constant 0 : i32
      %dma_wait3A_167 = arith.constant 0 : i32
      %dma_wait3A_168 = tpu.memref_slice %arg7[%dma_wait3A_166, %dma_wait3A_167] : memref<2x128xi32, #tpu.memory_space<vmem>> -> memref<1x128xi32, #tpu.memory_space<vmem>>
      %dma_wait3A_169 = tpu.memref_squeeze %dma_wait3A_168 : memref<1x128xi32, #tpu.memory_space<vmem>> -> memref<128xi32, #tpu.memory_space<vmem>>
      %dma_wait3A_170 = arith.constant 0 : i32
      %dma_wait3A_171 = arith.constant 0 : i32
      %dma_wait3A_172 = tpu.memref_slice %arg2[%dma_wait3A_170, %dma_wait3A_171] : memref<10000x128xf32, #tpu.memory_space<hbm>> -> memref<10000x128xf32, #tpu.memory_space<hbm>>
      tpu.wait_indirect_dma semaphore(%arg16 : memref<!tpu.dma_semaphore, #tpu.memory_space<semaphore_mem>>) src(%dma_wait3A_172 : memref<10000x128xf32, #tpu.memory_space<hbm>>) dst(%arg11 : memref<128x128xf32, #tpu.memory_space<vmem>>)
      %scan3A_173 = arith.constant 0 : i32
      %scan3A_174 = arith.constant 0 : i32
      %scan3A_175 = arith.constant 64 : i32
      %scan3A_176 = arith.addi %scan3A_174, %scan3A_175 : i32
      %scan3A_177 = arith.constant 1 : i32
      %scan3A_178 = scf.for %scan3A_202 = %scan3A_174 to %scan3A_176 step %scan3A_177 iter_args(%scan3A_203 = %scan3A_173) -> (i32)  : i32 {
        %mul3A_204 = arith.constant 2 : i32
        %mul3A_205 = arith.muli %scan3A_202, %mul3A_204 : i32
        %add3A_206 = arith.constant 0 : i32
        %add3A_207 = arith.addi %mul3A_205, %add3A_206 : i32
        %mul3A_208 = arith.constant 16 : i32
        %mul3A_209 = arith.muli %add3A_207, %mul3A_208 : i32
        %get3A = arith.index_cast %mul3A_209 : i32 to index
        %get3A_210 = tpu.vector_load %arg9[%get3A] {strides = array<i32>} : memref<2048xf32, #tpu.memory_space<vmem>>, vector<16xf32>,
        %get3A_211 = arith.index_cast %add3A_207 : i32 to index
        %get3A_212 = arith.constant 0 : index
        %get3A_213 = tpu.vector_load %arg11[%get3A_211, %get3A_212] {strides = array<i32>} : memref<128x128xf32, #tpu.memory_space<vmem>>, vector<16xf32>,
        %mul3A_214 = arith.mulf %get3A_213, %get3A_210 : vector<16xf32>
        %swap3A = arith.index_cast %add3A_207 : i32 to index
        %swap3A_215 = arith.constant 0 : index
        %swap3A_216 = tpu.vector_load %arg11[%swap3A, %swap3A_215] {strides = array<i32>} : memref<128x128xf32, #tpu.memory_space<vmem>>, vector<16xf32>,
        tpu.vector_store %arg11[%swap3A, %swap3A_215], %mul3A_214 {strides = array<i32>} : memref<128x128xf32, #tpu.memory_space<vmem>>, vector<16xf32>,
        %get3A_217 = arith.index_cast %add3A_207 : i32 to index
        %get3A_218 = arith.constant 16 : index
        %get3A_219 = tpu.vector_load %arg11[%get3A_217, %get3A_218] {strides = array<i32>} : memref<128x128xf32, #tpu.memory_space<vmem>>, vector<16xf32>,
        %mul3A_220 = arith.mulf %get3A_219, %get3A_210 : vector<16xf32>
        %swap3A_221 = arith.index_cast %add3A_207 : i32 to index
        %swap3A_222 = arith.constant 16 : index
        %swap3A_223 = tpu.vector_load %arg11[%swap3A_221, %swap3A_222] {strides = array<i32>} : memref<128x128xf32, #tpu.memory_space<vmem>>, vector<16xf32>,
        tpu.vector_store %arg11[%swap3A_221, %swap3A_222], %mul3A_220 {strides = array<i32>} : memref<128x128xf32, #tpu.memory_space<vmem>>, vector<16xf32>,
        %get3A_224 = arith.index_cast %add3A_207 : i32 to index
        %get3A_225 = arith.constant 32 : index
        %get3A_226 = tpu.vector_load %arg11[%get3A_224, %get3A_225] {strides = array<i32>} : memref<128x128xf32, #tpu.memory_space<vmem>>, vector<16xf32>,
        %mul3A_227 = arith.mulf %get3A_226, %get3A_210 : vector<16xf32>
        %swap3A_228 = arith.index_cast %add3A_207 : i32 to index
        %swap3A_229 = arith.constant 32 : index
        %swap3A_230 = tpu.vector_load %arg11[%swap3A_228, %swap3A_229] {strides = array<i32>} : memref<128x128xf32, #tpu.memory_space<vmem>>, vector<16xf32>,
        tpu.vector_store %arg11[%swap3A_228, %swap3A_229], %mul3A_227 {strides = array<i32>} : memref<128x128xf32, #tpu.memory_space<vmem>>, vector<16xf32>,
        %get3A_231 = arith.index_cast %add3A_207 : i32 to index
        %get3A_232 = arith.constant 48 : index
        %get3A_233 = tpu.vector_load %arg11[%get3A_231, %get3A_232] {strides = array<i32>} : memref<128x128xf32, #tpu.memory_space<vmem>>, vector<16xf32>,
        %mul3A_234 = arith.mulf %get3A_233, %get3A_210 : vector<16xf32>
        %swap3A_235 = arith.index_cast %add3A_207 : i32 to index
        %swap3A_236 = arith.constant 48 : index
        %swap3A_237 = tpu.vector_load %arg11[%swap3A_235, %swap3A_236] {strides = array<i32>} : memref<128x128xf32, #tpu.memory_space<vmem>>, vector<16xf32>,
        tpu.vector_store %arg11[%swap3A_235, %swap3A_236], %mul3A_234 {strides = array<i32>} : memref<128x128xf32, #tpu.memory_space<vmem>>, vector<16xf32>,
        %get3A_238 = arith.index_cast %add3A_207 : i32 to index
        %get3A_239 = arith.constant 64 : index
        %get3A_240 = tpu.vector_load %arg11[%get3A_238, %get3A_239] {strides = array<i32>} : memref<128x128xf32, #tpu.memory_space<vmem>>, vector<16xf32>,
        %mul3A_241 = arith.mulf %get3A_240, %get3A_210 : vector<16xf32>
        %swap3A_242 = arith.index_cast %add3A_207 : i32 to index
        %swap3A_243 = arith.constant 64 : index
        %swap3A_244 = tpu.vector_load %arg11[%swap3A_242, %swap3A_243] {strides = array<i32>} : memref<128x128xf32, #tpu.memory_space<vmem>>, vector<16xf32>,
        tpu.vector_store %arg11[%swap3A_242, %swap3A_243], %mul3A_241 {strides = array<i32>} : memref<128x128xf32, #tpu.memory_space<vmem>>, vector<16xf32>,
        %get3A_245 = arith.index_cast %add3A_207 : i32 to index
        %get3A_246 = arith.constant 80 : index
        %get3A_247 = tpu.vector_load %arg11[%get3A_245, %get3A_246] {strides = array<i32>} : memref<128x128xf32, #tpu.memory_space<vmem>>, vector<16xf32>,
        %mul3A_248 = arith.mulf %get3A_247, %get3A_210 : vector<16xf32>
        %swap3A_249 = arith.index_cast %add3A_207 : i32 to index
        %swap3A_250 = arith.constant 80 : index
        %swap3A_251 = tpu.vector_load %arg11[%swap3A_249, %swap3A_250] {strides = array<i32>} : memref<128x128xf32, #tpu.memory_space<vmem>>, vector<16xf32>,
        tpu.vector_store %arg11[%swap3A_249, %swap3A_250], %mul3A_248 {strides = array<i32>} : memref<128x128xf32, #tpu.memory_space<vmem>>, vector<16xf32>,
        %get3A_252 = arith.index_cast %add3A_207 : i32 to index
        %get3A_253 = arith.constant 96 : index
        %get3A_254 = tpu.vector_load %arg11[%get3A_252, %get3A_253] {strides = array<i32>} : memref<128x128xf32, #tpu.memory_space<vmem>>, vector<16xf32>,
        %mul3A_255 = arith.mulf %get3A_254, %get3A_210 : vector<16xf32>
        %swap3A_256 = arith.index_cast %add3A_207 : i32 to index
        %swap3A_257 = arith.constant 96 : index
        %swap3A_258 = tpu.vector_load %arg11[%swap3A_256, %swap3A_257] {strides = array<i32>} : memref<128x128xf32, #tpu.memory_space<vmem>>, vector<16xf32>,
        tpu.vector_store %arg11[%swap3A_256, %swap3A_257], %mul3A_255 {strides = array<i32>} : memref<128x128xf32, #tpu.memory_space<vmem>>, vector<16xf32>,
        %get3A_259 = arith.index_cast %add3A_207 : i32 to index
        %get3A_260 = arith.constant 112 : index
        %get3A_261 = tpu.vector_load %arg11[%get3A_259, %get3A_260] {strides = array<i32>} : memref<128x128xf32, #tpu.memory_space<vmem>>, vector<16xf32>,
        %mul3A_262 = arith.mulf %get3A_261, %get3A_210 : vector<16xf32>
        %swap3A_263 = arith.index_cast %add3A_207 : i32 to index
        %swap3A_264 = arith.constant 112 : index
        %swap3A_265 = tpu.vector_load %arg11[%swap3A_263, %swap3A_264] {strides = array<i32>} : memref<128x128xf32, #tpu.memory_space<vmem>>, vector<16xf32>,
        tpu.vector_store %arg11[%swap3A_263, %swap3A_264], %mul3A_262 {strides = array<i32>} : memref<128x128xf32, #tpu.memory_space<vmem>>, vector<16xf32>,
        %mul3A_266 = arith.constant 2 : i32
        %mul3A_267 = arith.muli %scan3A_202, %mul3A_266 : i32
        %add3A_268 = arith.constant 1 : i32
        %add3A_269 = arith.addi %mul3A_267, %add3A_268 : i32
        %mul3A_270 = arith.constant 16 : i32
        %mul3A_271 = arith.muli %add3A_269, %mul3A_270 : i32
        %get3A_272 = arith.index_cast %mul3A_271 : i32 to index
        %get3A_273 = tpu.vector_load %arg9[%get3A_272] {strides = array<i32>} : memref<2048xf32, #tpu.memory_space<vmem>>, vector<16xf32>,
        %get3A_274 = arith.index_cast %add3A_269 : i32 to index
        %get3A_275 = arith.constant 0 : index
        %get3A_276 = tpu.vector_load %arg11[%get3A_274, %get3A_275] {strides = array<i32>} : memref<128x128xf32, #tpu.memory_space<vmem>>, vector<16xf32>,
        %mul3A_277 = arith.mulf %get3A_276, %get3A_273 : vector<16xf32>
        %swap3A_278 = arith.index_cast %add3A_269 : i32 to index
        %swap3A_279 = arith.constant 0 : index
        %swap3A_280 = tpu.vector_load %arg11[%swap3A_278, %swap3A_279] {strides = array<i32>} : memref<128x128xf32, #tpu.memory_space<vmem>>, vector<16xf32>,
        tpu.vector_store %arg11[%swap3A_278, %swap3A_279], %mul3A_277 {strides = array<i32>} : memref<128x128xf32, #tpu.memory_space<vmem>>, vector<16xf32>,
        %get3A_281 = arith.index_cast %add3A_269 : i32 to index
        %get3A_282 = arith.constant 16 : index
        %get3A_283 = tpu.vector_load %arg11[%get3A_281, %get3A_282] {strides = array<i32>} : memref<128x128xf32, #tpu.memory_space<vmem>>, vector<16xf32>,
        %mul3A_284 = arith.mulf %get3A_283, %get3A_273 : vector<16xf32>
        %swap3A_285 = arith.index_cast %add3A_269 : i32 to index
        %swap3A_286 = arith.constant 16 : index
        %swap3A_287 = tpu.vector_load %arg11[%swap3A_285, %swap3A_286] {strides = array<i32>} : memref<128x128xf32, #tpu.memory_space<vmem>>, vector<16xf32>,
        tpu.vector_store %arg11[%swap3A_285, %swap3A_286], %mul3A_284 {strides = array<i32>} : memref<128x128xf32, #tpu.memory_space<vmem>>, vector<16xf32>,
        %get3A_288 = arith.index_cast %add3A_269 : i32 to index
        %get3A_289 = arith.constant 32 : index
        %get3A_290 = tpu.vector_load %arg11[%get3A_288, %get3A_289] {strides = array<i32>} : memref<128x128xf32, #tpu.memory_space<vmem>>, vector<16xf32>,
        %mul3A_291 = arith.mulf %get3A_290, %get3A_273 : vector<16xf32>
        %swap3A_292 = arith.index_cast %add3A_269 : i32 to index
        %swap3A_293 = arith.constant 32 : index
        %swap3A_294 = tpu.vector_load %arg11[%swap3A_292, %swap3A_293] {strides = array<i32>} : memref<128x128xf32, #tpu.memory_space<vmem>>, vector<16xf32>,
        tpu.vector_store %arg11[%swap3A_292, %swap3A_293], %mul3A_291 {strides = array<i32>} : memref<128x128xf32, #tpu.memory_space<vmem>>, vector<16xf32>,
        %get3A_295 = arith.index_cast %add3A_269 : i32 to index
        %get3A_296 = arith.constant 48 : index
        %get3A_297 = tpu.vector_load %arg11[%get3A_295, %get3A_296] {strides = array<i32>} : memref<128x128xf32, #tpu.memory_space<vmem>>, vector<16xf32>,
        %mul3A_298 = arith.mulf %get3A_297, %get3A_273 : vector<16xf32>
        %swap3A_299 = arith.index_cast %add3A_269 : i32 to index
        %swap3A_300 = arith.constant 48 : index
        %swap3A_301 = tpu.vector_load %arg11[%swap3A_299, %swap3A_300] {strides = array<i32>} : memref<128x128xf32, #tpu.memory_space<vmem>>, vector<16xf32>,
        tpu.vector_store %arg11[%swap3A_299, %swap3A_300], %mul3A_298 {strides = array<i32>} : memref<128x128xf32, #tpu.memory_space<vmem>>, vector<16xf32>,
        %get3A_302 = arith.index_cast %add3A_269 : i32 to index
        %get3A_303 = arith.constant 64 : index
        %get3A_304 = tpu.vector_load %arg11[%get3A_302, %get3A_303] {strides = array<i32>} : memref<128x128xf32, #tpu.memory_space<vmem>>, vector<16xf32>,
        %mul3A_305 = arith.mulf %get3A_304, %get3A_273 : vector<16xf32>
        %swap3A_306 = arith.index_cast %add3A_269 : i32 to index
        %swap3A_307 = arith.constant 64 : index
        %swap3A_308 = tpu.vector_load %arg11[%swap3A_306, %swap3A_307] {strides = array<i32>} : memref<128x128xf32, #tpu.memory_space<vmem>>, vector<16xf32>,
        tpu.vector_store %arg11[%swap3A_306, %swap3A_307], %mul3A_305 {strides = array<i32>} : memref<128x128xf32, #tpu.memory_space<vmem>>, vector<16xf32>,
        %get3A_309 = arith.index_cast %add3A_269 : i32 to index
        %get3A_310 = arith.constant 80 : index
        %get3A_311 = tpu.vector_load %arg11[%get3A_309, %get3A_310] {strides = array<i32>} : memref<128x128xf32, #tpu.memory_space<vmem>>, vector<16xf32>,
        %mul3A_312 = arith.mulf %get3A_311, %get3A_273 : vector<16xf32>
        %swap3A_313 = arith.index_cast %add3A_269 : i32 to index
        %swap3A_314 = arith.constant 80 : index
        %swap3A_315 = tpu.vector_load %arg11[%swap3A_313, %swap3A_314] {strides = array<i32>} : memref<128x128xf32, #tpu.memory_space<vmem>>, vector<16xf32>,
        tpu.vector_store %arg11[%swap3A_313, %swap3A_314], %mul3A_312 {strides = array<i32>} : memref<128x128xf32, #tpu.memory_space<vmem>>, vector<16xf32>,
        %get3A_316 = arith.index_cast %add3A_269 : i32 to index
        %get3A_317 = arith.constant 96 : index
        %get3A_318 = tpu.vector_load %arg11[%get3A_316, %get3A_317] {strides = array<i32>} : memref<128x128xf32, #tpu.memory_space<vmem>>, vector<16xf32>,
        %mul3A_319 = arith.mulf %get3A_318, %get3A_273 : vector<16xf32>
        %swap3A_320 = arith.index_cast %add3A_269 : i32 to index
        %swap3A_321 = arith.constant 96 : index
        %swap3A_322 = tpu.vector_load %arg11[%swap3A_320, %swap3A_321] {strides = array<i32>} : memref<128x128xf32, #tpu.memory_space<vmem>>, vector<16xf32>,
        tpu.vector_store %arg11[%swap3A_320, %swap3A_321], %mul3A_319 {strides = array<i32>} : memref<128x128xf32, #tpu.memory_space<vmem>>, vector<16xf32>,
        %get3A_323 = arith.index_cast %add3A_269 : i32 to index
        %get3A_324 = arith.constant 112 : index
        %get3A_325 = tpu.vector_load %arg11[%get3A_323, %get3A_324] {strides = array<i32>} : memref<128x128xf32, #tpu.memory_space<vmem>>, vector<16xf32>,
        %mul3A_326 = arith.mulf %get3A_325, %get3A_273 : vector<16xf32>
        %swap3A_327 = arith.index_cast %add3A_269 : i32 to index
        %swap3A_328 = arith.constant 112 : index
        %swap3A_329 = tpu.vector_load %arg11[%swap3A_327, %swap3A_328] {strides = array<i32>} : memref<128x128xf32, #tpu.memory_space<vmem>>, vector<16xf32>,
        tpu.vector_store %arg11[%swap3A_327, %swap3A_328], %mul3A_326 {strides = array<i32>} : memref<128x128xf32, #tpu.memory_space<vmem>>, vector<16xf32>,
        %scan3A_330 = arith.constant 0 : i32
        scf.yield %scan3A_330 : i32
      }
      %scan3A_179 = arith.constant 64 : i32
      %dma_start3A_180 = arith.constant 1 : i32
      %dma_start3A_181 = arith.constant 0 : i32
      %dma_start3A_182 = tpu.memref_slice %arg7[%dma_start3A_180, %dma_start3A_181] : memref<2x128xi32, #tpu.memory_space<vmem>> -> memref<1x128xi32, #tpu.memory_space<vmem>>
      %dma_start3A_183 = tpu.memref_squeeze %dma_start3A_182 : memref<1x128xi32, #tpu.memory_space<vmem>> -> memref<128xi32, #tpu.memory_space<vmem>>
      %dma_start3A_184 = arith.constant 0 : i32
      %dma_start3A_185 = arith.constant 0 : i32
      %dma_start3A_186 = tpu.memref_slice %arg12[%dma_start3A_184, %dma_start3A_185] : memref<10240x128xf32, #tpu.memory_space<vmem_shared>> -> memref<10240x128xf32, #tpu.memory_space<vmem_shared>>
      tpu.enqueue_indirect_dma source(%arg11 : memref<128x128xf32, #tpu.memory_space<vmem>>) target(%dma_start3A_186 : memref<10240x128xf32, #tpu.memory_space<vmem_shared>>) offsets(%dma_start3A_183 : memref<128xi32, #tpu.memory_space<vmem>>) semaphore(%arg18 : memref<!tpu.dma_semaphore, #tpu.memory_space<semaphore_mem>>) {add = true}
      %dma_wait3A_187 = arith.constant 1 : i32
      %dma_wait3A_188 = arith.constant 0 : i32
      %dma_wait3A_189 = tpu.memref_slice %arg6[%dma_wait3A_187, %dma_wait3A_188] : memref<2x128xi32, #tpu.memory_space<vmem>> -> memref<1x128xi32, #tpu.memory_space<vmem>>
      %dma_wait3A_190 = tpu.memref_squeeze %dma_wait3A_189 : memref<1x128xi32, #tpu.memory_space<vmem>> -> memref<128xi32, #tpu.memory_space<vmem>>
      %dma_wait3A_191 = arith.constant 0 : i32
      %dma_wait3A_192 = arith.constant 0 : i32
      %dma_wait3A_193 = tpu.memref_slice %arg12[%dma_wait3A_191, %dma_wait3A_192] : memref<10240x128xf32, #tpu.memory_space<vmem_shared>> -> memref<10240x128xf32, #tpu.memory_space<vmem_shared>>
      tpu.wait_indirect_dma semaphore(%arg17 : memref<!tpu.dma_semaphore, #tpu.memory_space<semaphore_mem>>) src(%arg10 : memref<128x128xf32, #tpu.memory_space<vmem>>) dst(%dma_wait3A_193 : memref<10240x128xf32, #tpu.memory_space<vmem_shared>>)
      %dma_wait3A_194 = arith.constant 1 : i32
      %dma_wait3A_195 = arith.constant 0 : i32
      %dma_wait3A_196 = tpu.memref_slice %arg7[%dma_wait3A_194, %dma_wait3A_195] : memref<2x128xi32, #tpu.memory_space<vmem>> -> memref<1x128xi32, #tpu.memory_space<vmem>>
      %dma_wait3A_197 = tpu.memref_squeeze %dma_wait3A_196 : memref<1x128xi32, #tpu.memory_space<vmem>> -> memref<128xi32, #tpu.memory_space<vmem>>
      %dma_wait3A_198 = arith.constant 0 : i32
      %dma_wait3A_199 = arith.constant 0 : i32
      %dma_wait3A_200 = tpu.memref_slice %arg12[%dma_wait3A_198, %dma_wait3A_199] : memref<10240x128xf32, #tpu.memory_space<vmem_shared>> -> memref<10240x128xf32, #tpu.memory_space<vmem_shared>>
      tpu.wait_indirect_dma semaphore(%arg18 : memref<!tpu.dma_semaphore, #tpu.memory_space<semaphore_mem>>) src(%arg11 : memref<128x128xf32, #tpu.memory_space<vmem>>) dst(%dma_wait3A_200 : memref<10240x128xf32, #tpu.memory_space<vmem_shared>>)
      %while3A_201 = arith.constant 0 : i32
      scf.yield %while3A_201 : i32
    }
    %barrier3A_64 = arith.constant 0 : index
    tpu.barrier barrier_id(%barrier3A_64)
    %mul3A_65 = arith.constant 640 : i32
    %mul3A_66 = arith.muli %arg1, %mul3A_65 : i32
    %mul3A_67 = arith.constant 640 : i32
    %mul3A_68 = arith.muli %arg1, %mul3A_67 : i32
    "tpu.region"() ({
      %run_scoped3A = tpu.sem_alloc : memref<!tpu.dma_semaphore, #tpu.memory_space<semaphore_mem>>
      %dma_start3A = arith.constant 0 : i32
      %dma_start3A_69 = tpu.memref_slice %arg5[%arg0, %mul3A_68, %dma_start3A] : memref<2x10240x128xf32, #tpu.memory_space<hbm>> -> memref<1x640x128xf32, #tpu.memory_space<hbm>>
      %dma_start3A_70 = tpu.memref_squeeze %dma_start3A_69 : memref<1x640x128xf32, #tpu.memory_space<hbm>> -> memref<640x128xf32, #tpu.memory_space<hbm>>
      %dma_start3A_71 = arith.constant 0 : i32
      %dma_start3A_72 = tpu.memref_slice %arg12[%mul3A_66, %dma_start3A_71] : memref<10240x128xf32, #tpu.memory_space<vmem_shared>> -> memref<640x128xf32, #tpu.memory_space<vmem_shared>>
      tpu.enqueue_dma source(%dma_start3A_72 : memref<640x128xf32, #tpu.memory_space<vmem_shared>>) target(%dma_start3A_70 : memref<640x128xf32, #tpu.memory_space<hbm>>) target_semaphore(%run_scoped3A : memref<!tpu.dma_semaphore, #tpu.memory_space<semaphore_mem>>)
      %dma_wait3A = arith.constant 0 : i32
      %dma_wait3A_73 = tpu.memref_slice %arg5[%arg0, %mul3A_68, %dma_wait3A] : memref<2x10240x128xf32, #tpu.memory_space<hbm>> -> memref<1x640x128xf32, #tpu.memory_space<hbm>>
      %dma_wait3A_74 = tpu.memref_squeeze %dma_wait3A_73 : memref<1x640x128xf32, #tpu.memory_space<hbm>> -> memref<640x128xf32, #tpu.memory_space<hbm>>
      %dma_wait3A_75 = arith.constant 0 : i32
      %dma_wait3A_76 = tpu.memref_slice %arg12[%mul3A_66, %dma_wait3A_75] : memref<10240x128xf32, #tpu.memory_space<vmem_shared>> -> memref<640x128xf32, #tpu.memory_space<vmem_shared>>
      tpu.wait_dma2 semaphore(%run_scoped3A : memref<!tpu.dma_semaphore, #tpu.memory_space<semaphore_mem>>) src(%dma_wait3A_76 : memref<640x128xf32, #tpu.memory_space<vmem_shared>>) dst(%dma_wait3A_74 : memref<640x128xf32, #tpu.memory_space<hbm>>)
      tpu.yield
    }) : () -> ()
    return
  }
}

#map = affine_map<(d0, d1) -> (0, 0)>
#map1 = affine_map<(d0, d1) -> (0, 0, 0)>
#map2 = affine_map<(d0, d1) -> (0)>
module attributes {stable_mosaic.version = 14 : i64} {
  func.func @_sc_agg_body(%arg0: i32, %arg1: i32, %arg2: memref<10000x128xf32, #tpu.memory_space<hbm>>, %arg3: memref<1280x2x128xi32, #tpu.memory_space<hbm>>, %arg4: memref<2621440xf32, #tpu.memory_space<hbm>>, %arg5: memref<2x10240x128xf32, #tpu.memory_space<hbm>>, %arg6: memref<2x128xi32, #tpu.memory_space<vmem>>, %arg7: memref<2x128xi32, #tpu.memory_space<vmem>>, %arg8: memref<2048xf32, #tpu.memory_space<vmem>>, %arg9: memref<2048xf32, #tpu.memory_space<vmem>>, %arg10: memref<128x128xf32, #tpu.memory_space<vmem>>, %arg11: memref<128x128xf32, #tpu.memory_space<vmem>>, %arg12: memref<10240x128xf32, #tpu.memory_space<vmem_shared>>, %arg13: memref<!tpu.dma_semaphore, #tpu.memory_space<semaphore_mem>>, %arg14: memref<!tpu.dma_semaphore, #tpu.memory_space<semaphore_mem>>, %arg15: memref<!tpu.dma_semaphore, #tpu.memory_space<semaphore_mem>>, %arg16: memref<!tpu.dma_semaphore, #tpu.memory_space<semaphore_mem>>, %arg17: memref<!tpu.dma_semaphore, #tpu.memory_space<semaphore_mem>>, %arg18: memref<!tpu.dma_semaphore, #tpu.memory_space<semaphore_mem>>) attributes {dimension_semantics = [#tpu.dimension_semantics<core_parallel>, #tpu.dimension_semantics<subcore_parallel>], iteration_bounds = array<i64: 2, 16>, scalar_prefetch = 0 : i64, scratch_operands = 13 : i64, tpu.core_type = #tpu.core_type<sc_vector_subcore>, window_params = [{transform_indices = #map}, {transform_indices = #map1}, {transform_indices = #map2}, {transform_indices = #map1}]} {
    %scan3A = arith.constant 0 : i32
    %scan3A_0 = arith.constant 0 : i32
    %scan3A_1 = arith.constant 128 : i32
    %scan3A_2 = arith.addi %scan3A_0, %scan3A_1 : i32
    %scan3A_3 = arith.constant 1 : i32
    %scan3A_4 = scf.for %scan3A_69 = %scan3A_0 to %scan3A_2 step %scan3A_3 iter_args(%scan3A_70 = %scan3A) -> (i32)  : i32 {
      %broadcast_in_dim3A = arith.constant 0.000000e+00 : f32
      %broadcast_in_dim3A_71 = vector.broadcast %broadcast_in_dim3A : f32 to vector<16xf32>
      %swap3A = arith.index_cast %scan3A_69 : i32 to index
      %swap3A_72 = arith.constant 0 : index
      %swap3A_73 = tpu.vector_load %arg10[%swap3A, %swap3A_72] {strides = array<i32>} : memref<128x128xf32, #tpu.memory_space<vmem>>, vector<16xf32>,
      tpu.vector_store %arg10[%swap3A, %swap3A_72], %broadcast_in_dim3A_71 {strides = array<i32>} : memref<128x128xf32, #tpu.memory_space<vmem>>, vector<16xf32>,
      %broadcast_in_dim3A_74 = arith.constant 0.000000e+00 : f32
      %broadcast_in_dim3A_75 = vector.broadcast %broadcast_in_dim3A_74 : f32 to vector<16xf32>
      %swap3A_76 = arith.index_cast %scan3A_69 : i32 to index
      %swap3A_77 = arith.constant 16 : index
      %swap3A_78 = tpu.vector_load %arg10[%swap3A_76, %swap3A_77] {strides = array<i32>} : memref<128x128xf32, #tpu.memory_space<vmem>>, vector<16xf32>,
      tpu.vector_store %arg10[%swap3A_76, %swap3A_77], %broadcast_in_dim3A_75 {strides = array<i32>} : memref<128x128xf32, #tpu.memory_space<vmem>>, vector<16xf32>,
      %broadcast_in_dim3A_79 = arith.constant 0.000000e+00 : f32
      %broadcast_in_dim3A_80 = vector.broadcast %broadcast_in_dim3A_79 : f32 to vector<16xf32>
      %swap3A_81 = arith.index_cast %scan3A_69 : i32 to index
      %swap3A_82 = arith.constant 32 : index
      %swap3A_83 = tpu.vector_load %arg10[%swap3A_81, %swap3A_82] {strides = array<i32>} : memref<128x128xf32, #tpu.memory_space<vmem>>, vector<16xf32>,
      tpu.vector_store %arg10[%swap3A_81, %swap3A_82], %broadcast_in_dim3A_80 {strides = array<i32>} : memref<128x128xf32, #tpu.memory_space<vmem>>, vector<16xf32>,
      %broadcast_in_dim3A_84 = arith.constant 0.000000e+00 : f32
      %broadcast_in_dim3A_85 = vector.broadcast %broadcast_in_dim3A_84 : f32 to vector<16xf32>
      %swap3A_86 = arith.index_cast %scan3A_69 : i32 to index
      %swap3A_87 = arith.constant 48 : index
      %swap3A_88 = tpu.vector_load %arg10[%swap3A_86, %swap3A_87] {strides = array<i32>} : memref<128x128xf32, #tpu.memory_space<vmem>>, vector<16xf32>,
      tpu.vector_store %arg10[%swap3A_86, %swap3A_87], %broadcast_in_dim3A_85 {strides = array<i32>} : memref<128x128xf32, #tpu.memory_space<vmem>>, vector<16xf32>,
      %broadcast_in_dim3A_89 = arith.constant 0.000000e+00 : f32
      %broadcast_in_dim3A_90 = vector.broadcast %broadcast_in_dim3A_89 : f32 to vector<16xf32>
      %swap3A_91 = arith.index_cast %scan3A_69 : i32 to index
      %swap3A_92 = arith.constant 64 : index
      %swap3A_93 = tpu.vector_load %arg10[%swap3A_91, %swap3A_92] {strides = array<i32>} : memref<128x128xf32, #tpu.memory_space<vmem>>, vector<16xf32>,
      tpu.vector_store %arg10[%swap3A_91, %swap3A_92], %broadcast_in_dim3A_90 {strides = array<i32>} : memref<128x128xf32, #tpu.memory_space<vmem>>, vector<16xf32>,
      %broadcast_in_dim3A_94 = arith.constant 0.000000e+00 : f32
      %broadcast_in_dim3A_95 = vector.broadcast %broadcast_in_dim3A_94 : f32 to vector<16xf32>
      %swap3A_96 = arith.index_cast %scan3A_69 : i32 to index
      %swap3A_97 = arith.constant 80 : index
      %swap3A_98 = tpu.vector_load %arg10[%swap3A_96, %swap3A_97] {strides = array<i32>} : memref<128x128xf32, #tpu.memory_space<vmem>>, vector<16xf32>,
      tpu.vector_store %arg10[%swap3A_96, %swap3A_97], %broadcast_in_dim3A_95 {strides = array<i32>} : memref<128x128xf32, #tpu.memory_space<vmem>>, vector<16xf32>,
      %broadcast_in_dim3A_99 = arith.constant 0.000000e+00 : f32
      %broadcast_in_dim3A_100 = vector.broadcast %broadcast_in_dim3A_99 : f32 to vector<16xf32>
      %swap3A_101 = arith.index_cast %scan3A_69 : i32 to index
      %swap3A_102 = arith.constant 96 : index
      %swap3A_103 = tpu.vector_load %arg10[%swap3A_101, %swap3A_102] {strides = array<i32>} : memref<128x128xf32, #tpu.memory_space<vmem>>, vector<16xf32>,
      tpu.vector_store %arg10[%swap3A_101, %swap3A_102], %broadcast_in_dim3A_100 {strides = array<i32>} : memref<128x128xf32, #tpu.memory_space<vmem>>, vector<16xf32>,
      %broadcast_in_dim3A_104 = arith.constant 0.000000e+00 : f32
      %broadcast_in_dim3A_105 = vector.broadcast %broadcast_in_dim3A_104 : f32 to vector<16xf32>
      %swap3A_106 = arith.index_cast %scan3A_69 : i32 to index
      %swap3A_107 = arith.constant 112 : index
      %swap3A_108 = tpu.vector_load %arg10[%swap3A_106, %swap3A_107] {strides = array<i32>} : memref<128x128xf32, #tpu.memory_space<vmem>>, vector<16xf32>,
      tpu.vector_store %arg10[%swap3A_106, %swap3A_107], %broadcast_in_dim3A_105 {strides = array<i32>} : memref<128x128xf32, #tpu.memory_space<vmem>>, vector<16xf32>,
      %scan3A_109 = arith.constant 0 : i32
      scf.yield %scan3A_109 : i32
    }
    %scan3A_5 = arith.constant 128 : i32
    %mul3A = arith.constant 640 : i32
    %mul3A_6 = arith.muli %arg1, %mul3A : i32
    %add3A = arith.constant 0 : i32
    %add3A_7 = arith.addi %mul3A_6, %add3A : i32
    "tpu.region"() ({
      %run_scoped3A = tpu.sem_alloc : memref<!tpu.dma_semaphore, #tpu.memory_space<semaphore_mem>>
      %dma_start3A = arith.constant 0 : i32
      %dma_start3A_69 = tpu.memref_slice %arg12[%add3A_7, %dma_start3A] : memref<10240x128xf32, #tpu.memory_space<vmem_shared>> -> memref<128x128xf32, #tpu.memory_space<vmem_shared>>
      %dma_start3A_70 = arith.constant 0 : i32
      %dma_start3A_71 = tpu.memref_slice %arg12[%add3A_7, %dma_start3A_70] : memref<10240x128xf32, #tpu.memory_space<vmem_shared>> -> memref<128x128xf32, #tpu.memory_space<vmem_shared>>
      tpu.enqueue_dma source(%arg10 : memref<128x128xf32, #tpu.memory_space<vmem>>) target(%dma_start3A_71 : memref<128x128xf32, #tpu.memory_space<vmem_shared>>) target_semaphore(%run_scoped3A : memref<!tpu.dma_semaphore, #tpu.memory_space<semaphore_mem>>)
      %dma_wait3A = arith.constant 0 : i32
      %dma_wait3A_72 = tpu.memref_slice %arg12[%add3A_7, %dma_wait3A] : memref<10240x128xf32, #tpu.memory_space<vmem_shared>> -> memref<128x128xf32, #tpu.memory_space<vmem_shared>>
      %dma_wait3A_73 = arith.constant 0 : i32
      %dma_wait3A_74 = tpu.memref_slice %arg12[%add3A_7, %dma_wait3A_73] : memref<10240x128xf32, #tpu.memory_space<vmem_shared>> -> memref<128x128xf32, #tpu.memory_space<vmem_shared>>
      tpu.wait_dma2 semaphore(%run_scoped3A : memref<!tpu.dma_semaphore, #tpu.memory_space<semaphore_mem>>) src(%arg10 : memref<128x128xf32, #tpu.memory_space<vmem>>) dst(%dma_wait3A_74 : memref<128x128xf32, #tpu.memory_space<vmem_shared>>)
      tpu.yield
    }) : () -> ()
    %mul3A_8 = arith.constant 640 : i32
    %mul3A_9 = arith.muli %arg1, %mul3A_8 : i32
    %add3A_10 = arith.constant 128 : i32
    %add3A_11 = arith.addi %mul3A_9, %add3A_10 : i32
    "tpu.region"() ({
      %run_scoped3A = tpu.sem_alloc : memref<!tpu.dma_semaphore, #tpu.memory_space<semaphore_mem>>
      %dma_start3A = arith.constant 0 : i32
      %dma_start3A_69 = tpu.memref_slice %arg12[%add3A_11, %dma_start3A] : memref<10240x128xf32, #tpu.memory_space<vmem_shared>> -> memref<128x128xf32, #tpu.memory_space<vmem_shared>>
      %dma_start3A_70 = arith.constant 0 : i32
      %dma_start3A_71 = tpu.memref_slice %arg12[%add3A_11, %dma_start3A_70] : memref<10240x128xf32, #tpu.memory_space<vmem_shared>> -> memref<128x128xf32, #tpu.memory_space<vmem_shared>>
      tpu.enqueue_dma source(%arg10 : memref<128x128xf32, #tpu.memory_space<vmem>>) target(%dma_start3A_71 : memref<128x128xf32, #tpu.memory_space<vmem_shared>>) target_semaphore(%run_scoped3A : memref<!tpu.dma_semaphore, #tpu.memory_space<semaphore_mem>>)
      %dma_wait3A = arith.constant 0 : i32
      %dma_wait3A_72 = tpu.memref_slice %arg12[%add3A_11, %dma_wait3A] : memref<10240x128xf32, #tpu.memory_space<vmem_shared>> -> memref<128x128xf32, #tpu.memory_space<vmem_shared>>
      %dma_wait3A_73 = arith.constant 0 : i32
      %dma_wait3A_74 = tpu.memref_slice %arg12[%add3A_11, %dma_wait3A_73] : memref<10240x128xf32, #tpu.memory_space<vmem_shared>> -> memref<128x128xf32, #tpu.memory_space<vmem_shared>>
      tpu.wait_dma2 semaphore(%run_scoped3A : memref<!tpu.dma_semaphore, #tpu.memory_space<semaphore_mem>>) src(%arg10 : memref<128x128xf32, #tpu.memory_space<vmem>>) dst(%dma_wait3A_74 : memref<128x128xf32, #tpu.memory_space<vmem_shared>>)
      tpu.yield
    }) : () -> ()
    %mul3A_12 = arith.constant 640 : i32
    %mul3A_13 = arith.muli %arg1, %mul3A_12 : i32
    %add3A_14 = arith.constant 256 : i32
    %add3A_15 = arith.addi %mul3A_13, %add3A_14 : i32
    "tpu.region"() ({
      %run_scoped3A = tpu.sem_alloc : memref<!tpu.dma_semaphore, #tpu.memory_space<semaphore_mem>>
      %dma_start3A = arith.constant 0 : i32
      %dma_start3A_69 = tpu.memref_slice %arg12[%add3A_15, %dma_start3A] : memref<10240x128xf32, #tpu.memory_space<vmem_shared>> -> memref<128x128xf32, #tpu.memory_space<vmem_shared>>
      %dma_start3A_70 = arith.constant 0 : i32
      %dma_start3A_71 = tpu.memref_slice %arg12[%add3A_15, %dma_start3A_70] : memref<10240x128xf32, #tpu.memory_space<vmem_shared>> -> memref<128x128xf32, #tpu.memory_space<vmem_shared>>
      tpu.enqueue_dma source(%arg10 : memref<128x128xf32, #tpu.memory_space<vmem>>) target(%dma_start3A_71 : memref<128x128xf32, #tpu.memory_space<vmem_shared>>) target_semaphore(%run_scoped3A : memref<!tpu.dma_semaphore, #tpu.memory_space<semaphore_mem>>)
      %dma_wait3A = arith.constant 0 : i32
      %dma_wait3A_72 = tpu.memref_slice %arg12[%add3A_15, %dma_wait3A] : memref<10240x128xf32, #tpu.memory_space<vmem_shared>> -> memref<128x128xf32, #tpu.memory_space<vmem_shared>>
      %dma_wait3A_73 = arith.constant 0 : i32
      %dma_wait3A_74 = tpu.memref_slice %arg12[%add3A_15, %dma_wait3A_73] : memref<10240x128xf32, #tpu.memory_space<vmem_shared>> -> memref<128x128xf32, #tpu.memory_space<vmem_shared>>
      tpu.wait_dma2 semaphore(%run_scoped3A : memref<!tpu.dma_semaphore, #tpu.memory_space<semaphore_mem>>) src(%arg10 : memref<128x128xf32, #tpu.memory_space<vmem>>) dst(%dma_wait3A_74 : memref<128x128xf32, #tpu.memory_space<vmem_shared>>)
      tpu.yield
    }) : () -> ()
    %mul3A_16 = arith.constant 640 : i32
    %mul3A_17 = arith.muli %arg1, %mul3A_16 : i32
    %add3A_18 = arith.constant 384 : i32
    %add3A_19 = arith.addi %mul3A_17, %add3A_18 : i32
    "tpu.region"() ({
      %run_scoped3A = tpu.sem_alloc : memref<!tpu.dma_semaphore, #tpu.memory_space<semaphore_mem>>
      %dma_start3A = arith.constant 0 : i32
      %dma_start3A_69 = tpu.memref_slice %arg12[%add3A_19, %dma_start3A] : memref<10240x128xf32, #tpu.memory_space<vmem_shared>> -> memref<128x128xf32, #tpu.memory_space<vmem_shared>>
      %dma_start3A_70 = arith.constant 0 : i32
      %dma_start3A_71 = tpu.memref_slice %arg12[%add3A_19, %dma_start3A_70] : memref<10240x128xf32, #tpu.memory_space<vmem_shared>> -> memref<128x128xf32, #tpu.memory_space<vmem_shared>>
      tpu.enqueue_dma source(%arg10 : memref<128x128xf32, #tpu.memory_space<vmem>>) target(%dma_start3A_71 : memref<128x128xf32, #tpu.memory_space<vmem_shared>>) target_semaphore(%run_scoped3A : memref<!tpu.dma_semaphore, #tpu.memory_space<semaphore_mem>>)
      %dma_wait3A = arith.constant 0 : i32
      %dma_wait3A_72 = tpu.memref_slice %arg12[%add3A_19, %dma_wait3A] : memref<10240x128xf32, #tpu.memory_space<vmem_shared>> -> memref<128x128xf32, #tpu.memory_space<vmem_shared>>
      %dma_wait3A_73 = arith.constant 0 : i32
      %dma_wait3A_74 = tpu.memref_slice %arg12[%add3A_19, %dma_wait3A_73] : memref<10240x128xf32, #tpu.memory_space<vmem_shared>> -> memref<128x128xf32, #tpu.memory_space<vmem_shared>>
      tpu.wait_dma2 semaphore(%run_scoped3A : memref<!tpu.dma_semaphore, #tpu.memory_space<semaphore_mem>>) src(%arg10 : memref<128x128xf32, #tpu.memory_space<vmem>>) dst(%dma_wait3A_74 : memref<128x128xf32, #tpu.memory_space<vmem_shared>>)
      tpu.yield
    }) : () -> ()
    %mul3A_20 = arith.constant 640 : i32
    %mul3A_21 = arith.muli %arg1, %mul3A_20 : i32
    %add3A_22 = arith.constant 512 : i32
    %add3A_23 = arith.addi %mul3A_21, %add3A_22 : i32
    "tpu.region"() ({
      %run_scoped3A = tpu.sem_alloc : memref<!tpu.dma_semaphore, #tpu.memory_space<semaphore_mem>>
      %dma_start3A = arith.constant 0 : i32
      %dma_start3A_69 = tpu.memref_slice %arg12[%add3A_23, %dma_start3A] : memref<10240x128xf32, #tpu.memory_space<vmem_shared>> -> memref<128x128xf32, #tpu.memory_space<vmem_shared>>
      %dma_start3A_70 = arith.constant 0 : i32
      %dma_start3A_71 = tpu.memref_slice %arg12[%add3A_23, %dma_start3A_70] : memref<10240x128xf32, #tpu.memory_space<vmem_shared>> -> memref<128x128xf32, #tpu.memory_space<vmem_shared>>
      tpu.enqueue_dma source(%arg10 : memref<128x128xf32, #tpu.memory_space<vmem>>) target(%dma_start3A_71 : memref<128x128xf32, #tpu.memory_space<vmem_shared>>) target_semaphore(%run_scoped3A : memref<!tpu.dma_semaphore, #tpu.memory_space<semaphore_mem>>)
      %dma_wait3A = arith.constant 0 : i32
      %dma_wait3A_72 = tpu.memref_slice %arg12[%add3A_23, %dma_wait3A] : memref<10240x128xf32, #tpu.memory_space<vmem_shared>> -> memref<128x128xf32, #tpu.memory_space<vmem_shared>>
      %dma_wait3A_73 = arith.constant 0 : i32
      %dma_wait3A_74 = tpu.memref_slice %arg12[%add3A_23, %dma_wait3A_73] : memref<10240x128xf32, #tpu.memory_space<vmem_shared>> -> memref<128x128xf32, #tpu.memory_space<vmem_shared>>
      tpu.wait_dma2 semaphore(%run_scoped3A : memref<!tpu.dma_semaphore, #tpu.memory_space<semaphore_mem>>) src(%arg10 : memref<128x128xf32, #tpu.memory_space<vmem>>) dst(%dma_wait3A_74 : memref<128x128xf32, #tpu.memory_space<vmem_shared>>)
      tpu.yield
    }) : () -> ()
    %barrier3A = arith.constant 0 : index
    tpu.barrier barrier_id(%barrier3A)
    %eq3A = arith.constant 0 : i32
    %eq3A_24 = arith.cmpi eq, %arg0, %eq3A : i32
    %jit3A = arith.constant 70 : i32
    %jit3A_25 = arith.constant 10 : i32
    %select_n3A = arith.select %eq3A_24, %jit3A, %jit3A_25 : i32
    %eq3A_26 = arith.constant 0 : i32
    %eq3A_27 = arith.cmpi eq, %arg0, %eq3A_26 : i32
    %mul3A_28 = arith.constant 70 : i32
    %mul3A_29 = arith.muli %arg1, %mul3A_28 : i32
    %mul3A_30 = arith.constant 10 : i32
    %mul3A_31 = arith.muli %arg1, %mul3A_30 : i32
    %add3A_32 = arith.constant 1120 : i32
    %add3A_33 = arith.addi %add3A_32, %mul3A_31 : i32
    %select_n3A_34 = arith.select %eq3A_27, %mul3A_29, %add3A_33 : i32
    %jit3A_35 = arith.constant 2 : i32
    %div3A = arith.divsi %select_n3A, %jit3A_35 : i32
    %sign3A = arith.constant 0 : i32
    %sign3A_36 = arith.cmpi sgt, %select_n3A, %sign3A : i32
    %sign3A_37 = arith.extui %sign3A_36 : i1 to i32
    %sign3A_38 = arith.constant 0 : i32
    %sign3A_39 = arith.cmpi slt, %select_n3A, %sign3A_38 : i32
    %sign3A_40 = arith.extui %sign3A_39 : i1 to i32
    %sign3A_41 = arith.subi %sign3A_37, %sign3A_40 : i32
    %sign3A_42 = arith.constant 0 : i32
    %sign3A_43 = arith.cmpi sgt, %jit3A_35, %sign3A_42 : i32
    %sign3A_44 = arith.extui %sign3A_43 : i1 to i32
    %sign3A_45 = arith.constant 0 : i32
    %sign3A_46 = arith.cmpi slt, %jit3A_35, %sign3A_45 : i32
    %sign3A_47 = arith.extui %sign3A_46 : i1 to i32
    %sign3A_48 = arith.subi %sign3A_44, %sign3A_47 : i32
    %ne3A = arith.cmpi ne, %sign3A_41, %sign3A_48 : i32
    %rem3A = arith.remsi %select_n3A, %jit3A_35 : i32
    %ne3A_49 = arith.constant 0 : i32
    %ne3A_50 = arith.cmpi ne, %rem3A, %ne3A_49 : i32
    %and3A = arith.andi %ne3A, %ne3A_50 : i1
    %sub3A = arith.constant 1 : i32
    %sub3A_51 = arith.subi %div3A, %sub3A : i32
    %select_n3A_52 = arith.select %and3A, %sub3A_51, %div3A : i32
    %while3A = arith.constant 0 : i32
    %while3A_53 = arith.constant 0 : i32
    %while3A_54 = arith.subi %select_n3A_52, %while3A : i32
    %while3A_55 = arith.addi %while3A, %while3A_54 : i32
    %while3A_56 = arith.constant 1 : i32
    %while3A_57 = arith.divsi %while3A_54, %while3A_56 : i32
    %while3A_58 = arith.muli %while3A_57, %while3A_56 : i32
    %while3A_59 = arith.addi %while3A, %while3A_58 : i32
    %while3A_60 = arith.constant 1 : i32
    %while3A_61 = scf.for %while3A_69 = %while3A to %while3A_59 step %while3A_60 iter_args(%while3A_70 = %while3A_53) -> (i32)  : i32 {
      %mul3A_71 = arith.constant 2 : i32
      %mul3A_72 = arith.muli %while3A_69, %mul3A_71 : i32
      %add3A_73 = arith.addi %select_n3A_34, %mul3A_72 : i32
      %add3A_74 = arith.constant 0 : i32
      %add3A_75 = arith.addi %add3A_73, %add3A_74 : i32
      %dma_start3A = arith.constant 0 : i32
      %dma_start3A_76 = arith.constant 0 : i32
      %dma_start3A_77 = tpu.memref_slice %arg3[%add3A_75, %dma_start3A, %dma_start3A_76] : memref<1280x2x128xi32, #tpu.memory_space<hbm>> -> memref<1x2x128xi32, #tpu.memory_space<hbm>>
      %dma_start3A_78 = tpu.memref_squeeze %dma_start3A_77 : memref<1x2x128xi32, #tpu.memory_space<hbm>> -> memref<2x128xi32, #tpu.memory_space<hbm>>
      %dma_start3A_79 = arith.constant 0 : i32
      %dma_start3A_80 = arith.constant 0 : i32
      %dma_start3A_81 = tpu.memref_slice %arg3[%add3A_75, %dma_start3A_79, %dma_start3A_80] : memref<1280x2x128xi32, #tpu.memory_space<hbm>> -> memref<1x2x128xi32, #tpu.memory_space<hbm>>
      %dma_start3A_82 = tpu.memref_squeeze %dma_start3A_81 : memref<1x2x128xi32, #tpu.memory_space<hbm>> -> memref<2x128xi32, #tpu.memory_space<hbm>>
      tpu.enqueue_dma source(%dma_start3A_82 : memref<2x128xi32, #tpu.memory_space<hbm>>) target(%arg6 : memref<2x128xi32, #tpu.memory_space<vmem>>) target_semaphore(%arg13 : memref<!tpu.dma_semaphore, #tpu.memory_space<semaphore_mem>>)
      %add3A_83 = arith.addi %select_n3A_34, %mul3A_72 : i32
      %add3A_84 = arith.constant 0 : i32
      %add3A_85 = arith.addi %add3A_83, %add3A_84 : i32
      %mul3A_86 = arith.constant 128 : i32
      %mul3A_87 = arith.muli %add3A_85, %mul3A_86 : i32
      %mul3A_88 = arith.constant 16 : i32
      %mul3A_89 = arith.muli %mul3A_87, %mul3A_88 : i32
      %dma_start3A_90 = tpu.memref_slice %arg4[%mul3A_89] : memref<2621440xf32, #tpu.memory_space<hbm>> -> memref<2048xf32, #tpu.memory_space<hbm>>
      %dma_start3A_91 = tpu.memref_slice %arg4[%mul3A_89] : memref<2621440xf32, #tpu.memory_space<hbm>> -> memref<2048xf32, #tpu.memory_space<hbm>>
      tpu.enqueue_dma source(%dma_start3A_91 : memref<2048xf32, #tpu.memory_space<hbm>>) target(%arg8 : memref<2048xf32, #tpu.memory_space<vmem>>) target_semaphore(%arg13 : memref<!tpu.dma_semaphore, #tpu.memory_space<semaphore_mem>>)
      %add3A_92 = arith.addi %select_n3A_34, %mul3A_72 : i32
      %add3A_93 = arith.constant 1 : i32
      %add3A_94 = arith.addi %add3A_92, %add3A_93 : i32
      %dma_start3A_95 = arith.constant 0 : i32
      %dma_start3A_96 = arith.constant 0 : i32
      %dma_start3A_97 = tpu.memref_slice %arg3[%add3A_94, %dma_start3A_95, %dma_start3A_96] : memref<1280x2x128xi32, #tpu.memory_space<hbm>> -> memref<1x2x128xi32, #tpu.memory_space<hbm>>
      %dma_start3A_98 = tpu.memref_squeeze %dma_start3A_97 : memref<1x2x128xi32, #tpu.memory_space<hbm>> -> memref<2x128xi32, #tpu.memory_space<hbm>>
      %dma_start3A_99 = arith.constant 0 : i32
      %dma_start3A_100 = arith.constant 0 : i32
      %dma_start3A_101 = tpu.memref_slice %arg3[%add3A_94, %dma_start3A_99, %dma_start3A_100] : memref<1280x2x128xi32, #tpu.memory_space<hbm>> -> memref<1x2x128xi32, #tpu.memory_space<hbm>>
      %dma_start3A_102 = tpu.memref_squeeze %dma_start3A_101 : memref<1x2x128xi32, #tpu.memory_space<hbm>> -> memref<2x128xi32, #tpu.memory_space<hbm>>
      tpu.enqueue_dma source(%dma_start3A_102 : memref<2x128xi32, #tpu.memory_space<hbm>>) target(%arg7 : memref<2x128xi32, #tpu.memory_space<vmem>>) target_semaphore(%arg14 : memref<!tpu.dma_semaphore, #tpu.memory_space<semaphore_mem>>)
      %add3A_103 = arith.addi %select_n3A_34, %mul3A_72 : i32
      %add3A_104 = arith.constant 1 : i32
      %add3A_105 = arith.addi %add3A_103, %add3A_104 : i32
      %mul3A_106 = arith.constant 128 : i32
      %mul3A_107 = arith.muli %add3A_105, %mul3A_106 : i32
      %mul3A_108 = arith.constant 16 : i32
      %mul3A_109 = arith.muli %mul3A_107, %mul3A_108 : i32
      %dma_start3A_110 = tpu.memref_slice %arg4[%mul3A_109] : memref<2621440xf32, #tpu.memory_space<hbm>> -> memref<2048xf32, #tpu.memory_space<hbm>>
      %dma_start3A_111 = tpu.memref_slice %arg4[%mul3A_109] : memref<2621440xf32, #tpu.memory_space<hbm>> -> memref<2048xf32, #tpu.memory_space<hbm>>
      tpu.enqueue_dma source(%dma_start3A_111 : memref<2048xf32, #tpu.memory_space<hbm>>) target(%arg9 : memref<2048xf32, #tpu.memory_space<vmem>>) target_semaphore(%arg14 : memref<!tpu.dma_semaphore, #tpu.memory_space<semaphore_mem>>)
      %dma_wait3A = arith.constant 0 : i32
      %dma_wait3A_112 = arith.constant 0 : i32
      %dma_wait3A_113 = tpu.memref_slice %arg3[%add3A_75, %dma_wait3A, %dma_wait3A_112] : memref<1280x2x128xi32, #tpu.memory_space<hbm>> -> memref<1x2x128xi32, #tpu.memory_space<hbm>>
      %dma_wait3A_114 = tpu.memref_squeeze %dma_wait3A_113 : memref<1x2x128xi32, #tpu.memory_space<hbm>> -> memref<2x128xi32, #tpu.memory_space<hbm>>
      %dma_wait3A_115 = arith.constant 0 : i32
      %dma_wait3A_116 = arith.constant 0 : i32
      %dma_wait3A_117 = tpu.memref_slice %arg3[%add3A_75, %dma_wait3A_115, %dma_wait3A_116] : memref<1280x2x128xi32, #tpu.memory_space<hbm>> -> memref<1x2x128xi32, #tpu.memory_space<hbm>>
      %dma_wait3A_118 = tpu.memref_squeeze %dma_wait3A_117 : memref<1x2x128xi32, #tpu.memory_space<hbm>> -> memref<2x128xi32, #tpu.memory_space<hbm>>
      tpu.wait_dma2 semaphore(%arg13 : memref<!tpu.dma_semaphore, #tpu.memory_space<semaphore_mem>>) src(%dma_wait3A_118 : memref<2x128xi32, #tpu.memory_space<hbm>>) dst(%arg6 : memref<2x128xi32, #tpu.memory_space<vmem>>)
      %dma_wait3A_119 = tpu.memref_slice %arg4[%mul3A_89] : memref<2621440xf32, #tpu.memory_space<hbm>> -> memref<2048xf32, #tpu.memory_space<hbm>>
      %dma_wait3A_120 = tpu.memref_slice %arg4[%mul3A_89] : memref<2621440xf32, #tpu.memory_space<hbm>> -> memref<2048xf32, #tpu.memory_space<hbm>>
      tpu.wait_dma2 semaphore(%arg13 : memref<!tpu.dma_semaphore, #tpu.memory_space<semaphore_mem>>) src(%dma_wait3A_120 : memref<2048xf32, #tpu.memory_space<hbm>>) dst(%arg8 : memref<2048xf32, #tpu.memory_space<vmem>>)
      %dma_start3A_121 = arith.constant 0 : i32
      %dma_start3A_122 = arith.constant 0 : i32
      %dma_start3A_123 = tpu.memref_slice %arg6[%dma_start3A_121, %dma_start3A_122] : memref<2x128xi32, #tpu.memory_space<vmem>> -> memref<1x128xi32, #tpu.memory_space<vmem>>
      %dma_start3A_124 = tpu.memref_squeeze %dma_start3A_123 : memref<1x128xi32, #tpu.memory_space<vmem>> -> memref<128xi32, #tpu.memory_space<vmem>>
      %dma_start3A_125 = arith.constant 0 : i32
      %dma_start3A_126 = arith.constant 0 : i32
      %dma_start3A_127 = tpu.memref_slice %arg2[%dma_start3A_125, %dma_start3A_126] : memref<10000x128xf32, #tpu.memory_space<hbm>> -> memref<10000x128xf32, #tpu.memory_space<hbm>>
      tpu.enqueue_indirect_dma source(%dma_start3A_127 : memref<10000x128xf32, #tpu.memory_space<hbm>>) target(%arg10 : memref<128x128xf32, #tpu.memory_space<vmem>>) offsets(%dma_start3A_124 : memref<128xi32, #tpu.memory_space<vmem>>) semaphore(%arg15 : memref<!tpu.dma_semaphore, #tpu.memory_space<semaphore_mem>>)
      %dma_wait3A_128 = arith.constant 0 : i32
      %dma_wait3A_129 = arith.constant 0 : i32
      %dma_wait3A_130 = tpu.memref_slice %arg3[%add3A_94, %dma_wait3A_128, %dma_wait3A_129] : memref<1280x2x128xi32, #tpu.memory_space<hbm>> -> memref<1x2x128xi32, #tpu.memory_space<hbm>>
      %dma_wait3A_131 = tpu.memref_squeeze %dma_wait3A_130 : memref<1x2x128xi32, #tpu.memory_space<hbm>> -> memref<2x128xi32, #tpu.memory_space<hbm>>
      %dma_wait3A_132 = arith.constant 0 : i32
      %dma_wait3A_133 = arith.constant 0 : i32
      %dma_wait3A_134 = tpu.memref_slice %arg3[%add3A_94, %dma_wait3A_132, %dma_wait3A_133] : memref<1280x2x128xi32, #tpu.memory_space<hbm>> -> memref<1x2x128xi32, #tpu.memory_space<hbm>>
      %dma_wait3A_135 = tpu.memref_squeeze %dma_wait3A_134 : memref<1x2x128xi32, #tpu.memory_space<hbm>> -> memref<2x128xi32, #tpu.memory_space<hbm>>
      tpu.wait_dma2 semaphore(%arg14 : memref<!tpu.dma_semaphore, #tpu.memory_space<semaphore_mem>>) src(%dma_wait3A_135 : memref<2x128xi32, #tpu.memory_space<hbm>>) dst(%arg7 : memref<2x128xi32, #tpu.memory_space<vmem>>)
      %dma_wait3A_136 = tpu.memref_slice %arg4[%mul3A_109] : memref<2621440xf32, #tpu.memory_space<hbm>> -> memref<2048xf32, #tpu.memory_space<hbm>>
      %dma_wait3A_137 = tpu.memref_slice %arg4[%mul3A_109] : memref<2621440xf32, #tpu.memory_space<hbm>> -> memref<2048xf32, #tpu.memory_space<hbm>>
      tpu.wait_dma2 semaphore(%arg14 : memref<!tpu.dma_semaphore, #tpu.memory_space<semaphore_mem>>) src(%dma_wait3A_137 : memref<2048xf32, #tpu.memory_space<hbm>>) dst(%arg9 : memref<2048xf32, #tpu.memory_space<vmem>>)
      %dma_start3A_138 = arith.constant 0 : i32
      %dma_start3A_139 = arith.constant 0 : i32
      %dma_start3A_140 = tpu.memref_slice %arg7[%dma_start3A_138, %dma_start3A_139] : memref<2x128xi32, #tpu.memory_space<vmem>> -> memref<1x128xi32, #tpu.memory_space<vmem>>
      %dma_start3A_141 = tpu.memref_squeeze %dma_start3A_140 : memref<1x128xi32, #tpu.memory_space<vmem>> -> memref<128xi32, #tpu.memory_space<vmem>>
      %dma_start3A_142 = arith.constant 0 : i32
      %dma_start3A_143 = arith.constant 0 : i32
      %dma_start3A_144 = tpu.memref_slice %arg2[%dma_start3A_142, %dma_start3A_143] : memref<10000x128xf32, #tpu.memory_space<hbm>> -> memref<10000x128xf32, #tpu.memory_space<hbm>>
      tpu.enqueue_indirect_dma source(%dma_start3A_144 : memref<10000x128xf32, #tpu.memory_space<hbm>>) target(%arg11 : memref<128x128xf32, #tpu.memory_space<vmem>>) offsets(%dma_start3A_141 : memref<128xi32, #tpu.memory_space<vmem>>) semaphore(%arg16 : memref<!tpu.dma_semaphore, #tpu.memory_space<semaphore_mem>>)
      %dma_wait3A_145 = arith.constant 0 : i32
      %dma_wait3A_146 = arith.constant 0 : i32
      %dma_wait3A_147 = tpu.memref_slice %arg6[%dma_wait3A_145, %dma_wait3A_146] : memref<2x128xi32, #tpu.memory_space<vmem>> -> memref<1x128xi32, #tpu.memory_space<vmem>>
      %dma_wait3A_148 = tpu.memref_squeeze %dma_wait3A_147 : memref<1x128xi32, #tpu.memory_space<vmem>> -> memref<128xi32, #tpu.memory_space<vmem>>
      %dma_wait3A_149 = arith.constant 0 : i32
      %dma_wait3A_150 = arith.constant 0 : i32
      %dma_wait3A_151 = tpu.memref_slice %arg2[%dma_wait3A_149, %dma_wait3A_150] : memref<10000x128xf32, #tpu.memory_space<hbm>> -> memref<10000x128xf32, #tpu.memory_space<hbm>>
      tpu.wait_indirect_dma semaphore(%arg15 : memref<!tpu.dma_semaphore, #tpu.memory_space<semaphore_mem>>) src(%dma_wait3A_151 : memref<10000x128xf32, #tpu.memory_space<hbm>>) dst(%arg10 : memref<128x128xf32, #tpu.memory_space<vmem>>)
      %scan3A_152 = arith.constant 0 : i32
      %scan3A_153 = arith.constant 0 : i32
      %scan3A_154 = arith.constant 64 : i32
      %scan3A_155 = arith.addi %scan3A_153, %scan3A_154 : i32
      %scan3A_156 = arith.constant 1 : i32
      %scan3A_157 = scf.for %scan3A_202 = %scan3A_153 to %scan3A_155 step %scan3A_156 iter_args(%scan3A_203 = %scan3A_152) -> (i32)  : i32 {
        %mul3A_204 = arith.constant 2 : i32
        %mul3A_205 = arith.muli %scan3A_202, %mul3A_204 : i32
        %add3A_206 = arith.constant 0 : i32
        %add3A_207 = arith.addi %mul3A_205, %add3A_206 : i32
        %mul3A_208 = arith.constant 16 : i32
        %mul3A_209 = arith.muli %add3A_207, %mul3A_208 : i32
        %get3A = arith.index_cast %mul3A_209 : i32 to index
        %get3A_210 = tpu.vector_load %arg8[%get3A] {strides = array<i32>} : memref<2048xf32, #tpu.memory_space<vmem>>, vector<16xf32>,
        %get3A_211 = arith.index_cast %add3A_207 : i32 to index
        %get3A_212 = arith.constant 0 : index
        %get3A_213 = tpu.vector_load %arg10[%get3A_211, %get3A_212] {strides = array<i32>} : memref<128x128xf32, #tpu.memory_space<vmem>>, vector<16xf32>,
        %mul3A_214 = arith.mulf %get3A_213, %get3A_210 : vector<16xf32>
        %swap3A = arith.index_cast %add3A_207 : i32 to index
        %swap3A_215 = arith.constant 0 : index
        %swap3A_216 = tpu.vector_load %arg10[%swap3A, %swap3A_215] {strides = array<i32>} : memref<128x128xf32, #tpu.memory_space<vmem>>, vector<16xf32>,
        tpu.vector_store %arg10[%swap3A, %swap3A_215], %mul3A_214 {strides = array<i32>} : memref<128x128xf32, #tpu.memory_space<vmem>>, vector<16xf32>,
        %get3A_217 = arith.index_cast %add3A_207 : i32 to index
        %get3A_218 = arith.constant 16 : index
        %get3A_219 = tpu.vector_load %arg10[%get3A_217, %get3A_218] {strides = array<i32>} : memref<128x128xf32, #tpu.memory_space<vmem>>, vector<16xf32>,
        %mul3A_220 = arith.mulf %get3A_219, %get3A_210 : vector<16xf32>
        %swap3A_221 = arith.index_cast %add3A_207 : i32 to index
        %swap3A_222 = arith.constant 16 : index
        %swap3A_223 = tpu.vector_load %arg10[%swap3A_221, %swap3A_222] {strides = array<i32>} : memref<128x128xf32, #tpu.memory_space<vmem>>, vector<16xf32>,
        tpu.vector_store %arg10[%swap3A_221, %swap3A_222], %mul3A_220 {strides = array<i32>} : memref<128x128xf32, #tpu.memory_space<vmem>>, vector<16xf32>,
        %get3A_224 = arith.index_cast %add3A_207 : i32 to index
        %get3A_225 = arith.constant 32 : index
        %get3A_226 = tpu.vector_load %arg10[%get3A_224, %get3A_225] {strides = array<i32>} : memref<128x128xf32, #tpu.memory_space<vmem>>, vector<16xf32>,
        %mul3A_227 = arith.mulf %get3A_226, %get3A_210 : vector<16xf32>
        %swap3A_228 = arith.index_cast %add3A_207 : i32 to index
        %swap3A_229 = arith.constant 32 : index
        %swap3A_230 = tpu.vector_load %arg10[%swap3A_228, %swap3A_229] {strides = array<i32>} : memref<128x128xf32, #tpu.memory_space<vmem>>, vector<16xf32>,
        tpu.vector_store %arg10[%swap3A_228, %swap3A_229], %mul3A_227 {strides = array<i32>} : memref<128x128xf32, #tpu.memory_space<vmem>>, vector<16xf32>,
        %get3A_231 = arith.index_cast %add3A_207 : i32 to index
        %get3A_232 = arith.constant 48 : index
        %get3A_233 = tpu.vector_load %arg10[%get3A_231, %get3A_232] {strides = array<i32>} : memref<128x128xf32, #tpu.memory_space<vmem>>, vector<16xf32>,
        %mul3A_234 = arith.mulf %get3A_233, %get3A_210 : vector<16xf32>
        %swap3A_235 = arith.index_cast %add3A_207 : i32 to index
        %swap3A_236 = arith.constant 48 : index
        %swap3A_237 = tpu.vector_load %arg10[%swap3A_235, %swap3A_236] {strides = array<i32>} : memref<128x128xf32, #tpu.memory_space<vmem>>, vector<16xf32>,
        tpu.vector_store %arg10[%swap3A_235, %swap3A_236], %mul3A_234 {strides = array<i32>} : memref<128x128xf32, #tpu.memory_space<vmem>>, vector<16xf32>,
        %get3A_238 = arith.index_cast %add3A_207 : i32 to index
        %get3A_239 = arith.constant 64 : index
        %get3A_240 = tpu.vector_load %arg10[%get3A_238, %get3A_239] {strides = array<i32>} : memref<128x128xf32, #tpu.memory_space<vmem>>, vector<16xf32>,
        %mul3A_241 = arith.mulf %get3A_240, %get3A_210 : vector<16xf32>
        %swap3A_242 = arith.index_cast %add3A_207 : i32 to index
        %swap3A_243 = arith.constant 64 : index
        %swap3A_244 = tpu.vector_load %arg10[%swap3A_242, %swap3A_243] {strides = array<i32>} : memref<128x128xf32, #tpu.memory_space<vmem>>, vector<16xf32>,
        tpu.vector_store %arg10[%swap3A_242, %swap3A_243], %mul3A_241 {strides = array<i32>} : memref<128x128xf32, #tpu.memory_space<vmem>>, vector<16xf32>,
        %get3A_245 = arith.index_cast %add3A_207 : i32 to index
        %get3A_246 = arith.constant 80 : index
        %get3A_247 = tpu.vector_load %arg10[%get3A_245, %get3A_246] {strides = array<i32>} : memref<128x128xf32, #tpu.memory_space<vmem>>, vector<16xf32>,
        %mul3A_248 = arith.mulf %get3A_247, %get3A_210 : vector<16xf32>
        %swap3A_249 = arith.index_cast %add3A_207 : i32 to index
        %swap3A_250 = arith.constant 80 : index
        %swap3A_251 = tpu.vector_load %arg10[%swap3A_249, %swap3A_250] {strides = array<i32>} : memref<128x128xf32, #tpu.memory_space<vmem>>, vector<16xf32>,
        tpu.vector_store %arg10[%swap3A_249, %swap3A_250], %mul3A_248 {strides = array<i32>} : memref<128x128xf32, #tpu.memory_space<vmem>>, vector<16xf32>,
        %get3A_252 = arith.index_cast %add3A_207 : i32 to index
        %get3A_253 = arith.constant 96 : index
        %get3A_254 = tpu.vector_load %arg10[%get3A_252, %get3A_253] {strides = array<i32>} : memref<128x128xf32, #tpu.memory_space<vmem>>, vector<16xf32>,
        %mul3A_255 = arith.mulf %get3A_254, %get3A_210 : vector<16xf32>
        %swap3A_256 = arith.index_cast %add3A_207 : i32 to index
        %swap3A_257 = arith.constant 96 : index
        %swap3A_258 = tpu.vector_load %arg10[%swap3A_256, %swap3A_257] {strides = array<i32>} : memref<128x128xf32, #tpu.memory_space<vmem>>, vector<16xf32>,
        tpu.vector_store %arg10[%swap3A_256, %swap3A_257], %mul3A_255 {strides = array<i32>} : memref<128x128xf32, #tpu.memory_space<vmem>>, vector<16xf32>,
        %get3A_259 = arith.index_cast %add3A_207 : i32 to index
        %get3A_260 = arith.constant 112 : index
        %get3A_261 = tpu.vector_load %arg10[%get3A_259, %get3A_260] {strides = array<i32>} : memref<128x128xf32, #tpu.memory_space<vmem>>, vector<16xf32>,
        %mul3A_262 = arith.mulf %get3A_261, %get3A_210 : vector<16xf32>
        %swap3A_263 = arith.index_cast %add3A_207 : i32 to index
        %swap3A_264 = arith.constant 112 : index
        %swap3A_265 = tpu.vector_load %arg10[%swap3A_263, %swap3A_264] {strides = array<i32>} : memref<128x128xf32, #tpu.memory_space<vmem>>, vector<16xf32>,
        tpu.vector_store %arg10[%swap3A_263, %swap3A_264], %mul3A_262 {strides = array<i32>} : memref<128x128xf32, #tpu.memory_space<vmem>>, vector<16xf32>,
        %mul3A_266 = arith.constant 2 : i32
        %mul3A_267 = arith.muli %scan3A_202, %mul3A_266 : i32
        %add3A_268 = arith.constant 1 : i32
        %add3A_269 = arith.addi %mul3A_267, %add3A_268 : i32
        %mul3A_270 = arith.constant 16 : i32
        %mul3A_271 = arith.muli %add3A_269, %mul3A_270 : i32
        %get3A_272 = arith.index_cast %mul3A_271 : i32 to index
        %get3A_273 = tpu.vector_load %arg8[%get3A_272] {strides = array<i32>} : memref<2048xf32, #tpu.memory_space<vmem>>, vector<16xf32>,
        %get3A_274 = arith.index_cast %add3A_269 : i32 to index
        %get3A_275 = arith.constant 0 : index
        %get3A_276 = tpu.vector_load %arg10[%get3A_274, %get3A_275] {strides = array<i32>} : memref<128x128xf32, #tpu.memory_space<vmem>>, vector<16xf32>,
        %mul3A_277 = arith.mulf %get3A_276, %get3A_273 : vector<16xf32>
        %swap3A_278 = arith.index_cast %add3A_269 : i32 to index
        %swap3A_279 = arith.constant 0 : index
        %swap3A_280 = tpu.vector_load %arg10[%swap3A_278, %swap3A_279] {strides = array<i32>} : memref<128x128xf32, #tpu.memory_space<vmem>>, vector<16xf32>,
        tpu.vector_store %arg10[%swap3A_278, %swap3A_279], %mul3A_277 {strides = array<i32>} : memref<128x128xf32, #tpu.memory_space<vmem>>, vector<16xf32>,
        %get3A_281 = arith.index_cast %add3A_269 : i32 to index
        %get3A_282 = arith.constant 16 : index
        %get3A_283 = tpu.vector_load %arg10[%get3A_281, %get3A_282] {strides = array<i32>} : memref<128x128xf32, #tpu.memory_space<vmem>>, vector<16xf32>,
        %mul3A_284 = arith.mulf %get3A_283, %get3A_273 : vector<16xf32>
        %swap3A_285 = arith.index_cast %add3A_269 : i32 to index
        %swap3A_286 = arith.constant 16 : index
        %swap3A_287 = tpu.vector_load %arg10[%swap3A_285, %swap3A_286] {strides = array<i32>} : memref<128x128xf32, #tpu.memory_space<vmem>>, vector<16xf32>,
        tpu.vector_store %arg10[%swap3A_285, %swap3A_286], %mul3A_284 {strides = array<i32>} : memref<128x128xf32, #tpu.memory_space<vmem>>, vector<16xf32>,
        %get3A_288 = arith.index_cast %add3A_269 : i32 to index
        %get3A_289 = arith.constant 32 : index
        %get3A_290 = tpu.vector_load %arg10[%get3A_288, %get3A_289] {strides = array<i32>} : memref<128x128xf32, #tpu.memory_space<vmem>>, vector<16xf32>,
        %mul3A_291 = arith.mulf %get3A_290, %get3A_273 : vector<16xf32>
        %swap3A_292 = arith.index_cast %add3A_269 : i32 to index
        %swap3A_293 = arith.constant 32 : index
        %swap3A_294 = tpu.vector_load %arg10[%swap3A_292, %swap3A_293] {strides = array<i32>} : memref<128x128xf32, #tpu.memory_space<vmem>>, vector<16xf32>,
        tpu.vector_store %arg10[%swap3A_292, %swap3A_293], %mul3A_291 {strides = array<i32>} : memref<128x128xf32, #tpu.memory_space<vmem>>, vector<16xf32>,
        %get3A_295 = arith.index_cast %add3A_269 : i32 to index
        %get3A_296 = arith.constant 48 : index
        %get3A_297 = tpu.vector_load %arg10[%get3A_295, %get3A_296] {strides = array<i32>} : memref<128x128xf32, #tpu.memory_space<vmem>>, vector<16xf32>,
        %mul3A_298 = arith.mulf %get3A_297, %get3A_273 : vector<16xf32>
        %swap3A_299 = arith.index_cast %add3A_269 : i32 to index
        %swap3A_300 = arith.constant 48 : index
        %swap3A_301 = tpu.vector_load %arg10[%swap3A_299, %swap3A_300] {strides = array<i32>} : memref<128x128xf32, #tpu.memory_space<vmem>>, vector<16xf32>,
        tpu.vector_store %arg10[%swap3A_299, %swap3A_300], %mul3A_298 {strides = array<i32>} : memref<128x128xf32, #tpu.memory_space<vmem>>, vector<16xf32>,
        %get3A_302 = arith.index_cast %add3A_269 : i32 to index
        %get3A_303 = arith.constant 64 : index
        %get3A_304 = tpu.vector_load %arg10[%get3A_302, %get3A_303] {strides = array<i32>} : memref<128x128xf32, #tpu.memory_space<vmem>>, vector<16xf32>,
        %mul3A_305 = arith.mulf %get3A_304, %get3A_273 : vector<16xf32>
        %swap3A_306 = arith.index_cast %add3A_269 : i32 to index
        %swap3A_307 = arith.constant 64 : index
        %swap3A_308 = tpu.vector_load %arg10[%swap3A_306, %swap3A_307] {strides = array<i32>} : memref<128x128xf32, #tpu.memory_space<vmem>>, vector<16xf32>,
        tpu.vector_store %arg10[%swap3A_306, %swap3A_307], %mul3A_305 {strides = array<i32>} : memref<128x128xf32, #tpu.memory_space<vmem>>, vector<16xf32>,
        %get3A_309 = arith.index_cast %add3A_269 : i32 to index
        %get3A_310 = arith.constant 80 : index
        %get3A_311 = tpu.vector_load %arg10[%get3A_309, %get3A_310] {strides = array<i32>} : memref<128x128xf32, #tpu.memory_space<vmem>>, vector<16xf32>,
        %mul3A_312 = arith.mulf %get3A_311, %get3A_273 : vector<16xf32>
        %swap3A_313 = arith.index_cast %add3A_269 : i32 to index
        %swap3A_314 = arith.constant 80 : index
        %swap3A_315 = tpu.vector_load %arg10[%swap3A_313, %swap3A_314] {strides = array<i32>} : memref<128x128xf32, #tpu.memory_space<vmem>>, vector<16xf32>,
        tpu.vector_store %arg10[%swap3A_313, %swap3A_314], %mul3A_312 {strides = array<i32>} : memref<128x128xf32, #tpu.memory_space<vmem>>, vector<16xf32>,
        %get3A_316 = arith.index_cast %add3A_269 : i32 to index
        %get3A_317 = arith.constant 96 : index
        %get3A_318 = tpu.vector_load %arg10[%get3A_316, %get3A_317] {strides = array<i32>} : memref<128x128xf32, #tpu.memory_space<vmem>>, vector<16xf32>,
        %mul3A_319 = arith.mulf %get3A_318, %get3A_273 : vector<16xf32>
        %swap3A_320 = arith.index_cast %add3A_269 : i32 to index
        %swap3A_321 = arith.constant 96 : index
        %swap3A_322 = tpu.vector_load %arg10[%swap3A_320, %swap3A_321] {strides = array<i32>} : memref<128x128xf32, #tpu.memory_space<vmem>>, vector<16xf32>,
        tpu.vector_store %arg10[%swap3A_320, %swap3A_321], %mul3A_319 {strides = array<i32>} : memref<128x128xf32, #tpu.memory_space<vmem>>, vector<16xf32>,
        %get3A_323 = arith.index_cast %add3A_269 : i32 to index
        %get3A_324 = arith.constant 112 : index
        %get3A_325 = tpu.vector_load %arg10[%get3A_323, %get3A_324] {strides = array<i32>} : memref<128x128xf32, #tpu.memory_space<vmem>>, vector<16xf32>,
        %mul3A_326 = arith.mulf %get3A_325, %get3A_273 : vector<16xf32>
        %swap3A_327 = arith.index_cast %add3A_269 : i32 to index
        %swap3A_328 = arith.constant 112 : index
        %swap3A_329 = tpu.vector_load %arg10[%swap3A_327, %swap3A_328] {strides = array<i32>} : memref<128x128xf32, #tpu.memory_space<vmem>>, vector<16xf32>,
        tpu.vector_store %arg10[%swap3A_327, %swap3A_328], %mul3A_326 {strides = array<i32>} : memref<128x128xf32, #tpu.memory_space<vmem>>, vector<16xf32>,
        %scan3A_330 = arith.constant 0 : i32
        scf.yield %scan3A_330 : i32
      }
      %scan3A_158 = arith.constant 64 : i32
      %dma_start3A_159 = arith.constant 1 : i32
      %dma_start3A_160 = arith.constant 0 : i32
      %dma_start3A_161 = tpu.memref_slice %arg6[%dma_start3A_159, %dma_start3A_160] : memref<2x128xi32, #tpu.memory_space<vmem>> -> memref<1x128xi32, #tpu.memory_space<vmem>>
      %dma_start3A_162 = tpu.memref_squeeze %dma_start3A_161 : memref<1x128xi32, #tpu.memory_space<vmem>> -> memref<128xi32, #tpu.memory_space<vmem>>
      %dma_start3A_163 = arith.constant 0 : i32
      %dma_start3A_164 = arith.constant 0 : i32
      %dma_start3A_165 = tpu.memref_slice %arg12[%dma_start3A_163, %dma_start3A_164] : memref<10240x128xf32, #tpu.memory_space<vmem_shared>> -> memref<10240x128xf32, #tpu.memory_space<vmem_shared>>
      tpu.enqueue_indirect_dma source(%arg10 : memref<128x128xf32, #tpu.memory_space<vmem>>) target(%dma_start3A_165 : memref<10240x128xf32, #tpu.memory_space<vmem_shared>>) offsets(%dma_start3A_162 : memref<128xi32, #tpu.memory_space<vmem>>) semaphore(%arg17 : memref<!tpu.dma_semaphore, #tpu.memory_space<semaphore_mem>>) {add = true}
      %dma_wait3A_166 = arith.constant 0 : i32
      %dma_wait3A_167 = arith.constant 0 : i32
      %dma_wait3A_168 = tpu.memref_slice %arg7[%dma_wait3A_166, %dma_wait3A_167] : memref<2x128xi32, #tpu.memory_space<vmem>> -> memref<1x128xi32, #tpu.memory_space<vmem>>
      %dma_wait3A_169 = tpu.memref_squeeze %dma_wait3A_168 : memref<1x128xi32, #tpu.memory_space<vmem>> -> memref<128xi32, #tpu.memory_space<vmem>>
      %dma_wait3A_170 = arith.constant 0 : i32
      %dma_wait3A_171 = arith.constant 0 : i32
      %dma_wait3A_172 = tpu.memref_slice %arg2[%dma_wait3A_170, %dma_wait3A_171] : memref<10000x128xf32, #tpu.memory_space<hbm>> -> memref<10000x128xf32, #tpu.memory_space<hbm>>
      tpu.wait_indirect_dma semaphore(%arg16 : memref<!tpu.dma_semaphore, #tpu.memory_space<semaphore_mem>>) src(%dma_wait3A_172 : memref<10000x128xf32, #tpu.memory_space<hbm>>) dst(%arg11 : memref<128x128xf32, #tpu.memory_space<vmem>>)
      %scan3A_173 = arith.constant 0 : i32
      %scan3A_174 = arith.constant 0 : i32
      %scan3A_175 = arith.constant 64 : i32
      %scan3A_176 = arith.addi %scan3A_174, %scan3A_175 : i32
      %scan3A_177 = arith.constant 1 : i32
      %scan3A_178 = scf.for %scan3A_202 = %scan3A_174 to %scan3A_176 step %scan3A_177 iter_args(%scan3A_203 = %scan3A_173) -> (i32)  : i32 {
        %mul3A_204 = arith.constant 2 : i32
        %mul3A_205 = arith.muli %scan3A_202, %mul3A_204 : i32
        %add3A_206 = arith.constant 0 : i32
        %add3A_207 = arith.addi %mul3A_205, %add3A_206 : i32
        %mul3A_208 = arith.constant 16 : i32
        %mul3A_209 = arith.muli %add3A_207, %mul3A_208 : i32
        %get3A = arith.index_cast %mul3A_209 : i32 to index
        %get3A_210 = tpu.vector_load %arg9[%get3A] {strides = array<i32>} : memref<2048xf32, #tpu.memory_space<vmem>>, vector<16xf32>,
        %get3A_211 = arith.index_cast %add3A_207 : i32 to index
        %get3A_212 = arith.constant 0 : index
        %get3A_213 = tpu.vector_load %arg11[%get3A_211, %get3A_212] {strides = array<i32>} : memref<128x128xf32, #tpu.memory_space<vmem>>, vector<16xf32>,
        %mul3A_214 = arith.mulf %get3A_213, %get3A_210 : vector<16xf32>
        %swap3A = arith.index_cast %add3A_207 : i32 to index
        %swap3A_215 = arith.constant 0 : index
        %swap3A_216 = tpu.vector_load %arg11[%swap3A, %swap3A_215] {strides = array<i32>} : memref<128x128xf32, #tpu.memory_space<vmem>>, vector<16xf32>,
        tpu.vector_store %arg11[%swap3A, %swap3A_215], %mul3A_214 {strides = array<i32>} : memref<128x128xf32, #tpu.memory_space<vmem>>, vector<16xf32>,
        %get3A_217 = arith.index_cast %add3A_207 : i32 to index
        %get3A_218 = arith.constant 16 : index
        %get3A_219 = tpu.vector_load %arg11[%get3A_217, %get3A_218] {strides = array<i32>} : memref<128x128xf32, #tpu.memory_space<vmem>>, vector<16xf32>,
        %mul3A_220 = arith.mulf %get3A_219, %get3A_210 : vector<16xf32>
        %swap3A_221 = arith.index_cast %add3A_207 : i32 to index
        %swap3A_222 = arith.constant 16 : index
        %swap3A_223 = tpu.vector_load %arg11[%swap3A_221, %swap3A_222] {strides = array<i32>} : memref<128x128xf32, #tpu.memory_space<vmem>>, vector<16xf32>,
        tpu.vector_store %arg11[%swap3A_221, %swap3A_222], %mul3A_220 {strides = array<i32>} : memref<128x128xf32, #tpu.memory_space<vmem>>, vector<16xf32>,
        %get3A_224 = arith.index_cast %add3A_207 : i32 to index
        %get3A_225 = arith.constant 32 : index
        %get3A_226 = tpu.vector_load %arg11[%get3A_224, %get3A_225] {strides = array<i32>} : memref<128x128xf32, #tpu.memory_space<vmem>>, vector<16xf32>,
        %mul3A_227 = arith.mulf %get3A_226, %get3A_210 : vector<16xf32>
        %swap3A_228 = arith.index_cast %add3A_207 : i32 to index
        %swap3A_229 = arith.constant 32 : index
        %swap3A_230 = tpu.vector_load %arg11[%swap3A_228, %swap3A_229] {strides = array<i32>} : memref<128x128xf32, #tpu.memory_space<vmem>>, vector<16xf32>,
        tpu.vector_store %arg11[%swap3A_228, %swap3A_229], %mul3A_227 {strides = array<i32>} : memref<128x128xf32, #tpu.memory_space<vmem>>, vector<16xf32>,
        %get3A_231 = arith.index_cast %add3A_207 : i32 to index
        %get3A_232 = arith.constant 48 : index
        %get3A_233 = tpu.vector_load %arg11[%get3A_231, %get3A_232] {strides = array<i32>} : memref<128x128xf32, #tpu.memory_space<vmem>>, vector<16xf32>,
        %mul3A_234 = arith.mulf %get3A_233, %get3A_210 : vector<16xf32>
        %swap3A_235 = arith.index_cast %add3A_207 : i32 to index
        %swap3A_236 = arith.constant 48 : index
        %swap3A_237 = tpu.vector_load %arg11[%swap3A_235, %swap3A_236] {strides = array<i32>} : memref<128x128xf32, #tpu.memory_space<vmem>>, vector<16xf32>,
        tpu.vector_store %arg11[%swap3A_235, %swap3A_236], %mul3A_234 {strides = array<i32>} : memref<128x128xf32, #tpu.memory_space<vmem>>, vector<16xf32>,
        %get3A_238 = arith.index_cast %add3A_207 : i32 to index
        %get3A_239 = arith.constant 64 : index
        %get3A_240 = tpu.vector_load %arg11[%get3A_238, %get3A_239] {strides = array<i32>} : memref<128x128xf32, #tpu.memory_space<vmem>>, vector<16xf32>,
        %mul3A_241 = arith.mulf %get3A_240, %get3A_210 : vector<16xf32>
        %swap3A_242 = arith.index_cast %add3A_207 : i32 to index
        %swap3A_243 = arith.constant 64 : index
        %swap3A_244 = tpu.vector_load %arg11[%swap3A_242, %swap3A_243] {strides = array<i32>} : memref<128x128xf32, #tpu.memory_space<vmem>>, vector<16xf32>,
        tpu.vector_store %arg11[%swap3A_242, %swap3A_243], %mul3A_241 {strides = array<i32>} : memref<128x128xf32, #tpu.memory_space<vmem>>, vector<16xf32>,
        %get3A_245 = arith.index_cast %add3A_207 : i32 to index
        %get3A_246 = arith.constant 80 : index
        %get3A_247 = tpu.vector_load %arg11[%get3A_245, %get3A_246] {strides = array<i32>} : memref<128x128xf32, #tpu.memory_space<vmem>>, vector<16xf32>,
        %mul3A_248 = arith.mulf %get3A_247, %get3A_210 : vector<16xf32>
        %swap3A_249 = arith.index_cast %add3A_207 : i32 to index
        %swap3A_250 = arith.constant 80 : index
        %swap3A_251 = tpu.vector_load %arg11[%swap3A_249, %swap3A_250] {strides = array<i32>} : memref<128x128xf32, #tpu.memory_space<vmem>>, vector<16xf32>,
        tpu.vector_store %arg11[%swap3A_249, %swap3A_250], %mul3A_248 {strides = array<i32>} : memref<128x128xf32, #tpu.memory_space<vmem>>, vector<16xf32>,
        %get3A_252 = arith.index_cast %add3A_207 : i32 to index
        %get3A_253 = arith.constant 96 : index
        %get3A_254 = tpu.vector_load %arg11[%get3A_252, %get3A_253] {strides = array<i32>} : memref<128x128xf32, #tpu.memory_space<vmem>>, vector<16xf32>,
        %mul3A_255 = arith.mulf %get3A_254, %get3A_210 : vector<16xf32>
        %swap3A_256 = arith.index_cast %add3A_207 : i32 to index
        %swap3A_257 = arith.constant 96 : index
        %swap3A_258 = tpu.vector_load %arg11[%swap3A_256, %swap3A_257] {strides = array<i32>} : memref<128x128xf32, #tpu.memory_space<vmem>>, vector<16xf32>,
        tpu.vector_store %arg11[%swap3A_256, %swap3A_257], %mul3A_255 {strides = array<i32>} : memref<128x128xf32, #tpu.memory_space<vmem>>, vector<16xf32>,
        %get3A_259 = arith.index_cast %add3A_207 : i32 to index
        %get3A_260 = arith.constant 112 : index
        %get3A_261 = tpu.vector_load %arg11[%get3A_259, %get3A_260] {strides = array<i32>} : memref<128x128xf32, #tpu.memory_space<vmem>>, vector<16xf32>,
        %mul3A_262 = arith.mulf %get3A_261, %get3A_210 : vector<16xf32>
        %swap3A_263 = arith.index_cast %add3A_207 : i32 to index
        %swap3A_264 = arith.constant 112 : index
        %swap3A_265 = tpu.vector_load %arg11[%swap3A_263, %swap3A_264] {strides = array<i32>} : memref<128x128xf32, #tpu.memory_space<vmem>>, vector<16xf32>,
        tpu.vector_store %arg11[%swap3A_263, %swap3A_264], %mul3A_262 {strides = array<i32>} : memref<128x128xf32, #tpu.memory_space<vmem>>, vector<16xf32>,
        %mul3A_266 = arith.constant 2 : i32
        %mul3A_267 = arith.muli %scan3A_202, %mul3A_266 : i32
        %add3A_268 = arith.constant 1 : i32
        %add3A_269 = arith.addi %mul3A_267, %add3A_268 : i32
        %mul3A_270 = arith.constant 16 : i32
        %mul3A_271 = arith.muli %add3A_269, %mul3A_270 : i32
        %get3A_272 = arith.index_cast %mul3A_271 : i32 to index
        %get3A_273 = tpu.vector_load %arg9[%get3A_272] {strides = array<i32>} : memref<2048xf32, #tpu.memory_space<vmem>>, vector<16xf32>,
        %get3A_274 = arith.index_cast %add3A_269 : i32 to index
        %get3A_275 = arith.constant 0 : index
        %get3A_276 = tpu.vector_load %arg11[%get3A_274, %get3A_275] {strides = array<i32>} : memref<128x128xf32, #tpu.memory_space<vmem>>, vector<16xf32>,
        %mul3A_277 = arith.mulf %get3A_276, %get3A_273 : vector<16xf32>
        %swap3A_278 = arith.index_cast %add3A_269 : i32 to index
        %swap3A_279 = arith.constant 0 : index
        %swap3A_280 = tpu.vector_load %arg11[%swap3A_278, %swap3A_279] {strides = array<i32>} : memref<128x128xf32, #tpu.memory_space<vmem>>, vector<16xf32>,
        tpu.vector_store %arg11[%swap3A_278, %swap3A_279], %mul3A_277 {strides = array<i32>} : memref<128x128xf32, #tpu.memory_space<vmem>>, vector<16xf32>,
        %get3A_281 = arith.index_cast %add3A_269 : i32 to index
        %get3A_282 = arith.constant 16 : index
        %get3A_283 = tpu.vector_load %arg11[%get3A_281, %get3A_282] {strides = array<i32>} : memref<128x128xf32, #tpu.memory_space<vmem>>, vector<16xf32>,
        %mul3A_284 = arith.mulf %get3A_283, %get3A_273 : vector<16xf32>
        %swap3A_285 = arith.index_cast %add3A_269 : i32 to index
        %swap3A_286 = arith.constant 16 : index
        %swap3A_287 = tpu.vector_load %arg11[%swap3A_285, %swap3A_286] {strides = array<i32>} : memref<128x128xf32, #tpu.memory_space<vmem>>, vector<16xf32>,
        tpu.vector_store %arg11[%swap3A_285, %swap3A_286], %mul3A_284 {strides = array<i32>} : memref<128x128xf32, #tpu.memory_space<vmem>>, vector<16xf32>,
        %get3A_288 = arith.index_cast %add3A_269 : i32 to index
        %get3A_289 = arith.constant 32 : index
        %get3A_290 = tpu.vector_load %arg11[%get3A_288, %get3A_289] {strides = array<i32>} : memref<128x128xf32, #tpu.memory_space<vmem>>, vector<16xf32>,
        %mul3A_291 = arith.mulf %get3A_290, %get3A_273 : vector<16xf32>
        %swap3A_292 = arith.index_cast %add3A_269 : i32 to index
        %swap3A_293 = arith.constant 32 : index
        %swap3A_294 = tpu.vector_load %arg11[%swap3A_292, %swap3A_293] {strides = array<i32>} : memref<128x128xf32, #tpu.memory_space<vmem>>, vector<16xf32>,
        tpu.vector_store %arg11[%swap3A_292, %swap3A_293], %mul3A_291 {strides = array<i32>} : memref<128x128xf32, #tpu.memory_space<vmem>>, vector<16xf32>,
        %get3A_295 = arith.index_cast %add3A_269 : i32 to index
        %get3A_296 = arith.constant 48 : index
        %get3A_297 = tpu.vector_load %arg11[%get3A_295, %get3A_296] {strides = array<i32>} : memref<128x128xf32, #tpu.memory_space<vmem>>, vector<16xf32>,
        %mul3A_298 = arith.mulf %get3A_297, %get3A_273 : vector<16xf32>
        %swap3A_299 = arith.index_cast %add3A_269 : i32 to index
        %swap3A_300 = arith.constant 48 : index
        %swap3A_301 = tpu.vector_load %arg11[%swap3A_299, %swap3A_300] {strides = array<i32>} : memref<128x128xf32, #tpu.memory_space<vmem>>, vector<16xf32>,
        tpu.vector_store %arg11[%swap3A_299, %swap3A_300], %mul3A_298 {strides = array<i32>} : memref<128x128xf32, #tpu.memory_space<vmem>>, vector<16xf32>,
        %get3A_302 = arith.index_cast %add3A_269 : i32 to index
        %get3A_303 = arith.constant 64 : index
        %get3A_304 = tpu.vector_load %arg11[%get3A_302, %get3A_303] {strides = array<i32>} : memref<128x128xf32, #tpu.memory_space<vmem>>, vector<16xf32>,
        %mul3A_305 = arith.mulf %get3A_304, %get3A_273 : vector<16xf32>
        %swap3A_306 = arith.index_cast %add3A_269 : i32 to index
        %swap3A_307 = arith.constant 64 : index
        %swap3A_308 = tpu.vector_load %arg11[%swap3A_306, %swap3A_307] {strides = array<i32>} : memref<128x128xf32, #tpu.memory_space<vmem>>, vector<16xf32>,
        tpu.vector_store %arg11[%swap3A_306, %swap3A_307], %mul3A_305 {strides = array<i32>} : memref<128x128xf32, #tpu.memory_space<vmem>>, vector<16xf32>,
        %get3A_309 = arith.index_cast %add3A_269 : i32 to index
        %get3A_310 = arith.constant 80 : index
        %get3A_311 = tpu.vector_load %arg11[%get3A_309, %get3A_310] {strides = array<i32>} : memref<128x128xf32, #tpu.memory_space<vmem>>, vector<16xf32>,
        %mul3A_312 = arith.mulf %get3A_311, %get3A_273 : vector<16xf32>
        %swap3A_313 = arith.index_cast %add3A_269 : i32 to index
        %swap3A_314 = arith.constant 80 : index
        %swap3A_315 = tpu.vector_load %arg11[%swap3A_313, %swap3A_314] {strides = array<i32>} : memref<128x128xf32, #tpu.memory_space<vmem>>, vector<16xf32>,
        tpu.vector_store %arg11[%swap3A_313, %swap3A_314], %mul3A_312 {strides = array<i32>} : memref<128x128xf32, #tpu.memory_space<vmem>>, vector<16xf32>,
        %get3A_316 = arith.index_cast %add3A_269 : i32 to index
        %get3A_317 = arith.constant 96 : index
        %get3A_318 = tpu.vector_load %arg11[%get3A_316, %get3A_317] {strides = array<i32>} : memref<128x128xf32, #tpu.memory_space<vmem>>, vector<16xf32>,
        %mul3A_319 = arith.mulf %get3A_318, %get3A_273 : vector<16xf32>
        %swap3A_320 = arith.index_cast %add3A_269 : i32 to index
        %swap3A_321 = arith.constant 96 : index
        %swap3A_322 = tpu.vector_load %arg11[%swap3A_320, %swap3A_321] {strides = array<i32>} : memref<128x128xf32, #tpu.memory_space<vmem>>, vector<16xf32>,
        tpu.vector_store %arg11[%swap3A_320, %swap3A_321], %mul3A_319 {strides = array<i32>} : memref<128x128xf32, #tpu.memory_space<vmem>>, vector<16xf32>,
        %get3A_323 = arith.index_cast %add3A_269 : i32 to index
        %get3A_324 = arith.constant 112 : index
        %get3A_325 = tpu.vector_load %arg11[%get3A_323, %get3A_324] {strides = array<i32>} : memref<128x128xf32, #tpu.memory_space<vmem>>, vector<16xf32>,
        %mul3A_326 = arith.mulf %get3A_325, %get3A_273 : vector<16xf32>
        %swap3A_327 = arith.index_cast %add3A_269 : i32 to index
        %swap3A_328 = arith.constant 112 : index
        %swap3A_329 = tpu.vector_load %arg11[%swap3A_327, %swap3A_328] {strides = array<i32>} : memref<128x128xf32, #tpu.memory_space<vmem>>, vector<16xf32>,
        tpu.vector_store %arg11[%swap3A_327, %swap3A_328], %mul3A_326 {strides = array<i32>} : memref<128x128xf32, #tpu.memory_space<vmem>>, vector<16xf32>,
        %scan3A_330 = arith.constant 0 : i32
        scf.yield %scan3A_330 : i32
      }
      %scan3A_179 = arith.constant 64 : i32
      %dma_start3A_180 = arith.constant 1 : i32
      %dma_start3A_181 = arith.constant 0 : i32
      %dma_start3A_182 = tpu.memref_slice %arg7[%dma_start3A_180, %dma_start3A_181] : memref<2x128xi32, #tpu.memory_space<vmem>> -> memref<1x128xi32, #tpu.memory_space<vmem>>
      %dma_start3A_183 = tpu.memref_squeeze %dma_start3A_182 : memref<1x128xi32, #tpu.memory_space<vmem>> -> memref<128xi32, #tpu.memory_space<vmem>>
      %dma_start3A_184 = arith.constant 0 : i32
      %dma_start3A_185 = arith.constant 0 : i32
      %dma_start3A_186 = tpu.memref_slice %arg12[%dma_start3A_184, %dma_start3A_185] : memref<10240x128xf32, #tpu.memory_space<vmem_shared>> -> memref<10240x128xf32, #tpu.memory_space<vmem_shared>>
      tpu.enqueue_indirect_dma source(%arg11 : memref<128x128xf32, #tpu.memory_space<vmem>>) target(%dma_start3A_186 : memref<10240x128xf32, #tpu.memory_space<vmem_shared>>) offsets(%dma_start3A_183 : memref<128xi32, #tpu.memory_space<vmem>>) semaphore(%arg18 : memref<!tpu.dma_semaphore, #tpu.memory_space<semaphore_mem>>) {add = true}
      %dma_wait3A_187 = arith.constant 1 : i32
      %dma_wait3A_188 = arith.constant 0 : i32
      %dma_wait3A_189 = tpu.memref_slice %arg6[%dma_wait3A_187, %dma_wait3A_188] : memref<2x128xi32, #tpu.memory_space<vmem>> -> memref<1x128xi32, #tpu.memory_space<vmem>>
      %dma_wait3A_190 = tpu.memref_squeeze %dma_wait3A_189 : memref<1x128xi32, #tpu.memory_space<vmem>> -> memref<128xi32, #tpu.memory_space<vmem>>
      %dma_wait3A_191 = arith.constant 0 : i32
      %dma_wait3A_192 = arith.constant 0 : i32
      %dma_wait3A_193 = tpu.memref_slice %arg12[%dma_wait3A_191, %dma_wait3A_192] : memref<10240x128xf32, #tpu.memory_space<vmem_shared>> -> memref<10240x128xf32, #tpu.memory_space<vmem_shared>>
      tpu.wait_indirect_dma semaphore(%arg17 : memref<!tpu.dma_semaphore, #tpu.memory_space<semaphore_mem>>) src(%arg10 : memref<128x128xf32, #tpu.memory_space<vmem>>) dst(%dma_wait3A_193 : memref<10240x128xf32, #tpu.memory_space<vmem_shared>>)
      %dma_wait3A_194 = arith.constant 1 : i32
      %dma_wait3A_195 = arith.constant 0 : i32
      %dma_wait3A_196 = tpu.memref_slice %arg7[%dma_wait3A_194, %dma_wait3A_195] : memref<2x128xi32, #tpu.memory_space<vmem>> -> memref<1x128xi32, #tpu.memory_space<vmem>>
      %dma_wait3A_197 = tpu.memref_squeeze %dma_wait3A_196 : memref<1x128xi32, #tpu.memory_space<vmem>> -> memref<128xi32, #tpu.memory_space<vmem>>
      %dma_wait3A_198 = arith.constant 0 : i32
      %dma_wait3A_199 = arith.constant 0 : i32
      %dma_wait3A_200 = tpu.memref_slice %arg12[%dma_wait3A_198, %dma_wait3A_199] : memref<10240x128xf32, #tpu.memory_space<vmem_shared>> -> memref<10240x128xf32, #tpu.memory_space<vmem_shared>>
      tpu.wait_indirect_dma semaphore(%arg18 : memref<!tpu.dma_semaphore, #tpu.memory_space<semaphore_mem>>) src(%arg11 : memref<128x128xf32, #tpu.memory_space<vmem>>) dst(%dma_wait3A_200 : memref<10240x128xf32, #tpu.memory_space<vmem_shared>>)
      %while3A_201 = arith.constant 0 : i32
      scf.yield %while3A_201 : i32
    }
    %while3A_62 = arith.constant 1 : i32
    %while3A_63 = scf.for %while3A_69 = %while3A_59 to %while3A_55 step %while3A_62 iter_args(%while3A_70 = %while3A_61) -> (i32)  : i32 {
      %mul3A_71 = arith.constant 2 : i32
      %mul3A_72 = arith.muli %while3A_69, %mul3A_71 : i32
      %add3A_73 = arith.addi %select_n3A_34, %mul3A_72 : i32
      %add3A_74 = arith.constant 0 : i32
      %add3A_75 = arith.addi %add3A_73, %add3A_74 : i32
      %dma_start3A = arith.constant 0 : i32
      %dma_start3A_76 = arith.constant 0 : i32
      %dma_start3A_77 = tpu.memref_slice %arg3[%add3A_75, %dma_start3A, %dma_start3A_76] : memref<1280x2x128xi32, #tpu.memory_space<hbm>> -> memref<1x2x128xi32, #tpu.memory_space<hbm>>
      %dma_start3A_78 = tpu.memref_squeeze %dma_start3A_77 : memref<1x2x128xi32, #tpu.memory_space<hbm>> -> memref<2x128xi32, #tpu.memory_space<hbm>>
      %dma_start3A_79 = arith.constant 0 : i32
      %dma_start3A_80 = arith.constant 0 : i32
      %dma_start3A_81 = tpu.memref_slice %arg3[%add3A_75, %dma_start3A_79, %dma_start3A_80] : memref<1280x2x128xi32, #tpu.memory_space<hbm>> -> memref<1x2x128xi32, #tpu.memory_space<hbm>>
      %dma_start3A_82 = tpu.memref_squeeze %dma_start3A_81 : memref<1x2x128xi32, #tpu.memory_space<hbm>> -> memref<2x128xi32, #tpu.memory_space<hbm>>
      tpu.enqueue_dma source(%dma_start3A_82 : memref<2x128xi32, #tpu.memory_space<hbm>>) target(%arg6 : memref<2x128xi32, #tpu.memory_space<vmem>>) target_semaphore(%arg13 : memref<!tpu.dma_semaphore, #tpu.memory_space<semaphore_mem>>)
      %add3A_83 = arith.addi %select_n3A_34, %mul3A_72 : i32
      %add3A_84 = arith.constant 0 : i32
      %add3A_85 = arith.addi %add3A_83, %add3A_84 : i32
      %mul3A_86 = arith.constant 128 : i32
      %mul3A_87 = arith.muli %add3A_85, %mul3A_86 : i32
      %mul3A_88 = arith.constant 16 : i32
      %mul3A_89 = arith.muli %mul3A_87, %mul3A_88 : i32
      %dma_start3A_90 = tpu.memref_slice %arg4[%mul3A_89] : memref<2621440xf32, #tpu.memory_space<hbm>> -> memref<2048xf32, #tpu.memory_space<hbm>>
      %dma_start3A_91 = tpu.memref_slice %arg4[%mul3A_89] : memref<2621440xf32, #tpu.memory_space<hbm>> -> memref<2048xf32, #tpu.memory_space<hbm>>
      tpu.enqueue_dma source(%dma_start3A_91 : memref<2048xf32, #tpu.memory_space<hbm>>) target(%arg8 : memref<2048xf32, #tpu.memory_space<vmem>>) target_semaphore(%arg13 : memref<!tpu.dma_semaphore, #tpu.memory_space<semaphore_mem>>)
      %add3A_92 = arith.addi %select_n3A_34, %mul3A_72 : i32
      %add3A_93 = arith.constant 1 : i32
      %add3A_94 = arith.addi %add3A_92, %add3A_93 : i32
      %dma_start3A_95 = arith.constant 0 : i32
      %dma_start3A_96 = arith.constant 0 : i32
      %dma_start3A_97 = tpu.memref_slice %arg3[%add3A_94, %dma_start3A_95, %dma_start3A_96] : memref<1280x2x128xi32, #tpu.memory_space<hbm>> -> memref<1x2x128xi32, #tpu.memory_space<hbm>>
      %dma_start3A_98 = tpu.memref_squeeze %dma_start3A_97 : memref<1x2x128xi32, #tpu.memory_space<hbm>> -> memref<2x128xi32, #tpu.memory_space<hbm>>
      %dma_start3A_99 = arith.constant 0 : i32
      %dma_start3A_100 = arith.constant 0 : i32
      %dma_start3A_101 = tpu.memref_slice %arg3[%add3A_94, %dma_start3A_99, %dma_start3A_100] : memref<1280x2x128xi32, #tpu.memory_space<hbm>> -> memref<1x2x128xi32, #tpu.memory_space<hbm>>
      %dma_start3A_102 = tpu.memref_squeeze %dma_start3A_101 : memref<1x2x128xi32, #tpu.memory_space<hbm>> -> memref<2x128xi32, #tpu.memory_space<hbm>>
      tpu.enqueue_dma source(%dma_start3A_102 : memref<2x128xi32, #tpu.memory_space<hbm>>) target(%arg7 : memref<2x128xi32, #tpu.memory_space<vmem>>) target_semaphore(%arg14 : memref<!tpu.dma_semaphore, #tpu.memory_space<semaphore_mem>>)
      %add3A_103 = arith.addi %select_n3A_34, %mul3A_72 : i32
      %add3A_104 = arith.constant 1 : i32
      %add3A_105 = arith.addi %add3A_103, %add3A_104 : i32
      %mul3A_106 = arith.constant 128 : i32
      %mul3A_107 = arith.muli %add3A_105, %mul3A_106 : i32
      %mul3A_108 = arith.constant 16 : i32
      %mul3A_109 = arith.muli %mul3A_107, %mul3A_108 : i32
      %dma_start3A_110 = tpu.memref_slice %arg4[%mul3A_109] : memref<2621440xf32, #tpu.memory_space<hbm>> -> memref<2048xf32, #tpu.memory_space<hbm>>
      %dma_start3A_111 = tpu.memref_slice %arg4[%mul3A_109] : memref<2621440xf32, #tpu.memory_space<hbm>> -> memref<2048xf32, #tpu.memory_space<hbm>>
      tpu.enqueue_dma source(%dma_start3A_111 : memref<2048xf32, #tpu.memory_space<hbm>>) target(%arg9 : memref<2048xf32, #tpu.memory_space<vmem>>) target_semaphore(%arg14 : memref<!tpu.dma_semaphore, #tpu.memory_space<semaphore_mem>>)
      %dma_wait3A = arith.constant 0 : i32
      %dma_wait3A_112 = arith.constant 0 : i32
      %dma_wait3A_113 = tpu.memref_slice %arg3[%add3A_75, %dma_wait3A, %dma_wait3A_112] : memref<1280x2x128xi32, #tpu.memory_space<hbm>> -> memref<1x2x128xi32, #tpu.memory_space<hbm>>
      %dma_wait3A_114 = tpu.memref_squeeze %dma_wait3A_113 : memref<1x2x128xi32, #tpu.memory_space<hbm>> -> memref<2x128xi32, #tpu.memory_space<hbm>>
      %dma_wait3A_115 = arith.constant 0 : i32
      %dma_wait3A_116 = arith.constant 0 : i32
      %dma_wait3A_117 = tpu.memref_slice %arg3[%add3A_75, %dma_wait3A_115, %dma_wait3A_116] : memref<1280x2x128xi32, #tpu.memory_space<hbm>> -> memref<1x2x128xi32, #tpu.memory_space<hbm>>
      %dma_wait3A_118 = tpu.memref_squeeze %dma_wait3A_117 : memref<1x2x128xi32, #tpu.memory_space<hbm>> -> memref<2x128xi32, #tpu.memory_space<hbm>>
      tpu.wait_dma2 semaphore(%arg13 : memref<!tpu.dma_semaphore, #tpu.memory_space<semaphore_mem>>) src(%dma_wait3A_118 : memref<2x128xi32, #tpu.memory_space<hbm>>) dst(%arg6 : memref<2x128xi32, #tpu.memory_space<vmem>>)
      %dma_wait3A_119 = tpu.memref_slice %arg4[%mul3A_89] : memref<2621440xf32, #tpu.memory_space<hbm>> -> memref<2048xf32, #tpu.memory_space<hbm>>
      %dma_wait3A_120 = tpu.memref_slice %arg4[%mul3A_89] : memref<2621440xf32, #tpu.memory_space<hbm>> -> memref<2048xf32, #tpu.memory_space<hbm>>
      tpu.wait_dma2 semaphore(%arg13 : memref<!tpu.dma_semaphore, #tpu.memory_space<semaphore_mem>>) src(%dma_wait3A_120 : memref<2048xf32, #tpu.memory_space<hbm>>) dst(%arg8 : memref<2048xf32, #tpu.memory_space<vmem>>)
      %dma_start3A_121 = arith.constant 0 : i32
      %dma_start3A_122 = arith.constant 0 : i32
      %dma_start3A_123 = tpu.memref_slice %arg6[%dma_start3A_121, %dma_start3A_122] : memref<2x128xi32, #tpu.memory_space<vmem>> -> memref<1x128xi32, #tpu.memory_space<vmem>>
      %dma_start3A_124 = tpu.memref_squeeze %dma_start3A_123 : memref<1x128xi32, #tpu.memory_space<vmem>> -> memref<128xi32, #tpu.memory_space<vmem>>
      %dma_start3A_125 = arith.constant 0 : i32
      %dma_start3A_126 = arith.constant 0 : i32
      %dma_start3A_127 = tpu.memref_slice %arg2[%dma_start3A_125, %dma_start3A_126] : memref<10000x128xf32, #tpu.memory_space<hbm>> -> memref<10000x128xf32, #tpu.memory_space<hbm>>
      tpu.enqueue_indirect_dma source(%dma_start3A_127 : memref<10000x128xf32, #tpu.memory_space<hbm>>) target(%arg10 : memref<128x128xf32, #tpu.memory_space<vmem>>) offsets(%dma_start3A_124 : memref<128xi32, #tpu.memory_space<vmem>>) semaphore(%arg15 : memref<!tpu.dma_semaphore, #tpu.memory_space<semaphore_mem>>)
      %dma_wait3A_128 = arith.constant 0 : i32
      %dma_wait3A_129 = arith.constant 0 : i32
      %dma_wait3A_130 = tpu.memref_slice %arg3[%add3A_94, %dma_wait3A_128, %dma_wait3A_129] : memref<1280x2x128xi32, #tpu.memory_space<hbm>> -> memref<1x2x128xi32, #tpu.memory_space<hbm>>
      %dma_wait3A_131 = tpu.memref_squeeze %dma_wait3A_130 : memref<1x2x128xi32, #tpu.memory_space<hbm>> -> memref<2x128xi32, #tpu.memory_space<hbm>>
      %dma_wait3A_132 = arith.constant 0 : i32
      %dma_wait3A_133 = arith.constant 0 : i32
      %dma_wait3A_134 = tpu.memref_slice %arg3[%add3A_94, %dma_wait3A_132, %dma_wait3A_133] : memref<1280x2x128xi32, #tpu.memory_space<hbm>> -> memref<1x2x128xi32, #tpu.memory_space<hbm>>
      %dma_wait3A_135 = tpu.memref_squeeze %dma_wait3A_134 : memref<1x2x128xi32, #tpu.memory_space<hbm>> -> memref<2x128xi32, #tpu.memory_space<hbm>>
      tpu.wait_dma2 semaphore(%arg14 : memref<!tpu.dma_semaphore, #tpu.memory_space<semaphore_mem>>) src(%dma_wait3A_135 : memref<2x128xi32, #tpu.memory_space<hbm>>) dst(%arg7 : memref<2x128xi32, #tpu.memory_space<vmem>>)
      %dma_wait3A_136 = tpu.memref_slice %arg4[%mul3A_109] : memref<2621440xf32, #tpu.memory_space<hbm>> -> memref<2048xf32, #tpu.memory_space<hbm>>
      %dma_wait3A_137 = tpu.memref_slice %arg4[%mul3A_109] : memref<2621440xf32, #tpu.memory_space<hbm>> -> memref<2048xf32, #tpu.memory_space<hbm>>
      tpu.wait_dma2 semaphore(%arg14 : memref<!tpu.dma_semaphore, #tpu.memory_space<semaphore_mem>>) src(%dma_wait3A_137 : memref<2048xf32, #tpu.memory_space<hbm>>) dst(%arg9 : memref<2048xf32, #tpu.memory_space<vmem>>)
      %dma_start3A_138 = arith.constant 0 : i32
      %dma_start3A_139 = arith.constant 0 : i32
      %dma_start3A_140 = tpu.memref_slice %arg7[%dma_start3A_138, %dma_start3A_139] : memref<2x128xi32, #tpu.memory_space<vmem>> -> memref<1x128xi32, #tpu.memory_space<vmem>>
      %dma_start3A_141 = tpu.memref_squeeze %dma_start3A_140 : memref<1x128xi32, #tpu.memory_space<vmem>> -> memref<128xi32, #tpu.memory_space<vmem>>
      %dma_start3A_142 = arith.constant 0 : i32
      %dma_start3A_143 = arith.constant 0 : i32
      %dma_start3A_144 = tpu.memref_slice %arg2[%dma_start3A_142, %dma_start3A_143] : memref<10000x128xf32, #tpu.memory_space<hbm>> -> memref<10000x128xf32, #tpu.memory_space<hbm>>
      tpu.enqueue_indirect_dma source(%dma_start3A_144 : memref<10000x128xf32, #tpu.memory_space<hbm>>) target(%arg11 : memref<128x128xf32, #tpu.memory_space<vmem>>) offsets(%dma_start3A_141 : memref<128xi32, #tpu.memory_space<vmem>>) semaphore(%arg16 : memref<!tpu.dma_semaphore, #tpu.memory_space<semaphore_mem>>)
      %dma_wait3A_145 = arith.constant 0 : i32
      %dma_wait3A_146 = arith.constant 0 : i32
      %dma_wait3A_147 = tpu.memref_slice %arg6[%dma_wait3A_145, %dma_wait3A_146] : memref<2x128xi32, #tpu.memory_space<vmem>> -> memref<1x128xi32, #tpu.memory_space<vmem>>
      %dma_wait3A_148 = tpu.memref_squeeze %dma_wait3A_147 : memref<1x128xi32, #tpu.memory_space<vmem>> -> memref<128xi32, #tpu.memory_space<vmem>>
      %dma_wait3A_149 = arith.constant 0 : i32
      %dma_wait3A_150 = arith.constant 0 : i32
      %dma_wait3A_151 = tpu.memref_slice %arg2[%dma_wait3A_149, %dma_wait3A_150] : memref<10000x128xf32, #tpu.memory_space<hbm>> -> memref<10000x128xf32, #tpu.memory_space<hbm>>
      tpu.wait_indirect_dma semaphore(%arg15 : memref<!tpu.dma_semaphore, #tpu.memory_space<semaphore_mem>>) src(%dma_wait3A_151 : memref<10000x128xf32, #tpu.memory_space<hbm>>) dst(%arg10 : memref<128x128xf32, #tpu.memory_space<vmem>>)
      %scan3A_152 = arith.constant 0 : i32
      %scan3A_153 = arith.constant 0 : i32
      %scan3A_154 = arith.constant 64 : i32
      %scan3A_155 = arith.addi %scan3A_153, %scan3A_154 : i32
      %scan3A_156 = arith.constant 1 : i32
      %scan3A_157 = scf.for %scan3A_202 = %scan3A_153 to %scan3A_155 step %scan3A_156 iter_args(%scan3A_203 = %scan3A_152) -> (i32)  : i32 {
        %mul3A_204 = arith.constant 2 : i32
        %mul3A_205 = arith.muli %scan3A_202, %mul3A_204 : i32
        %add3A_206 = arith.constant 0 : i32
        %add3A_207 = arith.addi %mul3A_205, %add3A_206 : i32
        %mul3A_208 = arith.constant 16 : i32
        %mul3A_209 = arith.muli %add3A_207, %mul3A_208 : i32
        %get3A = arith.index_cast %mul3A_209 : i32 to index
        %get3A_210 = tpu.vector_load %arg8[%get3A] {strides = array<i32>} : memref<2048xf32, #tpu.memory_space<vmem>>, vector<16xf32>,
        %get3A_211 = arith.index_cast %add3A_207 : i32 to index
        %get3A_212 = arith.constant 0 : index
        %get3A_213 = tpu.vector_load %arg10[%get3A_211, %get3A_212] {strides = array<i32>} : memref<128x128xf32, #tpu.memory_space<vmem>>, vector<16xf32>,
        %mul3A_214 = arith.mulf %get3A_213, %get3A_210 : vector<16xf32>
        %swap3A = arith.index_cast %add3A_207 : i32 to index
        %swap3A_215 = arith.constant 0 : index
        %swap3A_216 = tpu.vector_load %arg10[%swap3A, %swap3A_215] {strides = array<i32>} : memref<128x128xf32, #tpu.memory_space<vmem>>, vector<16xf32>,
        tpu.vector_store %arg10[%swap3A, %swap3A_215], %mul3A_214 {strides = array<i32>} : memref<128x128xf32, #tpu.memory_space<vmem>>, vector<16xf32>,
        %get3A_217 = arith.index_cast %add3A_207 : i32 to index
        %get3A_218 = arith.constant 16 : index
        %get3A_219 = tpu.vector_load %arg10[%get3A_217, %get3A_218] {strides = array<i32>} : memref<128x128xf32, #tpu.memory_space<vmem>>, vector<16xf32>,
        %mul3A_220 = arith.mulf %get3A_219, %get3A_210 : vector<16xf32>
        %swap3A_221 = arith.index_cast %add3A_207 : i32 to index
        %swap3A_222 = arith.constant 16 : index
        %swap3A_223 = tpu.vector_load %arg10[%swap3A_221, %swap3A_222] {strides = array<i32>} : memref<128x128xf32, #tpu.memory_space<vmem>>, vector<16xf32>,
        tpu.vector_store %arg10[%swap3A_221, %swap3A_222], %mul3A_220 {strides = array<i32>} : memref<128x128xf32, #tpu.memory_space<vmem>>, vector<16xf32>,
        %get3A_224 = arith.index_cast %add3A_207 : i32 to index
        %get3A_225 = arith.constant 32 : index
        %get3A_226 = tpu.vector_load %arg10[%get3A_224, %get3A_225] {strides = array<i32>} : memref<128x128xf32, #tpu.memory_space<vmem>>, vector<16xf32>,
        %mul3A_227 = arith.mulf %get3A_226, %get3A_210 : vector<16xf32>
        %swap3A_228 = arith.index_cast %add3A_207 : i32 to index
        %swap3A_229 = arith.constant 32 : index
        %swap3A_230 = tpu.vector_load %arg10[%swap3A_228, %swap3A_229] {strides = array<i32>} : memref<128x128xf32, #tpu.memory_space<vmem>>, vector<16xf32>,
        tpu.vector_store %arg10[%swap3A_228, %swap3A_229], %mul3A_227 {strides = array<i32>} : memref<128x128xf32, #tpu.memory_space<vmem>>, vector<16xf32>,
        %get3A_231 = arith.index_cast %add3A_207 : i32 to index
        %get3A_232 = arith.constant 48 : index
        %get3A_233 = tpu.vector_load %arg10[%get3A_231, %get3A_232] {strides = array<i32>} : memref<128x128xf32, #tpu.memory_space<vmem>>, vector<16xf32>,
        %mul3A_234 = arith.mulf %get3A_233, %get3A_210 : vector<16xf32>
        %swap3A_235 = arith.index_cast %add3A_207 : i32 to index
        %swap3A_236 = arith.constant 48 : index
        %swap3A_237 = tpu.vector_load %arg10[%swap3A_235, %swap3A_236] {strides = array<i32>} : memref<128x128xf32, #tpu.memory_space<vmem>>, vector<16xf32>,
        tpu.vector_store %arg10[%swap3A_235, %swap3A_236], %mul3A_234 {strides = array<i32>} : memref<128x128xf32, #tpu.memory_space<vmem>>, vector<16xf32>,
        %get3A_238 = arith.index_cast %add3A_207 : i32 to index
        %get3A_239 = arith.constant 64 : index
        %get3A_240 = tpu.vector_load %arg10[%get3A_238, %get3A_239] {strides = array<i32>} : memref<128x128xf32, #tpu.memory_space<vmem>>, vector<16xf32>,
        %mul3A_241 = arith.mulf %get3A_240, %get3A_210 : vector<16xf32>
        %swap3A_242 = arith.index_cast %add3A_207 : i32 to index
        %swap3A_243 = arith.constant 64 : index
        %swap3A_244 = tpu.vector_load %arg10[%swap3A_242, %swap3A_243] {strides = array<i32>} : memref<128x128xf32, #tpu.memory_space<vmem>>, vector<16xf32>,
        tpu.vector_store %arg10[%swap3A_242, %swap3A_243], %mul3A_241 {strides = array<i32>} : memref<128x128xf32, #tpu.memory_space<vmem>>, vector<16xf32>,
        %get3A_245 = arith.index_cast %add3A_207 : i32 to index
        %get3A_246 = arith.constant 80 : index
        %get3A_247 = tpu.vector_load %arg10[%get3A_245, %get3A_246] {strides = array<i32>} : memref<128x128xf32, #tpu.memory_space<vmem>>, vector<16xf32>,
        %mul3A_248 = arith.mulf %get3A_247, %get3A_210 : vector<16xf32>
        %swap3A_249 = arith.index_cast %add3A_207 : i32 to index
        %swap3A_250 = arith.constant 80 : index
        %swap3A_251 = tpu.vector_load %arg10[%swap3A_249, %swap3A_250] {strides = array<i32>} : memref<128x128xf32, #tpu.memory_space<vmem>>, vector<16xf32>,
        tpu.vector_store %arg10[%swap3A_249, %swap3A_250], %mul3A_248 {strides = array<i32>} : memref<128x128xf32, #tpu.memory_space<vmem>>, vector<16xf32>,
        %get3A_252 = arith.index_cast %add3A_207 : i32 to index
        %get3A_253 = arith.constant 96 : index
        %get3A_254 = tpu.vector_load %arg10[%get3A_252, %get3A_253] {strides = array<i32>} : memref<128x128xf32, #tpu.memory_space<vmem>>, vector<16xf32>,
        %mul3A_255 = arith.mulf %get3A_254, %get3A_210 : vector<16xf32>
        %swap3A_256 = arith.index_cast %add3A_207 : i32 to index
        %swap3A_257 = arith.constant 96 : index
        %swap3A_258 = tpu.vector_load %arg10[%swap3A_256, %swap3A_257] {strides = array<i32>} : memref<128x128xf32, #tpu.memory_space<vmem>>, vector<16xf32>,
        tpu.vector_store %arg10[%swap3A_256, %swap3A_257], %mul3A_255 {strides = array<i32>} : memref<128x128xf32, #tpu.memory_space<vmem>>, vector<16xf32>,
        %get3A_259 = arith.index_cast %add3A_207 : i32 to index
        %get3A_260 = arith.constant 112 : index
        %get3A_261 = tpu.vector_load %arg10[%get3A_259, %get3A_260] {strides = array<i32>} : memref<128x128xf32, #tpu.memory_space<vmem>>, vector<16xf32>,
        %mul3A_262 = arith.mulf %get3A_261, %get3A_210 : vector<16xf32>
        %swap3A_263 = arith.index_cast %add3A_207 : i32 to index
        %swap3A_264 = arith.constant 112 : index
        %swap3A_265 = tpu.vector_load %arg10[%swap3A_263, %swap3A_264] {strides = array<i32>} : memref<128x128xf32, #tpu.memory_space<vmem>>, vector<16xf32>,
        tpu.vector_store %arg10[%swap3A_263, %swap3A_264], %mul3A_262 {strides = array<i32>} : memref<128x128xf32, #tpu.memory_space<vmem>>, vector<16xf32>,
        %mul3A_266 = arith.constant 2 : i32
        %mul3A_267 = arith.muli %scan3A_202, %mul3A_266 : i32
        %add3A_268 = arith.constant 1 : i32
        %add3A_269 = arith.addi %mul3A_267, %add3A_268 : i32
        %mul3A_270 = arith.constant 16 : i32
        %mul3A_271 = arith.muli %add3A_269, %mul3A_270 : i32
        %get3A_272 = arith.index_cast %mul3A_271 : i32 to index
        %get3A_273 = tpu.vector_load %arg8[%get3A_272] {strides = array<i32>} : memref<2048xf32, #tpu.memory_space<vmem>>, vector<16xf32>,
        %get3A_274 = arith.index_cast %add3A_269 : i32 to index
        %get3A_275 = arith.constant 0 : index
        %get3A_276 = tpu.vector_load %arg10[%get3A_274, %get3A_275] {strides = array<i32>} : memref<128x128xf32, #tpu.memory_space<vmem>>, vector<16xf32>,
        %mul3A_277 = arith.mulf %get3A_276, %get3A_273 : vector<16xf32>
        %swap3A_278 = arith.index_cast %add3A_269 : i32 to index
        %swap3A_279 = arith.constant 0 : index
        %swap3A_280 = tpu.vector_load %arg10[%swap3A_278, %swap3A_279] {strides = array<i32>} : memref<128x128xf32, #tpu.memory_space<vmem>>, vector<16xf32>,
        tpu.vector_store %arg10[%swap3A_278, %swap3A_279], %mul3A_277 {strides = array<i32>} : memref<128x128xf32, #tpu.memory_space<vmem>>, vector<16xf32>,
        %get3A_281 = arith.index_cast %add3A_269 : i32 to index
        %get3A_282 = arith.constant 16 : index
        %get3A_283 = tpu.vector_load %arg10[%get3A_281, %get3A_282] {strides = array<i32>} : memref<128x128xf32, #tpu.memory_space<vmem>>, vector<16xf32>,
        %mul3A_284 = arith.mulf %get3A_283, %get3A_273 : vector<16xf32>
        %swap3A_285 = arith.index_cast %add3A_269 : i32 to index
        %swap3A_286 = arith.constant 16 : index
        %swap3A_287 = tpu.vector_load %arg10[%swap3A_285, %swap3A_286] {strides = array<i32>} : memref<128x128xf32, #tpu.memory_space<vmem>>, vector<16xf32>,
        tpu.vector_store %arg10[%swap3A_285, %swap3A_286], %mul3A_284 {strides = array<i32>} : memref<128x128xf32, #tpu.memory_space<vmem>>, vector<16xf32>,
        %get3A_288 = arith.index_cast %add3A_269 : i32 to index
        %get3A_289 = arith.constant 32 : index
        %get3A_290 = tpu.vector_load %arg10[%get3A_288, %get3A_289] {strides = array<i32>} : memref<128x128xf32, #tpu.memory_space<vmem>>, vector<16xf32>,
        %mul3A_291 = arith.mulf %get3A_290, %get3A_273 : vector<16xf32>
        %swap3A_292 = arith.index_cast %add3A_269 : i32 to index
        %swap3A_293 = arith.constant 32 : index
        %swap3A_294 = tpu.vector_load %arg10[%swap3A_292, %swap3A_293] {strides = array<i32>} : memref<128x128xf32, #tpu.memory_space<vmem>>, vector<16xf32>,
        tpu.vector_store %arg10[%swap3A_292, %swap3A_293], %mul3A_291 {strides = array<i32>} : memref<128x128xf32, #tpu.memory_space<vmem>>, vector<16xf32>,
        %get3A_295 = arith.index_cast %add3A_269 : i32 to index
        %get3A_296 = arith.constant 48 : index
        %get3A_297 = tpu.vector_load %arg10[%get3A_295, %get3A_296] {strides = array<i32>} : memref<128x128xf32, #tpu.memory_space<vmem>>, vector<16xf32>,
        %mul3A_298 = arith.mulf %get3A_297, %get3A_273 : vector<16xf32>
        %swap3A_299 = arith.index_cast %add3A_269 : i32 to index
        %swap3A_300 = arith.constant 48 : index
        %swap3A_301 = tpu.vector_load %arg10[%swap3A_299, %swap3A_300] {strides = array<i32>} : memref<128x128xf32, #tpu.memory_space<vmem>>, vector<16xf32>,
        tpu.vector_store %arg10[%swap3A_299, %swap3A_300], %mul3A_298 {strides = array<i32>} : memref<128x128xf32, #tpu.memory_space<vmem>>, vector<16xf32>,
        %get3A_302 = arith.index_cast %add3A_269 : i32 to index
        %get3A_303 = arith.constant 64 : index
        %get3A_304 = tpu.vector_load %arg10[%get3A_302, %get3A_303] {strides = array<i32>} : memref<128x128xf32, #tpu.memory_space<vmem>>, vector<16xf32>,
        %mul3A_305 = arith.mulf %get3A_304, %get3A_273 : vector<16xf32>
        %swap3A_306 = arith.index_cast %add3A_269 : i32 to index
        %swap3A_307 = arith.constant 64 : index
        %swap3A_308 = tpu.vector_load %arg10[%swap3A_306, %swap3A_307] {strides = array<i32>} : memref<128x128xf32, #tpu.memory_space<vmem>>, vector<16xf32>,
        tpu.vector_store %arg10[%swap3A_306, %swap3A_307], %mul3A_305 {strides = array<i32>} : memref<128x128xf32, #tpu.memory_space<vmem>>, vector<16xf32>,
        %get3A_309 = arith.index_cast %add3A_269 : i32 to index
        %get3A_310 = arith.constant 80 : index
        %get3A_311 = tpu.vector_load %arg10[%get3A_309, %get3A_310] {strides = array<i32>} : memref<128x128xf32, #tpu.memory_space<vmem>>, vector<16xf32>,
        %mul3A_312 = arith.mulf %get3A_311, %get3A_273 : vector<16xf32>
        %swap3A_313 = arith.index_cast %add3A_269 : i32 to index
        %swap3A_314 = arith.constant 80 : index
        %swap3A_315 = tpu.vector_load %arg10[%swap3A_313, %swap3A_314] {strides = array<i32>} : memref<128x128xf32, #tpu.memory_space<vmem>>, vector<16xf32>,
        tpu.vector_store %arg10[%swap3A_313, %swap3A_314], %mul3A_312 {strides = array<i32>} : memref<128x128xf32, #tpu.memory_space<vmem>>, vector<16xf32>,
        %get3A_316 = arith.index_cast %add3A_269 : i32 to index
        %get3A_317 = arith.constant 96 : index
        %get3A_318 = tpu.vector_load %arg10[%get3A_316, %get3A_317] {strides = array<i32>} : memref<128x128xf32, #tpu.memory_space<vmem>>, vector<16xf32>,
        %mul3A_319 = arith.mulf %get3A_318, %get3A_273 : vector<16xf32>
        %swap3A_320 = arith.index_cast %add3A_269 : i32 to index
        %swap3A_321 = arith.constant 96 : index
        %swap3A_322 = tpu.vector_load %arg10[%swap3A_320, %swap3A_321] {strides = array<i32>} : memref<128x128xf32, #tpu.memory_space<vmem>>, vector<16xf32>,
        tpu.vector_store %arg10[%swap3A_320, %swap3A_321], %mul3A_319 {strides = array<i32>} : memref<128x128xf32, #tpu.memory_space<vmem>>, vector<16xf32>,
        %get3A_323 = arith.index_cast %add3A_269 : i32 to index
        %get3A_324 = arith.constant 112 : index
        %get3A_325 = tpu.vector_load %arg10[%get3A_323, %get3A_324] {strides = array<i32>} : memref<128x128xf32, #tpu.memory_space<vmem>>, vector<16xf32>,
        %mul3A_326 = arith.mulf %get3A_325, %get3A_273 : vector<16xf32>
        %swap3A_327 = arith.index_cast %add3A_269 : i32 to index
        %swap3A_328 = arith.constant 112 : index
        %swap3A_329 = tpu.vector_load %arg10[%swap3A_327, %swap3A_328] {strides = array<i32>} : memref<128x128xf32, #tpu.memory_space<vmem>>, vector<16xf32>,
        tpu.vector_store %arg10[%swap3A_327, %swap3A_328], %mul3A_326 {strides = array<i32>} : memref<128x128xf32, #tpu.memory_space<vmem>>, vector<16xf32>,
        %scan3A_330 = arith.constant 0 : i32
        scf.yield %scan3A_330 : i32
      }
      %scan3A_158 = arith.constant 64 : i32
      %dma_start3A_159 = arith.constant 1 : i32
      %dma_start3A_160 = arith.constant 0 : i32
      %dma_start3A_161 = tpu.memref_slice %arg6[%dma_start3A_159, %dma_start3A_160] : memref<2x128xi32, #tpu.memory_space<vmem>> -> memref<1x128xi32, #tpu.memory_space<vmem>>
      %dma_start3A_162 = tpu.memref_squeeze %dma_start3A_161 : memref<1x128xi32, #tpu.memory_space<vmem>> -> memref<128xi32, #tpu.memory_space<vmem>>
      %dma_start3A_163 = arith.constant 0 : i32
      %dma_start3A_164 = arith.constant 0 : i32
      %dma_start3A_165 = tpu.memref_slice %arg12[%dma_start3A_163, %dma_start3A_164] : memref<10240x128xf32, #tpu.memory_space<vmem_shared>> -> memref<10240x128xf32, #tpu.memory_space<vmem_shared>>
      tpu.enqueue_indirect_dma source(%arg10 : memref<128x128xf32, #tpu.memory_space<vmem>>) target(%dma_start3A_165 : memref<10240x128xf32, #tpu.memory_space<vmem_shared>>) offsets(%dma_start3A_162 : memref<128xi32, #tpu.memory_space<vmem>>) semaphore(%arg17 : memref<!tpu.dma_semaphore, #tpu.memory_space<semaphore_mem>>) {add = true}
      %dma_wait3A_166 = arith.constant 0 : i32
      %dma_wait3A_167 = arith.constant 0 : i32
      %dma_wait3A_168 = tpu.memref_slice %arg7[%dma_wait3A_166, %dma_wait3A_167] : memref<2x128xi32, #tpu.memory_space<vmem>> -> memref<1x128xi32, #tpu.memory_space<vmem>>
      %dma_wait3A_169 = tpu.memref_squeeze %dma_wait3A_168 : memref<1x128xi32, #tpu.memory_space<vmem>> -> memref<128xi32, #tpu.memory_space<vmem>>
      %dma_wait3A_170 = arith.constant 0 : i32
      %dma_wait3A_171 = arith.constant 0 : i32
      %dma_wait3A_172 = tpu.memref_slice %arg2[%dma_wait3A_170, %dma_wait3A_171] : memref<10000x128xf32, #tpu.memory_space<hbm>> -> memref<10000x128xf32, #tpu.memory_space<hbm>>
      tpu.wait_indirect_dma semaphore(%arg16 : memref<!tpu.dma_semaphore, #tpu.memory_space<semaphore_mem>>) src(%dma_wait3A_172 : memref<10000x128xf32, #tpu.memory_space<hbm>>) dst(%arg11 : memref<128x128xf32, #tpu.memory_space<vmem>>)
      %scan3A_173 = arith.constant 0 : i32
      %scan3A_174 = arith.constant 0 : i32
      %scan3A_175 = arith.constant 64 : i32
      %scan3A_176 = arith.addi %scan3A_174, %scan3A_175 : i32
      %scan3A_177 = arith.constant 1 : i32
      %scan3A_178 = scf.for %scan3A_202 = %scan3A_174 to %scan3A_176 step %scan3A_177 iter_args(%scan3A_203 = %scan3A_173) -> (i32)  : i32 {
        %mul3A_204 = arith.constant 2 : i32
        %mul3A_205 = arith.muli %scan3A_202, %mul3A_204 : i32
        %add3A_206 = arith.constant 0 : i32
        %add3A_207 = arith.addi %mul3A_205, %add3A_206 : i32
        %mul3A_208 = arith.constant 16 : i32
        %mul3A_209 = arith.muli %add3A_207, %mul3A_208 : i32
        %get3A = arith.index_cast %mul3A_209 : i32 to index
        %get3A_210 = tpu.vector_load %arg9[%get3A] {strides = array<i32>} : memref<2048xf32, #tpu.memory_space<vmem>>, vector<16xf32>,
        %get3A_211 = arith.index_cast %add3A_207 : i32 to index
        %get3A_212 = arith.constant 0 : index
        %get3A_213 = tpu.vector_load %arg11[%get3A_211, %get3A_212] {strides = array<i32>} : memref<128x128xf32, #tpu.memory_space<vmem>>, vector<16xf32>,
        %mul3A_214 = arith.mulf %get3A_213, %get3A_210 : vector<16xf32>
        %swap3A = arith.index_cast %add3A_207 : i32 to index
        %swap3A_215 = arith.constant 0 : index
        %swap3A_216 = tpu.vector_load %arg11[%swap3A, %swap3A_215] {strides = array<i32>} : memref<128x128xf32, #tpu.memory_space<vmem>>, vector<16xf32>,
        tpu.vector_store %arg11[%swap3A, %swap3A_215], %mul3A_214 {strides = array<i32>} : memref<128x128xf32, #tpu.memory_space<vmem>>, vector<16xf32>,
        %get3A_217 = arith.index_cast %add3A_207 : i32 to index
        %get3A_218 = arith.constant 16 : index
        %get3A_219 = tpu.vector_load %arg11[%get3A_217, %get3A_218] {strides = array<i32>} : memref<128x128xf32, #tpu.memory_space<vmem>>, vector<16xf32>,
        %mul3A_220 = arith.mulf %get3A_219, %get3A_210 : vector<16xf32>
        %swap3A_221 = arith.index_cast %add3A_207 : i32 to index
        %swap3A_222 = arith.constant 16 : index
        %swap3A_223 = tpu.vector_load %arg11[%swap3A_221, %swap3A_222] {strides = array<i32>} : memref<128x128xf32, #tpu.memory_space<vmem>>, vector<16xf32>,
        tpu.vector_store %arg11[%swap3A_221, %swap3A_222], %mul3A_220 {strides = array<i32>} : memref<128x128xf32, #tpu.memory_space<vmem>>, vector<16xf32>,
        %get3A_224 = arith.index_cast %add3A_207 : i32 to index
        %get3A_225 = arith.constant 32 : index
        %get3A_226 = tpu.vector_load %arg11[%get3A_224, %get3A_225] {strides = array<i32>} : memref<128x128xf32, #tpu.memory_space<vmem>>, vector<16xf32>,
        %mul3A_227 = arith.mulf %get3A_226, %get3A_210 : vector<16xf32>
        %swap3A_228 = arith.index_cast %add3A_207 : i32 to index
        %swap3A_229 = arith.constant 32 : index
        %swap3A_230 = tpu.vector_load %arg11[%swap3A_228, %swap3A_229] {strides = array<i32>} : memref<128x128xf32, #tpu.memory_space<vmem>>, vector<16xf32>,
        tpu.vector_store %arg11[%swap3A_228, %swap3A_229], %mul3A_227 {strides = array<i32>} : memref<128x128xf32, #tpu.memory_space<vmem>>, vector<16xf32>,
        %get3A_231 = arith.index_cast %add3A_207 : i32 to index
        %get3A_232 = arith.constant 48 : index
        %get3A_233 = tpu.vector_load %arg11[%get3A_231, %get3A_232] {strides = array<i32>} : memref<128x128xf32, #tpu.memory_space<vmem>>, vector<16xf32>,
        %mul3A_234 = arith.mulf %get3A_233, %get3A_210 : vector<16xf32>
        %swap3A_235 = arith.index_cast %add3A_207 : i32 to index
        %swap3A_236 = arith.constant 48 : index
        %swap3A_237 = tpu.vector_load %arg11[%swap3A_235, %swap3A_236] {strides = array<i32>} : memref<128x128xf32, #tpu.memory_space<vmem>>, vector<16xf32>,
        tpu.vector_store %arg11[%swap3A_235, %swap3A_236], %mul3A_234 {strides = array<i32>} : memref<128x128xf32, #tpu.memory_space<vmem>>, vector<16xf32>,
        %get3A_238 = arith.index_cast %add3A_207 : i32 to index
        %get3A_239 = arith.constant 64 : index
        %get3A_240 = tpu.vector_load %arg11[%get3A_238, %get3A_239] {strides = array<i32>} : memref<128x128xf32, #tpu.memory_space<vmem>>, vector<16xf32>,
        %mul3A_241 = arith.mulf %get3A_240, %get3A_210 : vector<16xf32>
        %swap3A_242 = arith.index_cast %add3A_207 : i32 to index
        %swap3A_243 = arith.constant 64 : index
        %swap3A_244 = tpu.vector_load %arg11[%swap3A_242, %swap3A_243] {strides = array<i32>} : memref<128x128xf32, #tpu.memory_space<vmem>>, vector<16xf32>,
        tpu.vector_store %arg11[%swap3A_242, %swap3A_243], %mul3A_241 {strides = array<i32>} : memref<128x128xf32, #tpu.memory_space<vmem>>, vector<16xf32>,
        %get3A_245 = arith.index_cast %add3A_207 : i32 to index
        %get3A_246 = arith.constant 80 : index
        %get3A_247 = tpu.vector_load %arg11[%get3A_245, %get3A_246] {strides = array<i32>} : memref<128x128xf32, #tpu.memory_space<vmem>>, vector<16xf32>,
        %mul3A_248 = arith.mulf %get3A_247, %get3A_210 : vector<16xf32>
        %swap3A_249 = arith.index_cast %add3A_207 : i32 to index
        %swap3A_250 = arith.constant 80 : index
        %swap3A_251 = tpu.vector_load %arg11[%swap3A_249, %swap3A_250] {strides = array<i32>} : memref<128x128xf32, #tpu.memory_space<vmem>>, vector<16xf32>,
        tpu.vector_store %arg11[%swap3A_249, %swap3A_250], %mul3A_248 {strides = array<i32>} : memref<128x128xf32, #tpu.memory_space<vmem>>, vector<16xf32>,
        %get3A_252 = arith.index_cast %add3A_207 : i32 to index
        %get3A_253 = arith.constant 96 : index
        %get3A_254 = tpu.vector_load %arg11[%get3A_252, %get3A_253] {strides = array<i32>} : memref<128x128xf32, #tpu.memory_space<vmem>>, vector<16xf32>,
        %mul3A_255 = arith.mulf %get3A_254, %get3A_210 : vector<16xf32>
        %swap3A_256 = arith.index_cast %add3A_207 : i32 to index
        %swap3A_257 = arith.constant 96 : index
        %swap3A_258 = tpu.vector_load %arg11[%swap3A_256, %swap3A_257] {strides = array<i32>} : memref<128x128xf32, #tpu.memory_space<vmem>>, vector<16xf32>,
        tpu.vector_store %arg11[%swap3A_256, %swap3A_257], %mul3A_255 {strides = array<i32>} : memref<128x128xf32, #tpu.memory_space<vmem>>, vector<16xf32>,
        %get3A_259 = arith.index_cast %add3A_207 : i32 to index
        %get3A_260 = arith.constant 112 : index
        %get3A_261 = tpu.vector_load %arg11[%get3A_259, %get3A_260] {strides = array<i32>} : memref<128x128xf32, #tpu.memory_space<vmem>>, vector<16xf32>,
        %mul3A_262 = arith.mulf %get3A_261, %get3A_210 : vector<16xf32>
        %swap3A_263 = arith.index_cast %add3A_207 : i32 to index
        %swap3A_264 = arith.constant 112 : index
        %swap3A_265 = tpu.vector_load %arg11[%swap3A_263, %swap3A_264] {strides = array<i32>} : memref<128x128xf32, #tpu.memory_space<vmem>>, vector<16xf32>,
        tpu.vector_store %arg11[%swap3A_263, %swap3A_264], %mul3A_262 {strides = array<i32>} : memref<128x128xf32, #tpu.memory_space<vmem>>, vector<16xf32>,
        %mul3A_266 = arith.constant 2 : i32
        %mul3A_267 = arith.muli %scan3A_202, %mul3A_266 : i32
        %add3A_268 = arith.constant 1 : i32
        %add3A_269 = arith.addi %mul3A_267, %add3A_268 : i32
        %mul3A_270 = arith.constant 16 : i32
        %mul3A_271 = arith.muli %add3A_269, %mul3A_270 : i32
        %get3A_272 = arith.index_cast %mul3A_271 : i32 to index
        %get3A_273 = tpu.vector_load %arg9[%get3A_272] {strides = array<i32>} : memref<2048xf32, #tpu.memory_space<vmem>>, vector<16xf32>,
        %get3A_274 = arith.index_cast %add3A_269 : i32 to index
        %get3A_275 = arith.constant 0 : index
        %get3A_276 = tpu.vector_load %arg11[%get3A_274, %get3A_275] {strides = array<i32>} : memref<128x128xf32, #tpu.memory_space<vmem>>, vector<16xf32>,
        %mul3A_277 = arith.mulf %get3A_276, %get3A_273 : vector<16xf32>
        %swap3A_278 = arith.index_cast %add3A_269 : i32 to index
        %swap3A_279 = arith.constant 0 : index
        %swap3A_280 = tpu.vector_load %arg11[%swap3A_278, %swap3A_279] {strides = array<i32>} : memref<128x128xf32, #tpu.memory_space<vmem>>, vector<16xf32>,
        tpu.vector_store %arg11[%swap3A_278, %swap3A_279], %mul3A_277 {strides = array<i32>} : memref<128x128xf32, #tpu.memory_space<vmem>>, vector<16xf32>,
        %get3A_281 = arith.index_cast %add3A_269 : i32 to index
        %get3A_282 = arith.constant 16 : index
        %get3A_283 = tpu.vector_load %arg11[%get3A_281, %get3A_282] {strides = array<i32>} : memref<128x128xf32, #tpu.memory_space<vmem>>, vector<16xf32>,
        %mul3A_284 = arith.mulf %get3A_283, %get3A_273 : vector<16xf32>
        %swap3A_285 = arith.index_cast %add3A_269 : i32 to index
        %swap3A_286 = arith.constant 16 : index
        %swap3A_287 = tpu.vector_load %arg11[%swap3A_285, %swap3A_286] {strides = array<i32>} : memref<128x128xf32, #tpu.memory_space<vmem>>, vector<16xf32>,
        tpu.vector_store %arg11[%swap3A_285, %swap3A_286], %mul3A_284 {strides = array<i32>} : memref<128x128xf32, #tpu.memory_space<vmem>>, vector<16xf32>,
        %get3A_288 = arith.index_cast %add3A_269 : i32 to index
        %get3A_289 = arith.constant 32 : index
        %get3A_290 = tpu.vector_load %arg11[%get3A_288, %get3A_289] {strides = array<i32>} : memref<128x128xf32, #tpu.memory_space<vmem>>, vector<16xf32>,
        %mul3A_291 = arith.mulf %get3A_290, %get3A_273 : vector<16xf32>
        %swap3A_292 = arith.index_cast %add3A_269 : i32 to index
        %swap3A_293 = arith.constant 32 : index
        %swap3A_294 = tpu.vector_load %arg11[%swap3A_292, %swap3A_293] {strides = array<i32>} : memref<128x128xf32, #tpu.memory_space<vmem>>, vector<16xf32>,
        tpu.vector_store %arg11[%swap3A_292, %swap3A_293], %mul3A_291 {strides = array<i32>} : memref<128x128xf32, #tpu.memory_space<vmem>>, vector<16xf32>,
        %get3A_295 = arith.index_cast %add3A_269 : i32 to index
        %get3A_296 = arith.constant 48 : index
        %get3A_297 = tpu.vector_load %arg11[%get3A_295, %get3A_296] {strides = array<i32>} : memref<128x128xf32, #tpu.memory_space<vmem>>, vector<16xf32>,
        %mul3A_298 = arith.mulf %get3A_297, %get3A_273 : vector<16xf32>
        %swap3A_299 = arith.index_cast %add3A_269 : i32 to index
        %swap3A_300 = arith.constant 48 : index
        %swap3A_301 = tpu.vector_load %arg11[%swap3A_299, %swap3A_300] {strides = array<i32>} : memref<128x128xf32, #tpu.memory_space<vmem>>, vector<16xf32>,
        tpu.vector_store %arg11[%swap3A_299, %swap3A_300], %mul3A_298 {strides = array<i32>} : memref<128x128xf32, #tpu.memory_space<vmem>>, vector<16xf32>,
        %get3A_302 = arith.index_cast %add3A_269 : i32 to index
        %get3A_303 = arith.constant 64 : index
        %get3A_304 = tpu.vector_load %arg11[%get3A_302, %get3A_303] {strides = array<i32>} : memref<128x128xf32, #tpu.memory_space<vmem>>, vector<16xf32>,
        %mul3A_305 = arith.mulf %get3A_304, %get3A_273 : vector<16xf32>
        %swap3A_306 = arith.index_cast %add3A_269 : i32 to index
        %swap3A_307 = arith.constant 64 : index
        %swap3A_308 = tpu.vector_load %arg11[%swap3A_306, %swap3A_307] {strides = array<i32>} : memref<128x128xf32, #tpu.memory_space<vmem>>, vector<16xf32>,
        tpu.vector_store %arg11[%swap3A_306, %swap3A_307], %mul3A_305 {strides = array<i32>} : memref<128x128xf32, #tpu.memory_space<vmem>>, vector<16xf32>,
        %get3A_309 = arith.index_cast %add3A_269 : i32 to index
        %get3A_310 = arith.constant 80 : index
        %get3A_311 = tpu.vector_load %arg11[%get3A_309, %get3A_310] {strides = array<i32>} : memref<128x128xf32, #tpu.memory_space<vmem>>, vector<16xf32>,
        %mul3A_312 = arith.mulf %get3A_311, %get3A_273 : vector<16xf32>
        %swap3A_313 = arith.index_cast %add3A_269 : i32 to index
        %swap3A_314 = arith.constant 80 : index
        %swap3A_315 = tpu.vector_load %arg11[%swap3A_313, %swap3A_314] {strides = array<i32>} : memref<128x128xf32, #tpu.memory_space<vmem>>, vector<16xf32>,
        tpu.vector_store %arg11[%swap3A_313, %swap3A_314], %mul3A_312 {strides = array<i32>} : memref<128x128xf32, #tpu.memory_space<vmem>>, vector<16xf32>,
        %get3A_316 = arith.index_cast %add3A_269 : i32 to index
        %get3A_317 = arith.constant 96 : index
        %get3A_318 = tpu.vector_load %arg11[%get3A_316, %get3A_317] {strides = array<i32>} : memref<128x128xf32, #tpu.memory_space<vmem>>, vector<16xf32>,
        %mul3A_319 = arith.mulf %get3A_318, %get3A_273 : vector<16xf32>
        %swap3A_320 = arith.index_cast %add3A_269 : i32 to index
        %swap3A_321 = arith.constant 96 : index
        %swap3A_322 = tpu.vector_load %arg11[%swap3A_320, %swap3A_321] {strides = array<i32>} : memref<128x128xf32, #tpu.memory_space<vmem>>, vector<16xf32>,
        tpu.vector_store %arg11[%swap3A_320, %swap3A_321], %mul3A_319 {strides = array<i32>} : memref<128x128xf32, #tpu.memory_space<vmem>>, vector<16xf32>,
        %get3A_323 = arith.index_cast %add3A_269 : i32 to index
        %get3A_324 = arith.constant 112 : index
        %get3A_325 = tpu.vector_load %arg11[%get3A_323, %get3A_324] {strides = array<i32>} : memref<128x128xf32, #tpu.memory_space<vmem>>, vector<16xf32>,
        %mul3A_326 = arith.mulf %get3A_325, %get3A_273 : vector<16xf32>
        %swap3A_327 = arith.index_cast %add3A_269 : i32 to index
        %swap3A_328 = arith.constant 112 : index
        %swap3A_329 = tpu.vector_load %arg11[%swap3A_327, %swap3A_328] {strides = array<i32>} : memref<128x128xf32, #tpu.memory_space<vmem>>, vector<16xf32>,
        tpu.vector_store %arg11[%swap3A_327, %swap3A_328], %mul3A_326 {strides = array<i32>} : memref<128x128xf32, #tpu.memory_space<vmem>>, vector<16xf32>,
        %scan3A_330 = arith.constant 0 : i32
        scf.yield %scan3A_330 : i32
      }
      %scan3A_179 = arith.constant 64 : i32
      %dma_start3A_180 = arith.constant 1 : i32
      %dma_start3A_181 = arith.constant 0 : i32
      %dma_start3A_182 = tpu.memref_slice %arg7[%dma_start3A_180, %dma_start3A_181] : memref<2x128xi32, #tpu.memory_space<vmem>> -> memref<1x128xi32, #tpu.memory_space<vmem>>
      %dma_start3A_183 = tpu.memref_squeeze %dma_start3A_182 : memref<1x128xi32, #tpu.memory_space<vmem>> -> memref<128xi32, #tpu.memory_space<vmem>>
      %dma_start3A_184 = arith.constant 0 : i32
      %dma_start3A_185 = arith.constant 0 : i32
      %dma_start3A_186 = tpu.memref_slice %arg12[%dma_start3A_184, %dma_start3A_185] : memref<10240x128xf32, #tpu.memory_space<vmem_shared>> -> memref<10240x128xf32, #tpu.memory_space<vmem_shared>>
      tpu.enqueue_indirect_dma source(%arg11 : memref<128x128xf32, #tpu.memory_space<vmem>>) target(%dma_start3A_186 : memref<10240x128xf32, #tpu.memory_space<vmem_shared>>) offsets(%dma_start3A_183 : memref<128xi32, #tpu.memory_space<vmem>>) semaphore(%arg18 : memref<!tpu.dma_semaphore, #tpu.memory_space<semaphore_mem>>) {add = true}
      %dma_wait3A_187 = arith.constant 1 : i32
      %dma_wait3A_188 = arith.constant 0 : i32
      %dma_wait3A_189 = tpu.memref_slice %arg6[%dma_wait3A_187, %dma_wait3A_188] : memref<2x128xi32, #tpu.memory_space<vmem>> -> memref<1x128xi32, #tpu.memory_space<vmem>>
      %dma_wait3A_190 = tpu.memref_squeeze %dma_wait3A_189 : memref<1x128xi32, #tpu.memory_space<vmem>> -> memref<128xi32, #tpu.memory_space<vmem>>
      %dma_wait3A_191 = arith.constant 0 : i32
      %dma_wait3A_192 = arith.constant 0 : i32
      %dma_wait3A_193 = tpu.memref_slice %arg12[%dma_wait3A_191, %dma_wait3A_192] : memref<10240x128xf32, #tpu.memory_space<vmem_shared>> -> memref<10240x128xf32, #tpu.memory_space<vmem_shared>>
      tpu.wait_indirect_dma semaphore(%arg17 : memref<!tpu.dma_semaphore, #tpu.memory_space<semaphore_mem>>) src(%arg10 : memref<128x128xf32, #tpu.memory_space<vmem>>) dst(%dma_wait3A_193 : memref<10240x128xf32, #tpu.memory_space<vmem_shared>>)
      %dma_wait3A_194 = arith.constant 1 : i32
      %dma_wait3A_195 = arith.constant 0 : i32
      %dma_wait3A_196 = tpu.memref_slice %arg7[%dma_wait3A_194, %dma_wait3A_195] : memref<2x128xi32, #tpu.memory_space<vmem>> -> memref<1x128xi32, #tpu.memory_space<vmem>>
      %dma_wait3A_197 = tpu.memref_squeeze %dma_wait3A_196 : memref<1x128xi32, #tpu.memory_space<vmem>> -> memref<128xi32, #tpu.memory_space<vmem>>
      %dma_wait3A_198 = arith.constant 0 : i32
      %dma_wait3A_199 = arith.constant 0 : i32
      %dma_wait3A_200 = tpu.memref_slice %arg12[%dma_wait3A_198, %dma_wait3A_199] : memref<10240x128xf32, #tpu.memory_space<vmem_shared>> -> memref<10240x128xf32, #tpu.memory_space<vmem_shared>>
      tpu.wait_indirect_dma semaphore(%arg18 : memref<!tpu.dma_semaphore, #tpu.memory_space<semaphore_mem>>) src(%arg11 : memref<128x128xf32, #tpu.memory_space<vmem>>) dst(%dma_wait3A_200 : memref<10240x128xf32, #tpu.memory_space<vmem_shared>>)
      %while3A_201 = arith.constant 0 : i32
      scf.yield %while3A_201 : i32
    }
    %barrier3A_64 = arith.constant 0 : index
    tpu.barrier barrier_id(%barrier3A_64)
    %mul3A_65 = arith.constant 640 : i32
    %mul3A_66 = arith.muli %arg1, %mul3A_65 : i32
    %mul3A_67 = arith.constant 640 : i32
    %mul3A_68 = arith.muli %arg1, %mul3A_67 : i32
    "tpu.region"() ({
      %run_scoped3A = tpu.sem_alloc : memref<!tpu.dma_semaphore, #tpu.memory_space<semaphore_mem>>
      %dma_start3A = arith.constant 0 : i32
      %dma_start3A_69 = tpu.memref_slice %arg5[%arg0, %mul3A_68, %dma_start3A] : memref<2x10240x128xf32, #tpu.memory_space<hbm>> -> memref<1x640x128xf32, #tpu.memory_space<hbm>>
      %dma_start3A_70 = tpu.memref_squeeze %dma_start3A_69 : memref<1x640x128xf32, #tpu.memory_space<hbm>> -> memref<640x128xf32, #tpu.memory_space<hbm>>
      %dma_start3A_71 = arith.constant 0 : i32
      %dma_start3A_72 = tpu.memref_slice %arg12[%mul3A_66, %dma_start3A_71] : memref<10240x128xf32, #tpu.memory_space<vmem_shared>> -> memref<640x128xf32, #tpu.memory_space<vmem_shared>>
      tpu.enqueue_dma source(%dma_start3A_72 : memref<640x128xf32, #tpu.memory_space<vmem_shared>>) target(%dma_start3A_70 : memref<640x128xf32, #tpu.memory_space<hbm>>) target_semaphore(%run_scoped3A : memref<!tpu.dma_semaphore, #tpu.memory_space<semaphore_mem>>)
      %dma_wait3A = arith.constant 0 : i32
      %dma_wait3A_73 = tpu.memref_slice %arg5[%arg0, %mul3A_68, %dma_wait3A] : memref<2x10240x128xf32, #tpu.memory_space<hbm>> -> memref<1x640x128xf32, #tpu.memory_space<hbm>>
      %dma_wait3A_74 = tpu.memref_squeeze %dma_wait3A_73 : memref<1x640x128xf32, #tpu.memory_space<hbm>> -> memref<640x128xf32, #tpu.memory_space<hbm>>
      %dma_wait3A_75 = arith.constant 0 : i32
      %dma_wait3A_76 = tpu.memref_slice %arg12[%mul3A_66, %dma_wait3A_75] : memref<10240x128xf32, #tpu.memory_space<vmem_shared>> -> memref<640x128xf32, #tpu.memory_space<vmem_shared>>
      tpu.wait_dma2 semaphore(%run_scoped3A : memref<!tpu.dma_semaphore, #tpu.memory_space<semaphore_mem>>) src(%dma_wait3A_76 : memref<640x128xf32, #tpu.memory_space<vmem_shared>>) dst(%dma_wait3A_74 : memref<640x128xf32, #tpu.memory_space<hbm>>)
      tpu.yield
    }) : () -> ()
    return
  }
}

module attributes {stable_mosaic.version = 14 : i64} {
  func.func @_pre_body(%arg0: memref<10000x128xf32, #tpu.memory_space<vmem>>, %arg1: memref<128x128xf32, #tpu.memory_space<vmem>>, %arg2: memref<1x128xf32, #tpu.memory_space<vmem>>, %arg3: memref<20480x8xf32, #tpu.memory_space<vmem>>, %arg4: memref<8x128xf32, #tpu.memory_space<vmem>>, %arg5: memref<10000x128xf32, #tpu.memory_space<vmem>>, %arg6: memref<20480x128xf32, #tpu.memory_space<vmem>>) attributes {dimension_semantics = [], scalar_prefetch = 0 : i64, scratch_operands = 0 : i64, tpu.core_type = #tpu.core_type<tc>} {
    %get3A = arith.constant 0 : index
    %get3A_0 = arith.constant 0 : index
    %get3A_1 = vector.load %arg0[%get3A, %get3A_0] : memref<10000x128xf32, #tpu.memory_space<vmem>>, vector<10000x128xf32>
    %get3A_2 = arith.constant 0 : index
    %get3A_3 = arith.constant 0 : index
    %get3A_4 = vector.load %arg1[%get3A_2, %get3A_3] : memref<128x128xf32, #tpu.memory_space<vmem>>, vector<128x128xf32>
    %dot_general3A = arith.constant dense<0.000000e+00> : vector<10000x128xf32>
    %dot_general3A_5 = tpu.matmul %get3A_1, %get3A_4, %dot_general3A {dimension_numbers = #tpu.dot_dimension_numbers<[1], [0], [0], [1], [0, 0, 1, 1], [], []>, transpose_lhs_hint = false} : vector<10000x128xf32>, vector<128x128xf32>, vector<10000x128xf32> -> vector<10000x128xf32>
    %get3A_6 = arith.constant 0 : index
    %get3A_7 = arith.constant 0 : index
    %get3A_8 = vector.load %arg2[%get3A_6, %get3A_7] : memref<1x128xf32, #tpu.memory_space<vmem>>, vector<1x128xf32>
    %add3A = vector.broadcast %get3A_8 : vector<1x128xf32> to vector<10000x128xf32>
    %add3A_9 = arith.addf %dot_general3A_5, %add3A : vector<10000x128xf32>
    %swap3A = arith.constant 0 : index
    %swap3A_10 = arith.constant 0 : index
    %swap3A_11 = vector.load %arg5[%swap3A, %swap3A_10] : memref<10000x128xf32, #tpu.memory_space<vmem>>, vector<10000x128xf32>
    tpu.vector_store %arg5[%swap3A, %swap3A_10], %add3A_9 {strides = array<i32>} : memref<10000x128xf32, #tpu.memory_space<vmem>>, vector<10000x128xf32>,
    %get3A_12 = arith.constant 0 : index
    %get3A_13 = arith.constant 0 : index
    %get3A_14 = vector.load %arg3[%get3A_12, %get3A_13] : memref<20480x8xf32, #tpu.memory_space<vmem>>, vector<20480x8xf32>
    %get3A_15 = arith.constant 0 : index
    %get3A_16 = arith.constant 0 : index
    %get3A_17 = vector.load %arg4[%get3A_15, %get3A_16] : memref<8x128xf32, #tpu.memory_space<vmem>>, vector<8x128xf32>
    %dot_general3A_18 = arith.constant dense<0.000000e+00> : vector<20480x128xf32>
    %dot_general3A_19 = tpu.matmul %get3A_14, %get3A_17, %dot_general3A_18 {dimension_numbers = #tpu.dot_dimension_numbers<[1], [0], [0], [1], [0, 0, 1, 1], [], []>, transpose_lhs_hint = false} : vector<20480x8xf32>, vector<8x128xf32>, vector<20480x128xf32> -> vector<20480x128xf32>
    %swap3A_20 = arith.constant 0 : index
    %swap3A_21 = arith.constant 0 : index
    %swap3A_22 = vector.load %arg6[%swap3A_20, %swap3A_21] : memref<20480x128xf32, #tpu.memory_space<vmem>>, vector<20480x128xf32>
    tpu.vector_store %arg6[%swap3A_20, %swap3A_21], %dot_general3A_19 {strides = array<i32>} : memref<20480x128xf32, #tpu.memory_space<vmem>>, vector<20480x128xf32>,
    return
  }
}

module attributes {stable_mosaic.version = 14 : i64} {
  func.func @_layer_body(%arg0: memref<2x10240x128xf32, #tpu.memory_space<vmem>>, %arg1: memref<10000x128xf32, #tpu.memory_space<vmem>>, %arg2: memref<128x128xf32, #tpu.memory_space<vmem>>, %arg3: memref<1x128xf32, #tpu.memory_space<vmem>>, %arg4: memref<128x128xf32, #tpu.memory_space<vmem>>, %arg5: memref<1x128xf32, #tpu.memory_space<vmem>>, %arg6: memref<1x128xf32, #tpu.memory_space<vmem>>, %arg7: memref<10000x128xf32, #tpu.memory_space<vmem>>) attributes {dimension_semantics = [], scalar_prefetch = 0 : i64, scratch_operands = 0 : i64, tpu.core_type = #tpu.core_type<tc>} {
    %get3A = arith.constant 0 : index
    %get3A_0 = arith.constant 0 : index
    %get3A_1 = arith.constant 0 : index
    %get3A_2 = vector.load %arg0[%get3A, %get3A_0, %get3A_1] : memref<2x10240x128xf32, #tpu.memory_space<vmem>>, vector<1x10000x128xf32>
    %get3A_3 = vector.shape_cast %get3A_2 : vector<1x10000x128xf32> to vector<10000x128xf32>
    %get3A_4 = arith.constant 1 : index
    %get3A_5 = arith.constant 0 : index
    %get3A_6 = arith.constant 0 : index
    %get3A_7 = vector.load %arg0[%get3A_4, %get3A_5, %get3A_6] : memref<2x10240x128xf32, #tpu.memory_space<vmem>>, vector<1x10000x128xf32>
    %get3A_8 = vector.shape_cast %get3A_7 : vector<1x10000x128xf32> to vector<10000x128xf32>
    %add3A = arith.addf %get3A_3, %get3A_8 : vector<10000x128xf32>
    %get3A_9 = arith.constant 0 : index
    %get3A_10 = arith.constant 0 : index
    %get3A_11 = vector.load %arg1[%get3A_9, %get3A_10] : memref<10000x128xf32, #tpu.memory_space<vmem>>, vector<10000x128xf32>
    %get3A_12 = arith.constant 0 : index
    %get3A_13 = arith.constant 0 : index
    %get3A_14 = vector.load %arg2[%get3A_12, %get3A_13] : memref<128x128xf32, #tpu.memory_space<vmem>>, vector<128x128xf32>
    %dot_general3A = arith.constant dense<0.000000e+00> : vector<10000x128xf32>
    %dot_general3A_15 = tpu.matmul %add3A, %get3A_14, %dot_general3A {dimension_numbers = #tpu.dot_dimension_numbers<[1], [0], [0], [1], [0, 0, 1, 1], [], []>, transpose_lhs_hint = false} : vector<10000x128xf32>, vector<128x128xf32>, vector<10000x128xf32> -> vector<10000x128xf32>
    %get3A_16 = arith.constant 0 : index
    %get3A_17 = arith.constant 0 : index
    %get3A_18 = vector.load %arg4[%get3A_16, %get3A_17] : memref<128x128xf32, #tpu.memory_space<vmem>>, vector<128x128xf32>
    %dot_general3A_19 = arith.constant dense<0.000000e+00> : vector<10000x128xf32>
    %dot_general3A_20 = tpu.matmul %get3A_11, %get3A_18, %dot_general3A_19 {dimension_numbers = #tpu.dot_dimension_numbers<[1], [0], [0], [1], [0, 0, 1, 1], [], []>, transpose_lhs_hint = false} : vector<10000x128xf32>, vector<128x128xf32>, vector<10000x128xf32> -> vector<10000x128xf32>
    %add3A_21 = arith.addf %dot_general3A_15, %dot_general3A_20 : vector<10000x128xf32>
    %get3A_22 = arith.constant 0 : index
    %get3A_23 = arith.constant 0 : index
    %get3A_24 = vector.load %arg3[%get3A_22, %get3A_23] : memref<1x128xf32, #tpu.memory_space<vmem>>, vector<1x128xf32>
    %add3A_25 = vector.broadcast %get3A_24 : vector<1x128xf32> to vector<10000x128xf32>
    %add3A_26 = arith.addf %add3A_21, %add3A_25 : vector<10000x128xf32>
    %reduce_sum3A = arith.constant dense<0.000000e+00> : vector<128xf32>
    %reduce_sum3A_27 = vector.multi_reduction <add>, %add3A_26, %reduce_sum3A [0] : vector<10000x128xf32> to vector<128xf32>
    %broadcast_in_dim3A = vector.shape_cast %reduce_sum3A_27 : vector<128xf32> to vector<1x128xf32>
    %div3A = arith.constant 1.000000e+04 : f32
    %div3A_28 = vector.broadcast %div3A : f32 to vector<1x128xf32>
    %div3A_29 = arith.divf %broadcast_in_dim3A, %div3A_28 : vector<1x128xf32>
    %sub3A = vector.broadcast %div3A_29 : vector<1x128xf32> to vector<10000x128xf32>
    %sub3A_30 = arith.subf %add3A_26, %sub3A : vector<10000x128xf32>
    %mul3A = arith.mulf %sub3A_30, %sub3A_30 : vector<10000x128xf32>
    %reduce_sum3A_31 = arith.constant dense<0.000000e+00> : vector<128xf32>
    %reduce_sum3A_32 = vector.multi_reduction <add>, %mul3A, %reduce_sum3A_31 [0] : vector<10000x128xf32> to vector<128xf32>
    %broadcast_in_dim3A_33 = vector.shape_cast %reduce_sum3A_32 : vector<128xf32> to vector<1x128xf32>
    %div3A_34 = arith.constant 1.000000e+04 : f32
    %div3A_35 = vector.broadcast %div3A_34 : f32 to vector<1x128xf32>
    %div3A_36 = arith.divf %broadcast_in_dim3A_33, %div3A_35 : vector<1x128xf32>
    %add3A_37 = arith.constant 9.99999974E-6 : f32
    %add3A_38 = vector.broadcast %add3A_37 : f32 to vector<1x128xf32>
    %add3A_39 = arith.addf %div3A_36, %add3A_38 : vector<1x128xf32>
    %rsqrt3A = math.rsqrt %add3A_39 : vector<1x128xf32>
    %mul3A_40 = vector.broadcast %rsqrt3A : vector<1x128xf32> to vector<10000x128xf32>
    %mul3A_41 = arith.mulf %sub3A_30, %mul3A_40 : vector<10000x128xf32>
    %get3A_42 = arith.constant 0 : index
    %get3A_43 = arith.constant 0 : index
    %get3A_44 = vector.load %arg5[%get3A_42, %get3A_43] : memref<1x128xf32, #tpu.memory_space<vmem>>, vector<1x128xf32>
    %mul3A_45 = vector.broadcast %get3A_44 : vector<1x128xf32> to vector<10000x128xf32>
    %mul3A_46 = arith.mulf %mul3A_41, %mul3A_45 : vector<10000x128xf32>
    %get3A_47 = arith.constant 0 : index
    %get3A_48 = arith.constant 0 : index
    %get3A_49 = vector.load %arg6[%get3A_47, %get3A_48] : memref<1x128xf32, #tpu.memory_space<vmem>>, vector<1x128xf32>
    %add3A_50 = vector.broadcast %get3A_49 : vector<1x128xf32> to vector<10000x128xf32>
    %add3A_51 = arith.addf %mul3A_46, %add3A_50 : vector<10000x128xf32>
    %ge3A = arith.constant 0.000000e+00 : f32
    %ge3A_52 = vector.broadcast %ge3A : f32 to vector<10000x128xf32>
    %ge3A_53 = arith.cmpf oge, %add3A_51, %ge3A_52 : vector<10000x128xf32>
    %mul3A_54 = arith.constant 0.00999999977 : f32
    %mul3A_55 = vector.broadcast %mul3A_54 : f32 to vector<10000x128xf32>
    %mul3A_56 = arith.mulf %mul3A_55, %add3A_51 : vector<10000x128xf32>
    %select_n3A = arith.select %ge3A_53, %add3A_51, %mul3A_56 : vector<10000x128xi1>, vector<10000x128xf32>
    %swap3A = arith.constant 0 : index
    %swap3A_57 = arith.constant 0 : index
    %swap3A_58 = vector.load %arg7[%swap3A, %swap3A_57] : memref<10000x128xf32, #tpu.memory_space<vmem>>, vector<10000x128xf32>
    tpu.vector_store %arg7[%swap3A, %swap3A_57], %select_n3A {strides = array<i32>} : memref<10000x128xf32, #tpu.memory_space<vmem>>, vector<10000x128xf32>,
    return
  }
}

module attributes {stable_mosaic.version = 14 : i64} {
  func.func @_pool_body(%arg0: i32, %arg1: memref<1x1000x128xf32, #tpu.memory_space<vmem>>, %arg2: memref<128x2xf32, #tpu.memory_space<vmem>>, %arg3: memref<1x2xf32, #tpu.memory_space<vmem>>, %arg4: memref<1x1x128xf32, #tpu.memory_space<vmem>>) attributes {dimension_semantics = [#tpu.dimension_semantics<arbitrary>], iteration_bounds = array<i64: 10>, scalar_prefetch = 0 : i64, scratch_operands = 0 : i64, tpu.core_type = #tpu.core_type<tc>, window_params = [{transform_indices = @transform_0, window_bounds = array<i64: 1, 1000, 128>}, {pipeline_mode = #tpu.pipeline_mode<synchronous>, transform_indices = @transform_1, window_bounds = array<i64: 128, 2>}, {pipeline_mode = #tpu.pipeline_mode<synchronous>, transform_indices = @transform_2, window_bounds = array<i64: 1, 2>}, {transform_indices = @transform_3, window_bounds = array<i64: 1, 1, 128>}]} {
    %get3A = arith.constant 0 : index
    %get3A_0 = arith.constant 0 : index
    %get3A_1 = arith.constant 0 : index
    %get3A_2 = vector.load %arg1[%get3A, %get3A_0, %get3A_1] : memref<1x1000x128xf32, #tpu.memory_space<vmem>>, vector<1x1000x128xf32>
    %get3A_3 = vector.shape_cast %get3A_2 : vector<1x1000x128xf32> to vector<1000x128xf32>
    %get3A_4 = arith.constant 0 : index
    %get3A_5 = arith.constant 0 : index
    %get3A_6 = vector.load %arg2[%get3A_4, %get3A_5] : memref<128x2xf32, #tpu.memory_space<vmem>>, vector<128x2xf32>
    %dot_general3A = arith.constant dense<0.000000e+00> : vector<1000x2xf32>
    %dot_general3A_7 = tpu.matmul %get3A_3, %get3A_6, %dot_general3A {dimension_numbers = #tpu.dot_dimension_numbers<[1], [0], [0], [1], [0, 0, 1, 1], [], []>, transpose_lhs_hint = false} : vector<1000x128xf32>, vector<128x2xf32>, vector<1000x2xf32> -> vector<1000x2xf32>
    %get3A_8 = arith.constant 0 : index
    %get3A_9 = arith.constant 0 : index
    %get3A_10 = vector.load %arg3[%get3A_8, %get3A_9] : memref<1x2xf32, #tpu.memory_space<vmem>>, vector<1x2xf32>
    %add3A = vector.broadcast %get3A_10 : vector<1x2xf32> to vector<1000x2xf32>
    %add3A_11 = arith.addf %dot_general3A_7, %add3A : vector<1000x2xf32>
    %slice3A = vector.extract_strided_slice %add3A_11 {offsets = [0, 0], sizes = [1000, 1], strides = [1, 1]} : vector<1000x2xf32> to vector<1000x1xf32>
    %slice3A_12 = vector.extract_strided_slice %add3A_11 {offsets = [0, 1], sizes = [1000, 1], strides = [1, 1]} : vector<1000x2xf32> to vector<1000x1xf32>
    %max3A = arith.maximumf %slice3A, %slice3A_12 : vector<1000x1xf32>
    %sub3A = arith.subf %slice3A, %max3A : vector<1000x1xf32>
    %exp3A = math.exp %sub3A : vector<1000x1xf32>
    %sub3A_13 = arith.subf %slice3A_12, %max3A : vector<1000x1xf32>
    %exp3A_14 = math.exp %sub3A_13 : vector<1000x1xf32>
    %add3A_15 = arith.addf %exp3A, %exp3A_14 : vector<1000x1xf32>
    %div3A = arith.constant 1.000000e+00 : f32
    %div3A_16 = vector.broadcast %div3A : f32 to vector<1000x1xf32>
    %div3A_17 = arith.divf %div3A_16, %add3A_15 : vector<1000x1xf32>
    %mul3A = arith.mulf %exp3A, %div3A_17 : vector<1000x1xf32>
    %mul3A_18 = arith.mulf %exp3A_14, %div3A_17 : vector<1000x1xf32>
    %mul3A_19 = vector.broadcast %mul3A : vector<1000x1xf32> to vector<1000x128xf32>
    %mul3A_20 = arith.mulf %mul3A_19, %get3A_3 : vector<1000x128xf32>
    %reduce_sum3A = arith.constant dense<0.000000e+00> : vector<128xf32>
    %reduce_sum3A_21 = vector.multi_reduction <add>, %mul3A_20, %reduce_sum3A [0] : vector<1000x128xf32> to vector<128xf32>
    %broadcast_in_dim3A = vector.shape_cast %reduce_sum3A_21 : vector<128xf32> to vector<1x128xf32>
    %mul3A_22 = vector.broadcast %mul3A_18 : vector<1000x1xf32> to vector<1000x128xf32>
    %mul3A_23 = arith.mulf %mul3A_22, %get3A_3 : vector<1000x128xf32>
    %reduce_sum3A_24 = arith.constant dense<0.000000e+00> : vector<128xf32>
    %reduce_sum3A_25 = vector.multi_reduction <add>, %mul3A_23, %reduce_sum3A_24 [0] : vector<1000x128xf32> to vector<128xf32>
    %broadcast_in_dim3A_26 = vector.shape_cast %reduce_sum3A_25 : vector<128xf32> to vector<1x128xf32>
    %ge3A = arith.constant 0.000000e+00 : f32
    %ge3A_27 = vector.broadcast %ge3A : f32 to vector<1x128xf32>
    %ge3A_28 = arith.cmpf oge, %broadcast_in_dim3A, %ge3A_27 : vector<1x128xf32>
    %mul3A_29 = arith.constant 0.00999999977 : f32
    %mul3A_30 = vector.broadcast %mul3A_29 : f32 to vector<1x128xf32>
    %mul3A_31 = arith.mulf %mul3A_30, %broadcast_in_dim3A : vector<1x128xf32>
    %select_n3A = arith.select %ge3A_28, %broadcast_in_dim3A, %mul3A_31 : vector<1x128xi1>, vector<1x128xf32>
    %ge3A_32 = arith.constant 0.000000e+00 : f32
    %ge3A_33 = vector.broadcast %ge3A_32 : f32 to vector<1x128xf32>
    %ge3A_34 = arith.cmpf oge, %broadcast_in_dim3A_26, %ge3A_33 : vector<1x128xf32>
    %mul3A_35 = arith.constant 0.00999999977 : f32
    %mul3A_36 = vector.broadcast %mul3A_35 : f32 to vector<1x128xf32>
    %mul3A_37 = arith.mulf %mul3A_36, %broadcast_in_dim3A_26 : vector<1x128xf32>
    %select_n3A_38 = arith.select %ge3A_34, %broadcast_in_dim3A_26, %mul3A_37 : vector<1x128xi1>, vector<1x128xf32>
    %add3A_39 = arith.addf %select_n3A, %select_n3A_38 : vector<1x128xf32>
    %mul3A_40 = arith.constant 5.000000e-01 : f32
    %mul3A_41 = vector.broadcast %mul3A_40 : f32 to vector<1x128xf32>
    %mul3A_42 = arith.mulf %mul3A_41, %add3A_39 : vector<1x128xf32>
    %mul3A_43 = arith.mulf %mul3A_42, %mul3A_42 : vector<1x128xf32>
    %reduce_sum3A_44 = arith.constant dense<0.000000e+00> : vector<1xf32>
    %reduce_sum3A_45 = vector.multi_reduction <add>, %mul3A_43, %reduce_sum3A_44 [1] : vector<1x128xf32> to vector<1xf32>
    %broadcast_in_dim3A_46 = vector.shape_cast %reduce_sum3A_45 : vector<1xf32> to vector<1x1xf32>
    %sqrt3A = math.sqrt %broadcast_in_dim3A_46 : vector<1x1xf32>
    %max3A_47 = arith.constant 9.99999996E-13 : f32
    %max3A_48 = vector.broadcast %max3A_47 : f32 to vector<1x1xf32>
    %max3A_49 = arith.maximumf %sqrt3A, %max3A_48 : vector<1x1xf32>
    %div3A_50 = vector.broadcast %max3A_49 : vector<1x1xf32> to vector<1x128xf32>
    %div3A_51 = arith.divf %mul3A_42, %div3A_50 : vector<1x128xf32>
    %swap3A = arith.constant 0 : index
    %swap3A_52 = arith.constant 0 : index
    %swap3A_53 = arith.constant 0 : index
    %swap3A_54 = vector.load %arg4[%swap3A, %swap3A_52, %swap3A_53] : memref<1x1x128xf32, #tpu.memory_space<vmem>>, vector<1x1x128xf32>
    %swap3A_55 = vector.shape_cast %swap3A_54 : vector<1x1x128xf32> to vector<1x128xf32>
    %swap3A_56 = vector.shape_cast %div3A_51 : vector<1x128xf32> to vector<1x1x128xf32>
    tpu.vector_store %arg4[%swap3A, %swap3A_52, %swap3A_53], %swap3A_56 {strides = array<i32>} : memref<1x1x128xf32, #tpu.memory_space<vmem>>, vector<1x1x128xf32>,
    return
  }
  func.func @transform_0(%arg0: i32) -> (i32, i32, i32) {
    %c0_i32 = arith.constant 0 : i32
    %c0_i32_0 = arith.constant 0 : i32
    %c0_i32_1 = arith.constant 0 : i32
    return %arg0, %c0_i32, %c0_i32_0 : i32, i32, i32
  }
  func.func @transform_1(%arg0: i32) -> (i32, i32) {
    %c0_i32 = arith.constant 0 : i32
    %c0_i32_0 = arith.constant 0 : i32
    %c0_i32_1 = arith.constant 0 : i32
    return %c0_i32, %c0_i32_0 : i32, i32
  }
  func.func @transform_2(%arg0: i32) -> (i32, i32) {
    %c0_i32 = arith.constant 0 : i32
    %c0_i32_0 = arith.constant 0 : i32
    %c0_i32_1 = arith.constant 0 : i32
    return %c0_i32, %c0_i32_0 : i32, i32
  }
  func.func @transform_3(%arg0: i32) -> (i32, i32, i32) {
    %c0_i32 = arith.constant 0 : i32
    %c0_i32_0 = arith.constant 0 : i32
    %c0_i32_1 = arith.constant 0 : i32
    return %arg0, %c0_i32, %c0_i32_0 : i32, i32, i32
  }
}

</mosaic_0001>

<sc_bundles>
// kernel: kernel.10.cloned.1.call-start
scs
__scs_entry_jumppad:
0x0: {  	(pc) =	sbr.rel $0x88, $3  }
0x1: {  	(tag) =	ssettag $0x0;
	lr =	simm.s32 $0x1  }
0x2: {  	[smem:$0x3F95] =	sst lr;
	_ =	strace $0xD0000000  }
0x3: {  	_ = 	snop  }
0x4: {  	_ = 	snop  }
0x5: {  	_ = 	snop  }
0x6: {  	_ = 	snop  }
0x7: {  	_ = 	snop  }
__scs_overlays_trampoline_lowered:
0x8: {  	[smem:$0x3FA4] =	sst s0  }
0x9: {  	[smem:$0x3FA5] =	sst s1  }
0xa: {  	[smem:$0x3FA6] =	sst s2  }
0xb: {  	[smem:$0x3FA7] =	sst s3  }
0xc: {  	[smem:$0x3FA8] =	sst s4  }
0xd: {  	[smem:$0x3FA9] =	sst s5  }
0xe: {  	[smem:$0x3FAA] =	sst s6  }
0xf: {  	[smem:$0x3FAB] =	sst s7  }
0x10: {  	[smem:$0x3FAC] =	sst s8  }
0x11: {  	[smem:$0x3FAD] =	sst s9;
	s0 =	simm.s32 @!p0 $0x0  }
0x12: {  	s1 =	sld [smem:$0x3F93];
	s0 =	simm.s32 @p0 $0x1  }
0x13: {  	[smem:$0x3FAE] =	sst s0;
	s0 =	simm.s32 @!p1 $0x0  }
0x14: {  	s2 =	sld [smem:$0x3F92];
	s0 =	simm.s32 @p1 $0x1  }
0x15: {  	[smem:$0x3FAF] =	sst s0;
	s0 =	simm.s32 @!p2 $0x0  }
0x16: {  	s3 =	sld [smem:$0x3FDB];
	s0 =	simm.s32 @p2 $0x1  }
0x17: {  	s4 =	simm.s32 $0x1BF5;
	[smem:$0x3FB1] =	sst s0  }
0x18: {  	s0 =	sld [smem:$0x3F94];
	_ =	swait.ge [sflag:s4], $0x0  }
0x19: {  	s7 =	sld [smem:$0x3F95]  }
0x1a: {  	s8 =	sadd.s32 $0xFFFFE003, lr  }
0x1b: {  	s9 =	sadd.s32 $0xFFFFFEF7, lr;
	s5 =	simm.s32 $0xFFFFFFFF;
	p2 =	slt.u32 s8, $0xFFFFF086  }
0x1c: {  	p1 =	slt.u32 s9, $0xF7A;
	s5 =	simm.s32 @!p2 $0x0  }
0x1d: {  	s5 =	simm.s32 @p1 $0x1;
	p0 =	seq.s32 s7, s2  }
0x1e: {  	s7 =	smul.u32 @!p0 $0xF7A, s2;
	p2 =	seq.s32 @!p0 s5, $0x0  }
0x1f: {  	s9 =	smul.u32 $0xF7A, s1;
	s8 =	simm.s32 @!p0 $0x1BF5;
	p2 =	por !p2, p0  }
0x20: {  	[sflag:s8] =	ssyncset.s32 @!p0 $0xFFFFF086;
	s6 =	sadd.s32 @!p0 s3, s7;
	s7 =	simm.s32 @!p0 $0x108  }
0x21: {  	s3 =	sadd.s32 s3, s9;
	s6 =	sadd.s32 @!p0 $0x88, s6;
	s7 =	simm.s32 @p2 $0x1082  }
0x22: {  	[simem:s7], [sflag:s8] =	dma.local @!p0 [hbm:s6], $0xF7A  }
0x23: {  	s9 =	sor.u32 $0xD0000000, s2;
	s6 =	simm.s32 $0x108;
	_ =	swait.ge @!p0 [sflag:s8], $0x0  }
0x24: {  	s3 =	sadd.s32 $0x88, s3;
	s6 =	simm.s32 @!p1 $0x1082;
	[sflag:s4] =	ssyncset.s32 $0xFFFFF086  }
0x25: {  	[simem:s6], [sflag:s4] =	dma.local [hbm:s3], $0xF7A  }
0x26: {  	[smem:$0x3F95] =	sst s1;
	(tag) =	ssettag s2;
	_ =	strace s9  }
0x27: {  	s1 =	sld [smem:$0x3FA5]  }
0x28: {  	s2 =	sld [smem:$0x3FA6]  }
0x29: {  	s4 =	sld [smem:$0x3FA8]  }
0x2a: {  	p0 =	seq.s32 s5, $0x0;
	s5 =	sld [smem:$0x3FA9]  }
0x2b: {  	s6 =	sld [smem:$0x3FAA]  }
0x2c: {  	s7 =	sld [smem:$0x3FAB]  }
0x2d: {  	s3 =	simm.s32 $0x108;
	s8 =	sld [smem:$0x3FAC]  }
0x2e: {  	s3 =	simm.s32 @!p0 $0x1082;
	s9 =	sld [smem:$0x3FAD]  }
0x2f: {  	lr =	sadd.s32 s0, s3;
	s0 =	sld [smem:$0x3FA4]  }
0x30: {  	s3 =	sld [smem:$0x3FA7]  }
0x31: {  	[smem:$0x3FB0] =	sst s10  }
0x32: {  	s10 =	sld [smem:$0x3FAE];
	_ =	sdelay $0x3  }
0x33: {  	p0 =	seq.s32 s10, $0x1;
	s10 =	sld [smem:$0x3FB0];
	_ =	sdelay $0x3  }
0x34: {  	[smem:$0x3FB0] =	sst s10  }
0x35: {  	s10 =	sld [smem:$0x3FAF];
	_ =	sdelay $0x3  }
0x36: {  	p1 =	seq.s32 s10, $0x1;
	s10 =	sld [smem:$0x3FB0];
	_ =	sdelay $0x3  }
0x37: {  	[smem:$0x3FB0] =	sst s10  }
0x38: {  	s10 =	sld [smem:$0x3FB1]  }
0x39: {  	_ = 	snop;
	(pc) =	sbr.ind lr, $3  }
0x3a: {  	_ = 	snop  }
0x3b: {  	_ = 	snop  }
0x3c: {  	p2 =	seq.s32 s10, $0x1;
	s10 =	sld [smem:$0x3FB0]  }
0x3d: {  	_ =	shalt  }
0x3e: {  	_ =	shalt  }
0x3f: {  	_ =	shalt  }
0x40: {  	_ =	shalt  }
0x41: {  	_ =	shalt  }
0x42: {  	_ =	shalt  }
0x43: {  	_ =	shalt  }
0x44: {  	_ =	shalt  }
0x45: {  	_ =	shalt  }
0x46: {  	_ =	shalt  }
0x47: {  	_ =	shalt  }
0x48: {  	_ =	shalt  }
0x49: {  	_ =	shalt  }
0x4a: {  	_ =	shalt  }
0x4b: {  	_ =	shalt  }
0x4c: {  	_ =	shalt  }
0x4d: {  	_ =	shalt  }
0x4e: {  	_ =	shalt  }
0x4f: {  	_ =	shalt  }
0x50: {  	_ =	shalt  }
0x51: {  	_ =	shalt  }
0x52: {  	_ =	shalt  }
0x53: {  	_ =	shalt  }
0x54: {  	_ =	shalt  }
0x55: {  	_ =	shalt  }
0x56: {  	_ =	shalt  }
0x57: {  	_ =	shalt  }
0x58: {  	_ =	shalt  }
0x59: {  	_ =	shalt  }
0x5a: {  	_ =	shalt  }
0x5b: {  	_ =	shalt  }
0x5c: {  	_ =	shalt  }
0x5d: {  	_ =	shalt  }
0x5e: {  	_ =	shalt  }
0x5f: {  	_ =	shalt  }
0x60: {  	_ =	shalt  }
0x61: {  	_ =	shalt  }
0x62: {  	_ =	shalt  }
0x63: {  	_ =	shalt  }
0x64: {  	_ =	shalt  }
0x65: {  	_ =	shalt  }
0x66: {  	_ =	shalt  }
0x67: {  	_ =	shalt  }
0x68: {  	_ =	shalt  }
0x69: {  	_ =	shalt  }
0x6a: {  	_ =	shalt  }
0x6b: {  	_ =	shalt  }
0x6c: {  	_ =	shalt  }
0x6d: {  	_ =	shalt  }
0x6e: {  	_ =	shalt  }
0x6f: {  	_ =	shalt  }
0x70: {  	_ =	shalt  }
0x71: {  	_ =	shalt  }
0x72: {  	_ =	shalt  }
0x73: {  	_ =	shalt  }
0x74: {  	_ =	shalt  }
0x75: {  	_ =	shalt  }
0x76: {  	_ =	shalt  }
0x77: {  	_ =	shalt  }
0x78: {  	_ =	shalt  }
0x79: {  	_ =	shalt  }
0x7a: {  	_ =	shalt  }
0x7b: {  	_ =	shalt  }
0x7c: {  	_ =	shalt  }
0x7d: {  	_ =	shalt  }
0x7e: {  	_ =	shalt  }
0x7f: {  	_ =	shalt  }
0x80: {  	_ =	shalt  }
0x81: {  	_ =	shalt  }
0x82: {  	_ =	shalt  }
0x83: {  	_ =	shalt  }
0x84: {  	_ =	shalt  }
0x85: {  	_ =	shalt  }
0x86: {  	_ =	shalt  }
0x87: {  	_ =	shalt  }
.Lfunc_end0:
.L_simem_size_0:
called_computation_lowered:
.L_overlay_start_0:
0x88: {  	s2 =	sld [smem:$0x3FD9]  }
0x89: {  	s3 =	sld [smem:$0x3FFE];
	_ =	sdelay $0x1  }
0x8a: {  	s1 =	srdreg.scid  }
0x8b: {  	s0 =	sand.u32 $0x1, s1  }
0x8c: {  	s16 =	sshll.u32 s0, $0xA;
	s2 =	sadd.s32 s3, s2  }
0x8d: {  	s2 =	sadd.s32 s2, s16  }
0x8e: {  	[smem:$0x3FBC] =	sst s2  }
0x8f: {  	_ = 	snop  }
0x90: {  	(tm) =	ssettm $0x1  }
0x91: {  	s17 =	sld [smem:$0x3FFB];
	_ =	sdelay $0x3  }
0x92: {  	_ =	strace s17  }
0x93: {  	s2 =	sld [smem:$0x3FFC];
	_ =	sdelay $0x3  }
0x94: {  	_ =	strace s2  }
0x95: {  	s2 =	sld [smem:$0x3FFD];
	_ =	sdelay $0x3  }
0x96: {  	_ =	strace s2  }
0x97: {  	_ =	strace $0x8FFFFFFF  }
0x98: {  	s18 =	sld [smem:$0x3FDB];
	_ =	sdelay $0x1  }
0x99: {  	s19 =	simm.s32 $_scs_section_size  }
0x9a: {  	s4 =	simm.s32 $_size__tile_overlayer_lowered;
	s5 =	simm.s32 $_tile_overlayer_lowered  }
0x9b: {  	s22 =	simm.s32 $0x1BFF;
	s21 =	sshll.u32 s5, $0x1;
	s2 =	sadd.s32 s19, s18  }
0x9c: {  	s6 =	simm.s32 $0x0;
	s20 =	sshll.u32 s4, $0x1;
	s4 =	sadd.s32 s21, s2  }
0x9d: {  	[timem:s6], [sflag:s22] =	dma.local [hbm:s4], s20  }
0x9e: {  	_ =	swait.ge [sflag:s22], s20  }
0x9f: {  	s3 =	ssub.s32 $0x0, s20;
	[sflag:s22] =	ssyncset.done $0x0  }
0xa0: {  	[sflag:s22] =	ssyncadd.s32 s3;
	_ =	sdelay $0x1  }
0xa1: {  	s23 =	simm.s32 $0x1B8B  }
0xa2: {  	_ =	swait.ge [sflag:s23], $0x1  }
0xa3: {  	[sflag:s23] =	ssyncset.done $0x0  }
0xa4: {  	s25 =	simm.s32 $0x1B8E;
	s24 =	sld [smem:$0x3FFE];
	[sflag:s23] =	ssyncadd.s32 $0xFFFFFFFF  }
0xa5: {  	s26 =	simm.s32 $execute0_lowered;
	[smem:$0x3FD2] =	sst s25  }
0xa6: {  	s4 =	sshll.u32 s26, $0x1;
	_ =	strace $0x80000046;
	[dreg:$0x1] =	wrdreg $0xFFFFFFFF  }
0xa7: {  	s28 =	simm.s32 $_size_execute0_lowered;
	s2 =	sadd.s32 s2, s4;
	[dreg:$0x0] =	wrdreg $0x0  }
0xa8: {  	s4 =	sshll.u32 s28, $0x1;
	[dreg:$0x2] =	wrdreg s2  }
0xa9: {  	[dreg:$0x3] =	wrdreg s4  }
0xaa: {  	[dreg:$0x4] =	wrdreg $0xC0  }
0xab: {  	_ =	task [dreg:s6], $0x5FFFF  }
0xac: {  	[dreg:$0x1] =	wrdreg $0xFFFFFFFF  }
0xad: {  	[dreg:$0x0] =	wrdreg $0x60  }
0xae: {  	[dreg:$0x2] =	wrdreg s24  }
0xaf: {  	[dreg:$0x3] =	wrdreg $0x92000  }
0xb0: {  	[dreg:$0x4] =	wrdreg $0x9  }
0xb1: {  	_ =	task.clear_ibuf [dreg:s6], $0x5FFFF;
	_ =	strace $0x90000046  }
0xb2: {  	s29 =	simm.s32 $0x9;
	_ =	strace $0x80000048  }
0xb3: {  	_ =	swait.ge [sflag:s29], $0x1  }
0xb4: {  	[sflag:s29] =	ssyncadd.s32 $0xFFFFFFFF  }
0xb5: {  	_ =	strace $0x90000048  }
0xb6: {  	_ =	sfence  }
0xb7: {  	s30 =	sld [smem:$0x0];
	_ =	sdelay $0x2  }
0xb8: {  	s31 =	sshll.u32 s1, $0xD;
	s1 =	sshrl.u32 s1, $0x2  }
0xb9: {  	s3 =	sand.u32 $0x4000, s31;
	s1 =	sadd.s32 s1, s30  }
0xba: {  	s0 =	sor.u32 s3, s0;
	s1 =	sshll.u32 s1, $0x11  }
0xbb: {  	s0 =	sor.u32 s1, s0  }
0xbc: {  	s0 =	sadd.s32 $0x8F2B, s0  }
0xbd: {  	[sflag:s0] =	ssyncadd.remote.s32 $0x1  }
0xbe: {  	_ =	sfence.sel $0xFFFF  }
0xbf: {  	[dreg:$0x0] =	wrdreg $0xFFFFFFFF;
	(pc) =	sbr.abs _section_cstart, $3  }
0xc0: {  	[dreg:$0x1] =	wrdreg $0xFFFFFFFF  }
0xc1: {  	_ =	task.clear_ibuf [dreg:s6], $0x2FFFF;
	_ =	strace $0x9FFFFFFF  }
0xc2: {  	(tm) =	ssettm $0x7FFFFFFF  }
0xc3: {  	_ =	shalt  }
tec
execute0_lowered:
.L_overlay_start_1:
0x0: {  	(tag) =	ssettag $0x1  }
0x1: {  	s0 =	rddreg [dreg:$0x0]  }
0x2: {  	s1 =	rddreg [dreg:$0x1];
	s3 =	simm.s32 $0x0  }
0x3: {  	s2 =	srdreg.scid;
	s11 =	stileid.u32;
	s13 =	simm.s32 $0x23  }
0x4: {  	s16 =	simm.s32 $0x1200;
	s17 =	simm.s32 $0x7;
	s18 =	simm.s32 $0x200  }
0x5: {  	s19 =	simm.s32 $0x100;
	s20 =	simm.s32 $0xA00;
	s21 =	simm.s32 $0x1  }
0x6: {  	s28 =	simm.s32 $0x180;
	s29 =	simm.s32 $0x5;
	s30 =	simm.s32 $0x6  }
0x7: {  	s31 =	simm.s32 $0x0;
	[smem:$0x7FF] =	sst s3;
	s8 =	smul.u32 $0x14000, s11  }
0x8: {  	s2 =	sand.u32 $0x1, s2;
	s4 =	sadd.s32 $0x5DE00, s0;
	s9 =	smul.u32 $0x50000, s11  }
0x9: {  	s5 =	sadd.s32 $0x53E00, s0;
	s6 =	sadd.s32 $0x3E00, s0;
	s7 =	smul.u32 $0x140000, s2  }
0xa: {  	s24 =	smul.u32 $0xA, s11;
	_ =	strace $0x80000047;
	s22 =	ssub.s32 $0x2, s2  }
0xb: {  	p0 =	seq.s32 s2, $0x0;
	s10 =	sshrl.u32 s22, $0x1;
	s7 =	sadd.s32 s8, s7  }
0xc: {  	s9 =	sshrl.u32 s9, $0x2;
	s12 =	sadd.s32 $0x460, s24;
	s7 =	sshrl.u32 s7, $0x3  }
0xd: {  	s13 =	simm.s32 @!p0 $0x5;
	s0 =	sadd.s32 s7, s0;
	s7 =	sadd.s32 s9, s1  }
0xe: {  	s24 =	simm.s32 $0x5200;
	s8 =	ssub.s32 s22, s10;
	s9 =	sadd.s32 $0x4000, s7  }
0xf: {  	s10 =	smul.u32 $0x46, s11;
	s23 =	sadd.s32 $0x8000, s7;
	[dreg:$0x3] =	wrdreg s9  }
0x10: {  	s22 =	simm.s32 $0x80;
	s25 =	sadd.s32 $0xC000, s7;
	[dreg:$0x4] =	wrdreg s23  }
0x11: {  	s15 =	smax.u32 s8, $0x1;
	s26 =	sadd.s32 $0x10000, s7;
	[dreg:$0x5] =	wrdreg s25  }
0x12: {  	s12 =	smov.u32 @p0 s10;
	s14 =	sadd.s32 $0x85000, s0;
	[dreg:$0x6] =	wrdreg s26  }
0x13: {  	v0 =	vimm.f32 $0.0e+00;
	s23 =	simm.s32 $0x2;
	s25 =	simm.s32 $0x3;
	s26 =	simm.s32 $0x4  }
.LBB2_1:
0x14: {  	s0 =	simm.s32 $0x0;
	s2 =	simm.s32 $0x200  }
.LBB2_2:
0x15: {  	p0 =	sne.s32 s2, $0xFE00;
	[tilespmem:s0+$0x1270] =	vst v0  }
0x16: {  	[tilespmem:s0+$0x1200] =	vst v0  }
0x17: {  	[tilespmem:s0+$0x1210] =	vst v0  }
.Ltmp0:
0x18: {  	[tilespmem:s0+$0x1220] =	vst v0;
	(pc) =	sbr.rel @p0 .LBB2_2-.Ltmp0, $4  }
0x19: {  	[tilespmem:s0+$0x1230] =	vst v0  }
0x1a: {  	[tilespmem:s0+$0x1240] =	vst v0  }
0x1b: {  	[tilespmem:s0+$0x1250] =	vst v0  }
0x1c: {  	[tilespmem:s0+$0x1260] =	vst v0;
	s0 =	sshra.s32 s2, $0x2;
	s2 =	sadd.s32 $0x200, s2  }
0x1d: {  	[tilespmem:s0+$0x1270] =	vst v0  }
0x1e: {  	[tilespmem:s0+$0x1200] =	vst v0  }
0x1f: {  	[tilespmem:s0+$0x1210] =	vst v0  }
0x20: {  	[tilespmem:s0+$0x1220] =	vst v0  }
0x21: {  	[tilespmem:s0+$0x1230] =	vst v0  }
0x22: {  	[tilespmem:s0+$0x1240] =	vst v0  }
0x23: {  	[tilespmem:s0+$0x1250] =	vst v0  }
0x24: {  	[tilespmem:s0+$0x1260] =	vst v0  }
0x25: {  	[spmem:s7] =	stream.linear.scatter [tilespmem:s16], [sflag:$0x7], $0x4000, $0x38;
	[tilespmem:$0x1D200] =	vst v63  }
0x26: {  	_ =	swait.ge [sflag:s17], $0x4000  }
0x27: {  	[sflag:s17] =	ssyncset.done $0x0  }
0x28: {  	s8 =	rddreg [dreg:$0x3];
	[sflag:s17] =	ssyncadd.s32 $0xFFFFC000  }
0x29: {  	[spmem:s8] =	stream.linear.scatter [tilespmem:s16], [sflag:$0x7], $0x4000, $0x38;
	[tilespmem:$0x1D200] =	vst v63  }
0x2a: {  	_ =	swait.ge [sflag:s17], $0x4000  }
0x2b: {  	[sflag:s17] =	ssyncset.done $0x0  }
0x2c: {  	s9 =	rddreg [dreg:$0x4];
	[sflag:s17] =	ssyncadd.s32 $0xFFFFC000  }
0x2d: {  	[spmem:s9] =	stream.linear.scatter [tilespmem:s16], [sflag:$0x7], $0x4000, $0x38;
	[tilespmem:$0x1D200] =	vst v63  }
0x2e: {  	_ =	swait.ge [sflag:s17], $0x4000  }
0x2f: {  	[sflag:s17] =	ssyncset.done $0x0  }
0x30: {  	s10 =	rddreg [dreg:$0x5];
	[sflag:s17] =	ssyncadd.s32 $0xFFFFC000  }
0x31: {  	[spmem:s10] =	stream.linear.scatter [tilespmem:s16], [sflag:$0x7], $0x4000, $0x38;
	[tilespmem:$0x1D200] =	vst v63  }
0x32: {  	_ =	swait.ge [sflag:s17], $0x4000  }
0x33: {  	[sflag:s17] =	ssyncset.done $0x0  }
0x34: {  	s11 =	rddreg [dreg:$0x6];
	[sflag:s17] =	ssyncadd.s32 $0xFFFFC000  }
0x35: {  	[spmem:s11] =	stream.linear.scatter [tilespmem:s16], [sflag:$0x7], $0x4000, $0x38;
	[tilespmem:$0x1D200] =	vst v63  }
0x36: {  	_ =	swait.ge [sflag:s17], $0x4000  }
0x37: {  	[sflag:s17] =	ssyncset.done $0x0  }
0x38: {  	[sflag:s17] =	ssyncadd.s32 $0xFFFFC000  }
0x39: {  	s0 =	simm.s32 $0x0;
	[bflag:$0x0] =	sbarrier.arrive $0xFFFF  }
.LBB2_4:
0x3a: {  	s2 =	sshll.u32 s0, $0x1  }
0x3b: {  	s2 =	sadd.s32 s12, s2  }
0x3c: {  	s8 =	sshll.u32 s2, $0x5  }
0x3d: {  	s8 =	sand.u32 $0x1FFFFFC0, s8  }
0x3e: {  	s10 =	sshll.u32 s2, $0x8;
	s8 =	sadd.s32 s5, s8  }
0x3f: {  	[tilespmem:s31], [sflag:$0x1] =	stream.linear.gather [hbm4b:s8+s31], $0x100, $0x38;
	[tilespmem:$0x1D200] =	vst v63  }
0x40: {  	s2 =	sor.u32 $0x1, s2;
	s8 =	sand.u32 $0x1FFFFE00, s10  }
0x41: {  	s11 =	sshll.u32 s2, $0x5;
	s8 =	sadd.s32 s6, s8  }
0x42: {  	[tilespmem:s18], [sflag:$0x1] =	stream.linear.gather [hbm4b:s8+s31], $0x800, $0x38;
	[tilespmem:$0x1D200] =	vst v63  }
0x43: {  	s2 =	sshll.u32 s2, $0x8;
	s8 =	sadd.s32 s5, s11  }
0x44: {  	[tilespmem:s19], [sflag:$0x2] =	stream.linear.gather [hbm4b:s8+s31], $0x100, $0x38;
	[tilespmem:$0x1D200] =	vst v63  }
0x45: {  	s2 =	sadd.s32 s6, s2  }
0x46: {  	[tilespmem:s20], [sflag:$0x2] =	stream.linear.gather [hbm4b:s2+s31], $0x800, $0x38;
	[tilespmem:$0x1D200] =	vst v63  }
0x47: {  	_ =	swait.ge [sflag:s21], $0x100  }
0x48: {  	[sflag:s21] =	ssyncset.done $0x0  }
0x49: {  	[sflag:s21] =	ssyncadd.s32 $0xFFFFFF00  }
0x4a: {  	_ =	swait.ge [sflag:s21], $0x800  }
0x4b: {  	[sflag:s21] =	ssyncset.done $0x0  }
0x4c: {  	[sflag:s21] =	ssyncadd.s32 $0xFFFFF800  }
0x4d: {  	[tilespmem:s16], [sflag:$0x3] =	stream.indirect.gather [hbm4b:s4+s22], $0x80, s31, s22, $0xb8;
	[tilespmem:$0x1D200] =	vst v63  }
0x4e: {  	_ =	swait.ge [sflag:s23], $0x100  }
0x4f: {  	[sflag:s23] =	ssyncset.done $0x0  }
0x50: {  	[sflag:s23] =	ssyncadd.s32 $0xFFFFFF00  }
0x51: {  	_ =	swait.ge [sflag:s23], $0x800  }
0x52: {  	[sflag:s23] =	ssyncset.done $0x0  }
0x53: {  	[sflag:s23] =	ssyncadd.s32 $0xFFFFF800  }
0x54: {  	[tilespmem:s24], [sflag:$0x4] =	stream.indirect.gather [hbm4b:s4+s22], $0x80, s19, s22, $0xb8;
	[tilespmem:$0x1D200] =	vst v63  }
0x55: {  	_ =	swait.ge [sflag:s25], $0x4000  }
0x56: {  	[sflag:s25] =	ssyncset.done $0x0  }
0x57: {  	s2 =	simm.s32 $0x1280;
	[sflag:s25] =	ssyncadd.s32 $0xFFFFC000  }
0x58: {  	s9 =	simm.s32 $0x0;
	v1 =	vld [tilespmem:s2+$0xFFFFFF90]  }
0x59: {  	v3 =	vld [tilespmem:s9+$0x200]  }
0x5a: {  	v2 =	vld [tilespmem:s2+$0xFFFFFFA0]  }
0x5b: {  	v4 =	vld [tilespmem:s2+$0xFFFFFFB0]  }
0x5c: {  	v5 =	vld [tilespmem:s2+$0xFFFFFFD0]  }
0x5d: {  	v6 =	vld [tilespmem:s2+$0xFFFFFFF0]  }
0x5e: {  	v7 =	vld [tilespmem:s2+$0xFFFFFF80];
	v1 =	vmul.f32 v1, v3  }
0x5f: {  	v8 =	vld [tilespmem:s2+$0xFFFFFFC0];
	v2 =	vmul.f32 v2, v3  }
0x60: {  	v9 =	vld [tilespmem:s2+$0xFFFFFFE0];
	v4 =	vmul.f32 v4, v3;
	[tilespmem:s2+$0xFFFFFF90] =	vst v1  }
0x61: {  	v5 =	vmul.f32 v5, v3;
	[tilespmem:s2+$0xFFFFFFA0] =	vst v2  }
0x62: {  	v6 =	vmul.f32 v6, v3;
	[tilespmem:s2+$0xFFFFFFB0] =	vst v4  }
0x63: {  	v7 =	vmul.f32 v7, v3;
	v1 =	vld [tilespmem:s2+$0x70];
	[tilespmem:s2+$0xFFFFFFD0] =	vst v5  }
0x64: {  	v2 =	vld [tilespmem:s2+$0x40];
	[tilespmem:s2+$0xFFFFFFF0] =	vst v6  }
0x65: {  	s10 =	simm.s32 $0x1280;
	s8 =	simm.s32 $0x80;
	v4 =	vmul.f32 v8, v3;
	v5 =	vmul.f32 v9, v3;
	[tilespmem:s2+$0xFFFFFF80] =	vst v7;
	v3 =	vld [tilespmem:s2+$0x0]  }
.LBB2_5:
0x66: {  	p0 =	sne.s32 s8, $0x1F80  }
0x67: {  	[tilespmem:s2+$0xFFFFFFC0] =	vst v4;
	v4 =	vld [tilespmem:s2+$0x20];
	s10 =	sadd.s32 $0x100, s10;
	s11 =	smov.u32 s8;
	s8 =	sadd.s32 $0x80, s8  }
0x68: {  	[tilespmem:s2+$0xFFFFFFE0] =	vst v5;
	v5 =	vld [tilespmem:s2+$0x10]  }
0x69: {  	v6 =	vld [tilespmem:s9+$0x210]  }
0x6a: {  	v7 =	vld [tilespmem:s2+$0x30]  }
0x6b: {  	v8 =	vld [tilespmem:s2+$0x50]  }
0x6c: {  	v9 =	vld [tilespmem:s2+$0x60];
	_ =	sdelay $0x1  }
0x6d: {  	v3 =	vmul.f32 v3, v6;
	v5 =	vmul.f32 v5, v6  }
0x6e: {  	v4 =	vmul.f32 v4, v6;
	v7 =	vmul.f32 v7, v6  }
0x6f: {  	v2 =	vmul.f32 v2, v6;
	[tilespmem:s2+$0x0] =	vst v3;
	v3 =	vmul.f32 v8, v6  }
0x70: {  	v1 =	vmul.f32 v1, v6;
	[tilespmem:s2+$0x30] =	vst v7;
	v7 =	vmul.f32 v9, v6  }
0x71: {  	[tilespmem:s2+$0x40] =	vst v2  }
0x72: {  	[tilespmem:s2+$0x50] =	vst v3  }
0x73: {  	v2 =	vld [tilespmem:s10+$0xFFFFFFD0];
	[tilespmem:s2+$0x20] =	vst v4  }
0x74: {  	s9 =	sshra.s32 s11, $0x2;
	v3 =	vld [tilespmem:s10+$0xFFFFFFA0];
	[tilespmem:s2+$0x70] =	vst v1  }
0x75: {  	v1 =	vld [tilespmem:s10+$0xFFFFFFB0];
	[tilespmem:s2+$0x60] =	vst v7  }
0x76: {  	v4 =	vld [tilespmem:s10+$0xFFFFFF90];
	[tilespmem:s2+$0x10] =	vst v5;
	s2 =	smov.u32 s10  }
0x77: {  	v5 =	vld [tilespmem:s9+$0x200]  }
0x78: {  	v6 =	vld [tilespmem:s10+$0xFFFFFFC0]  }
0x79: {  	v7 =	vld [tilespmem:s10+$0xFFFFFF80]  }
0x7a: {  	v8 =	vld [tilespmem:s10+$0xFFFFFFF0]  }
0x7b: {  	v9 =	vld [tilespmem:s10+$0xFFFFFFE0]  }
0x7c: {  	v10 =	vmul.f32 v4, v5;
	v1 =	vmul.f32 v1, v5  }
0x7d: {  	v3 =	vmul.f32 v3, v5;
	v4 =	vmul.f32 v6, v5  }
0x7e: {  	v2 =	vmul.f32 v2, v5;
	v6 =	vmul.f32 v7, v5;
	[tilespmem:s10+$0xFFFFFF90] =	vst v10  }
.Ltmp1:
0x7f: {  	[tilespmem:s10+$0xFFFFFFA0] =	vst v3;
	v3 =	vmul.f32 v8, v5;
	(pc) =	sbr.rel @p0 .LBB2_5-.Ltmp1, $4  }
0x80: {  	[tilespmem:s10+$0xFFFFFFB0] =	vst v1;
	v5 =	vmul.f32 v9, v5  }
0x81: {  	[tilespmem:s10+$0xFFFFFF80] =	vst v6;
	v1 =	vld [tilespmem:s10+$0x70]  }
0x82: {  	[tilespmem:s10+$0xFFFFFFD0] =	vst v2;
	v2 =	vld [tilespmem:s10+$0x40]  }
0x83: {  	[tilespmem:s10+$0xFFFFFFF0] =	vst v3;
	v3 =	vld [tilespmem:s10+$0x0]  }
0x84: {  	[tilespmem:s2+$0xFFFFFFC0] =	vst v4  }
0x85: {  	[tilespmem:s2+$0xFFFFFFE0] =	vst v5  }
0x86: {  	v4 =	vld [tilespmem:s9+$0x210]  }
0x87: {  	v5 =	vld [tilespmem:s2+$0x30];
	_ =	sdelay $0x2  }
0x88: {  	v6 =	vld [tilespmem:s2+$0x50]  }
0x89: {  	v7 =	vld [tilespmem:s2+$0x20];
	v3 =	vmul.f32 v3, v4  }
0x8a: {  	v9 =	vld [tilespmem:s2+$0x60];
	v5 =	vmul.f32 v5, v4  }
0x8b: {  	v8 =	vld [tilespmem:s2+$0x10];
	v2 =	vmul.f32 v2, v4;
	[tilespmem:s2+$0x0] =	vst v3  }
0x8c: {  	v1 =	vmul.f32 v1, v4;
	[tilespmem:s2+$0x30] =	vst v5  }
0x8d: {  	v3 =	vmul.f32 v6, v4;
	[tilespmem:s2+$0x40] =	vst v2  }
0x8e: {  	v5 =	vmul.f32 v7, v4;
	[tilespmem:s2+$0x70] =	vst v1  }
0x8f: {  	v2 =	vmul.f32 v9, v4;
	[tilespmem:s2+$0x50] =	vst v3  }
0x90: {  	[tilespmem:s2+$0x20] =	vst v5;
	v3 =	vmul.f32 v8, v4  }
0x91: {  	[tilespmem:s2+$0x60] =	vst v2  }
0x92: {  	[tilespmem:s2+$0x10] =	vst v3  }
0x93: {  	[spmem:s1] =	stream.indirect.scatter.add.f32 [tilespmem:s16], [sflag:$0x5], $0x80, s22, s22, $0xb8;
	[tilespmem:$0x1D200] =	vst v63  }
0x94: {  	_ =	swait.ge [sflag:s26], $0x4000  }
0x95: {  	[sflag:s26] =	ssyncset.done $0x0  }
0x96: {  	s2 =	simm.s32 $0x5280;
	[sflag:s26] =	ssyncadd.s32 $0xFFFFC000  }
0x97: {  	s9 =	simm.s32 $0x0;
	v1 =	vld [tilespmem:s2+$0xFFFFFF90]  }
0x98: {  	v3 =	vld [tilespmem:s9+$0xA00]  }
0x99: {  	v2 =	vld [tilespmem:s2+$0xFFFFFFA0]  }
0x9a: {  	v4 =	vld [tilespmem:s2+$0xFFFFFFB0]  }
0x9b: {  	v5 =	vld [tilespmem:s2+$0xFFFFFFD0]  }
0x9c: {  	v6 =	vld [tilespmem:s2+$0xFFFFFFF0]  }
0x9d: {  	v7 =	vld [tilespmem:s2+$0xFFFFFF80];
	v1 =	vmul.f32 v1, v3  }
0x9e: {  	v62 =	vld [tilespmem:s2+$0xFFFFFFC0];
	v2 =	vmul.f32 v2, v3  }
0x9f: {  	v63 =	vld [tilespmem:s2+$0xFFFFFFE0];
	v4 =	vmul.f32 v4, v3;
	[tilespmem:s2+$0xFFFFFF90] =	vst v1  }
0xa0: {  	v5 =	vmul.f32 v5, v3;
	[tilespmem:s2+$0xFFFFFFA0] =	vst v2  }
0xa1: {  	v6 =	vmul.f32 v6, v3;
	[tilespmem:s2+$0xFFFFFFB0] =	vst v4  }
0xa2: {  	v7 =	vmul.f32 v7, v3;
	v1 =	vld [tilespmem:s2+$0x70];
	[tilespmem:s2+$0xFFFFFFD0] =	vst v5  }
0xa3: {  	v2 =	vld [tilespmem:s2+$0x40];
	[tilespmem:s2+$0xFFFFFFF0] =	vst v6  }
0xa4: {  	s8 =	simm.s32 $0x80;
	s10 =	simm.s32 $0x5280;
	v4 =	vmul.f32 v62, v3;
	v5 =	vmul.f32 v63, v3;
	[tilespmem:s2+$0xFFFFFF80] =	vst v7;
	v3 =	vld [tilespmem:s2+$0x0]  }
.LBB2_7:
0xa5: {  	p0 =	sne.s32 s8, $0x1F80  }
0xa6: {  	[tilespmem:s2+$0xFFFFFFC0] =	vst v4;
	v4 =	vld [tilespmem:s2+$0x20];
	s10 =	sadd.s32 $0x100, s10;
	s11 =	smov.u32 s8;
	s8 =	sadd.s32 $0x80, s8  }
0xa7: {  	[tilespmem:s2+$0xFFFFFFE0] =	vst v5;
	v5 =	vld [tilespmem:s2+$0x10]  }
0xa8: {  	v6 =	vld [tilespmem:s9+$0xA10]  }
0xa9: {  	v7 =	vld [tilespmem:s2+$0x30]  }
0xaa: {  	v8 =	vld [tilespmem:s2+$0x50]  }
0xab: {  	v9 =	vld [tilespmem:s2+$0x60];
	_ =	sdelay $0x1  }
0xac: {  	v3 =	vmul.f32 v3, v6;
	v5 =	vmul.f32 v5, v6  }
0xad: {  	v4 =	vmul.f32 v4, v6;
	v7 =	vmul.f32 v7, v6  }
0xae: {  	v2 =	vmul.f32 v2, v6;
	[tilespmem:s2+$0x0] =	vst v3;
	v3 =	vmul.f32 v8, v6  }
0xaf: {  	v1 =	vmul.f32 v1, v6;
	[tilespmem:s2+$0x30] =	vst v7;
	v7 =	vmul.f32 v9, v6  }
0xb0: {  	[tilespmem:s2+$0x40] =	vst v2  }
0xb1: {  	[tilespmem:s2+$0x50] =	vst v3  }
0xb2: {  	v2 =	vld [tilespmem:s10+$0xFFFFFFD0];
	[tilespmem:s2+$0x20] =	vst v4  }
0xb3: {  	s9 =	sshra.s32 s11, $0x2;
	v3 =	vld [tilespmem:s10+$0xFFFFFFA0];
	[tilespmem:s2+$0x70] =	vst v1  }
0xb4: {  	v1 =	vld [tilespmem:s10+$0xFFFFFFB0];
	[tilespmem:s2+$0x60] =	vst v7  }
0xb5: {  	v4 =	vld [tilespmem:s10+$0xFFFFFF90];
	[tilespmem:s2+$0x10] =	vst v5;
	s2 =	smov.u32 s10  }
0xb6: {  	v5 =	vld [tilespmem:s9+$0xA00]  }
0xb7: {  	v6 =	vld [tilespmem:s10+$0xFFFFFFC0]  }
0xb8: {  	v7 =	vld [tilespmem:s10+$0xFFFFFF80]  }
0xb9: {  	v8 =	vld [tilespmem:s10+$0xFFFFFFF0]  }
0xba: {  	v9 =	vld [tilespmem:s10+$0xFFFFFFE0]  }
0xbb: {  	v10 =	vmul.f32 v4, v5;
	v1 =	vmul.f32 v1, v5  }
0xbc: {  	v3 =	vmul.f32 v3, v5;
	v4 =	vmul.f32 v6, v5  }
0xbd: {  	v2 =	vmul.f32 v2, v5;
	v6 =	vmul.f32 v7, v5;
	[tilespmem:s10+$0xFFFFFF90] =	vst v10  }
.Ltmp2:
0xbe: {  	[tilespmem:s10+$0xFFFFFFA0] =	vst v3;
	v3 =	vmul.f32 v8, v5;
	(pc) =	sbr.rel @p0 .LBB2_7-.Ltmp2, $4  }
0xbf: {  	[tilespmem:s10+$0xFFFFFFB0] =	vst v1;
	v5 =	vmul.f32 v9, v5  }
0xc0: {  	[tilespmem:s10+$0xFFFFFF80] =	vst v6;
	v1 =	vld [tilespmem:s10+$0x70]  }
0xc1: {  	[tilespmem:s10+$0xFFFFFFD0] =	vst v2;
	v2 =	vld [tilespmem:s10+$0x40]  }
0xc2: {  	[tilespmem:s10+$0xFFFFFFF0] =	vst v3;
	v3 =	vld [tilespmem:s10+$0x0]  }
0xc3: {  	[tilespmem:s2+$0xFFFFFFC0] =	vst v4  }
0xc4: {  	[tilespmem:s2+$0xFFFFFFE0] =	vst v5  }
0xc5: {  	v4 =	vld [tilespmem:s9+$0xA10]  }
0xc6: {  	v62 =	vld [tilespmem:s2+$0x30];
	_ =	sdelay $0x1  }
0xc7: {  	v7 =	vld [tilespmem:s2+$0x20];
	_ =	sdelay $0x1  }
0xc8: {  	v6 =	vld [tilespmem:s2+$0x50];
	v3 =	vmul.f32 v3, v4  }
0xc9: {  	v9 =	vld [tilespmem:s2+$0x60];
	v5 =	vmul.f32 v62, v4  }
0xca: {  	v8 =	vld [tilespmem:s2+$0x10];
	v2 =	vmul.f32 v2, v4;
	[tilespmem:s2+$0x0] =	vst v3  }
0xcb: {  	v63 =	vmul.f32 v7, v4;
	[tilespmem:s2+$0x30] =	vst v5  }
0xcc: {  	v1 =	vmul.f32 v1, v4;
	[tilespmem:s2+$0x40] =	vst v2  }
0xcd: {  	v3 =	vmul.f32 v6, v4;
	[tilespmem:s2+$0x20] =	vst v63  }
0xce: {  	v2 =	vmul.f32 v9, v4;
	[tilespmem:s2+$0x70] =	vst v1  }
0xcf: {  	[tilespmem:s2+$0x50] =	vst v3;
	v3 =	vmul.f32 v8, v4  }
0xd0: {  	[tilespmem:s2+$0x60] =	vst v2  }
0xd1: {  	s0 =	sadd.s32 $0x1, s0;
	[tilespmem:s2+$0x10] =	vst v3  }
0xd2: {  	[spmem:s1] =	stream.indirect.scatter.add.f32 [tilespmem:s24], [sflag:$0x6], $0x80, s28, s22, $0xb8;
	[tilespmem:$0x1D200] =	vst v63  }
0xd3: {  	p0 =	sne.s32 s0, s13;
	_ =	swait.ge [sflag:s29], $0x4000  }
.Ltmp3:
0xd4: {  	[sflag:s29] =	ssyncset.done $0x0;
	(pc) =	sbr.rel @p0 .LBB2_4-.Ltmp3, $4  }
0xd5: {  	[sflag:s29] =	ssyncadd.s32 $0xFFFFC000  }
0xd6: {  	_ =	swait.ge [sflag:s30], $0x4000  }
0xd7: {  	[sflag:s30] =	ssyncset.done $0x0  }
0xd8: {  	[sflag:s30] =	ssyncadd.s32 $0xFFFFC000  }
0xd9: {  	s0 =	stileid.u32;
	s3 =	sadd.s32 $0x1, s3  }
0xda: {  	[bflag:$0x0] =	sbarrier.arrive $0xFFFF;
	s0 =	sshll.u32 s0, $0x6;
	p0 =	sne.s32 s3, s15  }
.Ltmp4:
0xdb: {  	s2 =	sshrl.u32 s7, $0x3;
	s0 =	sor.u32 $0x1C07, s0;
	(pc) =	sbr.rel @p0 .LBB2_1-.Ltmp4, $4  }
0xdc: {  	[hbm:s14], [sflag:s0] =	dma.local [spmem:s2], $0x2800  }
0xdd: {  	_ =	swait.ge [sflag:s17], $0x2800  }
0xde: {  	[sflag:s17] =	ssyncset.done $0x0  }
0xdf: {  	[sflag:s17] =	ssyncadd.s32 $0xFFFFD800  }
0xe0: {  	_ =	sfence.sel $0x180000  }
0xe1: {  	[bflag:$0x0] =	sbarrier.arrive $0xFFFF  }
0xe2: {  	_ =	strace $0x90000047  }
0xe3: {  	s0 =	stileid.u32;
	[bflag:$0x2] =	sbarrier.arrive $0xFFFF  }
0xe4: {  	p0 =	sne.s32 s0, $0x0;
	s0 =	rddreg [dreg:$0x2]  }
0xe5: {  	s0 =	sadd.s32 @!p0 $0x100000, s0  }
0xe6: {  	[sflag:s0] =	ssyncadd.tile.s32 @!p0 $0x1;
	_ =	shalt  }
.Lfunc_end2:
_tile_overlayer_lowered:
.L_overlay_start_2:
0xe7: {  	(tag) =	ssettag $0x2  }
0xe8: {  	s0 =	rddreg [dreg:$0x0];
	s2 =	stileid.u32  }
0xe9: {  	s1 =	rddreg [dreg:$0x1];
	p0 =	sne.s32 s2, $0x0  }
0xea: {  	s3 =	rddreg [dreg:$0x2];
	[bflag:$0x3] =	sbarrier.arrive $0xFFFF;
	s2 =	simm.s32 @!p0 $0x1C07  }
0xeb: {  	[timem:s3], [sflag:s2] =	dma.local @!p0 [hbm:s0], s1  }
0xec: {  	s0 =	simm.s32 @!p0 $0x7  }
0xed: {  	_ =	swait.ge @!p0 [sflag:s0], s1  }
0xee: {  	s1 =	ssub.s32 @!p0 $0x0, s1;
	[sflag:s0] =	ssyncset.done @!p0 $0x0  }
0xef: {  	[sflag:s0] =	ssyncadd.s32 @!p0 s1  }
0xf0: {  	[bflag:$0x3] =	sbarrier.arrive $0xFFFF  }
0xf1: {  	_ =	shalt  }

// kernel: kernel.13.cloned.1.call-start
scs
__scs_entry_jumppad:
0x0: {  	(pc) =	sbr.rel $0x88, $3  }
0x1: {  	(tag) =	ssettag $0x0;
	lr =	simm.s32 $0x1  }
0x2: {  	[smem:$0x3F95] =	sst lr;
	_ =	strace $0xD0000000  }
0x3: {  	_ = 	snop  }
0x4: {  	_ = 	snop  }
0x5: {  	_ = 	snop  }
0x6: {  	_ = 	snop  }
0x7: {  	_ = 	snop  }
__scs_overlays_trampoline_lowered:
0x8: {  	[smem:$0x3FA4] =	sst s0  }
0x9: {  	[smem:$0x3FA5] =	sst s1  }
0xa: {  	[smem:$0x3FA6] =	sst s2  }
0xb: {  	[smem:$0x3FA7] =	sst s3  }
0xc: {  	[smem:$0x3FA8] =	sst s4  }
0xd: {  	[smem:$0x3FA9] =	sst s5  }
0xe: {  	[smem:$0x3FAA] =	sst s6  }
0xf: {  	[smem:$0x3FAB] =	sst s7  }
0x10: {  	[smem:$0x3FAC] =	sst s8  }
0x11: {  	[smem:$0x3FAD] =	sst s9;
	s0 =	simm.s32 @!p0 $0x0  }
0x12: {  	s1 =	sld [smem:$0x3F93];
	s0 =	simm.s32 @p0 $0x1  }
0x13: {  	[smem:$0x3FAE] =	sst s0;
	s0 =	simm.s32 @!p1 $0x0  }
0x14: {  	s2 =	sld [smem:$0x3F92];
	s0 =	simm.s32 @p1 $0x1  }
0x15: {  	[smem:$0x3FAF] =	sst s0;
	s0 =	simm.s32 @!p2 $0x0  }
0x16: {  	s3 =	sld [smem:$0x3FDB];
	s0 =	simm.s32 @p2 $0x1  }
0x17: {  	s4 =	simm.s32 $0x1BF5;
	[smem:$0x3FB1] =	sst s0  }
0x18: {  	s0 =	sld [smem:$0x3F94];
	_ =	swait.ge [sflag:s4], $0x0  }
0x19: {  	s7 =	sld [smem:$0x3F95]  }
0x1a: {  	s8 =	sadd.s32 $0xFFFFE003, lr  }
0x1b: {  	s9 =	sadd.s32 $0xFFFFFEF7, lr;
	s5 =	simm.s32 $0xFFFFFFFF;
	p2 =	slt.u32 s8, $0xFFFFF086  }
0x1c: {  	p1 =	slt.u32 s9, $0xF7A;
	s5 =	simm.s32 @!p2 $0x0  }
0x1d: {  	s5 =	simm.s32 @p1 $0x1;
	p0 =	seq.s32 s7, s2  }
0x1e: {  	s7 =	smul.u32 @!p0 $0xF7A, s2;
	p2 =	seq.s32 @!p0 s5, $0x0  }
0x1f: {  	s9 =	smul.u32 $0xF7A, s1;
	s8 =	simm.s32 @!p0 $0x1BF5;
	p2 =	por !p2, p0  }
0x20: {  	[sflag:s8] =	ssyncset.s32 @!p0 $0xFFFFF086;
	s6 =	sadd.s32 @!p0 s3, s7;
	s7 =	simm.s32 @!p0 $0x108  }
0x21: {  	s3 =	sadd.s32 s3, s9;
	s6 =	sadd.s32 @!p0 $0x88, s6;
	s7 =	simm.s32 @p2 $0x1082  }
0x22: {  	[simem:s7], [sflag:s8] =	dma.local @!p0 [hbm:s6], $0xF7A  }
0x23: {  	s9 =	sor.u32 $0xD0000000, s2;
	s6 =	simm.s32 $0x108;
	_ =	swait.ge @!p0 [sflag:s8], $0x0  }
0x24: {  	s3 =	sadd.s32 $0x88, s3;
	s6 =	simm.s32 @!p1 $0x1082;
	[sflag:s4] =	ssyncset.s32 $0xFFFFF086  }
0x25: {  	[simem:s6], [sflag:s4] =	dma.local [hbm:s3], $0xF7A  }
0x26: {  	[smem:$0x3F95] =	sst s1;
	(tag) =	ssettag s2;
	_ =	strace s9  }
0x27: {  	s1 =	sld [smem:$0x3FA5]  }
0x28: {  	s2 =	sld [smem:$0x3FA6]  }
0x29: {  	s4 =	sld [smem:$0x3FA8]  }
0x2a: {  	p0 =	seq.s32 s5, $0x0;
	s5 =	sld [smem:$0x3FA9]  }
0x2b: {  	s6 =	sld [smem:$0x3FAA]  }
0x2c: {  	s7 =	sld [smem:$0x3FAB]  }
0x2d: {  	s3 =	simm.s32 $0x108;
	s8 =	sld [smem:$0x3FAC]  }
0x2e: {  	s3 =	simm.s32 @!p0 $0x1082;
	s9 =	sld [smem:$0x3FAD]  }
0x2f: {  	lr =	sadd.s32 s0, s3;
	s0 =	sld [smem:$0x3FA4]  }
0x30: {  	s3 =	sld [smem:$0x3FA7]  }
0x31: {  	[smem:$0x3FB0] =	sst s10  }
0x32: {  	s10 =	sld [smem:$0x3FAE];
	_ =	sdelay $0x3  }
0x33: {  	p0 =	seq.s32 s10, $0x1;
	s10 =	sld [smem:$0x3FB0];
	_ =	sdelay $0x3  }
0x34: {  	[smem:$0x3FB0] =	sst s10  }
0x35: {  	s10 =	sld [smem:$0x3FAF];
	_ =	sdelay $0x3  }
0x36: {  	p1 =	seq.s32 s10, $0x1;
	s10 =	sld [smem:$0x3FB0];
	_ =	sdelay $0x3  }
0x37: {  	[smem:$0x3FB0] =	sst s10  }
0x38: {  	s10 =	sld [smem:$0x3FB1]  }
0x39: {  	_ = 	snop;
	(pc) =	sbr.ind lr, $3  }
0x3a: {  	_ = 	snop  }
0x3b: {  	_ = 	snop  }
0x3c: {  	p2 =	seq.s32 s10, $0x1;
	s10 =	sld [smem:$0x3FB0]  }
0x3d: {  	_ =	shalt  }
0x3e: {  	_ =	shalt  }
0x3f: {  	_ =	shalt  }
0x40: {  	_ =	shalt  }
0x41: {  	_ =	shalt  }
0x42: {  	_ =	shalt  }
0x43: {  	_ =	shalt  }
0x44: {  	_ =	shalt  }
0x45: {  	_ =	shalt  }
0x46: {  	_ =	shalt  }
0x47: {  	_ =	shalt  }
0x48: {  	_ =	shalt  }
0x49: {  	_ =	shalt  }
0x4a: {  	_ =	shalt  }
0x4b: {  	_ =	shalt  }
0x4c: {  	_ =	shalt  }
0x4d: {  	_ =	shalt  }
0x4e: {  	_ =	shalt  }
0x4f: {  	_ =	shalt  }
0x50: {  	_ =	shalt  }
0x51: {  	_ =	shalt  }
0x52: {  	_ =	shalt  }
0x53: {  	_ =	shalt  }
0x54: {  	_ =	shalt  }
0x55: {  	_ =	shalt  }
0x56: {  	_ =	shalt  }
0x57: {  	_ =	shalt  }
0x58: {  	_ =	shalt  }
0x59: {  	_ =	shalt  }
0x5a: {  	_ =	shalt  }
0x5b: {  	_ =	shalt  }
0x5c: {  	_ =	shalt  }
0x5d: {  	_ =	shalt  }
0x5e: {  	_ =	shalt  }
0x5f: {  	_ =	shalt  }
0x60: {  	_ =	shalt  }
0x61: {  	_ =	shalt  }
0x62: {  	_ =	shalt  }
0x63: {  	_ =	shalt  }
0x64: {  	_ =	shalt  }
0x65: {  	_ =	shalt  }
0x66: {  	_ =	shalt  }
0x67: {  	_ =	shalt  }
0x68: {  	_ =	shalt  }
0x69: {  	_ =	shalt  }
0x6a: {  	_ =	shalt  }
0x6b: {  	_ =	shalt  }
0x6c: {  	_ =	shalt  }
0x6d: {  	_ =	shalt  }
0x6e: {  	_ =	shalt  }
0x6f: {  	_ =	shalt  }
0x70: {  	_ =	shalt  }
0x71: {  	_ =	shalt  }
0x72: {  	_ =	shalt  }
0x73: {  	_ =	shalt  }
0x74: {  	_ =	shalt  }
0x75: {  	_ =	shalt  }
0x76: {  	_ =	shalt  }
0x77: {  	_ =	shalt  }
0x78: {  	_ =	shalt  }
0x79: {  	_ =	shalt  }
0x7a: {  	_ =	shalt  }
0x7b: {  	_ =	shalt  }
0x7c: {  	_ =	shalt  }
0x7d: {  	_ =	shalt  }
0x7e: {  	_ =	shalt  }
0x7f: {  	_ =	shalt  }
0x80: {  	_ =	shalt  }
0x81: {  	_ =	shalt  }
0x82: {  	_ =	shalt  }
0x83: {  	_ =	shalt  }
0x84: {  	_ =	shalt  }
0x85: {  	_ =	shalt  }
0x86: {  	_ =	shalt  }
0x87: {  	_ =	shalt  }
.Lfunc_end0:
.L_simem_size_0:
called_computation.1_lowered:
.L_overlay_start_0:
0x88: {  	s2 =	sld [smem:$0x3FD9]  }
0x89: {  	s3 =	sld [smem:$0x3FFE];
	_ =	sdelay $0x1  }
0x8a: {  	s1 =	srdreg.scid  }
0x8b: {  	s0 =	sand.u32 $0x1, s1  }
0x8c: {  	s16 =	sshll.u32 s0, $0xA;
	s2 =	sadd.s32 s3, s2  }
0x8d: {  	s2 =	sadd.s32 s2, s16  }
0x8e: {  	[smem:$0x3FBC] =	sst s2  }
0x8f: {  	_ = 	snop  }
0x90: {  	(tm) =	ssettm $0x1  }
0x91: {  	s17 =	sld [smem:$0x3FFB];
	_ =	sdelay $0x3  }
0x92: {  	_ =	strace s17  }
0x93: {  	s2 =	sld [smem:$0x3FFC];
	_ =	sdelay $0x3  }
0x94: {  	_ =	strace s2  }
0x95: {  	s2 =	sld [smem:$0x3FFD];
	_ =	sdelay $0x3  }
0x96: {  	_ =	strace s2  }
0x97: {  	_ =	strace $0x8FFFFFFF  }
0x98: {  	s18 =	sld [smem:$0x3FDB];
	_ =	sdelay $0x1  }
0x99: {  	s19 =	simm.s32 $_scs_section_size  }
0x9a: {  	s4 =	simm.s32 $_size__tile_overlayer_lowered;
	s5 =	simm.s32 $_tile_overlayer_lowered  }
0x9b: {  	s22 =	simm.s32 $0x1BFF;
	s21 =	sshll.u32 s5, $0x1;
	s2 =	sadd.s32 s19, s18  }
0x9c: {  	s6 =	simm.s32 $0x0;
	s20 =	sshll.u32 s4, $0x1;
	s4 =	sadd.s32 s21, s2  }
0x9d: {  	[timem:s6], [sflag:s22] =	dma.local [hbm:s4], s20  }
0x9e: {  	_ =	swait.ge [sflag:s22], s20  }
0x9f: {  	s3 =	ssub.s32 $0x0, s20;
	[sflag:s22] =	ssyncset.done $0x0  }
0xa0: {  	[sflag:s22] =	ssyncadd.s32 s3;
	_ =	sdelay $0x1  }
0xa1: {  	s23 =	simm.s32 $0x1B8B  }
0xa2: {  	_ =	swait.ge [sflag:s23], $0x1  }
0xa3: {  	[sflag:s23] =	ssyncset.done $0x0  }
0xa4: {  	s25 =	simm.s32 $0x1B8E;
	s24 =	sld [smem:$0x3FFE];
	[sflag:s23] =	ssyncadd.s32 $0xFFFFFFFF  }
0xa5: {  	s26 =	simm.s32 $execute0_lowered;
	[smem:$0x3FD2] =	sst s25  }
0xa6: {  	s4 =	sshll.u32 s26, $0x1;
	_ =	strace $0x80000049;
	[dreg:$0x1] =	wrdreg $0xFFFFFFFF  }
0xa7: {  	s28 =	simm.s32 $_size_execute0_lowered;
	s2 =	sadd.s32 s2, s4;
	[dreg:$0x0] =	wrdreg $0x0  }
0xa8: {  	s4 =	sshll.u32 s28, $0x1;
	[dreg:$0x2] =	wrdreg s2  }
0xa9: {  	[dreg:$0x3] =	wrdreg s4  }
0xaa: {  	[dreg:$0x4] =	wrdreg $0xC0  }
0xab: {  	_ =	task [dreg:s6], $0x5FFFF  }
0xac: {  	[dreg:$0x1] =	wrdreg $0xFFFFFFFF  }
0xad: {  	[dreg:$0x0] =	wrdreg $0x60  }
0xae: {  	[dreg:$0x2] =	wrdreg s24  }
0xaf: {  	[dreg:$0x3] =	wrdreg $0x92000  }
0xb0: {  	[dreg:$0x4] =	wrdreg $0x9  }
0xb1: {  	_ =	task.clear_ibuf [dreg:s6], $0x5FFFF;
	_ =	strace $0x90000049  }
0xb2: {  	s29 =	simm.s32 $0x9;
	_ =	strace $0x8000004B  }
0xb3: {  	_ =	swait.ge [sflag:s29], $0x1  }
0xb4: {  	[sflag:s29] =	ssyncadd.s32 $0xFFFFFFFF  }
0xb5: {  	_ =	strace $0x9000004B  }
0xb6: {  	_ =	sfence  }
0xb7: {  	s30 =	sld [smem:$0x0];
	_ =	sdelay $0x2  }
0xb8: {  	s31 =	sshll.u32 s1, $0xD;
	s1 =	sshrl.u32 s1, $0x2  }
0xb9: {  	s3 =	sand.u32 $0x4000, s31;
	s1 =	sadd.s32 s1, s30  }
0xba: {  	s0 =	sor.u32 s3, s0;
	s1 =	sshll.u32 s1, $0x11  }
0xbb: {  	s0 =	sor.u32 s1, s0  }
0xbc: {  	s0 =	sadd.s32 $0x8F2B, s0  }
0xbd: {  	[sflag:s0] =	ssyncadd.remote.s32 $0x1  }
0xbe: {  	_ =	sfence.sel $0xFFFF  }
0xbf: {  	[dreg:$0x0] =	wrdreg $0xFFFFFFFF;
	(pc) =	sbr.abs _section_cstart, $3  }
0xc0: {  	[dreg:$0x1] =	wrdreg $0xFFFFFFFF  }
0xc1: {  	_ =	task.clear_ibuf [dreg:s6], $0x2FFFF;
	_ =	strace $0x9FFFFFFF  }
0xc2: {  	(tm) =	ssettm $0x7FFFFFFF  }
0xc3: {  	_ =	shalt  }
tec
execute0_lowered:
.L_overlay_start_1:
0x0: {  	(tag) =	ssettag $0x1  }
0x1: {  	s0 =	rddreg [dreg:$0x0]  }
0x2: {  	s1 =	rddreg [dreg:$0x1];
	s3 =	simm.s32 $0x0  }
0x3: {  	s2 =	srdreg.scid;
	s11 =	stileid.u32;
	s13 =	simm.s32 $0x23  }
0x4: {  	s16 =	simm.s32 $0x1200;
	s17 =	simm.s32 $0x7;
	s18 =	simm.s32 $0x200  }
0x5: {  	s19 =	simm.s32 $0x100;
	s20 =	simm.s32 $0xA00;
	s21 =	simm.s32 $0x1  }
0x6: {  	s28 =	simm.s32 $0x180;
	s29 =	simm.s32 $0x5;
	s30 =	simm.s32 $0x6  }
0x7: {  	s31 =	simm.s32 $0x0;
	[smem:$0x7FF] =	sst s3;
	s8 =	smul.u32 $0x14000, s11  }
0x8: {  	s2 =	sand.u32 $0x1, s2;
	s4 =	sadd.s32 $0x5DE00, s0;
	s9 =	smul.u32 $0x50000, s11  }
0x9: {  	s5 =	sadd.s32 $0x53E00, s0;
	s6 =	sadd.s32 $0x3E00, s0;
	s7 =	smul.u32 $0x140000, s2  }
0xa: {  	s24 =	smul.u32 $0xA, s11;
	_ =	strace $0x8000004A;
	s22 =	ssub.s32 $0x2, s2  }
0xb: {  	p0 =	seq.s32 s2, $0x0;
	s10 =	sshrl.u32 s22, $0x1;
	s7 =	sadd.s32 s8, s7  }
0xc: {  	s9 =	sshrl.u32 s9, $0x2;
	s12 =	sadd.s32 $0x460, s24;
	s7 =	sshrl.u32 s7, $0x3  }
0xd: {  	s13 =	simm.s32 @!p0 $0x5;
	s0 =	sadd.s32 s7, s0;
	s7 =	sadd.s32 s9, s1  }
0xe: {  	s24 =	simm.s32 $0x5200;
	s8 =	ssub.s32 s22, s10;
	s9 =	sadd.s32 $0x4000, s7  }
0xf: {  	s10 =	smul.u32 $0x46, s11;
	s23 =	sadd.s32 $0x8000, s7;
	[dreg:$0x3] =	wrdreg s9  }
0x10: {  	s22 =	simm.s32 $0x80;
	s25 =	sadd.s32 $0xC000, s7;
	[dreg:$0x4] =	wrdreg s23  }
0x11: {  	s15 =	smax.u32 s8, $0x1;
	s26 =	sadd.s32 $0x10000, s7;
	[dreg:$0x5] =	wrdreg s25  }
0x12: {  	s12 =	smov.u32 @p0 s10;
	s14 =	sadd.s32 $0x85000, s0;
	[dreg:$0x6] =	wrdreg s26  }
0x13: {  	v0 =	vimm.f32 $0.0e+00;
	s23 =	simm.s32 $0x2;
	s25 =	simm.s32 $0x3;
	s26 =	simm.s32 $0x4  }
.LBB2_1:
0x14: {  	s0 =	simm.s32 $0x0;
	s2 =	simm.s32 $0x200  }
.LBB2_2:
0x15: {  	p0 =	sne.s32 s2, $0xFE00;
	[tilespmem:s0+$0x1270] =	vst v0  }
0x16: {  	[tilespmem:s0+$0x1200] =	vst v0  }
0x17: {  	[tilespmem:s0+$0x1210] =	vst v0  }
.Ltmp0:
0x18: {  	[tilespmem:s0+$0x1220] =	vst v0;
	(pc) =	sbr.rel @p0 .LBB2_2-.Ltmp0, $4  }
0x19: {  	[tilespmem:s0+$0x1230] =	vst v0  }
0x1a: {  	[tilespmem:s0+$0x1240] =	vst v0  }
0x1b: {  	[tilespmem:s0+$0x1250] =	vst v0  }
0x1c: {  	[tilespmem:s0+$0x1260] =	vst v0;
	s0 =	sshra.s32 s2, $0x2;
	s2 =	sadd.s32 $0x200, s2  }
0x1d: {  	[tilespmem:s0+$0x1270] =	vst v0  }
0x1e: {  	[tilespmem:s0+$0x1200] =	vst v0  }
0x1f: {  	[tilespmem:s0+$0x1210] =	vst v0  }
0x20: {  	[tilespmem:s0+$0x1220] =	vst v0  }
0x21: {  	[tilespmem:s0+$0x1230] =	vst v0  }
0x22: {  	[tilespmem:s0+$0x1240] =	vst v0  }
0x23: {  	[tilespmem:s0+$0x1250] =	vst v0  }
0x24: {  	[tilespmem:s0+$0x1260] =	vst v0  }
0x25: {  	[spmem:s7] =	stream.linear.scatter [tilespmem:s16], [sflag:$0x7], $0x4000, $0x38;
	[tilespmem:$0x1D200] =	vst v63  }
0x26: {  	_ =	swait.ge [sflag:s17], $0x4000  }
0x27: {  	[sflag:s17] =	ssyncset.done $0x0  }
0x28: {  	s8 =	rddreg [dreg:$0x3];
	[sflag:s17] =	ssyncadd.s32 $0xFFFFC000  }
0x29: {  	[spmem:s8] =	stream.linear.scatter [tilespmem:s16], [sflag:$0x7], $0x4000, $0x38;
	[tilespmem:$0x1D200] =	vst v63  }
0x2a: {  	_ =	swait.ge [sflag:s17], $0x4000  }
0x2b: {  	[sflag:s17] =	ssyncset.done $0x0  }
0x2c: {  	s9 =	rddreg [dreg:$0x4];
	[sflag:s17] =	ssyncadd.s32 $0xFFFFC000  }
0x2d: {  	[spmem:s9] =	stream.linear.scatter [tilespmem:s16], [sflag:$0x7], $0x4000, $0x38;
	[tilespmem:$0x1D200] =	vst v63  }
0x2e: {  	_ =	swait.ge [sflag:s17], $0x4000  }
0x2f: {  	[sflag:s17] =	ssyncset.done $0x0  }
0x30: {  	s10 =	rddreg [dreg:$0x5];
	[sflag:s17] =	ssyncadd.s32 $0xFFFFC000  }
0x31: {  	[spmem:s10] =	stream.linear.scatter [tilespmem:s16], [sflag:$0x7], $0x4000, $0x38;
	[tilespmem:$0x1D200] =	vst v63  }
0x32: {  	_ =	swait.ge [sflag:s17], $0x4000  }
0x33: {  	[sflag:s17] =	ssyncset.done $0x0  }
0x34: {  	s11 =	rddreg [dreg:$0x6];
	[sflag:s17] =	ssyncadd.s32 $0xFFFFC000  }
0x35: {  	[spmem:s11] =	stream.linear.scatter [tilespmem:s16], [sflag:$0x7], $0x4000, $0x38;
	[tilespmem:$0x1D200] =	vst v63  }
0x36: {  	_ =	swait.ge [sflag:s17], $0x4000  }
0x37: {  	[sflag:s17] =	ssyncset.done $0x0  }
0x38: {  	[sflag:s17] =	ssyncadd.s32 $0xFFFFC000  }
0x39: {  	s0 =	simm.s32 $0x0;
	[bflag:$0x0] =	sbarrier.arrive $0xFFFF  }
.LBB2_4:
0x3a: {  	s2 =	sshll.u32 s0, $0x1  }
0x3b: {  	s2 =	sadd.s32 s12, s2  }
0x3c: {  	s8 =	sshll.u32 s2, $0x5  }
0x3d: {  	s8 =	sand.u32 $0x1FFFFFC0, s8  }
0x3e: {  	s10 =	sshll.u32 s2, $0x8;
	s8 =	sadd.s32 s5, s8  }
0x3f: {  	[tilespmem:s31], [sflag:$0x1] =	stream.linear.gather [hbm4b:s8+s31], $0x100, $0x38;
	[tilespmem:$0x1D200] =	vst v63  }
0x40: {  	s2 =	sor.u32 $0x1, s2;
	s8 =	sand.u32 $0x1FFFFE00, s10  }
0x41: {  	s11 =	sshll.u32 s2, $0x5;
	s8 =	sadd.s32 s6, s8  }
0x42: {  	[tilespmem:s18], [sflag:$0x1] =	stream.linear.gather [hbm4b:s8+s31], $0x800, $0x38;
	[tilespmem:$0x1D200] =	vst v63  }
0x43: {  	s2 =	sshll.u32 s2, $0x8;
	s8 =	sadd.s32 s5, s11  }
0x44: {  	[tilespmem:s19], [sflag:$0x2] =	stream.linear.gather [hbm4b:s8+s31], $0x100, $0x38;
	[tilespmem:$0x1D200] =	vst v63  }
0x45: {  	s2 =	sadd.s32 s6, s2  }
0x46: {  	[tilespmem:s20], [sflag:$0x2] =	stream.linear.gather [hbm4b:s2+s31], $0x800, $0x38;
	[tilespmem:$0x1D200] =	vst v63  }
0x47: {  	_ =	swait.ge [sflag:s21], $0x100  }
0x48: {  	[sflag:s21] =	ssyncset.done $0x0  }
0x49: {  	[sflag:s21] =	ssyncadd.s32 $0xFFFFFF00  }
0x4a: {  	_ =	swait.ge [sflag:s21], $0x800  }
0x4b: {  	[sflag:s21] =	ssyncset.done $0x0  }
0x4c: {  	[sflag:s21] =	ssyncadd.s32 $0xFFFFF800  }
0x4d: {  	[tilespmem:s16], [sflag:$0x3] =	stream.indirect.gather [hbm4b:s4+s22], $0x80, s31, s22, $0xb8;
	[tilespmem:$0x1D200] =	vst v63  }
0x4e: {  	_ =	swait.ge [sflag:s23], $0x100  }
0x4f: {  	[sflag:s23] =	ssyncset.done $0x0  }
0x50: {  	[sflag:s23] =	ssyncadd.s32 $0xFFFFFF00  }
0x51: {  	_ =	swait.ge [sflag:s23], $0x800  }
0x52: {  	[sflag:s23] =	ssyncset.done $0x0  }
0x53: {  	[sflag:s23] =	ssyncadd.s32 $0xFFFFF800  }
0x54: {  	[tilespmem:s24], [sflag:$0x4] =	stream.indirect.gather [hbm4b:s4+s22], $0x80, s19, s22, $0xb8;
	[tilespmem:$0x1D200] =	vst v63  }
0x55: {  	_ =	swait.ge [sflag:s25], $0x4000  }
0x56: {  	[sflag:s25] =	ssyncset.done $0x0  }
0x57: {  	s2 =	simm.s32 $0x1280;
	[sflag:s25] =	ssyncadd.s32 $0xFFFFC000  }
0x58: {  	s9 =	simm.s32 $0x0;
	v1 =	vld [tilespmem:s2+$0xFFFFFF90]  }
0x59: {  	v3 =	vld [tilespmem:s9+$0x200]  }
0x5a: {  	v2 =	vld [tilespmem:s2+$0xFFFFFFA0]  }
0x5b: {  	v4 =	vld [tilespmem:s2+$0xFFFFFFB0]  }
0x5c: {  	v5 =	vld [tilespmem:s2+$0xFFFFFFD0]  }
0x5d: {  	v6 =	vld [tilespmem:s2+$0xFFFFFFF0]  }
0x5e: {  	v7 =	vld [tilespmem:s2+$0xFFFFFF80];
	v1 =	vmul.f32 v1, v3  }
0x5f: {  	v8 =	vld [tilespmem:s2+$0xFFFFFFC0];
	v2 =	vmul.f32 v2, v3  }
0x60: {  	v9 =	vld [tilespmem:s2+$0xFFFFFFE0];
	v4 =	vmul.f32 v4, v3;
	[tilespmem:s2+$0xFFFFFF90] =	vst v1  }
0x61: {  	v5 =	vmul.f32 v5, v3;
	[tilespmem:s2+$0xFFFFFFA0] =	vst v2  }
0x62: {  	v6 =	vmul.f32 v6, v3;
	[tilespmem:s2+$0xFFFFFFB0] =	vst v4  }
0x63: {  	v7 =	vmul.f32 v7, v3;
	v1 =	vld [tilespmem:s2+$0x70];
	[tilespmem:s2+$0xFFFFFFD0] =	vst v5  }
0x64: {  	v2 =	vld [tilespmem:s2+$0x40];
	[tilespmem:s2+$0xFFFFFFF0] =	vst v6  }
0x65: {  	s10 =	simm.s32 $0x1280;
	s8 =	simm.s32 $0x80;
	v4 =	vmul.f32 v8, v3;
	v5 =	vmul.f32 v9, v3;
	[tilespmem:s2+$0xFFFFFF80] =	vst v7;
	v3 =	vld [tilespmem:s2+$0x0]  }
.LBB2_5:
0x66: {  	p0 =	sne.s32 s8, $0x1F80  }
0x67: {  	[tilespmem:s2+$0xFFFFFFC0] =	vst v4;
	v4 =	vld [tilespmem:s2+$0x20];
	s10 =	sadd.s32 $0x100, s10;
	s11 =	smov.u32 s8;
	s8 =	sadd.s32 $0x80, s8  }
0x68: {  	[tilespmem:s2+$0xFFFFFFE0] =	vst v5;
	v5 =	vld [tilespmem:s2+$0x10]  }
0x69: {  	v6 =	vld [tilespmem:s9+$0x210]  }
0x6a: {  	v7 =	vld [tilespmem:s2+$0x30]  }
0x6b: {  	v8 =	vld [tilespmem:s2+$0x50]  }
0x6c: {  	v9 =	vld [tilespmem:s2+$0x60];
	_ =	sdelay $0x1  }
0x6d: {  	v3 =	vmul.f32 v3, v6;
	v5 =	vmul.f32 v5, v6  }
0x6e: {  	v4 =	vmul.f32 v4, v6;
	v7 =	vmul.f32 v7, v6  }
0x6f: {  	v2 =	vmul.f32 v2, v6;
	[tilespmem:s2+$0x0] =	vst v3;
	v3 =	vmul.f32 v8, v6  }
0x70: {  	v1 =	vmul.f32 v1, v6;
	[tilespmem:s2+$0x30] =	vst v7;
	v7 =	vmul.f32 v9, v6  }
0x71: {  	[tilespmem:s2+$0x40] =	vst v2  }
0x72: {  	[tilespmem:s2+$0x50] =	vst v3  }
0x73: {  	v2 =	vld [tilespmem:s10+$0xFFFFFFD0];
	[tilespmem:s2+$0x20] =	vst v4  }
0x74: {  	s9 =	sshra.s32 s11, $0x2;
	v3 =	vld [tilespmem:s10+$0xFFFFFFA0];
	[tilespmem:s2+$0x70] =	vst v1  }
0x75: {  	v1 =	vld [tilespmem:s10+$0xFFFFFFB0];
	[tilespmem:s2+$0x60] =	vst v7  }
0x76: {  	v4 =	vld [tilespmem:s10+$0xFFFFFF90];
	[tilespmem:s2+$0x10] =	vst v5;
	s2 =	smov.u32 s10  }
0x77: {  	v5 =	vld [tilespmem:s9+$0x200]  }
0x78: {  	v6 =	vld [tilespmem:s10+$0xFFFFFFC0]  }
0x79: {  	v7 =	vld [tilespmem:s10+$0xFFFFFF80]  }
0x7a: {  	v8 =	vld [tilespmem:s10+$0xFFFFFFF0]  }
0x7b: {  	v9 =	vld [tilespmem:s10+$0xFFFFFFE0]  }
0x7c: {  	v10 =	vmul.f32 v4, v5;
	v1 =	vmul.f32 v1, v5  }
0x7d: {  	v3 =	vmul.f32 v3, v5;
	v4 =	vmul.f32 v6, v5  }
0x7e: {  	v2 =	vmul.f32 v2, v5;
	v6 =	vmul.f32 v7, v5;
	[tilespmem:s10+$0xFFFFFF90] =	vst v10  }
.Ltmp1:
0x7f: {  	[tilespmem:s10+$0xFFFFFFA0] =	vst v3;
	v3 =	vmul.f32 v8, v5;
	(pc) =	sbr.rel @p0 .LBB2_5-.Ltmp1, $4  }
0x80: {  	[tilespmem:s10+$0xFFFFFFB0] =	vst v1;
	v5 =	vmul.f32 v9, v5  }
0x81: {  	[tilespmem:s10+$0xFFFFFF80] =	vst v6;
	v1 =	vld [tilespmem:s10+$0x70]  }
0x82: {  	[tilespmem:s10+$0xFFFFFFD0] =	vst v2;
	v2 =	vld [tilespmem:s10+$0x40]  }
0x83: {  	[tilespmem:s10+$0xFFFFFFF0] =	vst v3;
	v3 =	vld [tilespmem:s10+$0x0]  }
0x84: {  	[tilespmem:s2+$0xFFFFFFC0] =	vst v4  }
0x85: {  	[tilespmem:s2+$0xFFFFFFE0] =	vst v5  }
0x86: {  	v4 =	vld [tilespmem:s9+$0x210]  }
0x87: {  	v5 =	vld [tilespmem:s2+$0x30];
	_ =	sdelay $0x2  }
0x88: {  	v6 =	vld [tilespmem:s2+$0x50]  }
0x89: {  	v7 =	vld [tilespmem:s2+$0x20];
	v3 =	vmul.f32 v3, v4  }
0x8a: {  	v9 =	vld [tilespmem:s2+$0x60];
	v5 =	vmul.f32 v5, v4  }
0x8b: {  	v8 =	vld [tilespmem:s2+$0x10];
	v2 =	vmul.f32 v2, v4;
	[tilespmem:s2+$0x0] =	vst v3  }
0x8c: {  	v1 =	vmul.f32 v1, v4;
	[tilespmem:s2+$0x30] =	vst v5  }
0x8d: {  	v3 =	vmul.f32 v6, v4;
	[tilespmem:s2+$0x40] =	vst v2  }
0x8e: {  	v5 =	vmul.f32 v7, v4;
	[tilespmem:s2+$0x70] =	vst v1  }
0x8f: {  	v2 =	vmul.f32 v9, v4;
	[tilespmem:s2+$0x50] =	vst v3  }
0x90: {  	[tilespmem:s2+$0x20] =	vst v5;
	v3 =	vmul.f32 v8, v4  }
0x91: {  	[tilespmem:s2+$0x60] =	vst v2  }
0x92: {  	[tilespmem:s2+$0x10] =	vst v3  }
0x93: {  	[spmem:s1] =	stream.indirect.scatter.add.f32 [tilespmem:s16], [sflag:$0x5], $0x80, s22, s22, $0xb8;
	[tilespmem:$0x1D200] =	vst v63  }
0x94: {  	_ =	swait.ge [sflag:s26], $0x4000  }
0x95: {  	[sflag:s26] =	ssyncset.done $0x0  }
0x96: {  	s2 =	simm.s32 $0x5280;
	[sflag:s26] =	ssyncadd.s32 $0xFFFFC000  }
0x97: {  	s9 =	simm.s32 $0x0;
	v1 =	vld [tilespmem:s2+$0xFFFFFF90]  }
0x98: {  	v3 =	vld [tilespmem:s9+$0xA00]  }
0x99: {  	v2 =	vld [tilespmem:s2+$0xFFFFFFA0]  }
0x9a: {  	v4 =	vld [tilespmem:s2+$0xFFFFFFB0]  }
0x9b: {  	v5 =	vld [tilespmem:s2+$0xFFFFFFD0]  }
0x9c: {  	v6 =	vld [tilespmem:s2+$0xFFFFFFF0]  }
0x9d: {  	v7 =	vld [tilespmem:s2+$0xFFFFFF80];
	v1 =	vmul.f32 v1, v3  }
0x9e: {  	v62 =	vld [tilespmem:s2+$0xFFFFFFC0];
	v2 =	vmul.f32 v2, v3  }
0x9f: {  	v63 =	vld [tilespmem:s2+$0xFFFFFFE0];
	v4 =	vmul.f32 v4, v3;
	[tilespmem:s2+$0xFFFFFF90] =	vst v1  }
0xa0: {  	v5 =	vmul.f32 v5, v3;
	[tilespmem:s2+$0xFFFFFFA0] =	vst v2  }
0xa1: {  	v6 =	vmul.f32 v6, v3;
	[tilespmem:s2+$0xFFFFFFB0] =	vst v4  }
0xa2: {  	v7 =	vmul.f32 v7, v3;
	v1 =	vld [tilespmem:s2+$0x70];
	[tilespmem:s2+$0xFFFFFFD0] =	vst v5  }
0xa3: {  	v2 =	vld [tilespmem:s2+$0x40];
	[tilespmem:s2+$0xFFFFFFF0] =	vst v6  }
0xa4: {  	s8 =	simm.s32 $0x80;
	s10 =	simm.s32 $0x5280;
	v4 =	vmul.f32 v62, v3;
	v5 =	vmul.f32 v63, v3;
	[tilespmem:s2+$0xFFFFFF80] =	vst v7;
	v3 =	vld [tilespmem:s2+$0x0]  }
.LBB2_7:
0xa5: {  	p0 =	sne.s32 s8, $0x1F80  }
0xa6: {  	[tilespmem:s2+$0xFFFFFFC0] =	vst v4;
	v4 =	vld [tilespmem:s2+$0x20];
	s10 =	sadd.s32 $0x100, s10;
	s11 =	smov.u32 s8;
	s8 =	sadd.s32 $0x80, s8  }
0xa7: {  	[tilespmem:s2+$0xFFFFFFE0] =	vst v5;
	v5 =	vld [tilespmem:s2+$0x10]  }
0xa8: {  	v6 =	vld [tilespmem:s9+$0xA10]  }
0xa9: {  	v7 =	vld [tilespmem:s2+$0x30]  }
0xaa: {  	v8 =	vld [tilespmem:s2+$0x50]  }
0xab: {  	v9 =	vld [tilespmem:s2+$0x60];
	_ =	sdelay $0x1  }
0xac: {  	v3 =	vmul.f32 v3, v6;
	v5 =	vmul.f32 v5, v6  }
0xad: {  	v4 =	vmul.f32 v4, v6;
	v7 =	vmul.f32 v7, v6  }
0xae: {  	v2 =	vmul.f32 v2, v6;
	[tilespmem:s2+$0x0] =	vst v3;
	v3 =	vmul.f32 v8, v6  }
0xaf: {  	v1 =	vmul.f32 v1, v6;
	[tilespmem:s2+$0x30] =	vst v7;
	v7 =	vmul.f32 v9, v6  }
0xb0: {  	[tilespmem:s2+$0x40] =	vst v2  }
0xb1: {  	[tilespmem:s2+$0x50] =	vst v3  }
0xb2: {  	v2 =	vld [tilespmem:s10+$0xFFFFFFD0];
	[tilespmem:s2+$0x20] =	vst v4  }
0xb3: {  	s9 =	sshra.s32 s11, $0x2;
	v3 =	vld [tilespmem:s10+$0xFFFFFFA0];
	[tilespmem:s2+$0x70] =	vst v1  }
0xb4: {  	v1 =	vld [tilespmem:s10+$0xFFFFFFB0];
	[tilespmem:s2+$0x60] =	vst v7  }
0xb5: {  	v4 =	vld [tilespmem:s10+$0xFFFFFF90];
	[tilespmem:s2+$0x10] =	vst v5;
	s2 =	smov.u32 s10  }
0xb6: {  	v5 =	vld [tilespmem:s9+$0xA00]  }
0xb7: {  	v6 =	vld [tilespmem:s10+$0xFFFFFFC0]  }
0xb8: {  	v7 =	vld [tilespmem:s10+$0xFFFFFF80]  }
0xb9: {  	v8 =	vld [tilespmem:s10+$0xFFFFFFF0]  }
0xba: {  	v9 =	vld [tilespmem:s10+$0xFFFFFFE0]  }
0xbb: {  	v10 =	vmul.f32 v4, v5;
	v1 =	vmul.f32 v1, v5  }
0xbc: {  	v3 =	vmul.f32 v3, v5;
	v4 =	vmul.f32 v6, v5  }
0xbd: {  	v2 =	vmul.f32 v2, v5;
	v6 =	vmul.f32 v7, v5;
	[tilespmem:s10+$0xFFFFFF90] =	vst v10  }
.Ltmp2:
0xbe: {  	[tilespmem:s10+$0xFFFFFFA0] =	vst v3;
	v3 =	vmul.f32 v8, v5;
	(pc) =	sbr.rel @p0 .LBB2_7-.Ltmp2, $4  }
0xbf: {  	[tilespmem:s10+$0xFFFFFFB0] =	vst v1;
	v5 =	vmul.f32 v9, v5  }
0xc0: {  	[tilespmem:s10+$0xFFFFFF80] =	vst v6;
	v1 =	vld [tilespmem:s10+$0x70]  }
0xc1: {  	[tilespmem:s10+$0xFFFFFFD0] =	vst v2;
	v2 =	vld [tilespmem:s10+$0x40]  }
0xc2: {  	[tilespmem:s10+$0xFFFFFFF0] =	vst v3;
	v3 =	vld [tilespmem:s10+$0x0]  }
0xc3: {  	[tilespmem:s2+$0xFFFFFFC0] =	vst v4  }
0xc4: {  	[tilespmem:s2+$0xFFFFFFE0] =	vst v5  }
0xc5: {  	v4 =	vld [tilespmem:s9+$0xA10]  }
0xc6: {  	v62 =	vld [tilespmem:s2+$0x30];
	_ =	sdelay $0x1  }
0xc7: {  	v7 =	vld [tilespmem:s2+$0x20];
	_ =	sdelay $0x1  }
0xc8: {  	v6 =	vld [tilespmem:s2+$0x50];
	v3 =	vmul.f32 v3, v4  }
0xc9: {  	v9 =	vld [tilespmem:s2+$0x60];
	v5 =	vmul.f32 v62, v4  }
0xca: {  	v8 =	vld [tilespmem:s2+$0x10];
	v2 =	vmul.f32 v2, v4;
	[tilespmem:s2+$0x0] =	vst v3  }
0xcb: {  	v63 =	vmul.f32 v7, v4;
	[tilespmem:s2+$0x30] =	vst v5  }
0xcc: {  	v1 =	vmul.f32 v1, v4;
	[tilespmem:s2+$0x40] =	vst v2  }
0xcd: {  	v3 =	vmul.f32 v6, v4;
	[tilespmem:s2+$0x20] =	vst v63  }
0xce: {  	v2 =	vmul.f32 v9, v4;
	[tilespmem:s2+$0x70] =	vst v1  }
0xcf: {  	[tilespmem:s2+$0x50] =	vst v3;
	v3 =	vmul.f32 v8, v4  }
0xd0: {  	[tilespmem:s2+$0x60] =	vst v2  }
0xd1: {  	s0 =	sadd.s32 $0x1, s0;
	[tilespmem:s2+$0x10] =	vst v3  }
0xd2: {  	[spmem:s1] =	stream.indirect.scatter.add.f32 [tilespmem:s24], [sflag:$0x6], $0x80, s28, s22, $0xb8;
	[tilespmem:$0x1D200] =	vst v63  }
0xd3: {  	p0 =	sne.s32 s0, s13;
	_ =	swait.ge [sflag:s29], $0x4000  }
.Ltmp3:
0xd4: {  	[sflag:s29] =	ssyncset.done $0x0;
	(pc) =	sbr.rel @p0 .LBB2_4-.Ltmp3, $4  }
0xd5: {  	[sflag:s29] =	ssyncadd.s32 $0xFFFFC000  }
0xd6: {  	_ =	swait.ge [sflag:s30], $0x4000  }
0xd7: {  	[sflag:s30] =	ssyncset.done $0x0  }
0xd8: {  	[sflag:s30] =	ssyncadd.s32 $0xFFFFC000  }
0xd9: {  	s0 =	stileid.u32;
	s3 =	sadd.s32 $0x1, s3  }
0xda: {  	[bflag:$0x0] =	sbarrier.arrive $0xFFFF;
	s0 =	sshll.u32 s0, $0x6;
	p0 =	sne.s32 s3, s15  }
.Ltmp4:
0xdb: {  	s2 =	sshrl.u32 s7, $0x3;
	s0 =	sor.u32 $0x1C07, s0;
	(pc) =	sbr.rel @p0 .LBB2_1-.Ltmp4, $4  }
0xdc: {  	[hbm:s14], [sflag:s0] =	dma.local [spmem:s2], $0x2800  }
0xdd: {  	_ =	swait.ge [sflag:s17], $0x2800  }
0xde: {  	[sflag:s17] =	ssyncset.done $0x0  }
0xdf: {  	[sflag:s17] =	ssyncadd.s32 $0xFFFFD800  }
0xe0: {  	_ =	sfence.sel $0x180000  }
0xe1: {  	[bflag:$0x0] =	sbarrier.arrive $0xFFFF  }
0xe2: {  	_ =	strace $0x9000004A  }
0xe3: {  	s0 =	stileid.u32;
	[bflag:$0x2] =	sbarrier.arrive $0xFFFF  }
0xe4: {  	p0 =	sne.s32 s0, $0x0;
	s0 =	rddreg [dreg:$0x2]  }
0xe5: {  	s0 =	sadd.s32 @!p0 $0x100000, s0  }
0xe6: {  	[sflag:s0] =	ssyncadd.tile.s32 @!p0 $0x1;
	_ =	shalt  }
.Lfunc_end2:
_tile_overlayer_lowered:
.L_overlay_start_2:
0xe7: {  	(tag) =	ssettag $0x2  }
0xe8: {  	s0 =	rddreg [dreg:$0x0];
	s2 =	stileid.u32  }
0xe9: {  	s1 =	rddreg [dreg:$0x1];
	p0 =	sne.s32 s2, $0x0  }
0xea: {  	s3 =	rddreg [dreg:$0x2];
	[bflag:$0x3] =	sbarrier.arrive $0xFFFF;
	s2 =	simm.s32 @!p0 $0x1C07  }
0xeb: {  	[timem:s3], [sflag:s2] =	dma.local @!p0 [hbm:s0], s1  }
0xec: {  	s0 =	simm.s32 @!p0 $0x7  }
0xed: {  	_ =	swait.ge @!p0 [sflag:s0], s1  }
0xee: {  	s1 =	ssub.s32 @!p0 $0x0, s1;
	[sflag:s0] =	ssyncset.done @!p0 $0x0  }
0xef: {  	[sflag:s0] =	ssyncadd.s32 @!p0 s1  }
0xf0: {  	[bflag:$0x3] =	sbarrier.arrive $0xFFFF  }
0xf1: {  	_ =	shalt  }

// kernel: kernel.16.cloned.1.call-start
scs
__scs_entry_jumppad:
0x0: {  	(pc) =	sbr.rel $0x88, $3  }
0x1: {  	(tag) =	ssettag $0x0;
	lr =	simm.s32 $0x1  }
0x2: {  	[smem:$0x3F95] =	sst lr;
	_ =	strace $0xD0000000  }
0x3: {  	_ = 	snop  }
0x4: {  	_ = 	snop  }
0x5: {  	_ = 	snop  }
0x6: {  	_ = 	snop  }
0x7: {  	_ = 	snop  }
__scs_overlays_trampoline_lowered:
0x8: {  	[smem:$0x3FA4] =	sst s0  }
0x9: {  	[smem:$0x3FA5] =	sst s1  }
0xa: {  	[smem:$0x3FA6] =	sst s2  }
0xb: {  	[smem:$0x3FA7] =	sst s3  }
0xc: {  	[smem:$0x3FA8] =	sst s4  }
0xd: {  	[smem:$0x3FA9] =	sst s5  }
0xe: {  	[smem:$0x3FAA] =	sst s6  }
0xf: {  	[smem:$0x3FAB] =	sst s7  }
0x10: {  	[smem:$0x3FAC] =	sst s8  }
0x11: {  	[smem:$0x3FAD] =	sst s9;
	s0 =	simm.s32 @!p0 $0x0  }
0x12: {  	s1 =	sld [smem:$0x3F93];
	s0 =	simm.s32 @p0 $0x1  }
0x13: {  	[smem:$0x3FAE] =	sst s0;
	s0 =	simm.s32 @!p1 $0x0  }
0x14: {  	s2 =	sld [smem:$0x3F92];
	s0 =	simm.s32 @p1 $0x1  }
0x15: {  	[smem:$0x3FAF] =	sst s0;
	s0 =	simm.s32 @!p2 $0x0  }
0x16: {  	s3 =	sld [smem:$0x3FDB];
	s0 =	simm.s32 @p2 $0x1  }
0x17: {  	s4 =	simm.s32 $0x1BF5;
	[smem:$0x3FB1] =	sst s0  }
0x18: {  	s0 =	sld [smem:$0x3F94];
	_ =	swait.ge [sflag:s4], $0x0  }
0x19: {  	s7 =	sld [smem:$0x3F95]  }
0x1a: {  	s8 =	sadd.s32 $0xFFFFE003, lr  }
0x1b: {  	s9 =	sadd.s32 $0xFFFFFEF7, lr;
	s5 =	simm.s32 $0xFFFFFFFF;
	p2 =	slt.u32 s8, $0xFFFFF086  }
0x1c: {  	p1 =	slt.u32 s9, $0xF7A;
	s5 =	simm.s32 @!p2 $0x0  }
0x1d: {  	s5 =	simm.s32 @p1 $0x1;
	p0 =	seq.s32 s7, s2  }
0x1e: {  	s7 =	smul.u32 @!p0 $0xF7A, s2;
	p2 =	seq.s32 @!p0 s5, $0x0  }
0x1f: {  	s9 =	smul.u32 $0xF7A, s1;
	s8 =	simm.s32 @!p0 $0x1BF5;
	p2 =	por !p2, p0  }
0x20: {  	[sflag:s8] =	ssyncset.s32 @!p0 $0xFFFFF086;
	s6 =	sadd.s32 @!p0 s3, s7;
	s7 =	simm.s32 @!p0 $0x108  }
0x21: {  	s3 =	sadd.s32 s3, s9;
	s6 =	sadd.s32 @!p0 $0x88, s6;
	s7 =	simm.s32 @p2 $0x1082  }
0x22: {  	[simem:s7], [sflag:s8] =	dma.local @!p0 [hbm:s6], $0xF7A  }
0x23: {  	s9 =	sor.u32 $0xD0000000, s2;
	s6 =	simm.s32 $0x108;
	_ =	swait.ge @!p0 [sflag:s8], $0x0  }
0x24: {  	s3 =	sadd.s32 $0x88, s3;
	s6 =	simm.s32 @!p1 $0x1082;
	[sflag:s4] =	ssyncset.s32 $0xFFFFF086  }
0x25: {  	[simem:s6], [sflag:s4] =	dma.local [hbm:s3], $0xF7A  }
0x26: {  	[smem:$0x3F95] =	sst s1;
	(tag) =	ssettag s2;
	_ =	strace s9  }
0x27: {  	s1 =	sld [smem:$0x3FA5]  }
0x28: {  	s2 =	sld [smem:$0x3FA6]  }
0x29: {  	s4 =	sld [smem:$0x3FA8]  }
0x2a: {  	p0 =	seq.s32 s5, $0x0;
	s5 =	sld [smem:$0x3FA9]  }
0x2b: {  	s6 =	sld [smem:$0x3FAA]  }
0x2c: {  	s7 =	sld [smem:$0x3FAB]  }
0x2d: {  	s3 =	simm.s32 $0x108;
	s8 =	sld [smem:$0x3FAC]  }
0x2e: {  	s3 =	simm.s32 @!p0 $0x1082;
	s9 =	sld [smem:$0x3FAD]  }
0x2f: {  	lr =	sadd.s32 s0, s3;
	s0 =	sld [smem:$0x3FA4]  }
0x30: {  	s3 =	sld [smem:$0x3FA7]  }
0x31: {  	[smem:$0x3FB0] =	sst s10  }
0x32: {  	s10 =	sld [smem:$0x3FAE];
	_ =	sdelay $0x3  }
0x33: {  	p0 =	seq.s32 s10, $0x1;
	s10 =	sld [smem:$0x3FB0];
	_ =	sdelay $0x3  }
0x34: {  	[smem:$0x3FB0] =	sst s10  }
0x35: {  	s10 =	sld [smem:$0x3FAF];
	_ =	sdelay $0x3  }
0x36: {  	p1 =	seq.s32 s10, $0x1;
	s10 =	sld [smem:$0x3FB0];
	_ =	sdelay $0x3  }
0x37: {  	[smem:$0x3FB0] =	sst s10  }
0x38: {  	s10 =	sld [smem:$0x3FB1]  }
0x39: {  	_ = 	snop;
	(pc) =	sbr.ind lr, $3  }
0x3a: {  	_ = 	snop  }
0x3b: {  	_ = 	snop  }
0x3c: {  	p2 =	seq.s32 s10, $0x1;
	s10 =	sld [smem:$0x3FB0]  }
0x3d: {  	_ =	shalt  }
0x3e: {  	_ =	shalt  }
0x3f: {  	_ =	shalt  }
0x40: {  	_ =	shalt  }
0x41: {  	_ =	shalt  }
0x42: {  	_ =	shalt  }
0x43: {  	_ =	shalt  }
0x44: {  	_ =	shalt  }
0x45: {  	_ =	shalt  }
0x46: {  	_ =	shalt  }
0x47: {  	_ =	shalt  }
0x48: {  	_ =	shalt  }
0x49: {  	_ =	shalt  }
0x4a: {  	_ =	shalt  }
0x4b: {  	_ =	shalt  }
0x4c: {  	_ =	shalt  }
0x4d: {  	_ =	shalt  }
0x4e: {  	_ =	shalt  }
0x4f: {  	_ =	shalt  }
0x50: {  	_ =	shalt  }
0x51: {  	_ =	shalt  }
0x52: {  	_ =	shalt  }
0x53: {  	_ =	shalt  }
0x54: {  	_ =	shalt  }
0x55: {  	_ =	shalt  }
0x56: {  	_ =	shalt  }
0x57: {  	_ =	shalt  }
0x58: {  	_ =	shalt  }
0x59: {  	_ =	shalt  }
0x5a: {  	_ =	shalt  }
0x5b: {  	_ =	shalt  }
0x5c: {  	_ =	shalt  }
0x5d: {  	_ =	shalt  }
0x5e: {  	_ =	shalt  }
0x5f: {  	_ =	shalt  }
0x60: {  	_ =	shalt  }
0x61: {  	_ =	shalt  }
0x62: {  	_ =	shalt  }
0x63: {  	_ =	shalt  }
0x64: {  	_ =	shalt  }
0x65: {  	_ =	shalt  }
0x66: {  	_ =	shalt  }
0x67: {  	_ =	shalt  }
0x68: {  	_ =	shalt  }
0x69: {  	_ =	shalt  }
0x6a: {  	_ =	shalt  }
0x6b: {  	_ =	shalt  }
0x6c: {  	_ =	shalt  }
0x6d: {  	_ =	shalt  }
0x6e: {  	_ =	shalt  }
0x6f: {  	_ =	shalt  }
0x70: {  	_ =	shalt  }
0x71: {  	_ =	shalt  }
0x72: {  	_ =	shalt  }
0x73: {  	_ =	shalt  }
0x74: {  	_ =	shalt  }
0x75: {  	_ =	shalt  }
0x76: {  	_ =	shalt  }
0x77: {  	_ =	shalt  }
0x78: {  	_ =	shalt  }
0x79: {  	_ =	shalt  }
0x7a: {  	_ =	shalt  }
0x7b: {  	_ =	shalt  }
0x7c: {  	_ =	shalt  }
0x7d: {  	_ =	shalt  }
0x7e: {  	_ =	shalt  }
0x7f: {  	_ =	shalt  }
0x80: {  	_ =	shalt  }
0x81: {  	_ =	shalt  }
0x82: {  	_ =	shalt  }
0x83: {  	_ =	shalt  }
0x84: {  	_ =	shalt  }
0x85: {  	_ =	shalt  }
0x86: {  	_ =	shalt  }
0x87: {  	_ =	shalt  }
.Lfunc_end0:
.L_simem_size_0:
called_computation.2_lowered:
.L_overlay_start_0:
0x88: {  	s2 =	sld [smem:$0x3FD9]  }
0x89: {  	s3 =	sld [smem:$0x3FFE];
	_ =	sdelay $0x1  }
0x8a: {  	s1 =	srdreg.scid  }
0x8b: {  	s0 =	sand.u32 $0x1, s1  }
0x8c: {  	s16 =	sshll.u32 s0, $0xA;
	s2 =	sadd.s32 s3, s2  }
0x8d: {  	s2 =	sadd.s32 s2, s16  }
0x8e: {  	[smem:$0x3FBC] =	sst s2  }
0x8f: {  	_ = 	snop  }
0x90: {  	(tm) =	ssettm $0x1  }
0x91: {  	s17 =	sld [smem:$0x3FFB];
	_ =	sdelay $0x3  }
0x92: {  	_ =	strace s17  }
0x93: {  	s2 =	sld [smem:$0x3FFC];
	_ =	sdelay $0x3  }
0x94: {  	_ =	strace s2  }
0x95: {  	s2 =	sld [smem:$0x3FFD];
	_ =	sdelay $0x3  }
0x96: {  	_ =	strace s2  }
0x97: {  	_ =	strace $0x8FFFFFFF  }
0x98: {  	s18 =	sld [smem:$0x3FDB];
	_ =	sdelay $0x1  }
0x99: {  	s19 =	simm.s32 $_scs_section_size  }
0x9a: {  	s4 =	simm.s32 $_size__tile_overlayer_lowered;
	s5 =	simm.s32 $_tile_overlayer_lowered  }
0x9b: {  	s22 =	simm.s32 $0x1BFF;
	s21 =	sshll.u32 s5, $0x1;
	s2 =	sadd.s32 s19, s18  }
0x9c: {  	s6 =	simm.s32 $0x0;
	s20 =	sshll.u32 s4, $0x1;
	s4 =	sadd.s32 s21, s2  }
0x9d: {  	[timem:s6], [sflag:s22] =	dma.local [hbm:s4], s20  }
0x9e: {  	_ =	swait.ge [sflag:s22], s20  }
0x9f: {  	s3 =	ssub.s32 $0x0, s20;
	[sflag:s22] =	ssyncset.done $0x0  }
0xa0: {  	[sflag:s22] =	ssyncadd.s32 s3;
	_ =	sdelay $0x1  }
0xa1: {  	s23 =	simm.s32 $0x1B8B  }
0xa2: {  	_ =	swait.ge [sflag:s23], $0x1  }
0xa3: {  	[sflag:s23] =	ssyncset.done $0x0  }
0xa4: {  	s25 =	simm.s32 $0x1B8E;
	s24 =	sld [smem:$0x3FFE];
	[sflag:s23] =	ssyncadd.s32 $0xFFFFFFFF  }
0xa5: {  	s26 =	simm.s32 $execute0_lowered;
	[smem:$0x3FD2] =	sst s25  }
0xa6: {  	s4 =	sshll.u32 s26, $0x1;
	_ =	strace $0x8000004C;
	[dreg:$0x1] =	wrdreg $0xFFFFFFFF  }
0xa7: {  	s28 =	simm.s32 $_size_execute0_lowered;
	s2 =	sadd.s32 s2, s4;
	[dreg:$0x0] =	wrdreg $0x0  }
0xa8: {  	s4 =	sshll.u32 s28, $0x1;
	[dreg:$0x2] =	wrdreg s2  }
0xa9: {  	[dreg:$0x3] =	wrdreg s4  }
0xaa: {  	[dreg:$0x4] =	wrdreg $0xC0  }
0xab: {  	_ =	task [dreg:s6], $0x5FFFF  }
0xac: {  	[dreg:$0x1] =	wrdreg $0xFFFFFFFF  }
0xad: {  	[dreg:$0x0] =	wrdreg $0x60  }
0xae: {  	[dreg:$0x2] =	wrdreg s24  }
0xaf: {  	[dreg:$0x3] =	wrdreg $0x92000  }
0xb0: {  	[dreg:$0x4] =	wrdreg $0x9  }
0xb1: {  	_ =	task.clear_ibuf [dreg:s6], $0x5FFFF;
	_ =	strace $0x9000004C  }
0xb2: {  	s29 =	simm.s32 $0x9;
	_ =	strace $0x8000004E  }
0xb3: {  	_ =	swait.ge [sflag:s29], $0x1  }
0xb4: {  	[sflag:s29] =	ssyncadd.s32 $0xFFFFFFFF  }
0xb5: {  	_ =	strace $0x9000004E  }
0xb6: {  	_ =	sfence  }
0xb7: {  	s30 =	sld [smem:$0x0];
	_ =	sdelay $0x2  }
0xb8: {  	s31 =	sshll.u32 s1, $0xD;
	s1 =	sshrl.u32 s1, $0x2  }
0xb9: {  	s3 =	sand.u32 $0x4000, s31;
	s1 =	sadd.s32 s1, s30  }
0xba: {  	s0 =	sor.u32 s3, s0;
	s1 =	sshll.u32 s1, $0x11  }
0xbb: {  	s0 =	sor.u32 s1, s0  }
0xbc: {  	s0 =	sadd.s32 $0x8F2B, s0  }
0xbd: {  	[sflag:s0] =	ssyncadd.remote.s32 $0x1  }
0xbe: {  	_ =	sfence.sel $0xFFFF  }
0xbf: {  	[dreg:$0x0] =	wrdreg $0xFFFFFFFF;
	(pc) =	sbr.abs _section_cstart, $3  }
0xc0: {  	[dreg:$0x1] =	wrdreg $0xFFFFFFFF  }
0xc1: {  	_ =	task.clear_ibuf [dreg:s6], $0x2FFFF;
	_ =	strace $0x9FFFFFFF  }
0xc2: {  	(tm) =	ssettm $0x7FFFFFFF  }
0xc3: {  	_ =	shalt  }
tec
execute0_lowered:
.L_overlay_start_1:
0x0: {  	(tag) =	ssettag $0x1  }
0x1: {  	s0 =	rddreg [dreg:$0x0]  }
0x2: {  	s1 =	rddreg [dreg:$0x1];
	s3 =	simm.s32 $0x0  }
0x3: {  	s2 =	srdreg.scid;
	s11 =	stileid.u32;
	s13 =	simm.s32 $0x23  }
0x4: {  	s16 =	simm.s32 $0x1200;
	s17 =	simm.s32 $0x7;
	s18 =	simm.s32 $0x200  }
0x5: {  	s19 =	simm.s32 $0x100;
	s20 =	simm.s32 $0xA00;
	s21 =	simm.s32 $0x1  }
0x6: {  	s28 =	simm.s32 $0x180;
	s29 =	simm.s32 $0x5;
	s30 =	simm.s32 $0x6  }
0x7: {  	s31 =	simm.s32 $0x0;
	[smem:$0x7FF] =	sst s3;
	s8 =	smul.u32 $0x14000, s11  }
0x8: {  	s2 =	sand.u32 $0x1, s2;
	s4 =	sadd.s32 $0x5DE00, s0;
	s9 =	smul.u32 $0x50000, s11  }
0x9: {  	s5 =	sadd.s32 $0x53E00, s0;
	s6 =	sadd.s32 $0x3E00, s0;
	s7 =	smul.u32 $0x140000, s2  }
0xa: {  	s24 =	smul.u32 $0xA, s11;
	_ =	strace $0x8000004D;
	s22 =	ssub.s32 $0x2, s2  }
0xb: {  	p0 =	seq.s32 s2, $0x0;
	s10 =	sshrl.u32 s22, $0x1;
	s7 =	sadd.s32 s8, s7  }
0xc: {  	s9 =	sshrl.u32 s9, $0x2;
	s12 =	sadd.s32 $0x460, s24;
	s7 =	sshrl.u32 s7, $0x3  }
0xd: {  	s13 =	simm.s32 @!p0 $0x5;
	s0 =	sadd.s32 s7, s0;
	s7 =	sadd.s32 s9, s1  }
0xe: {  	s24 =	simm.s32 $0x5200;
	s8 =	ssub.s32 s22, s10;
	s9 =	sadd.s32 $0x4000, s7  }
0xf: {  	s10 =	smul.u32 $0x46, s11;
	s23 =	sadd.s32 $0x8000, s7;
	[dreg:$0x3] =	wrdreg s9  }
0x10: {  	s22 =	simm.s32 $0x80;
	s25 =	sadd.s32 $0xC000, s7;
	[dreg:$0x4] =	wrdreg s23  }
0x11: {  	s15 =	smax.u32 s8, $0x1;
	s26 =	sadd.s32 $0x10000, s7;
	[dreg:$0x5] =	wrdreg s25  }
0x12: {  	s12 =	smov.u32 @p0 s10;
	s14 =	sadd.s32 $0x85000, s0;
	[dreg:$0x6] =	wrdreg s26  }
0x13: {  	v0 =	vimm.f32 $0.0e+00;
	s23 =	simm.s32 $0x2;
	s25 =	simm.s32 $0x3;
	s26 =	simm.s32 $0x4  }
.LBB2_1:
0x14: {  	s0 =	simm.s32 $0x0;
	s2 =	simm.s32 $0x200  }
.LBB2_2:
0x15: {  	p0 =	sne.s32 s2, $0xFE00;
	[tilespmem:s0+$0x1270] =	vst v0  }
0x16: {  	[tilespmem:s0+$0x1200] =	vst v0  }
0x17: {  	[tilespmem:s0+$0x1210] =	vst v0  }
.Ltmp0:
0x18: {  	[tilespmem:s0+$0x1220] =	vst v0;
	(pc) =	sbr.rel @p0 .LBB2_2-.Ltmp0, $4  }
0x19: {  	[tilespmem:s0+$0x1230] =	vst v0  }
0x1a: {  	[tilespmem:s0+$0x1240] =	vst v0  }
0x1b: {  	[tilespmem:s0+$0x1250] =	vst v0  }
0x1c: {  	[tilespmem:s0+$0x1260] =	vst v0;
	s0 =	sshra.s32 s2, $0x2;
	s2 =	sadd.s32 $0x200, s2  }
0x1d: {  	[tilespmem:s0+$0x1270] =	vst v0  }
0x1e: {  	[tilespmem:s0+$0x1200] =	vst v0  }
0x1f: {  	[tilespmem:s0+$0x1210] =	vst v0  }
0x20: {  	[tilespmem:s0+$0x1220] =	vst v0  }
0x21: {  	[tilespmem:s0+$0x1230] =	vst v0  }
0x22: {  	[tilespmem:s0+$0x1240] =	vst v0  }
0x23: {  	[tilespmem:s0+$0x1250] =	vst v0  }
0x24: {  	[tilespmem:s0+$0x1260] =	vst v0  }
0x25: {  	[spmem:s7] =	stream.linear.scatter [tilespmem:s16], [sflag:$0x7], $0x4000, $0x38;
	[tilespmem:$0x1D200] =	vst v63  }
0x26: {  	_ =	swait.ge [sflag:s17], $0x4000  }
0x27: {  	[sflag:s17] =	ssyncset.done $0x0  }
0x28: {  	s8 =	rddreg [dreg:$0x3];
	[sflag:s17] =	ssyncadd.s32 $0xFFFFC000  }
0x29: {  	[spmem:s8] =	stream.linear.scatter [tilespmem:s16], [sflag:$0x7], $0x4000, $0x38;
	[tilespmem:$0x1D200] =	vst v63  }
0x2a: {  	_ =	swait.ge [sflag:s17], $0x4000  }
0x2b: {  	[sflag:s17] =	ssyncset.done $0x0  }
0x2c: {  	s9 =	rddreg [dreg:$0x4];
	[sflag:s17] =	ssyncadd.s32 $0xFFFFC000  }
0x2d: {  	[spmem:s9] =	stream.linear.scatter [tilespmem:s16], [sflag:$0x7], $0x4000, $0x38;
	[tilespmem:$0x1D200] =	vst v63  }
0x2e: {  	_ =	swait.ge [sflag:s17], $0x4000  }
0x2f: {  	[sflag:s17] =	ssyncset.done $0x0  }
0x30: {  	s10 =	rddreg [dreg:$0x5];
	[sflag:s17] =	ssyncadd.s32 $0xFFFFC000  }
0x31: {  	[spmem:s10] =	stream.linear.scatter [tilespmem:s16], [sflag:$0x7], $0x4000, $0x38;
	[tilespmem:$0x1D200] =	vst v63  }
0x32: {  	_ =	swait.ge [sflag:s17], $0x4000  }
0x33: {  	[sflag:s17] =	ssyncset.done $0x0  }
0x34: {  	s11 =	rddreg [dreg:$0x6];
	[sflag:s17] =	ssyncadd.s32 $0xFFFFC000  }
0x35: {  	[spmem:s11] =	stream.linear.scatter [tilespmem:s16], [sflag:$0x7], $0x4000, $0x38;
	[tilespmem:$0x1D200] =	vst v63  }
0x36: {  	_ =	swait.ge [sflag:s17], $0x4000  }
0x37: {  	[sflag:s17] =	ssyncset.done $0x0  }
0x38: {  	[sflag:s17] =	ssyncadd.s32 $0xFFFFC000  }
0x39: {  	s0 =	simm.s32 $0x0;
	[bflag:$0x0] =	sbarrier.arrive $0xFFFF  }
.LBB2_4:
0x3a: {  	s2 =	sshll.u32 s0, $0x1  }
0x3b: {  	s2 =	sadd.s32 s12, s2  }
0x3c: {  	s8 =	sshll.u32 s2, $0x5  }
0x3d: {  	s8 =	sand.u32 $0x1FFFFFC0, s8  }
0x3e: {  	s10 =	sshll.u32 s2, $0x8;
	s8 =	sadd.s32 s5, s8  }
0x3f: {  	[tilespmem:s31], [sflag:$0x1] =	stream.linear.gather [hbm4b:s8+s31], $0x100, $0x38;
	[tilespmem:$0x1D200] =	vst v63  }
0x40: {  	s2 =	sor.u32 $0x1, s2;
	s8 =	sand.u32 $0x1FFFFE00, s10  }
0x41: {  	s11 =	sshll.u32 s2, $0x5;
	s8 =	sadd.s32 s6, s8  }
0x42: {  	[tilespmem:s18], [sflag:$0x1] =	stream.linear.gather [hbm4b:s8+s31], $0x800, $0x38;
	[tilespmem:$0x1D200] =	vst v63  }
0x43: {  	s2 =	sshll.u32 s2, $0x8;
	s8 =	sadd.s32 s5, s11  }
0x44: {  	[tilespmem:s19], [sflag:$0x2] =	stream.linear.gather [hbm4b:s8+s31], $0x100, $0x38;
	[tilespmem:$0x1D200] =	vst v63  }
0x45: {  	s2 =	sadd.s32 s6, s2  }
0x46: {  	[tilespmem:s20], [sflag:$0x2] =	stream.linear.gather [hbm4b:s2+s31], $0x800, $0x38;
	[tilespmem:$0x1D200] =	vst v63  }
0x47: {  	_ =	swait.ge [sflag:s21], $0x100  }
0x48: {  	[sflag:s21] =	ssyncset.done $0x0  }
0x49: {  	[sflag:s21] =	ssyncadd.s32 $0xFFFFFF00  }
0x4a: {  	_ =	swait.ge [sflag:s21], $0x800  }
0x4b: {  	[sflag:s21] =	ssyncset.done $0x0  }
0x4c: {  	[sflag:s21] =	ssyncadd.s32 $0xFFFFF800  }
0x4d: {  	[tilespmem:s16], [sflag:$0x3] =	stream.indirect.gather [hbm4b:s4+s22], $0x80, s31, s22, $0xb8;
	[tilespmem:$0x1D200] =	vst v63  }
0x4e: {  	_ =	swait.ge [sflag:s23], $0x100  }
0x4f: {  	[sflag:s23] =	ssyncset.done $0x0  }
0x50: {  	[sflag:s23] =	ssyncadd.s32 $0xFFFFFF00  }
0x51: {  	_ =	swait.ge [sflag:s23], $0x800  }
0x52: {  	[sflag:s23] =	ssyncset.done $0x0  }
0x53: {  	[sflag:s23] =	ssyncadd.s32 $0xFFFFF800  }
0x54: {  	[tilespmem:s24], [sflag:$0x4] =	stream.indirect.gather [hbm4b:s4+s22], $0x80, s19, s22, $0xb8;
	[tilespmem:$0x1D200] =	vst v63  }
0x55: {  	_ =	swait.ge [sflag:s25], $0x4000  }
0x56: {  	[sflag:s25] =	ssyncset.done $0x0  }
0x57: {  	s2 =	simm.s32 $0x1280;
	[sflag:s25] =	ssyncadd.s32 $0xFFFFC000  }
0x58: {  	s9 =	simm.s32 $0x0;
	v1 =	vld [tilespmem:s2+$0xFFFFFF90]  }
0x59: {  	v3 =	vld [tilespmem:s9+$0x200]  }
0x5a: {  	v2 =	vld [tilespmem:s2+$0xFFFFFFA0]  }
0x5b: {  	v4 =	vld [tilespmem:s2+$0xFFFFFFB0]  }
0x5c: {  	v5 =	vld [tilespmem:s2+$0xFFFFFFD0]  }
0x5d: {  	v6 =	vld [tilespmem:s2+$0xFFFFFFF0]  }
0x5e: {  	v7 =	vld [tilespmem:s2+$0xFFFFFF80];
	v1 =	vmul.f32 v1, v3  }
0x5f: {  	v8 =	vld [tilespmem:s2+$0xFFFFFFC0];
	v2 =	vmul.f32 v2, v3  }
0x60: {  	v9 =	vld [tilespmem:s2+$0xFFFFFFE0];
	v4 =	vmul.f32 v4, v3;
	[tilespmem:s2+$0xFFFFFF90] =	vst v1  }
0x61: {  	v5 =	vmul.f32 v5, v3;
	[tilespmem:s2+$0xFFFFFFA0] =	vst v2  }
0x62: {  	v6 =	vmul.f32 v6, v3;
	[tilespmem:s2+$0xFFFFFFB0] =	vst v4  }
0x63: {  	v7 =	vmul.f32 v7, v3;
	v1 =	vld [tilespmem:s2+$0x70];
	[tilespmem:s2+$0xFFFFFFD0] =	vst v5  }
0x64: {  	v2 =	vld [tilespmem:s2+$0x40];
	[tilespmem:s2+$0xFFFFFFF0] =	vst v6  }
0x65: {  	s10 =	simm.s32 $0x1280;
	s8 =	simm.s32 $0x80;
	v4 =	vmul.f32 v8, v3;
	v5 =	vmul.f32 v9, v3;
	[tilespmem:s2+$0xFFFFFF80] =	vst v7;
	v3 =	vld [tilespmem:s2+$0x0]  }
.LBB2_5:
0x66: {  	p0 =	sne.s32 s8, $0x1F80  }
0x67: {  	[tilespmem:s2+$0xFFFFFFC0] =	vst v4;
	v4 =	vld [tilespmem:s2+$0x20];
	s10 =	sadd.s32 $0x100, s10;
	s11 =	smov.u32 s8;
	s8 =	sadd.s32 $0x80, s8  }
0x68: {  	[tilespmem:s2+$0xFFFFFFE0] =	vst v5;
	v5 =	vld [tilespmem:s2+$0x10]  }
0x69: {  	v6 =	vld [tilespmem:s9+$0x210]  }
0x6a: {  	v7 =	vld [tilespmem:s2+$0x30]  }
0x6b: {  	v8 =	vld [tilespmem:s2+$0x50]  }
0x6c: {  	v9 =	vld [tilespmem:s2+$0x60];
	_ =	sdelay $0x1  }
0x6d: {  	v3 =	vmul.f32 v3, v6;
	v5 =	vmul.f32 v5, v6  }
0x6e: {  	v4 =	vmul.f32 v4, v6;
	v7 =	vmul.f32 v7, v6  }
0x6f: {  	v2 =	vmul.f32 v2, v6;
	[tilespmem:s2+$0x0] =	vst v3;
	v3 =	vmul.f32 v8, v6  }
0x70: {  	v1 =	vmul.f32 v1, v6;
	[tilespmem:s2+$0x30] =	vst v7;
	v7 =	vmul.f32 v9, v6  }
0x71: {  	[tilespmem:s2+$0x40] =	vst v2  }
0x72: {  	[tilespmem:s2+$0x50] =	vst v3  }
0x73: {  	v2 =	vld [tilespmem:s10+$0xFFFFFFD0];
	[tilespmem:s2+$0x20] =	vst v4  }
0x74: {  	s9 =	sshra.s32 s11, $0x2;
	v3 =	vld [tilespmem:s10+$0xFFFFFFA0];
	[tilespmem:s2+$0x70] =	vst v1  }
0x75: {  	v1 =	vld [tilespmem:s10+$0xFFFFFFB0];
	[tilespmem:s2+$0x60] =	vst v7  }
0x76: {  	v4 =	vld [tilespmem:s10+$0xFFFFFF90];
	[tilespmem:s2+$0x10] =	vst v5;
	s2 =	smov.u32 s10  }
0x77: {  	v5 =	vld [tilespmem:s9+$0x200]  }
0x78: {  	v6 =	vld [tilespmem:s10+$0xFFFFFFC0]  }
0x79: {  	v7 =	vld [tilespmem:s10+$0xFFFFFF80]  }
0x7a: {  	v8 =	vld [tilespmem:s10+$0xFFFFFFF0]  }
0x7b: {  	v9 =	vld [tilespmem:s10+$0xFFFFFFE0]  }
0x7c: {  	v10 =	vmul.f32 v4, v5;
	v1 =	vmul.f32 v1, v5  }
0x7d: {  	v3 =	vmul.f32 v3, v5;
	v4 =	vmul.f32 v6, v5  }
0x7e: {  	v2 =	vmul.f32 v2, v5;
	v6 =	vmul.f32 v7, v5;
	[tilespmem:s10+$0xFFFFFF90] =	vst v10  }
.Ltmp1:
0x7f: {  	[tilespmem:s10+$0xFFFFFFA0] =	vst v3;
	v3 =	vmul.f32 v8, v5;
	(pc) =	sbr.rel @p0 .LBB2_5-.Ltmp1, $4  }
0x80: {  	[tilespmem:s10+$0xFFFFFFB0] =	vst v1;
	v5 =	vmul.f32 v9, v5  }
0x81: {  	[tilespmem:s10+$0xFFFFFF80] =	vst v6;
	v1 =	vld [tilespmem:s10+$0x70]  }
0x82: {  	[tilespmem:s10+$0xFFFFFFD0] =	vst v2;
	v2 =	vld [tilespmem:s10+$0x40]  }
0x83: {  	[tilespmem:s10+$0xFFFFFFF0] =	vst v3;
	v3 =	vld [tilespmem:s10+$0x0]  }
0x84: {  	[tilespmem:s2+$0xFFFFFFC0] =	vst v4  }
0x85: {  	[tilespmem:s2+$0xFFFFFFE0] =	vst v5  }
0x86: {  	v4 =	vld [tilespmem:s9+$0x210]  }
0x87: {  	v5 =	vld [tilespmem:s2+$0x30];
	_ =	sdelay $0x2  }
0x88: {  	v6 =	vld [tilespmem:s2+$0x50]  }
0x89: {  	v7 =	vld [tilespmem:s2+$0x20];
	v3 =	vmul.f32 v3, v4  }
0x8a: {  	v9 =	vld [tilespmem:s2+$0x60];
	v5 =	vmul.f32 v5, v4  }
0x8b: {  	v8 =	vld [tilespmem:s2+$0x10];
	v2 =	vmul.f32 v2, v4;
	[tilespmem:s2+$0x0] =	vst v3  }
0x8c: {  	v1 =	vmul.f32 v1, v4;
	[tilespmem:s2+$0x30] =	vst v5  }
0x8d: {  	v3 =	vmul.f32 v6, v4;
	[tilespmem:s2+$0x40] =	vst v2  }
0x8e: {  	v5 =	vmul.f32 v7, v4;
	[tilespmem:s2+$0x70] =	vst v1  }
0x8f: {  	v2 =	vmul.f32 v9, v4;
	[tilespmem:s2+$0x50] =	vst v3  }
0x90: {  	[tilespmem:s2+$0x20] =	vst v5;
	v3 =	vmul.f32 v8, v4  }
0x91: {  	[tilespmem:s2+$0x60] =	vst v2  }
0x92: {  	[tilespmem:s2+$0x10] =	vst v3  }
0x93: {  	[spmem:s1] =	stream.indirect.scatter.add.f32 [tilespmem:s16], [sflag:$0x5], $0x80, s22, s22, $0xb8;
	[tilespmem:$0x1D200] =	vst v63  }
0x94: {  	_ =	swait.ge [sflag:s26], $0x4000  }
0x95: {  	[sflag:s26] =	ssyncset.done $0x0  }
0x96: {  	s2 =	simm.s32 $0x5280;
	[sflag:s26] =	ssyncadd.s32 $0xFFFFC000  }
0x97: {  	s9 =	simm.s32 $0x0;
	v1 =	vld [tilespmem:s2+$0xFFFFFF90]  }
0x98: {  	v3 =	vld [tilespmem:s9+$0xA00]  }
0x99: {  	v2 =	vld [tilespmem:s2+$0xFFFFFFA0]  }
0x9a: {  	v4 =	vld [tilespmem:s2+$0xFFFFFFB0]  }
0x9b: {  	v5 =	vld [tilespmem:s2+$0xFFFFFFD0]  }
0x9c: {  	v6 =	vld [tilespmem:s2+$0xFFFFFFF0]  }
0x9d: {  	v7 =	vld [tilespmem:s2+$0xFFFFFF80];
	v1 =	vmul.f32 v1, v3  }
0x9e: {  	v62 =	vld [tilespmem:s2+$0xFFFFFFC0];
	v2 =	vmul.f32 v2, v3  }
0x9f: {  	v63 =	vld [tilespmem:s2+$0xFFFFFFE0];
	v4 =	vmul.f32 v4, v3;
	[tilespmem:s2+$0xFFFFFF90] =	vst v1  }
0xa0: {  	v5 =	vmul.f32 v5, v3;
	[tilespmem:s2+$0xFFFFFFA0] =	vst v2  }
0xa1: {  	v6 =	vmul.f32 v6, v3;
	[tilespmem:s2+$0xFFFFFFB0] =	vst v4  }
0xa2: {  	v7 =	vmul.f32 v7, v3;
	v1 =	vld [tilespmem:s2+$0x70];
	[tilespmem:s2+$0xFFFFFFD0] =	vst v5  }
0xa3: {  	v2 =	vld [tilespmem:s2+$0x40];
	[tilespmem:s2+$0xFFFFFFF0] =	vst v6  }
0xa4: {  	s8 =	simm.s32 $0x80;
	s10 =	simm.s32 $0x5280;
	v4 =	vmul.f32 v62, v3;
	v5 =	vmul.f32 v63, v3;
	[tilespmem:s2+$0xFFFFFF80] =	vst v7;
	v3 =	vld [tilespmem:s2+$0x0]  }
.LBB2_7:
0xa5: {  	p0 =	sne.s32 s8, $0x1F80  }
0xa6: {  	[tilespmem:s2+$0xFFFFFFC0] =	vst v4;
	v4 =	vld [tilespmem:s2+$0x20];
	s10 =	sadd.s32 $0x100, s10;
	s11 =	smov.u32 s8;
	s8 =	sadd.s32 $0x80, s8  }
0xa7: {  	[tilespmem:s2+$0xFFFFFFE0] =	vst v5;
	v5 =	vld [tilespmem:s2+$0x10]  }
0xa8: {  	v6 =	vld [tilespmem:s9+$0xA10]  }
0xa9: {  	v7 =	vld [tilespmem:s2+$0x30]  }
0xaa: {  	v8 =	vld [tilespmem:s2+$0x50]  }
0xab: {  	v9 =	vld [tilespmem:s2+$0x60];
	_ =	sdelay $0x1  }
0xac: {  	v3 =	vmul.f32 v3, v6;
	v5 =	vmul.f32 v5, v6  }
0xad: {  	v4 =	vmul.f32 v4, v6;
	v7 =	vmul.f32 v7, v6  }
0xae: {  	v2 =	vmul.f32 v2, v6;
	[tilespmem:s2+$0x0] =	vst v3;
	v3 =	vmul.f32 v8, v6  }
0xaf: {  	v1 =	vmul.f32 v1, v6;
	[tilespmem:s2+$0x30] =	vst v7;
	v7 =	vmul.f32 v9, v6  }
0xb0: {  	[tilespmem:s2+$0x40] =	vst v2  }
0xb1: {  	[tilespmem:s2+$0x50] =	vst v3  }
0xb2: {  	v2 =	vld [tilespmem:s10+$0xFFFFFFD0];
	[tilespmem:s2+$0x20] =	vst v4  }
0xb3: {  	s9 =	sshra.s32 s11, $0x2;
	v3 =	vld [tilespmem:s10+$0xFFFFFFA0];
	[tilespmem:s2+$0x70] =	vst v1  }
0xb4: {  	v1 =	vld [tilespmem:s10+$0xFFFFFFB0];
	[tilespmem:s2+$0x60] =	vst v7  }
0xb5: {  	v4 =	vld [tilespmem:s10+$0xFFFFFF90];
	[tilespmem:s2+$0x10] =	vst v5;
	s2 =	smov.u32 s10  }
0xb6: {  	v5 =	vld [tilespmem:s9+$0xA00]  }
0xb7: {  	v6 =	vld [tilespmem:s10+$0xFFFFFFC0]  }
0xb8: {  	v7 =	vld [tilespmem:s10+$0xFFFFFF80]  }
0xb9: {  	v8 =	vld [tilespmem:s10+$0xFFFFFFF0]  }
0xba: {  	v9 =	vld [tilespmem:s10+$0xFFFFFFE0]  }
0xbb: {  	v10 =	vmul.f32 v4, v5;
	v1 =	vmul.f32 v1, v5  }
0xbc: {  	v3 =	vmul.f32 v3, v5;
	v4 =	vmul.f32 v6, v5  }
0xbd: {  	v2 =	vmul.f32 v2, v5;
	v6 =	vmul.f32 v7, v5;
	[tilespmem:s10+$0xFFFFFF90] =	vst v10  }
.Ltmp2:
0xbe: {  	[tilespmem:s10+$0xFFFFFFA0] =	vst v3;
	v3 =	vmul.f32 v8, v5;
	(pc) =	sbr.rel @p0 .LBB2_7-.Ltmp2, $4  }
0xbf: {  	[tilespmem:s10+$0xFFFFFFB0] =	vst v1;
	v5 =	vmul.f32 v9, v5  }
0xc0: {  	[tilespmem:s10+$0xFFFFFF80] =	vst v6;
	v1 =	vld [tilespmem:s10+$0x70]  }
0xc1: {  	[tilespmem:s10+$0xFFFFFFD0] =	vst v2;
	v2 =	vld [tilespmem:s10+$0x40]  }
0xc2: {  	[tilespmem:s10+$0xFFFFFFF0] =	vst v3;
	v3 =	vld [tilespmem:s10+$0x0]  }
0xc3: {  	[tilespmem:s2+$0xFFFFFFC0] =	vst v4  }
0xc4: {  	[tilespmem:s2+$0xFFFFFFE0] =	vst v5  }
0xc5: {  	v4 =	vld [tilespmem:s9+$0xA10]  }
0xc6: {  	v62 =	vld [tilespmem:s2+$0x30];
	_ =	sdelay $0x1  }
0xc7: {  	v7 =	vld [tilespmem:s2+$0x20];
	_ =	sdelay $0x1  }
0xc8: {  	v6 =	vld [tilespmem:s2+$0x50];
	v3 =	vmul.f32 v3, v4  }
0xc9: {  	v9 =	vld [tilespmem:s2+$0x60];
	v5 =	vmul.f32 v62, v4  }
0xca: {  	v8 =	vld [tilespmem:s2+$0x10];
	v2 =	vmul.f32 v2, v4;
	[tilespmem:s2+$0x0] =	vst v3  }
0xcb: {  	v63 =	vmul.f32 v7, v4;
	[tilespmem:s2+$0x30] =	vst v5  }
0xcc: {  	v1 =	vmul.f32 v1, v4;
	[tilespmem:s2+$0x40] =	vst v2  }
0xcd: {  	v3 =	vmul.f32 v6, v4;
	[tilespmem:s2+$0x20] =	vst v63  }
0xce: {  	v2 =	vmul.f32 v9, v4;
	[tilespmem:s2+$0x70] =	vst v1  }
0xcf: {  	[tilespmem:s2+$0x50] =	vst v3;
	v3 =	vmul.f32 v8, v4  }
0xd0: {  	[tilespmem:s2+$0x60] =	vst v2  }
0xd1: {  	s0 =	sadd.s32 $0x1, s0;
	[tilespmem:s2+$0x10] =	vst v3  }
0xd2: {  	[spmem:s1] =	stream.indirect.scatter.add.f32 [tilespmem:s24], [sflag:$0x6], $0x80, s28, s22, $0xb8;
	[tilespmem:$0x1D200] =	vst v63  }
0xd3: {  	p0 =	sne.s32 s0, s13;
	_ =	swait.ge [sflag:s29], $0x4000  }
.Ltmp3:
0xd4: {  	[sflag:s29] =	ssyncset.done $0x0;
	(pc) =	sbr.rel @p0 .LBB2_4-.Ltmp3, $4  }
0xd5: {  	[sflag:s29] =	ssyncadd.s32 $0xFFFFC000  }
0xd6: {  	_ =	swait.ge [sflag:s30], $0x4000  }
0xd7: {  	[sflag:s30] =	ssyncset.done $0x0  }
0xd8: {  	[sflag:s30] =	ssyncadd.s32 $0xFFFFC000  }
0xd9: {  	s0 =	stileid.u32;
	s3 =	sadd.s32 $0x1, s3  }
0xda: {  	[bflag:$0x0] =	sbarrier.arrive $0xFFFF;
	s0 =	sshll.u32 s0, $0x6;
	p0 =	sne.s32 s3, s15  }
.Ltmp4:
0xdb: {  	s2 =	sshrl.u32 s7, $0x3;
	s0 =	sor.u32 $0x1C07, s0;
	(pc) =	sbr.rel @p0 .LBB2_1-.Ltmp4, $4  }
0xdc: {  	[hbm:s14], [sflag:s0] =	dma.local [spmem:s2], $0x2800  }
0xdd: {  	_ =	swait.ge [sflag:s17], $0x2800  }
0xde: {  	[sflag:s17] =	ssyncset.done $0x0  }
0xdf: {  	[sflag:s17] =	ssyncadd.s32 $0xFFFFD800  }
0xe0: {  	_ =	sfence.sel $0x180000  }
0xe1: {  	[bflag:$0x0] =	sbarrier.arrive $0xFFFF  }
0xe2: {  	_ =	strace $0x9000004D  }
0xe3: {  	s0 =	stileid.u32;
	[bflag:$0x2] =	sbarrier.arrive $0xFFFF  }
0xe4: {  	p0 =	sne.s32 s0, $0x0;
	s0 =	rddreg [dreg:$0x2]  }
0xe5: {  	s0 =	sadd.s32 @!p0 $0x100000, s0  }
0xe6: {  	[sflag:s0] =	ssyncadd.tile.s32 @!p0 $0x1;
	_ =	shalt  }
.Lfunc_end2:
_tile_overlayer_lowered:
.L_overlay_start_2:
0xe7: {  	(tag) =	ssettag $0x2  }
0xe8: {  	s0 =	rddreg [dreg:$0x0];
	s2 =	stileid.u32  }
0xe9: {  	s1 =	rddreg [dreg:$0x1];
	p0 =	sne.s32 s2, $0x0  }
0xea: {  	s3 =	rddreg [dreg:$0x2];
	[bflag:$0x3] =	sbarrier.arrive $0xFFFF;
	s2 =	simm.s32 @!p0 $0x1C07  }
0xeb: {  	[timem:s3], [sflag:s2] =	dma.local @!p0 [hbm:s0], s1  }
0xec: {  	s0 =	simm.s32 @!p0 $0x7  }
0xed: {  	_ =	swait.ge @!p0 [sflag:s0], s1  }
0xee: {  	s1 =	ssub.s32 @!p0 $0x0, s1;
	[sflag:s0] =	ssyncset.done @!p0 $0x0  }
0xef: {  	[sflag:s0] =	ssyncadd.s32 @!p0 s1  }
0xf0: {  	[bflag:$0x3] =	sbarrier.arrive $0xFFFF  }
0xf1: {  	_ =	shalt  }

</sc_bundles>
